<compile_context>
chip_gen: v7x
topology: tpu7x:2x2x1
jax: 0.10.2.dev20260603
libtpu: 0.0.44.dev20260713+nightly
codegen_flags: <defaults>
</compile_context>

<pallas_src>
import functools

import jax
import jax.numpy as jnp
from jax import lax
from jax.experimental import pallas as pl
from jax.experimental.pallas import tpu as pltpu
from jax.experimental.pallas import tpu_sc as plsc

_L = 16
_R = 4


def _bprmf_kernel(B, N, D, n_workers):
    bpw = B // n_workers
    n_groups = bpw // _L
    mesh = plsc.VectorSubcoreMesh(core_axis_name="c", subcore_axis_name="s")

    @functools.partial(
        pl.kernel,
        mesh=mesh,
        compiler_params=pltpu.CompilerParams(
            needs_layout_passes=False, use_tc_tiling_on_sc=True),
        out_type=jax.ShapeDtypeStruct((B,), jnp.float32),
        scratch_types=[
            pltpu.VMEM((bpw,), jnp.int32),
            pltpu.VMEM((bpw,), jnp.int32),
            pltpu.VMEM((_R, D, 128), jnp.float32),
            pltpu.VMEM((_R, D, 128), jnp.float32),
            pltpu.VMEM((bpw,), jnp.float32),
        ] + [pltpu.SemaphoreType.DMA] * (2 * _R),
    )
    def run(u_hbm, i_hbm, pt_hbm, qt_hbm, out_hbm,
            uv, iv, pv, qv, ov, *sems):
        psems, qsems = sems[:_R], sems[_R:]
        wid = lax.axis_index("s") * 2 + lax.axis_index("c")
        base = wid * bpw
        pltpu.sync_copy(u_hbm.at[pl.ds(base, bpw)], uv)
        pltpu.sync_copy(i_hbm.at[pl.ds(base, bpw)], iv)

        lanes = lax.iota(jnp.int32, _L)

        def issue(ublkv, iblkv, j, s):
            pltpu.async_copy(
                pt_hbm.at[:, pl.ds(ublkv[j] * 128, 128)], pv.at[s], psems[s])
            pltpu.async_copy(
                qt_hbm.at[:, pl.ds(iblkv[j] * 128, 128)], qv.at[s], qsems[s])

        def wait_slot(s):
            pltpu.make_async_copy(
                pt_hbm.at[:, pl.ds(0, 128)], pv.at[s], psems[s]).wait()
            pltpu.make_async_copy(
                qt_hbm.at[:, pl.ds(0, 128)], qv.at[s], qsems[s]).wait()

        def dot_at(s, cu, ci):
            svec = jnp.full((_L,), s, jnp.int32)
            cuv = jnp.full((_L,), cu, jnp.int32)
            civ = jnp.full((_L,), ci, jnp.int32)
            acc = jnp.zeros((_L,), jnp.float32)
            for f in range(D // _L):
                fvec = f * _L + lanes
                pcol = plsc.load_gather(pv, [svec, fvec, cuv])
                qcol = plsc.load_gather(qv, [svec, fvec, civ])
                acc = acc + pcol * qcol
            return jnp.sum(acc)

        def group_body(g, carry):
            res_prev, pucolv, picolv = carry
            uvec = uv[pl.ds(g * _L, _L)]
            ivec = iv[pl.ds(g * _L, _L)]
            ublkv = uvec >> 7
            iblkv = ivec >> 7
            ucolv = uvec & 127
            icolv = ivec & 127
            res = jnp.zeros((_L,), jnp.float32)
            for j in range(_L):
                s = j % _R
                if j < _R:
                    jl = _L - _R + j

                    @pl.when(g > 0)
                    def _():
                        wait_slot(s)

                    d = dot_at(s, pucolv[jl], picolv[jl])
                    res_prev = jnp.where(lanes == jl, d, res_prev)
                    if j == _R - 1:
                        @pl.when(g > 0)
                        def _():
                            ov[pl.ds((g - 1) * _L, _L)] = res_prev
                else:
                    jl = j - _R
                    wait_slot(s)
                    d = dot_at(s, ucolv[jl], icolv[jl])
                    res = jnp.where(lanes == jl, d, res)
                issue(ublkv, iblkv, j, s)
            return res, ucolv, icolv

        init = (jnp.zeros((_L,), jnp.float32),
                jnp.zeros((_L,), jnp.int32), jnp.zeros((_L,), jnp.int32))
        res, ucolv, icolv = lax.fori_loop(0, n_groups, group_body, init)

        for t in range(_R):
            jl = _L - _R + t
            wait_slot(t)
            d = dot_at(t, ucolv[jl], icolv[jl])
            res = jnp.where(lanes == jl, d, res)
        ov[pl.ds((n_groups - 1) * _L, _L)] = res

        pltpu.sync_copy(ov, out_hbm.at[pl.ds(base, bpw)])

    return run


def _bias_kernel(B, n_workers):
    bpw = B // n_workers
    mesh = plsc.VectorSubcoreMesh(core_axis_name="c", subcore_axis_name="s")

    @functools.partial(
        pl.kernel,
        mesh=mesh,
        compiler_params=pltpu.CompilerParams(
            needs_layout_passes=False, use_tc_tiling_on_sc=True),
        out_type=jax.ShapeDtypeStruct((B,), jnp.float32),
        scratch_types=[
            pltpu.VMEM((bpw,), jnp.int32),
            pltpu.VMEM((bpw,), jnp.float32),
            pltpu.VMEM((bpw,), jnp.float32),
            pltpu.SemaphoreType.DMA,
        ],
    )
    def run(d_hbm, i_hbm, b_hbm, out_hbm, iv, bv, dv, semb):
        wid = lax.axis_index("s") * 2 + lax.axis_index("c")
        base = wid * bpw
        pltpu.sync_copy(i_hbm.at[pl.ds(base, bpw)], iv)
        cp_b = pltpu.async_copy(b_hbm.at[iv], bv, semb)
        pltpu.sync_copy(d_hbm.at[pl.ds(base, bpw)], dv)
        cp_b.wait()

        def body(g, _):
            sl = pl.ds(g * _L, _L)
            dv[sl] = dv[sl] + bv[sl]
            return 0

        lax.fori_loop(0, bpw // _L, body, 0)
        pltpu.sync_copy(dv, out_hbm.at[pl.ds(base, bpw)])

    return run


def kernel(u, i, P, Q, bi):
    B = u.shape[0]
    N, D = P.shape
    dots = _bprmf_kernel(B, N, D, 32)(
        u, i, jnp.transpose(P), jnp.transpose(Q))
    return _bias_kernel(B, 32)(dots, i, jnp.transpose(bi).reshape(-1))

# --- scband reference (transcript-rebuilt; emitter-appended) ---
"""Pipeline reference for scband-bprmf-85684597555232 (READ-ONLY COPY).

The authoritative reference and input builder live on the scoring server;
editing this copy changes nothing except your own understanding.
"""

import jax, jax.numpy as jnp
import numpy as np

N_USERS = 1000000
N_ITEMS = 1000000
D = 64
B = 16384


def setup_inputs(seed: int = 0) -> dict:
    key = jax.random.key(seed)
    k1, k2, k3, k4 = jax.random.split(key, 4)
    u = jax.random.randint(k1, (B,), 0, N_USERS, dtype=jnp.int64 if jax.config.jax_enable_x64 else jnp.int32).astype(jnp.int32)
    i = jax.random.randint(k2, (B,), 0, N_ITEMS, dtype=jnp.int64 if jax.config.jax_enable_x64 else jnp.int32).astype(jnp.int32)
    P = jax.random.normal(k3, (N_USERS, D), dtype=jnp.float32) * 0.05
    Q = jax.random.normal(k4, (N_ITEMS, D), dtype=jnp.float32) * 0.05
    bi = jnp.zeros((N_ITEMS, 1), dtype=jnp.float32)
    return {"u": u, "i": i, "P": P, "Q": Q, "bi": bi}


def reference(u, i, P, Q, bi):
    # BPRMF.score: (P(u) * Q(i)).sum(-1) + bi(i).squeeze(-1)
    pu = jnp.take(P, u, axis=0)          # [B, D] gather from user table
    qi = jnp.take(Q, i, axis=0)          # [B, D] gather from item table
    b = jnp.take(bi, i, axis=0)[:, 0]    # [B] gather of scalar item bias
    return (pu * qi).sum(-1) + b

if __name__ == "__main__":
    import jax
    _d = setup_inputs()
    print(jax.jit(kernel)(*tuple(_d.values())))

</pallas_src>

<mosaic_0001>
#map = affine_map<(d0, d1) -> (0)>
module attributes {stable_mosaic.version = 14 : i64} {
  func.func @run(%arg0: i32, %arg1: i32, %arg2: memref<16384xf32, #tpu.memory_space<hbm>>, %arg3: memref<16384xi32, #tpu.memory_space<hbm>>, %arg4: memref<1000000xf32, #tpu.memory_space<hbm>>, %arg5: memref<16384xf32, #tpu.memory_space<hbm>>, %arg6: memref<512xi32, #tpu.memory_space<vmem>>, %arg7: memref<512xf32, #tpu.memory_space<vmem>>, %arg8: memref<512xf32, #tpu.memory_space<vmem>>, %arg9: memref<!tpu.dma_semaphore, #tpu.memory_space<semaphore_mem>>) attributes {dimension_semantics = [#tpu.dimension_semantics<core_parallel>, #tpu.dimension_semantics<subcore_parallel>], iteration_bounds = array<i64: 2, 16>, scalar_prefetch = 0 : i64, scratch_operands = 4 : i64, tpu.core_type = #tpu.core_type<sc_vector_subcore>, window_params = [{transform_indices = #map}, {transform_indices = #map}, {transform_indices = #map}, {transform_indices = #map}]} {
    %mul3A = arith.constant 2 : i32
    %mul3A_0 = arith.muli %arg1, %mul3A : i32
    %add3A = arith.addi %mul3A_0, %arg0 : i32
    %mul3A_1 = arith.constant 512 : i32
    %mul3A_2 = arith.muli %add3A, %mul3A_1 : i32
    "tpu.region"() ({
      %run_scoped3A = tpu.sem_alloc : memref<!tpu.dma_semaphore, #tpu.memory_space<semaphore_mem>>
      %dma_start3A_11 = tpu.memref_slice %arg3[%mul3A_2] : memref<16384xi32, #tpu.memory_space<hbm>> -> memref<512xi32, #tpu.memory_space<hbm>>
      %dma_start3A_12 = tpu.memref_slice %arg3[%mul3A_2] : memref<16384xi32, #tpu.memory_space<hbm>> -> memref<512xi32, #tpu.memory_space<hbm>>
      tpu.enqueue_dma source(%dma_start3A_12 : memref<512xi32, #tpu.memory_space<hbm>>) target(%arg6 : memref<512xi32, #tpu.memory_space<vmem>>) target_semaphore(%run_scoped3A : memref<!tpu.dma_semaphore, #tpu.memory_space<semaphore_mem>>)
      %dma_wait3A_13 = tpu.memref_slice %arg3[%mul3A_2] : memref<16384xi32, #tpu.memory_space<hbm>> -> memref<512xi32, #tpu.memory_space<hbm>>
      %dma_wait3A_14 = tpu.memref_slice %arg3[%mul3A_2] : memref<16384xi32, #tpu.memory_space<hbm>> -> memref<512xi32, #tpu.memory_space<hbm>>
      tpu.wait_dma2 semaphore(%run_scoped3A : memref<!tpu.dma_semaphore, #tpu.memory_space<semaphore_mem>>) src(%dma_wait3A_14 : memref<512xi32, #tpu.memory_space<hbm>>) dst(%arg6 : memref<512xi32, #tpu.memory_space<vmem>>)
      tpu.yield
    }) : () -> ()
    %dma_start3A = arith.constant 0 : i32
    %dma_start3A_3 = tpu.memref_slice %arg4[%dma_start3A] : memref<1000000xf32, #tpu.memory_space<hbm>> -> memref<1000000xf32, #tpu.memory_space<hbm>>
    tpu.enqueue_indirect_dma source(%dma_start3A_3 : memref<1000000xf32, #tpu.memory_space<hbm>>) target(%arg7 : memref<512xf32, #tpu.memory_space<vmem>>) offsets(%arg6 : memref<512xi32, #tpu.memory_space<vmem>>) semaphore(%arg9 : memref<!tpu.dma_semaphore, #tpu.memory_space<semaphore_mem>>)
    "tpu.region"() ({
      %run_scoped3A = tpu.sem_alloc : memref<!tpu.dma_semaphore, #tpu.memory_space<semaphore_mem>>
      %dma_start3A_11 = tpu.memref_slice %arg2[%mul3A_2] : memref<16384xf32, #tpu.memory_space<hbm>> -> memref<512xf32, #tpu.memory_space<hbm>>
      %dma_start3A_12 = tpu.memref_slice %arg2[%mul3A_2] : memref<16384xf32, #tpu.memory_space<hbm>> -> memref<512xf32, #tpu.memory_space<hbm>>
      tpu.enqueue_dma source(%dma_start3A_12 : memref<512xf32, #tpu.memory_space<hbm>>) target(%arg8 : memref<512xf32, #tpu.memory_space<vmem>>) target_semaphore(%run_scoped3A : memref<!tpu.dma_semaphore, #tpu.memory_space<semaphore_mem>>)
      %dma_wait3A_13 = tpu.memref_slice %arg2[%mul3A_2] : memref<16384xf32, #tpu.memory_space<hbm>> -> memref<512xf32, #tpu.memory_space<hbm>>
      %dma_wait3A_14 = tpu.memref_slice %arg2[%mul3A_2] : memref<16384xf32, #tpu.memory_space<hbm>> -> memref<512xf32, #tpu.memory_space<hbm>>
      tpu.wait_dma2 semaphore(%run_scoped3A : memref<!tpu.dma_semaphore, #tpu.memory_space<semaphore_mem>>) src(%dma_wait3A_14 : memref<512xf32, #tpu.memory_space<hbm>>) dst(%arg8 : memref<512xf32, #tpu.memory_space<vmem>>)
      tpu.yield
    }) : () -> ()
    %dma_wait3A = arith.constant 0 : i32
    %dma_wait3A_4 = tpu.memref_slice %arg4[%dma_wait3A] : memref<1000000xf32, #tpu.memory_space<hbm>> -> memref<1000000xf32, #tpu.memory_space<hbm>>
    tpu.wait_indirect_dma semaphore(%arg9 : memref<!tpu.dma_semaphore, #tpu.memory_space<semaphore_mem>>) src(%dma_wait3A_4 : memref<1000000xf32, #tpu.memory_space<hbm>>) dst(%arg7 : memref<512xf32, #tpu.memory_space<vmem>>)
    %scan3A = arith.constant 0 : i32
    %scan3A_5 = arith.constant 0 : i32
    %scan3A_6 = arith.constant 32 : i32
    %scan3A_7 = arith.addi %scan3A_5, %scan3A_6 : i32
    %scan3A_8 = arith.constant 1 : i32
    %scan3A_9 = scf.for %scan3A_11 = %scan3A_5 to %scan3A_7 step %scan3A_8 iter_args(%scan3A_12 = %scan3A) -> (i32)  : i32 {
      %mul3A_13 = arith.constant 16 : i32
      %mul3A_14 = arith.muli %scan3A_11, %mul3A_13 : i32
      %get3A = arith.index_cast %mul3A_14 : i32 to index
      %get3A_15 = tpu.vector_load %arg8[%get3A] {strides = array<i32>} : memref<512xf32, #tpu.memory_space<vmem>>, vector<16xf32>,
      %get3A_16 = arith.index_cast %mul3A_14 : i32 to index
      %get3A_17 = tpu.vector_load %arg7[%get3A_16] {strides = array<i32>} : memref<512xf32, #tpu.memory_space<vmem>>, vector<16xf32>,
      %add3A_18 = arith.addf %get3A_15, %get3A_17 : vector<16xf32>
      %swap3A = arith.index_cast %mul3A_14 : i32 to index
      %swap3A_19 = tpu.vector_load %arg8[%swap3A] {strides = array<i32>} : memref<512xf32, #tpu.memory_space<vmem>>, vector<16xf32>,
      tpu.vector_store %arg8[%swap3A], %add3A_18 {strides = array<i32>} : memref<512xf32, #tpu.memory_space<vmem>>, vector<16xf32>,
      %scan3A_20 = arith.constant 0 : i32
      scf.yield %scan3A_20 : i32
    }
    %scan3A_10 = arith.constant 32 : i32
    "tpu.region"() ({
      %run_scoped3A = tpu.sem_alloc : memref<!tpu.dma_semaphore, #tpu.memory_space<semaphore_mem>>
      %dma_start3A_11 = tpu.memref_slice %arg5[%mul3A_2] : memref<16384xf32, #tpu.memory_space<hbm>> -> memref<512xf32, #tpu.memory_space<hbm>>
      %dma_start3A_12 = tpu.memref_slice %arg5[%mul3A_2] : memref<16384xf32, #tpu.memory_space<hbm>> -> memref<512xf32, #tpu.memory_space<hbm>>
      tpu.enqueue_dma source(%arg8 : memref<512xf32, #tpu.memory_space<vmem>>) target(%dma_start3A_12 : memref<512xf32, #tpu.memory_space<hbm>>) target_semaphore(%run_scoped3A : memref<!tpu.dma_semaphore, #tpu.memory_space<semaphore_mem>>)
      %dma_wait3A_13 = tpu.memref_slice %arg5[%mul3A_2] : memref<16384xf32, #tpu.memory_space<hbm>> -> memref<512xf32, #tpu.memory_space<hbm>>
      %dma_wait3A_14 = tpu.memref_slice %arg5[%mul3A_2] : memref<16384xf32, #tpu.memory_space<hbm>> -> memref<512xf32, #tpu.memory_space<hbm>>
      tpu.wait_dma2 semaphore(%run_scoped3A : memref<!tpu.dma_semaphore, #tpu.memory_space<semaphore_mem>>) src(%arg8 : memref<512xf32, #tpu.memory_space<vmem>>) dst(%dma_wait3A_14 : memref<512xf32, #tpu.memory_space<hbm>>)
      tpu.yield
    }) : () -> ()
    return
  }
}

#map = affine_map<(d0, d1) -> (0)>
#map1 = affine_map<(d0, d1) -> (0, 0)>
module attributes {stable_mosaic.version = 14 : i64} {
  func.func @run(%arg0: i32, %arg1: i32, %arg2: memref<16384xi32, #tpu.memory_space<hbm>>, %arg3: memref<16384xi32, #tpu.memory_space<hbm>>, %arg4: memref<64x1000000xf32, #tpu.memory_space<hbm>>, %arg5: memref<64x1000000xf32, #tpu.memory_space<hbm>>, %arg6: memref<16384xf32, #tpu.memory_space<hbm>>, %arg7: memref<512xi32, #tpu.memory_space<vmem>>, %arg8: memref<512xi32, #tpu.memory_space<vmem>>, %arg9: memref<4x64x128xf32, #tpu.memory_space<vmem>>, %arg10: memref<4x64x128xf32, #tpu.memory_space<vmem>>, %arg11: memref<512xf32, #tpu.memory_space<vmem>>, %arg12: memref<!tpu.dma_semaphore, #tpu.memory_space<semaphore_mem>>, %arg13: memref<!tpu.dma_semaphore, #tpu.memory_space<semaphore_mem>>, %arg14: memref<!tpu.dma_semaphore, #tpu.memory_space<semaphore_mem>>, %arg15: memref<!tpu.dma_semaphore, #tpu.memory_space<semaphore_mem>>, %arg16: memref<!tpu.dma_semaphore, #tpu.memory_space<semaphore_mem>>, %arg17: memref<!tpu.dma_semaphore, #tpu.memory_space<semaphore_mem>>, %arg18: memref<!tpu.dma_semaphore, #tpu.memory_space<semaphore_mem>>, %arg19: memref<!tpu.dma_semaphore, #tpu.memory_space<semaphore_mem>>) attributes {dimension_semantics = [#tpu.dimension_semantics<core_parallel>, #tpu.dimension_semantics<subcore_parallel>], iteration_bounds = array<i64: 2, 16>, scalar_prefetch = 0 : i64, scratch_operands = 13 : i64, tpu.core_type = #tpu.core_type<sc_vector_subcore>, window_params = [{transform_indices = #map}, {transform_indices = #map}, {transform_indices = #map1}, {transform_indices = #map1}, {transform_indices = #map}]} {
    %mul3A = arith.constant 2 : i32
    %mul3A_0 = arith.muli %arg1, %mul3A : i32
    %add3A = arith.addi %mul3A_0, %arg0 : i32
    %mul3A_1 = arith.constant 512 : i32
    %mul3A_2 = arith.muli %add3A, %mul3A_1 : i32
    "tpu.region"() ({
      %run_scoped3A = tpu.sem_alloc : memref<!tpu.dma_semaphore, #tpu.memory_space<semaphore_mem>>
      %dma_start3A = tpu.memref_slice %arg2[%mul3A_2] : memref<16384xi32, #tpu.memory_space<hbm>> -> memref<512xi32, #tpu.memory_space<hbm>>
      %dma_start3A_315 = tpu.memref_slice %arg2[%mul3A_2] : memref<16384xi32, #tpu.memory_space<hbm>> -> memref<512xi32, #tpu.memory_space<hbm>>
      tpu.enqueue_dma source(%dma_start3A_315 : memref<512xi32, #tpu.memory_space<hbm>>) target(%arg7 : memref<512xi32, #tpu.memory_space<vmem>>) target_semaphore(%run_scoped3A : memref<!tpu.dma_semaphore, #tpu.memory_space<semaphore_mem>>)
      %dma_wait3A_316 = tpu.memref_slice %arg2[%mul3A_2] : memref<16384xi32, #tpu.memory_space<hbm>> -> memref<512xi32, #tpu.memory_space<hbm>>
      %dma_wait3A_317 = tpu.memref_slice %arg2[%mul3A_2] : memref<16384xi32, #tpu.memory_space<hbm>> -> memref<512xi32, #tpu.memory_space<hbm>>
      tpu.wait_dma2 semaphore(%run_scoped3A : memref<!tpu.dma_semaphore, #tpu.memory_space<semaphore_mem>>) src(%dma_wait3A_317 : memref<512xi32, #tpu.memory_space<hbm>>) dst(%arg7 : memref<512xi32, #tpu.memory_space<vmem>>)
      tpu.yield
    }) : () -> ()
    "tpu.region"() ({
      %run_scoped3A = tpu.sem_alloc : memref<!tpu.dma_semaphore, #tpu.memory_space<semaphore_mem>>
      %dma_start3A = tpu.memref_slice %arg3[%mul3A_2] : memref<16384xi32, #tpu.memory_space<hbm>> -> memref<512xi32, #tpu.memory_space<hbm>>
      %dma_start3A_315 = tpu.memref_slice %arg3[%mul3A_2] : memref<16384xi32, #tpu.memory_space<hbm>> -> memref<512xi32, #tpu.memory_space<hbm>>
      tpu.enqueue_dma source(%dma_start3A_315 : memref<512xi32, #tpu.memory_space<hbm>>) target(%arg8 : memref<512xi32, #tpu.memory_space<vmem>>) target_semaphore(%run_scoped3A : memref<!tpu.dma_semaphore, #tpu.memory_space<semaphore_mem>>)
      %dma_wait3A_316 = tpu.memref_slice %arg3[%mul3A_2] : memref<16384xi32, #tpu.memory_space<hbm>> -> memref<512xi32, #tpu.memory_space<hbm>>
      %dma_wait3A_317 = tpu.memref_slice %arg3[%mul3A_2] : memref<16384xi32, #tpu.memory_space<hbm>> -> memref<512xi32, #tpu.memory_space<hbm>>
      tpu.wait_dma2 semaphore(%run_scoped3A : memref<!tpu.dma_semaphore, #tpu.memory_space<semaphore_mem>>) src(%dma_wait3A_317 : memref<512xi32, #tpu.memory_space<hbm>>) dst(%arg8 : memref<512xi32, #tpu.memory_space<vmem>>)
      tpu.yield
    }) : () -> ()
    %iota3A = tpu.iota {dimensions = array<i32: 0>} : vector<16xi32>
    %broadcast_in_dim3A = arith.constant 0.000000e+00 : f32
    %broadcast_in_dim3A_3 = vector.broadcast %broadcast_in_dim3A : f32 to vector<16xf32>
    %broadcast_in_dim3A_4 = arith.constant 0 : i32
    %broadcast_in_dim3A_5 = vector.broadcast %broadcast_in_dim3A_4 : i32 to vector<16xi32>
    %broadcast_in_dim3A_6 = arith.constant 0 : i32
    %broadcast_in_dim3A_7 = vector.broadcast %broadcast_in_dim3A_6 : i32 to vector<16xi32>
    %scan3A = arith.constant 0 : i32
    %scan3A_8 = arith.constant 32 : i32
    %scan3A_9 = arith.addi %scan3A, %scan3A_8 : i32
    %scan3A_10 = arith.constant 1 : i32
    %scan3A_11:3 = scf.for %scan3A_315 = %scan3A to %scan3A_9 step %scan3A_10 iter_args(%scan3A_316 = %broadcast_in_dim3A_3, %scan3A_317 = %broadcast_in_dim3A_5, %scan3A_318 = %broadcast_in_dim3A_7) -> (vector<16xf32>, vector<16xi32>, vector<16xi32>)  : i32 {
      %mul3A_319 = arith.constant 16 : i32
      %mul3A_320 = arith.muli %scan3A_315, %mul3A_319 : i32
      %get3A = arith.index_cast %mul3A_320 : i32 to index
      %get3A_321 = tpu.vector_load %arg7[%get3A] {strides = array<i32>} : memref<512xi32, #tpu.memory_space<vmem>>, vector<16xi32>,
      %mul3A_322 = arith.constant 16 : i32
      %mul3A_323 = arith.muli %scan3A_315, %mul3A_322 : i32
      %get3A_324 = arith.index_cast %mul3A_323 : i32 to index
      %get3A_325 = tpu.vector_load %arg8[%get3A_324] {strides = array<i32>} : memref<512xi32, #tpu.memory_space<vmem>>, vector<16xi32>,
      %shift_right_arithmetic3A = arith.constant 7 : i32
      %shift_right_arithmetic3A_326 = vector.broadcast %shift_right_arithmetic3A : i32 to vector<16xi32>
      %shift_right_arithmetic3A_327 = arith.shrsi %get3A_321, %shift_right_arithmetic3A_326 : vector<16xi32>
      %shift_right_arithmetic3A_328 = arith.constant 7 : i32
      %shift_right_arithmetic3A_329 = vector.broadcast %shift_right_arithmetic3A_328 : i32 to vector<16xi32>
      %shift_right_arithmetic3A_330 = arith.shrsi %get3A_325, %shift_right_arithmetic3A_329 : vector<16xi32>
      %and3A = arith.constant 127 : i32
      %and3A_331 = vector.broadcast %and3A : i32 to vector<16xi32>
      %and3A_332 = arith.andi %get3A_321, %and3A_331 : vector<16xi32>
      %and3A_333 = arith.constant 127 : i32
      %and3A_334 = vector.broadcast %and3A_333 : i32 to vector<16xi32>
      %and3A_335 = arith.andi %get3A_325, %and3A_334 : vector<16xi32>
      %broadcast_in_dim3A_336 = arith.constant 0.000000e+00 : f32
      %broadcast_in_dim3A_337 = vector.broadcast %broadcast_in_dim3A_336 : f32 to vector<16xf32>
      %gt3A = arith.constant 0 : i32
      %gt3A_338 = arith.cmpi sgt, %scan3A_315, %gt3A : i32
      %convert_element_type3A = arith.extui %gt3A_338 : i1 to i32
      %cond3A = arith.constant 0 : i32
      %cond3A_339 = arith.cmpi ne, %convert_element_type3A, %cond3A : i32
      scf.if %cond3A_339 {
        %dma_wait3A_2015 = arith.constant 0 : i32
        %dma_wait3A_2016 = arith.constant 0 : i32
        %dma_wait3A_2017 = arith.constant 0 : i32
        %dma_wait3A_2018 = tpu.memref_slice %arg9[%dma_wait3A_2015, %dma_wait3A_2016, %dma_wait3A_2017] : memref<4x64x128xf32, #tpu.memory_space<vmem>> -> memref<1x64x128xf32, #tpu.memory_space<vmem>>
        %dma_wait3A_2019 = tpu.memref_squeeze %dma_wait3A_2018 : memref<1x64x128xf32, #tpu.memory_space<vmem>> -> memref<64x128xf32, #tpu.memory_space<vmem>>
        %dma_wait3A_2020 = arith.constant 0 : i32
        %dma_wait3A_2021 = arith.constant 0 : i32
        %dma_wait3A_2022 = tpu.memref_slice %arg4[%dma_wait3A_2020, %dma_wait3A_2021] : memref<64x1000000xf32, #tpu.memory_space<hbm>> -> memref<64x128xf32, #tpu.memory_space<hbm>>
        %dma_wait3A_2023 = arith.constant 0 : i32
        %dma_wait3A_2024 = arith.constant 0 : i32
        %dma_wait3A_2025 = tpu.memref_slice %arg9[%dma_wait3A_2015, %dma_wait3A_2023, %dma_wait3A_2024] : memref<4x64x128xf32, #tpu.memory_space<vmem>> -> memref<1x64x128xf32, #tpu.memory_space<vmem>>
        %dma_wait3A_2026 = tpu.memref_squeeze %dma_wait3A_2025 : memref<1x64x128xf32, #tpu.memory_space<vmem>> -> memref<64x128xf32, #tpu.memory_space<vmem>>
        %dma_wait3A_2027 = arith.constant 0 : i32
        %dma_wait3A_2028 = arith.constant 0 : i32
        %dma_wait3A_2029 = tpu.memref_slice %arg4[%dma_wait3A_2027, %dma_wait3A_2028] : memref<64x1000000xf32, #tpu.memory_space<hbm>> -> memref<64x128xf32, #tpu.memory_space<hbm>>
        tpu.wait_dma2 semaphore(%arg12 : memref<!tpu.dma_semaphore, #tpu.memory_space<semaphore_mem>>) src(%dma_wait3A_2029 : memref<64x128xf32, #tpu.memory_space<hbm>>) dst(%dma_wait3A_2026 : memref<64x128xf32, #tpu.memory_space<vmem>>)
        %dma_wait3A_2030 = arith.constant 0 : i32
        %dma_wait3A_2031 = arith.constant 0 : i32
        %dma_wait3A_2032 = arith.constant 0 : i32
        %dma_wait3A_2033 = tpu.memref_slice %arg10[%dma_wait3A_2030, %dma_wait3A_2031, %dma_wait3A_2032] : memref<4x64x128xf32, #tpu.memory_space<vmem>> -> memref<1x64x128xf32, #tpu.memory_space<vmem>>
        %dma_wait3A_2034 = tpu.memref_squeeze %dma_wait3A_2033 : memref<1x64x128xf32, #tpu.memory_space<vmem>> -> memref<64x128xf32, #tpu.memory_space<vmem>>
        %dma_wait3A_2035 = arith.constant 0 : i32
        %dma_wait3A_2036 = arith.constant 0 : i32
        %dma_wait3A_2037 = tpu.memref_slice %arg5[%dma_wait3A_2035, %dma_wait3A_2036] : memref<64x1000000xf32, #tpu.memory_space<hbm>> -> memref<64x128xf32, #tpu.memory_space<hbm>>
        %dma_wait3A_2038 = arith.constant 0 : i32
        %dma_wait3A_2039 = arith.constant 0 : i32
        %dma_wait3A_2040 = tpu.memref_slice %arg10[%dma_wait3A_2030, %dma_wait3A_2038, %dma_wait3A_2039] : memref<4x64x128xf32, #tpu.memory_space<vmem>> -> memref<1x64x128xf32, #tpu.memory_space<vmem>>
        %dma_wait3A_2041 = tpu.memref_squeeze %dma_wait3A_2040 : memref<1x64x128xf32, #tpu.memory_space<vmem>> -> memref<64x128xf32, #tpu.memory_space<vmem>>
        %dma_wait3A_2042 = arith.constant 0 : i32
        %dma_wait3A_2043 = arith.constant 0 : i32
        %dma_wait3A_2044 = tpu.memref_slice %arg5[%dma_wait3A_2042, %dma_wait3A_2043] : memref<64x1000000xf32, #tpu.memory_space<hbm>> -> memref<64x128xf32, #tpu.memory_space<hbm>>
        tpu.wait_dma2 semaphore(%arg16 : memref<!tpu.dma_semaphore, #tpu.memory_space<semaphore_mem>>) src(%dma_wait3A_2044 : memref<64x128xf32, #tpu.memory_space<hbm>>) dst(%dma_wait3A_2041 : memref<64x128xf32, #tpu.memory_space<vmem>>)
      } else {
      }
      %slice3A_340 = vector.extract_strided_slice %scan3A_317 {offsets = [12], sizes = [1], strides = [1]} : vector<16xi32> to vector<1xi32>
      %squeeze3A_341 = vector.extract %slice3A_340[0] : i32 from vector<1xi32>
      %slice3A_342 = vector.extract_strided_slice %scan3A_318 {offsets = [12], sizes = [1], strides = [1]} : vector<16xi32> to vector<1xi32>
      %squeeze3A_343 = vector.extract %slice3A_342[0] : i32 from vector<1xi32>
      %broadcast_in_dim3A_344 = arith.constant 0 : i32
      %broadcast_in_dim3A_345 = vector.broadcast %broadcast_in_dim3A_344 : i32 to vector<16xi32>
      %broadcast_in_dim3A_346 = vector.broadcast %squeeze3A_341 : i32 to vector<16xi32>
      %broadcast_in_dim3A_347 = vector.broadcast %squeeze3A_343 : i32 to vector<16xi32>
      %broadcast_in_dim3A_348 = arith.constant 0.000000e+00 : f32
      %broadcast_in_dim3A_349 = vector.broadcast %broadcast_in_dim3A_348 : f32 to vector<16xf32>
      %add3A_350 = arith.constant 0 : i32
      %add3A_351 = vector.broadcast %add3A_350 : i32 to vector<16xi32>
      %add3A_352 = arith.addi %add3A_351, %iota3A : vector<16xi32>
      %gather3A_353 = tpu.vector_load_idx %arg9[%broadcast_in_dim3A_345, %add3A_352, %broadcast_in_dim3A_346] : memref<4x64x128xf32, #tpu.memory_space<vmem>>[vector<16xi32>, vector<16xi32>, vector<16xi32>], vector<16xf32>,
      %gather3A_354 = tpu.vector_load_idx %arg10[%broadcast_in_dim3A_345, %add3A_352, %broadcast_in_dim3A_347] : memref<4x64x128xf32, #tpu.memory_space<vmem>>[vector<16xi32>, vector<16xi32>, vector<16xi32>], vector<16xf32>,
      %mul3A_355 = arith.mulf %gather3A_353, %gather3A_354 : vector<16xf32>
      %add3A_356 = arith.addf %broadcast_in_dim3A_349, %mul3A_355 : vector<16xf32>
      %add3A_357 = arith.constant 16 : i32
      %add3A_358 = vector.broadcast %add3A_357 : i32 to vector<16xi32>
      %add3A_359 = arith.addi %add3A_358, %iota3A : vector<16xi32>
      %gather3A_360 = tpu.vector_load_idx %arg9[%broadcast_in_dim3A_345, %add3A_359, %broadcast_in_dim3A_346] : memref<4x64x128xf32, #tpu.memory_space<vmem>>[vector<16xi32>, vector<16xi32>, vector<16xi32>], vector<16xf32>,
      %gather3A_361 = tpu.vector_load_idx %arg10[%broadcast_in_dim3A_345, %add3A_359, %broadcast_in_dim3A_347] : memref<4x64x128xf32, #tpu.memory_space<vmem>>[vector<16xi32>, vector<16xi32>, vector<16xi32>], vector<16xf32>,
      %mul3A_362 = arith.mulf %gather3A_360, %gather3A_361 : vector<16xf32>
      %add3A_363 = arith.addf %add3A_356, %mul3A_362 : vector<16xf32>
      %add3A_364 = arith.constant 32 : i32
      %add3A_365 = vector.broadcast %add3A_364 : i32 to vector<16xi32>
      %add3A_366 = arith.addi %add3A_365, %iota3A : vector<16xi32>
      %gather3A_367 = tpu.vector_load_idx %arg9[%broadcast_in_dim3A_345, %add3A_366, %broadcast_in_dim3A_346] : memref<4x64x128xf32, #tpu.memory_space<vmem>>[vector<16xi32>, vector<16xi32>, vector<16xi32>], vector<16xf32>,
      %gather3A_368 = tpu.vector_load_idx %arg10[%broadcast_in_dim3A_345, %add3A_366, %broadcast_in_dim3A_347] : memref<4x64x128xf32, #tpu.memory_space<vmem>>[vector<16xi32>, vector<16xi32>, vector<16xi32>], vector<16xf32>,
      %mul3A_369 = arith.mulf %gather3A_367, %gather3A_368 : vector<16xf32>
      %add3A_370 = arith.addf %add3A_363, %mul3A_369 : vector<16xf32>
      %add3A_371 = arith.constant 48 : i32
      %add3A_372 = vector.broadcast %add3A_371 : i32 to vector<16xi32>
      %add3A_373 = arith.addi %add3A_372, %iota3A : vector<16xi32>
      %gather3A_374 = tpu.vector_load_idx %arg9[%broadcast_in_dim3A_345, %add3A_373, %broadcast_in_dim3A_346] : memref<4x64x128xf32, #tpu.memory_space<vmem>>[vector<16xi32>, vector<16xi32>, vector<16xi32>], vector<16xf32>,
      %gather3A_375 = tpu.vector_load_idx %arg10[%broadcast_in_dim3A_345, %add3A_373, %broadcast_in_dim3A_347] : memref<4x64x128xf32, #tpu.memory_space<vmem>>[vector<16xi32>, vector<16xi32>, vector<16xi32>], vector<16xf32>,
      %mul3A_376 = arith.mulf %gather3A_374, %gather3A_375 : vector<16xf32>
      %add3A_377 = arith.addf %add3A_370, %mul3A_376 : vector<16xf32>
      %reduce_sum3A_378 = arith.constant true
      %reduce_sum3A_379 = vector.broadcast %reduce_sum3A_378 : i1 to vector<16xi1>
      %reduce_sum3A_380 = tpu.scan <sum>, %add3A_377 masked %reduce_sum3A_379 : vector<16xf32>, vector<16xi1> -> vector<16xf32>
      %reduce_sum3A_381 = vector.extract %reduce_sum3A_380[15] : f32 from vector<16xf32>
      %eq3A_382 = arith.constant 12 : i32
      %eq3A_383 = vector.broadcast %eq3A_382 : i32 to vector<16xi32>
      %eq3A_384 = arith.cmpi eq, %iota3A, %eq3A_383 : vector<16xi32>
      %broadcast_in_dim3A_385 = vector.broadcast %reduce_sum3A_381 : f32 to vector<16xf32>
      %select_n3A_386 = arith.select %eq3A_384, %broadcast_in_dim3A_385, %scan3A_316 : vector<16xi1>, vector<16xf32>
      %slice3A_387 = vector.extract_strided_slice %shift_right_arithmetic3A_327 {offsets = [0], sizes = [1], strides = [1]} : vector<16xi32> to vector<1xi32>
      %squeeze3A_388 = vector.extract %slice3A_387[0] : i32 from vector<1xi32>
      %mul3A_389 = arith.constant 128 : i32
      %mul3A_390 = arith.muli %squeeze3A_388, %mul3A_389 : i32
      %dma_start3A = arith.constant 0 : i32
      %dma_start3A_391 = arith.constant 0 : i32
      %dma_start3A_392 = arith.constant 0 : i32
      %dma_start3A_393 = tpu.memref_slice %arg9[%dma_start3A, %dma_start3A_391, %dma_start3A_392] : memref<4x64x128xf32, #tpu.memory_space<vmem>> -> memref<1x64x128xf32, #tpu.memory_space<vmem>>
      %dma_start3A_394 = tpu.memref_squeeze %dma_start3A_393 : memref<1x64x128xf32, #tpu.memory_space<vmem>> -> memref<64x128xf32, #tpu.memory_space<vmem>>
      %dma_start3A_395 = arith.constant 0 : i32
      %dma_start3A_396 = tpu.memref_slice %arg4[%dma_start3A_395, %mul3A_390] : memref<64x1000000xf32, #tpu.memory_space<hbm>> -> memref<64x128xf32, #tpu.memory_space<hbm>>
      %dma_start3A_397 = arith.constant 0 : i32
      %dma_start3A_398 = arith.constant 0 : i32
      %dma_start3A_399 = tpu.memref_slice %arg9[%dma_start3A, %dma_start3A_397, %dma_start3A_398] : memref<4x64x128xf32, #tpu.memory_space<vmem>> -> memref<1x64x128xf32, #tpu.memory_space<vmem>>
      %dma_start3A_400 = tpu.memref_squeeze %dma_start3A_399 : memref<1x64x128xf32, #tpu.memory_space<vmem>> -> memref<64x128xf32, #tpu.memory_space<vmem>>
      %dma_start3A_401 = arith.constant 0 : i32
      %dma_start3A_402 = tpu.memref_slice %arg4[%dma_start3A_401, %mul3A_390] : memref<64x1000000xf32, #tpu.memory_space<hbm>> -> memref<64x128xf32, #tpu.memory_space<hbm>>
      tpu.enqueue_dma source(%dma_start3A_402 : memref<64x128xf32, #tpu.memory_space<hbm>>) target(%dma_start3A_400 : memref<64x128xf32, #tpu.memory_space<vmem>>) target_semaphore(%arg12 : memref<!tpu.dma_semaphore, #tpu.memory_space<semaphore_mem>>)
      %slice3A_403 = vector.extract_strided_slice %shift_right_arithmetic3A_330 {offsets = [0], sizes = [1], strides = [1]} : vector<16xi32> to vector<1xi32>
      %squeeze3A_404 = vector.extract %slice3A_403[0] : i32 from vector<1xi32>
      %mul3A_405 = arith.constant 128 : i32
      %mul3A_406 = arith.muli %squeeze3A_404, %mul3A_405 : i32
      %dma_start3A_407 = arith.constant 0 : i32
      %dma_start3A_408 = arith.constant 0 : i32
      %dma_start3A_409 = arith.constant 0 : i32
      %dma_start3A_410 = tpu.memref_slice %arg10[%dma_start3A_407, %dma_start3A_408, %dma_start3A_409] : memref<4x64x128xf32, #tpu.memory_space<vmem>> -> memref<1x64x128xf32, #tpu.memory_space<vmem>>
      %dma_start3A_411 = tpu.memref_squeeze %dma_start3A_410 : memref<1x64x128xf32, #tpu.memory_space<vmem>> -> memref<64x128xf32, #tpu.memory_space<vmem>>
      %dma_start3A_412 = arith.constant 0 : i32
      %dma_start3A_413 = tpu.memref_slice %arg5[%dma_start3A_412, %mul3A_406] : memref<64x1000000xf32, #tpu.memory_space<hbm>> -> memref<64x128xf32, #tpu.memory_space<hbm>>
      %dma_start3A_414 = arith.constant 0 : i32
      %dma_start3A_415 = arith.constant 0 : i32
      %dma_start3A_416 = tpu.memref_slice %arg10[%dma_start3A_407, %dma_start3A_414, %dma_start3A_415] : memref<4x64x128xf32, #tpu.memory_space<vmem>> -> memref<1x64x128xf32, #tpu.memory_space<vmem>>
      %dma_start3A_417 = tpu.memref_squeeze %dma_start3A_416 : memref<1x64x128xf32, #tpu.memory_space<vmem>> -> memref<64x128xf32, #tpu.memory_space<vmem>>
      %dma_start3A_418 = arith.constant 0 : i32
      %dma_start3A_419 = tpu.memref_slice %arg5[%dma_start3A_418, %mul3A_406] : memref<64x1000000xf32, #tpu.memory_space<hbm>> -> memref<64x128xf32, #tpu.memory_space<hbm>>
      tpu.enqueue_dma source(%dma_start3A_419 : memref<64x128xf32, #tpu.memory_space<hbm>>) target(%dma_start3A_417 : memref<64x128xf32, #tpu.memory_space<vmem>>) target_semaphore(%arg16 : memref<!tpu.dma_semaphore, #tpu.memory_space<semaphore_mem>>)
      %gt3A_420 = arith.constant 0 : i32
      %gt3A_421 = arith.cmpi sgt, %scan3A_315, %gt3A_420 : i32
      %convert_element_type3A_422 = arith.extui %gt3A_421 : i1 to i32
      %cond3A_423 = arith.constant 0 : i32
      %cond3A_424 = arith.cmpi ne, %convert_element_type3A_422, %cond3A_423 : i32
      scf.if %cond3A_424 {
        %dma_wait3A_2015 = arith.constant 1 : i32
        %dma_wait3A_2016 = arith.constant 0 : i32
        %dma_wait3A_2017 = arith.constant 0 : i32
        %dma_wait3A_2018 = tpu.memref_slice %arg9[%dma_wait3A_2015, %dma_wait3A_2016, %dma_wait3A_2017] : memref<4x64x128xf32, #tpu.memory_space<vmem>> -> memref<1x64x128xf32, #tpu.memory_space<vmem>>
        %dma_wait3A_2019 = tpu.memref_squeeze %dma_wait3A_2018 : memref<1x64x128xf32, #tpu.memory_space<vmem>> -> memref<64x128xf32, #tpu.memory_space<vmem>>
        %dma_wait3A_2020 = arith.constant 0 : i32
        %dma_wait3A_2021 = arith.constant 0 : i32
        %dma_wait3A_2022 = tpu.memref_slice %arg4[%dma_wait3A_2020, %dma_wait3A_2021] : memref<64x1000000xf32, #tpu.memory_space<hbm>> -> memref<64x128xf32, #tpu.memory_space<hbm>>
        %dma_wait3A_2023 = arith.constant 0 : i32
        %dma_wait3A_2024 = arith.constant 0 : i32
        %dma_wait3A_2025 = tpu.memref_slice %arg9[%dma_wait3A_2015, %dma_wait3A_2023, %dma_wait3A_2024] : memref<4x64x128xf32, #tpu.memory_space<vmem>> -> memref<1x64x128xf32, #tpu.memory_space<vmem>>
        %dma_wait3A_2026 = tpu.memref_squeeze %dma_wait3A_2025 : memref<1x64x128xf32, #tpu.memory_space<vmem>> -> memref<64x128xf32, #tpu.memory_space<vmem>>
        %dma_wait3A_2027 = arith.constant 0 : i32
        %dma_wait3A_2028 = arith.constant 0 : i32
        %dma_wait3A_2029 = tpu.memref_slice %arg4[%dma_wait3A_2027, %dma_wait3A_2028] : memref<64x1000000xf32, #tpu.memory_space<hbm>> -> memref<64x128xf32, #tpu.memory_space<hbm>>
        tpu.wait_dma2 semaphore(%arg13 : memref<!tpu.dma_semaphore, #tpu.memory_space<semaphore_mem>>) src(%dma_wait3A_2029 : memref<64x128xf32, #tpu.memory_space<hbm>>) dst(%dma_wait3A_2026 : memref<64x128xf32, #tpu.memory_space<vmem>>)
        %dma_wait3A_2030 = arith.constant 1 : i32
        %dma_wait3A_2031 = arith.constant 0 : i32
        %dma_wait3A_2032 = arith.constant 0 : i32
        %dma_wait3A_2033 = tpu.memref_slice %arg10[%dma_wait3A_2030, %dma_wait3A_2031, %dma_wait3A_2032] : memref<4x64x128xf32, #tpu.memory_space<vmem>> -> memref<1x64x128xf32, #tpu.memory_space<vmem>>
        %dma_wait3A_2034 = tpu.memref_squeeze %dma_wait3A_2033 : memref<1x64x128xf32, #tpu.memory_space<vmem>> -> memref<64x128xf32, #tpu.memory_space<vmem>>
        %dma_wait3A_2035 = arith.constant 0 : i32
        %dma_wait3A_2036 = arith.constant 0 : i32
        %dma_wait3A_2037 = tpu.memref_slice %arg5[%dma_wait3A_2035, %dma_wait3A_2036] : memref<64x1000000xf32, #tpu.memory_space<hbm>> -> memref<64x128xf32, #tpu.memory_space<hbm>>
        %dma_wait3A_2038 = arith.constant 0 : i32
        %dma_wait3A_2039 = arith.constant 0 : i32
        %dma_wait3A_2040 = tpu.memref_slice %arg10[%dma_wait3A_2030, %dma_wait3A_2038, %dma_wait3A_2039] : memref<4x64x128xf32, #tpu.memory_space<vmem>> -> memref<1x64x128xf32, #tpu.memory_space<vmem>>
        %dma_wait3A_2041 = tpu.memref_squeeze %dma_wait3A_2040 : memref<1x64x128xf32, #tpu.memory_space<vmem>> -> memref<64x128xf32, #tpu.memory_space<vmem>>
        %dma_wait3A_2042 = arith.constant 0 : i32
        %dma_wait3A_2043 = arith.constant 0 : i32
        %dma_wait3A_2044 = tpu.memref_slice %arg5[%dma_wait3A_2042, %dma_wait3A_2043] : memref<64x1000000xf32, #tpu.memory_space<hbm>> -> memref<64x128xf32, #tpu.memory_space<hbm>>
        tpu.wait_dma2 semaphore(%arg17 : memref<!tpu.dma_semaphore, #tpu.memory_space<semaphore_mem>>) src(%dma_wait3A_2044 : memref<64x128xf32, #tpu.memory_space<hbm>>) dst(%dma_wait3A_2041 : memref<64x128xf32, #tpu.memory_space<vmem>>)
      } else {
      }
      %slice3A_425 = vector.extract_strided_slice %scan3A_317 {offsets = [13], sizes = [1], strides = [1]} : vector<16xi32> to vector<1xi32>
      %squeeze3A_426 = vector.extract %slice3A_425[0] : i32 from vector<1xi32>
      %slice3A_427 = vector.extract_strided_slice %scan3A_318 {offsets = [13], sizes = [1], strides = [1]} : vector<16xi32> to vector<1xi32>
      %squeeze3A_428 = vector.extract %slice3A_427[0] : i32 from vector<1xi32>
      %broadcast_in_dim3A_429 = arith.constant 1 : i32
      %broadcast_in_dim3A_430 = vector.broadcast %broadcast_in_dim3A_429 : i32 to vector<16xi32>
      %broadcast_in_dim3A_431 = vector.broadcast %squeeze3A_426 : i32 to vector<16xi32>
      %broadcast_in_dim3A_432 = vector.broadcast %squeeze3A_428 : i32 to vector<16xi32>
      %broadcast_in_dim3A_433 = arith.constant 0.000000e+00 : f32
      %broadcast_in_dim3A_434 = vector.broadcast %broadcast_in_dim3A_433 : f32 to vector<16xf32>
      %add3A_435 = arith.constant 0 : i32
      %add3A_436 = vector.broadcast %add3A_435 : i32 to vector<16xi32>
      %add3A_437 = arith.addi %add3A_436, %iota3A : vector<16xi32>
      %gather3A_438 = tpu.vector_load_idx %arg9[%broadcast_in_dim3A_430, %add3A_437, %broadcast_in_dim3A_431] : memref<4x64x128xf32, #tpu.memory_space<vmem>>[vector<16xi32>, vector<16xi32>, vector<16xi32>], vector<16xf32>,
      %gather3A_439 = tpu.vector_load_idx %arg10[%broadcast_in_dim3A_430, %add3A_437, %broadcast_in_dim3A_432] : memref<4x64x128xf32, #tpu.memory_space<vmem>>[vector<16xi32>, vector<16xi32>, vector<16xi32>], vector<16xf32>,
      %mul3A_440 = arith.mulf %gather3A_438, %gather3A_439 : vector<16xf32>
      %add3A_441 = arith.addf %broadcast_in_dim3A_434, %mul3A_440 : vector<16xf32>
      %add3A_442 = arith.constant 16 : i32
      %add3A_443 = vector.broadcast %add3A_442 : i32 to vector<16xi32>
      %add3A_444 = arith.addi %add3A_443, %iota3A : vector<16xi32>
      %gather3A_445 = tpu.vector_load_idx %arg9[%broadcast_in_dim3A_430, %add3A_444, %broadcast_in_dim3A_431] : memref<4x64x128xf32, #tpu.memory_space<vmem>>[vector<16xi32>, vector<16xi32>, vector<16xi32>], vector<16xf32>,
      %gather3A_446 = tpu.vector_load_idx %arg10[%broadcast_in_dim3A_430, %add3A_444, %broadcast_in_dim3A_432] : memref<4x64x128xf32, #tpu.memory_space<vmem>>[vector<16xi32>, vector<16xi32>, vector<16xi32>], vector<16xf32>,
      %mul3A_447 = arith.mulf %gather3A_445, %gather3A_446 : vector<16xf32>
      %add3A_448 = arith.addf %add3A_441, %mul3A_447 : vector<16xf32>
      %add3A_449 = arith.constant 32 : i32
      %add3A_450 = vector.broadcast %add3A_449 : i32 to vector<16xi32>
      %add3A_451 = arith.addi %add3A_450, %iota3A : vector<16xi32>
      %gather3A_452 = tpu.vector_load_idx %arg9[%broadcast_in_dim3A_430, %add3A_451, %broadcast_in_dim3A_431] : memref<4x64x128xf32, #tpu.memory_space<vmem>>[vector<16xi32>, vector<16xi32>, vector<16xi32>], vector<16xf32>,
      %gather3A_453 = tpu.vector_load_idx %arg10[%broadcast_in_dim3A_430, %add3A_451, %broadcast_in_dim3A_432] : memref<4x64x128xf32, #tpu.memory_space<vmem>>[vector<16xi32>, vector<16xi32>, vector<16xi32>], vector<16xf32>,
      %mul3A_454 = arith.mulf %gather3A_452, %gather3A_453 : vector<16xf32>
      %add3A_455 = arith.addf %add3A_448, %mul3A_454 : vector<16xf32>
      %add3A_456 = arith.constant 48 : i32
      %add3A_457 = vector.broadcast %add3A_456 : i32 to vector<16xi32>
      %add3A_458 = arith.addi %add3A_457, %iota3A : vector<16xi32>
      %gather3A_459 = tpu.vector_load_idx %arg9[%broadcast_in_dim3A_430, %add3A_458, %broadcast_in_dim3A_431] : memref<4x64x128xf32, #tpu.memory_space<vmem>>[vector<16xi32>, vector<16xi32>, vector<16xi32>], vector<16xf32>,
      %gather3A_460 = tpu.vector_load_idx %arg10[%broadcast_in_dim3A_430, %add3A_458, %broadcast_in_dim3A_432] : memref<4x64x128xf32, #tpu.memory_space<vmem>>[vector<16xi32>, vector<16xi32>, vector<16xi32>], vector<16xf32>,
      %mul3A_461 = arith.mulf %gather3A_459, %gather3A_460 : vector<16xf32>
      %add3A_462 = arith.addf %add3A_455, %mul3A_461 : vector<16xf32>
      %reduce_sum3A_463 = arith.constant true
      %reduce_sum3A_464 = vector.broadcast %reduce_sum3A_463 : i1 to vector<16xi1>
      %reduce_sum3A_465 = tpu.scan <sum>, %add3A_462 masked %reduce_sum3A_464 : vector<16xf32>, vector<16xi1> -> vector<16xf32>
      %reduce_sum3A_466 = vector.extract %reduce_sum3A_465[15] : f32 from vector<16xf32>
      %eq3A_467 = arith.constant 13 : i32
      %eq3A_468 = vector.broadcast %eq3A_467 : i32 to vector<16xi32>
      %eq3A_469 = arith.cmpi eq, %iota3A, %eq3A_468 : vector<16xi32>
      %broadcast_in_dim3A_470 = vector.broadcast %reduce_sum3A_466 : f32 to vector<16xf32>
      %select_n3A_471 = arith.select %eq3A_469, %broadcast_in_dim3A_470, %select_n3A_386 : vector<16xi1>, vector<16xf32>
      %slice3A_472 = vector.extract_strided_slice %shift_right_arithmetic3A_327 {offsets = [1], sizes = [1], strides = [1]} : vector<16xi32> to vector<1xi32>
      %squeeze3A_473 = vector.extract %slice3A_472[0] : i32 from vector<1xi32>
      %mul3A_474 = arith.constant 128 : i32
      %mul3A_475 = arith.muli %squeeze3A_473, %mul3A_474 : i32
      %dma_start3A_476 = arith.constant 1 : i32
      %dma_start3A_477 = arith.constant 0 : i32
      %dma_start3A_478 = arith.constant 0 : i32
      %dma_start3A_479 = tpu.memref_slice %arg9[%dma_start3A_476, %dma_start3A_477, %dma_start3A_478] : memref<4x64x128xf32, #tpu.memory_space<vmem>> -> memref<1x64x128xf32, #tpu.memory_space<vmem>>
      %dma_start3A_480 = tpu.memref_squeeze %dma_start3A_479 : memref<1x64x128xf32, #tpu.memory_space<vmem>> -> memref<64x128xf32, #tpu.memory_space<vmem>>
      %dma_start3A_481 = arith.constant 0 : i32
      %dma_start3A_482 = tpu.memref_slice %arg4[%dma_start3A_481, %mul3A_475] : memref<64x1000000xf32, #tpu.memory_space<hbm>> -> memref<64x128xf32, #tpu.memory_space<hbm>>
      %dma_start3A_483 = arith.constant 0 : i32
      %dma_start3A_484 = arith.constant 0 : i32
      %dma_start3A_485 = tpu.memref_slice %arg9[%dma_start3A_476, %dma_start3A_483, %dma_start3A_484] : memref<4x64x128xf32, #tpu.memory_space<vmem>> -> memref<1x64x128xf32, #tpu.memory_space<vmem>>
      %dma_start3A_486 = tpu.memref_squeeze %dma_start3A_485 : memref<1x64x128xf32, #tpu.memory_space<vmem>> -> memref<64x128xf32, #tpu.memory_space<vmem>>
      %dma_start3A_487 = arith.constant 0 : i32
      %dma_start3A_488 = tpu.memref_slice %arg4[%dma_start3A_487, %mul3A_475] : memref<64x1000000xf32, #tpu.memory_space<hbm>> -> memref<64x128xf32, #tpu.memory_space<hbm>>
      tpu.enqueue_dma source(%dma_start3A_488 : memref<64x128xf32, #tpu.memory_space<hbm>>) target(%dma_start3A_486 : memref<64x128xf32, #tpu.memory_space<vmem>>) target_semaphore(%arg13 : memref<!tpu.dma_semaphore, #tpu.memory_space<semaphore_mem>>)
      %slice3A_489 = vector.extract_strided_slice %shift_right_arithmetic3A_330 {offsets = [1], sizes = [1], strides = [1]} : vector<16xi32> to vector<1xi32>
      %squeeze3A_490 = vector.extract %slice3A_489[0] : i32 from vector<1xi32>
      %mul3A_491 = arith.constant 128 : i32
      %mul3A_492 = arith.muli %squeeze3A_490, %mul3A_491 : i32
      %dma_start3A_493 = arith.constant 1 : i32
      %dma_start3A_494 = arith.constant 0 : i32
      %dma_start3A_495 = arith.constant 0 : i32
      %dma_start3A_496 = tpu.memref_slice %arg10[%dma_start3A_493, %dma_start3A_494, %dma_start3A_495] : memref<4x64x128xf32, #tpu.memory_space<vmem>> -> memref<1x64x128xf32, #tpu.memory_space<vmem>>
      %dma_start3A_497 = tpu.memref_squeeze %dma_start3A_496 : memref<1x64x128xf32, #tpu.memory_space<vmem>> -> memref<64x128xf32, #tpu.memory_space<vmem>>
      %dma_start3A_498 = arith.constant 0 : i32
      %dma_start3A_499 = tpu.memref_slice %arg5[%dma_start3A_498, %mul3A_492] : memref<64x1000000xf32, #tpu.memory_space<hbm>> -> memref<64x128xf32, #tpu.memory_space<hbm>>
      %dma_start3A_500 = arith.constant 0 : i32
      %dma_start3A_501 = arith.constant 0 : i32
      %dma_start3A_502 = tpu.memref_slice %arg10[%dma_start3A_493, %dma_start3A_500, %dma_start3A_501] : memref<4x64x128xf32, #tpu.memory_space<vmem>> -> memref<1x64x128xf32, #tpu.memory_space<vmem>>
      %dma_start3A_503 = tpu.memref_squeeze %dma_start3A_502 : memref<1x64x128xf32, #tpu.memory_space<vmem>> -> memref<64x128xf32, #tpu.memory_space<vmem>>
      %dma_start3A_504 = arith.constant 0 : i32
      %dma_start3A_505 = tpu.memref_slice %arg5[%dma_start3A_504, %mul3A_492] : memref<64x1000000xf32, #tpu.memory_space<hbm>> -> memref<64x128xf32, #tpu.memory_space<hbm>>
      tpu.enqueue_dma source(%dma_start3A_505 : memref<64x128xf32, #tpu.memory_space<hbm>>) target(%dma_start3A_503 : memref<64x128xf32, #tpu.memory_space<vmem>>) target_semaphore(%arg17 : memref<!tpu.dma_semaphore, #tpu.memory_space<semaphore_mem>>)
      %gt3A_506 = arith.constant 0 : i32
      %gt3A_507 = arith.cmpi sgt, %scan3A_315, %gt3A_506 : i32
      %convert_element_type3A_508 = arith.extui %gt3A_507 : i1 to i32
      %cond3A_509 = arith.constant 0 : i32
      %cond3A_510 = arith.cmpi ne, %convert_element_type3A_508, %cond3A_509 : i32
      scf.if %cond3A_510 {
        %dma_wait3A_2015 = arith.constant 2 : i32
        %dma_wait3A_2016 = arith.constant 0 : i32
        %dma_wait3A_2017 = arith.constant 0 : i32
        %dma_wait3A_2018 = tpu.memref_slice %arg9[%dma_wait3A_2015, %dma_wait3A_2016, %dma_wait3A_2017] : memref<4x64x128xf32, #tpu.memory_space<vmem>> -> memref<1x64x128xf32, #tpu.memory_space<vmem>>
        %dma_wait3A_2019 = tpu.memref_squeeze %dma_wait3A_2018 : memref<1x64x128xf32, #tpu.memory_space<vmem>> -> memref<64x128xf32, #tpu.memory_space<vmem>>
        %dma_wait3A_2020 = arith.constant 0 : i32
        %dma_wait3A_2021 = arith.constant 0 : i32
        %dma_wait3A_2022 = tpu.memref_slice %arg4[%dma_wait3A_2020, %dma_wait3A_2021] : memref<64x1000000xf32, #tpu.memory_space<hbm>> -> memref<64x128xf32, #tpu.memory_space<hbm>>
        %dma_wait3A_2023 = arith.constant 0 : i32
        %dma_wait3A_2024 = arith.constant 0 : i32
        %dma_wait3A_2025 = tpu.memref_slice %arg9[%dma_wait3A_2015, %dma_wait3A_2023, %dma_wait3A_2024] : memref<4x64x128xf32, #tpu.memory_space<vmem>> -> memref<1x64x128xf32, #tpu.memory_space<vmem>>
        %dma_wait3A_2026 = tpu.memref_squeeze %dma_wait3A_2025 : memref<1x64x128xf32, #tpu.memory_space<vmem>> -> memref<64x128xf32, #tpu.memory_space<vmem>>
        %dma_wait3A_2027 = arith.constant 0 : i32
        %dma_wait3A_2028 = arith.constant 0 : i32
        %dma_wait3A_2029 = tpu.memref_slice %arg4[%dma_wait3A_2027, %dma_wait3A_2028] : memref<64x1000000xf32, #tpu.memory_space<hbm>> -> memref<64x128xf32, #tpu.memory_space<hbm>>
        tpu.wait_dma2 semaphore(%arg14 : memref<!tpu.dma_semaphore, #tpu.memory_space<semaphore_mem>>) src(%dma_wait3A_2029 : memref<64x128xf32, #tpu.memory_space<hbm>>) dst(%dma_wait3A_2026 : memref<64x128xf32, #tpu.memory_space<vmem>>)
        %dma_wait3A_2030 = arith.constant 2 : i32
        %dma_wait3A_2031 = arith.constant 0 : i32
        %dma_wait3A_2032 = arith.constant 0 : i32
        %dma_wait3A_2033 = tpu.memref_slice %arg10[%dma_wait3A_2030, %dma_wait3A_2031, %dma_wait3A_2032] : memref<4x64x128xf32, #tpu.memory_space<vmem>> -> memref<1x64x128xf32, #tpu.memory_space<vmem>>
        %dma_wait3A_2034 = tpu.memref_squeeze %dma_wait3A_2033 : memref<1x64x128xf32, #tpu.memory_space<vmem>> -> memref<64x128xf32, #tpu.memory_space<vmem>>
        %dma_wait3A_2035 = arith.constant 0 : i32
        %dma_wait3A_2036 = arith.constant 0 : i32
        %dma_wait3A_2037 = tpu.memref_slice %arg5[%dma_wait3A_2035, %dma_wait3A_2036] : memref<64x1000000xf32, #tpu.memory_space<hbm>> -> memref<64x128xf32, #tpu.memory_space<hbm>>
        %dma_wait3A_2038 = arith.constant 0 : i32
        %dma_wait3A_2039 = arith.constant 0 : i32
        %dma_wait3A_2040 = tpu.memref_slice %arg10[%dma_wait3A_2030, %dma_wait3A_2038, %dma_wait3A_2039] : memref<4x64x128xf32, #tpu.memory_space<vmem>> -> memref<1x64x128xf32, #tpu.memory_space<vmem>>
        %dma_wait3A_2041 = tpu.memref_squeeze %dma_wait3A_2040 : memref<1x64x128xf32, #tpu.memory_space<vmem>> -> memref<64x128xf32, #tpu.memory_space<vmem>>
        %dma_wait3A_2042 = arith.constant 0 : i32
        %dma_wait3A_2043 = arith.constant 0 : i32
        %dma_wait3A_2044 = tpu.memref_slice %arg5[%dma_wait3A_2042, %dma_wait3A_2043] : memref<64x1000000xf32, #tpu.memory_space<hbm>> -> memref<64x128xf32, #tpu.memory_space<hbm>>
        tpu.wait_dma2 semaphore(%arg18 : memref<!tpu.dma_semaphore, #tpu.memory_space<semaphore_mem>>) src(%dma_wait3A_2044 : memref<64x128xf32, #tpu.memory_space<hbm>>) dst(%dma_wait3A_2041 : memref<64x128xf32, #tpu.memory_space<vmem>>)
      } else {
      }
      %slice3A_511 = vector.extract_strided_slice %scan3A_317 {offsets = [14], sizes = [1], strides = [1]} : vector<16xi32> to vector<1xi32>
      %squeeze3A_512 = vector.extract %slice3A_511[0] : i32 from vector<1xi32>
      %slice3A_513 = vector.extract_strided_slice %scan3A_318 {offsets = [14], sizes = [1], strides = [1]} : vector<16xi32> to vector<1xi32>
      %squeeze3A_514 = vector.extract %slice3A_513[0] : i32 from vector<1xi32>
      %broadcast_in_dim3A_515 = arith.constant 2 : i32
      %broadcast_in_dim3A_516 = vector.broadcast %broadcast_in_dim3A_515 : i32 to vector<16xi32>
      %broadcast_in_dim3A_517 = vector.broadcast %squeeze3A_512 : i32 to vector<16xi32>
      %broadcast_in_dim3A_518 = vector.broadcast %squeeze3A_514 : i32 to vector<16xi32>
      %broadcast_in_dim3A_519 = arith.constant 0.000000e+00 : f32
      %broadcast_in_dim3A_520 = vector.broadcast %broadcast_in_dim3A_519 : f32 to vector<16xf32>
      %add3A_521 = arith.constant 0 : i32
      %add3A_522 = vector.broadcast %add3A_521 : i32 to vector<16xi32>
      %add3A_523 = arith.addi %add3A_522, %iota3A : vector<16xi32>
      %gather3A_524 = tpu.vector_load_idx %arg9[%broadcast_in_dim3A_516, %add3A_523, %broadcast_in_dim3A_517] : memref<4x64x128xf32, #tpu.memory_space<vmem>>[vector<16xi32>, vector<16xi32>, vector<16xi32>], vector<16xf32>,
      %gather3A_525 = tpu.vector_load_idx %arg10[%broadcast_in_dim3A_516, %add3A_523, %broadcast_in_dim3A_518] : memref<4x64x128xf32, #tpu.memory_space<vmem>>[vector<16xi32>, vector<16xi32>, vector<16xi32>], vector<16xf32>,
      %mul3A_526 = arith.mulf %gather3A_524, %gather3A_525 : vector<16xf32>
      %add3A_527 = arith.addf %broadcast_in_dim3A_520, %mul3A_526 : vector<16xf32>
      %add3A_528 = arith.constant 16 : i32
      %add3A_529 = vector.broadcast %add3A_528 : i32 to vector<16xi32>
      %add3A_530 = arith.addi %add3A_529, %iota3A : vector<16xi32>
      %gather3A_531 = tpu.vector_load_idx %arg9[%broadcast_in_dim3A_516, %add3A_530, %broadcast_in_dim3A_517] : memref<4x64x128xf32, #tpu.memory_space<vmem>>[vector<16xi32>, vector<16xi32>, vector<16xi32>], vector<16xf32>,
      %gather3A_532 = tpu.vector_load_idx %arg10[%broadcast_in_dim3A_516, %add3A_530, %broadcast_in_dim3A_518] : memref<4x64x128xf32, #tpu.memory_space<vmem>>[vector<16xi32>, vector<16xi32>, vector<16xi32>], vector<16xf32>,
      %mul3A_533 = arith.mulf %gather3A_531, %gather3A_532 : vector<16xf32>
      %add3A_534 = arith.addf %add3A_527, %mul3A_533 : vector<16xf32>
      %add3A_535 = arith.constant 32 : i32
      %add3A_536 = vector.broadcast %add3A_535 : i32 to vector<16xi32>
      %add3A_537 = arith.addi %add3A_536, %iota3A : vector<16xi32>
      %gather3A_538 = tpu.vector_load_idx %arg9[%broadcast_in_dim3A_516, %add3A_537, %broadcast_in_dim3A_517] : memref<4x64x128xf32, #tpu.memory_space<vmem>>[vector<16xi32>, vector<16xi32>, vector<16xi32>], vector<16xf32>,
      %gather3A_539 = tpu.vector_load_idx %arg10[%broadcast_in_dim3A_516, %add3A_537, %broadcast_in_dim3A_518] : memref<4x64x128xf32, #tpu.memory_space<vmem>>[vector<16xi32>, vector<16xi32>, vector<16xi32>], vector<16xf32>,
      %mul3A_540 = arith.mulf %gather3A_538, %gather3A_539 : vector<16xf32>
      %add3A_541 = arith.addf %add3A_534, %mul3A_540 : vector<16xf32>
      %add3A_542 = arith.constant 48 : i32
      %add3A_543 = vector.broadcast %add3A_542 : i32 to vector<16xi32>
      %add3A_544 = arith.addi %add3A_543, %iota3A : vector<16xi32>
      %gather3A_545 = tpu.vector_load_idx %arg9[%broadcast_in_dim3A_516, %add3A_544, %broadcast_in_dim3A_517] : memref<4x64x128xf32, #tpu.memory_space<vmem>>[vector<16xi32>, vector<16xi32>, vector<16xi32>], vector<16xf32>,
      %gather3A_546 = tpu.vector_load_idx %arg10[%broadcast_in_dim3A_516, %add3A_544, %broadcast_in_dim3A_518] : memref<4x64x128xf32, #tpu.memory_space<vmem>>[vector<16xi32>, vector<16xi32>, vector<16xi32>], vector<16xf32>,
      %mul3A_547 = arith.mulf %gather3A_545, %gather3A_546 : vector<16xf32>
      %add3A_548 = arith.addf %add3A_541, %mul3A_547 : vector<16xf32>
      %reduce_sum3A_549 = arith.constant true
      %reduce_sum3A_550 = vector.broadcast %reduce_sum3A_549 : i1 to vector<16xi1>
      %reduce_sum3A_551 = tpu.scan <sum>, %add3A_548 masked %reduce_sum3A_550 : vector<16xf32>, vector<16xi1> -> vector<16xf32>
      %reduce_sum3A_552 = vector.extract %reduce_sum3A_551[15] : f32 from vector<16xf32>
      %eq3A_553 = arith.constant 14 : i32
      %eq3A_554 = vector.broadcast %eq3A_553 : i32 to vector<16xi32>
      %eq3A_555 = arith.cmpi eq, %iota3A, %eq3A_554 : vector<16xi32>
      %broadcast_in_dim3A_556 = vector.broadcast %reduce_sum3A_552 : f32 to vector<16xf32>
      %select_n3A_557 = arith.select %eq3A_555, %broadcast_in_dim3A_556, %select_n3A_471 : vector<16xi1>, vector<16xf32>
      %slice3A_558 = vector.extract_strided_slice %shift_right_arithmetic3A_327 {offsets = [2], sizes = [1], strides = [1]} : vector<16xi32> to vector<1xi32>
      %squeeze3A_559 = vector.extract %slice3A_558[0] : i32 from vector<1xi32>
      %mul3A_560 = arith.constant 128 : i32
      %mul3A_561 = arith.muli %squeeze3A_559, %mul3A_560 : i32
      %dma_start3A_562 = arith.constant 2 : i32
      %dma_start3A_563 = arith.constant 0 : i32
      %dma_start3A_564 = arith.constant 0 : i32
      %dma_start3A_565 = tpu.memref_slice %arg9[%dma_start3A_562, %dma_start3A_563, %dma_start3A_564] : memref<4x64x128xf32, #tpu.memory_space<vmem>> -> memref<1x64x128xf32, #tpu.memory_space<vmem>>
      %dma_start3A_566 = tpu.memref_squeeze %dma_start3A_565 : memref<1x64x128xf32, #tpu.memory_space<vmem>> -> memref<64x128xf32, #tpu.memory_space<vmem>>
      %dma_start3A_567 = arith.constant 0 : i32
      %dma_start3A_568 = tpu.memref_slice %arg4[%dma_start3A_567, %mul3A_561] : memref<64x1000000xf32, #tpu.memory_space<hbm>> -> memref<64x128xf32, #tpu.memory_space<hbm>>
      %dma_start3A_569 = arith.constant 0 : i32
      %dma_start3A_570 = arith.constant 0 : i32
      %dma_start3A_571 = tpu.memref_slice %arg9[%dma_start3A_562, %dma_start3A_569, %dma_start3A_570] : memref<4x64x128xf32, #tpu.memory_space<vmem>> -> memref<1x64x128xf32, #tpu.memory_space<vmem>>
      %dma_start3A_572 = tpu.memref_squeeze %dma_start3A_571 : memref<1x64x128xf32, #tpu.memory_space<vmem>> -> memref<64x128xf32, #tpu.memory_space<vmem>>
      %dma_start3A_573 = arith.constant 0 : i32
      %dma_start3A_574 = tpu.memref_slice %arg4[%dma_start3A_573, %mul3A_561] : memref<64x1000000xf32, #tpu.memory_space<hbm>> -> memref<64x128xf32, #tpu.memory_space<hbm>>
      tpu.enqueue_dma source(%dma_start3A_574 : memref<64x128xf32, #tpu.memory_space<hbm>>) target(%dma_start3A_572 : memref<64x128xf32, #tpu.memory_space<vmem>>) target_semaphore(%arg14 : memref<!tpu.dma_semaphore, #tpu.memory_space<semaphore_mem>>)
      %slice3A_575 = vector.extract_strided_slice %shift_right_arithmetic3A_330 {offsets = [2], sizes = [1], strides = [1]} : vector<16xi32> to vector<1xi32>
      %squeeze3A_576 = vector.extract %slice3A_575[0] : i32 from vector<1xi32>
      %mul3A_577 = arith.constant 128 : i32
      %mul3A_578 = arith.muli %squeeze3A_576, %mul3A_577 : i32
      %dma_start3A_579 = arith.constant 2 : i32
      %dma_start3A_580 = arith.constant 0 : i32
      %dma_start3A_581 = arith.constant 0 : i32
      %dma_start3A_582 = tpu.memref_slice %arg10[%dma_start3A_579, %dma_start3A_580, %dma_start3A_581] : memref<4x64x128xf32, #tpu.memory_space<vmem>> -> memref<1x64x128xf32, #tpu.memory_space<vmem>>
      %dma_start3A_583 = tpu.memref_squeeze %dma_start3A_582 : memref<1x64x128xf32, #tpu.memory_space<vmem>> -> memref<64x128xf32, #tpu.memory_space<vmem>>
      %dma_start3A_584 = arith.constant 0 : i32
      %dma_start3A_585 = tpu.memref_slice %arg5[%dma_start3A_584, %mul3A_578] : memref<64x1000000xf32, #tpu.memory_space<hbm>> -> memref<64x128xf32, #tpu.memory_space<hbm>>
      %dma_start3A_586 = arith.constant 0 : i32
      %dma_start3A_587 = arith.constant 0 : i32
      %dma_start3A_588 = tpu.memref_slice %arg10[%dma_start3A_579, %dma_start3A_586, %dma_start3A_587] : memref<4x64x128xf32, #tpu.memory_space<vmem>> -> memref<1x64x128xf32, #tpu.memory_space<vmem>>
      %dma_start3A_589 = tpu.memref_squeeze %dma_start3A_588 : memref<1x64x128xf32, #tpu.memory_space<vmem>> -> memref<64x128xf32, #tpu.memory_space<vmem>>
      %dma_start3A_590 = arith.constant 0 : i32
      %dma_start3A_591 = tpu.memref_slice %arg5[%dma_start3A_590, %mul3A_578] : memref<64x1000000xf32, #tpu.memory_space<hbm>> -> memref<64x128xf32, #tpu.memory_space<hbm>>
      tpu.enqueue_dma source(%dma_start3A_591 : memref<64x128xf32, #tpu.memory_space<hbm>>) target(%dma_start3A_589 : memref<64x128xf32, #tpu.memory_space<vmem>>) target_semaphore(%arg18 : memref<!tpu.dma_semaphore, #tpu.memory_space<semaphore_mem>>)
      %gt3A_592 = arith.constant 0 : i32
      %gt3A_593 = arith.cmpi sgt, %scan3A_315, %gt3A_592 : i32
      %convert_element_type3A_594 = arith.extui %gt3A_593 : i1 to i32
      %cond3A_595 = arith.constant 0 : i32
      %cond3A_596 = arith.cmpi ne, %convert_element_type3A_594, %cond3A_595 : i32
      scf.if %cond3A_596 {
        %dma_wait3A_2015 = arith.constant 3 : i32
        %dma_wait3A_2016 = arith.constant 0 : i32
        %dma_wait3A_2017 = arith.constant 0 : i32
        %dma_wait3A_2018 = tpu.memref_slice %arg9[%dma_wait3A_2015, %dma_wait3A_2016, %dma_wait3A_2017] : memref<4x64x128xf32, #tpu.memory_space<vmem>> -> memref<1x64x128xf32, #tpu.memory_space<vmem>>
        %dma_wait3A_2019 = tpu.memref_squeeze %dma_wait3A_2018 : memref<1x64x128xf32, #tpu.memory_space<vmem>> -> memref<64x128xf32, #tpu.memory_space<vmem>>
        %dma_wait3A_2020 = arith.constant 0 : i32
        %dma_wait3A_2021 = arith.constant 0 : i32
        %dma_wait3A_2022 = tpu.memref_slice %arg4[%dma_wait3A_2020, %dma_wait3A_2021] : memref<64x1000000xf32, #tpu.memory_space<hbm>> -> memref<64x128xf32, #tpu.memory_space<hbm>>
        %dma_wait3A_2023 = arith.constant 0 : i32
        %dma_wait3A_2024 = arith.constant 0 : i32
        %dma_wait3A_2025 = tpu.memref_slice %arg9[%dma_wait3A_2015, %dma_wait3A_2023, %dma_wait3A_2024] : memref<4x64x128xf32, #tpu.memory_space<vmem>> -> memref<1x64x128xf32, #tpu.memory_space<vmem>>
        %dma_wait3A_2026 = tpu.memref_squeeze %dma_wait3A_2025 : memref<1x64x128xf32, #tpu.memory_space<vmem>> -> memref<64x128xf32, #tpu.memory_space<vmem>>
        %dma_wait3A_2027 = arith.constant 0 : i32
        %dma_wait3A_2028 = arith.constant 0 : i32
        %dma_wait3A_2029 = tpu.memref_slice %arg4[%dma_wait3A_2027, %dma_wait3A_2028] : memref<64x1000000xf32, #tpu.memory_space<hbm>> -> memref<64x128xf32, #tpu.memory_space<hbm>>
        tpu.wait_dma2 semaphore(%arg15 : memref<!tpu.dma_semaphore, #tpu.memory_space<semaphore_mem>>) src(%dma_wait3A_2029 : memref<64x128xf32, #tpu.memory_space<hbm>>) dst(%dma_wait3A_2026 : memref<64x128xf32, #tpu.memory_space<vmem>>)
        %dma_wait3A_2030 = arith.constant 3 : i32
        %dma_wait3A_2031 = arith.constant 0 : i32
        %dma_wait3A_2032 = arith.constant 0 : i32
        %dma_wait3A_2033 = tpu.memref_slice %arg10[%dma_wait3A_2030, %dma_wait3A_2031, %dma_wait3A_2032] : memref<4x64x128xf32, #tpu.memory_space<vmem>> -> memref<1x64x128xf32, #tpu.memory_space<vmem>>
        %dma_wait3A_2034 = tpu.memref_squeeze %dma_wait3A_2033 : memref<1x64x128xf32, #tpu.memory_space<vmem>> -> memref<64x128xf32, #tpu.memory_space<vmem>>
        %dma_wait3A_2035 = arith.constant 0 : i32
        %dma_wait3A_2036 = arith.constant 0 : i32
        %dma_wait3A_2037 = tpu.memref_slice %arg5[%dma_wait3A_2035, %dma_wait3A_2036] : memref<64x1000000xf32, #tpu.memory_space<hbm>> -> memref<64x128xf32, #tpu.memory_space<hbm>>
        %dma_wait3A_2038 = arith.constant 0 : i32
        %dma_wait3A_2039 = arith.constant 0 : i32
        %dma_wait3A_2040 = tpu.memref_slice %arg10[%dma_wait3A_2030, %dma_wait3A_2038, %dma_wait3A_2039] : memref<4x64x128xf32, #tpu.memory_space<vmem>> -> memref<1x64x128xf32, #tpu.memory_space<vmem>>
        %dma_wait3A_2041 = tpu.memref_squeeze %dma_wait3A_2040 : memref<1x64x128xf32, #tpu.memory_space<vmem>> -> memref<64x128xf32, #tpu.memory_space<vmem>>
        %dma_wait3A_2042 = arith.constant 0 : i32
        %dma_wait3A_2043 = arith.constant 0 : i32
        %dma_wait3A_2044 = tpu.memref_slice %arg5[%dma_wait3A_2042, %dma_wait3A_2043] : memref<64x1000000xf32, #tpu.memory_space<hbm>> -> memref<64x128xf32, #tpu.memory_space<hbm>>
        tpu.wait_dma2 semaphore(%arg19 : memref<!tpu.dma_semaphore, #tpu.memory_space<semaphore_mem>>) src(%dma_wait3A_2044 : memref<64x128xf32, #tpu.memory_space<hbm>>) dst(%dma_wait3A_2041 : memref<64x128xf32, #tpu.memory_space<vmem>>)
      } else {
      }
      %slice3A_597 = vector.extract_strided_slice %scan3A_317 {offsets = [15], sizes = [1], strides = [1]} : vector<16xi32> to vector<1xi32>
      %squeeze3A_598 = vector.extract %slice3A_597[0] : i32 from vector<1xi32>
      %slice3A_599 = vector.extract_strided_slice %scan3A_318 {offsets = [15], sizes = [1], strides = [1]} : vector<16xi32> to vector<1xi32>
      %squeeze3A_600 = vector.extract %slice3A_599[0] : i32 from vector<1xi32>
      %broadcast_in_dim3A_601 = arith.constant 3 : i32
      %broadcast_in_dim3A_602 = vector.broadcast %broadcast_in_dim3A_601 : i32 to vector<16xi32>
      %broadcast_in_dim3A_603 = vector.broadcast %squeeze3A_598 : i32 to vector<16xi32>
      %broadcast_in_dim3A_604 = vector.broadcast %squeeze3A_600 : i32 to vector<16xi32>
      %broadcast_in_dim3A_605 = arith.constant 0.000000e+00 : f32
      %broadcast_in_dim3A_606 = vector.broadcast %broadcast_in_dim3A_605 : f32 to vector<16xf32>
      %add3A_607 = arith.constant 0 : i32
      %add3A_608 = vector.broadcast %add3A_607 : i32 to vector<16xi32>
      %add3A_609 = arith.addi %add3A_608, %iota3A : vector<16xi32>
      %gather3A_610 = tpu.vector_load_idx %arg9[%broadcast_in_dim3A_602, %add3A_609, %broadcast_in_dim3A_603] : memref<4x64x128xf32, #tpu.memory_space<vmem>>[vector<16xi32>, vector<16xi32>, vector<16xi32>], vector<16xf32>,
      %gather3A_611 = tpu.vector_load_idx %arg10[%broadcast_in_dim3A_602, %add3A_609, %broadcast_in_dim3A_604] : memref<4x64x128xf32, #tpu.memory_space<vmem>>[vector<16xi32>, vector<16xi32>, vector<16xi32>], vector<16xf32>,
      %mul3A_612 = arith.mulf %gather3A_610, %gather3A_611 : vector<16xf32>
      %add3A_613 = arith.addf %broadcast_in_dim3A_606, %mul3A_612 : vector<16xf32>
      %add3A_614 = arith.constant 16 : i32
      %add3A_615 = vector.broadcast %add3A_614 : i32 to vector<16xi32>
      %add3A_616 = arith.addi %add3A_615, %iota3A : vector<16xi32>
      %gather3A_617 = tpu.vector_load_idx %arg9[%broadcast_in_dim3A_602, %add3A_616, %broadcast_in_dim3A_603] : memref<4x64x128xf32, #tpu.memory_space<vmem>>[vector<16xi32>, vector<16xi32>, vector<16xi32>], vector<16xf32>,
      %gather3A_618 = tpu.vector_load_idx %arg10[%broadcast_in_dim3A_602, %add3A_616, %broadcast_in_dim3A_604] : memref<4x64x128xf32, #tpu.memory_space<vmem>>[vector<16xi32>, vector<16xi32>, vector<16xi32>], vector<16xf32>,
      %mul3A_619 = arith.mulf %gather3A_617, %gather3A_618 : vector<16xf32>
      %add3A_620 = arith.addf %add3A_613, %mul3A_619 : vector<16xf32>
      %add3A_621 = arith.constant 32 : i32
      %add3A_622 = vector.broadcast %add3A_621 : i32 to vector<16xi32>
      %add3A_623 = arith.addi %add3A_622, %iota3A : vector<16xi32>
      %gather3A_624 = tpu.vector_load_idx %arg9[%broadcast_in_dim3A_602, %add3A_623, %broadcast_in_dim3A_603] : memref<4x64x128xf32, #tpu.memory_space<vmem>>[vector<16xi32>, vector<16xi32>, vector<16xi32>], vector<16xf32>,
      %gather3A_625 = tpu.vector_load_idx %arg10[%broadcast_in_dim3A_602, %add3A_623, %broadcast_in_dim3A_604] : memref<4x64x128xf32, #tpu.memory_space<vmem>>[vector<16xi32>, vector<16xi32>, vector<16xi32>], vector<16xf32>,
      %mul3A_626 = arith.mulf %gather3A_624, %gather3A_625 : vector<16xf32>
      %add3A_627 = arith.addf %add3A_620, %mul3A_626 : vector<16xf32>
      %add3A_628 = arith.constant 48 : i32
      %add3A_629 = vector.broadcast %add3A_628 : i32 to vector<16xi32>
      %add3A_630 = arith.addi %add3A_629, %iota3A : vector<16xi32>
      %gather3A_631 = tpu.vector_load_idx %arg9[%broadcast_in_dim3A_602, %add3A_630, %broadcast_in_dim3A_603] : memref<4x64x128xf32, #tpu.memory_space<vmem>>[vector<16xi32>, vector<16xi32>, vector<16xi32>], vector<16xf32>,
      %gather3A_632 = tpu.vector_load_idx %arg10[%broadcast_in_dim3A_602, %add3A_630, %broadcast_in_dim3A_604] : memref<4x64x128xf32, #tpu.memory_space<vmem>>[vector<16xi32>, vector<16xi32>, vector<16xi32>], vector<16xf32>,
      %mul3A_633 = arith.mulf %gather3A_631, %gather3A_632 : vector<16xf32>
      %add3A_634 = arith.addf %add3A_627, %mul3A_633 : vector<16xf32>
      %reduce_sum3A_635 = arith.constant true
      %reduce_sum3A_636 = vector.broadcast %reduce_sum3A_635 : i1 to vector<16xi1>
      %reduce_sum3A_637 = tpu.scan <sum>, %add3A_634 masked %reduce_sum3A_636 : vector<16xf32>, vector<16xi1> -> vector<16xf32>
      %reduce_sum3A_638 = vector.extract %reduce_sum3A_637[15] : f32 from vector<16xf32>
      %eq3A_639 = arith.constant 15 : i32
      %eq3A_640 = vector.broadcast %eq3A_639 : i32 to vector<16xi32>
      %eq3A_641 = arith.cmpi eq, %iota3A, %eq3A_640 : vector<16xi32>
      %broadcast_in_dim3A_642 = vector.broadcast %reduce_sum3A_638 : f32 to vector<16xf32>
      %select_n3A_643 = arith.select %eq3A_641, %broadcast_in_dim3A_642, %select_n3A_557 : vector<16xi1>, vector<16xf32>
      %gt3A_644 = arith.constant 0 : i32
      %gt3A_645 = arith.cmpi sgt, %scan3A_315, %gt3A_644 : i32
      %convert_element_type3A_646 = arith.extui %gt3A_645 : i1 to i32
      %cond3A_647 = arith.constant 0 : i32
      %cond3A_648 = arith.cmpi ne, %convert_element_type3A_646, %cond3A_647 : i32
      scf.if %cond3A_648 {
        %sub3A = arith.constant 1 : i32
        %sub3A_2015 = arith.subi %scan3A_315, %sub3A : i32
        %mul3A_2016 = arith.constant 16 : i32
        %mul3A_2017 = arith.muli %sub3A_2015, %mul3A_2016 : i32
        %swap3A_2018 = arith.index_cast %mul3A_2017 : i32 to index
        %swap3A_2019 = tpu.vector_load %arg11[%swap3A_2018] {strides = array<i32>} : memref<512xf32, #tpu.memory_space<vmem>>, vector<16xf32>,
        tpu.vector_store %arg11[%swap3A_2018], %select_n3A_643 {strides = array<i32>} : memref<512xf32, #tpu.memory_space<vmem>>, vector<16xf32>,
      } else {
      }
      %slice3A_649 = vector.extract_strided_slice %shift_right_arithmetic3A_327 {offsets = [3], sizes = [1], strides = [1]} : vector<16xi32> to vector<1xi32>
      %squeeze3A_650 = vector.extract %slice3A_649[0] : i32 from vector<1xi32>
      %mul3A_651 = arith.constant 128 : i32
      %mul3A_652 = arith.muli %squeeze3A_650, %mul3A_651 : i32
      %dma_start3A_653 = arith.constant 3 : i32
      %dma_start3A_654 = arith.constant 0 : i32
      %dma_start3A_655 = arith.constant 0 : i32
      %dma_start3A_656 = tpu.memref_slice %arg9[%dma_start3A_653, %dma_start3A_654, %dma_start3A_655] : memref<4x64x128xf32, #tpu.memory_space<vmem>> -> memref<1x64x128xf32, #tpu.memory_space<vmem>>
      %dma_start3A_657 = tpu.memref_squeeze %dma_start3A_656 : memref<1x64x128xf32, #tpu.memory_space<vmem>> -> memref<64x128xf32, #tpu.memory_space<vmem>>
      %dma_start3A_658 = arith.constant 0 : i32
      %dma_start3A_659 = tpu.memref_slice %arg4[%dma_start3A_658, %mul3A_652] : memref<64x1000000xf32, #tpu.memory_space<hbm>> -> memref<64x128xf32, #tpu.memory_space<hbm>>
      %dma_start3A_660 = arith.constant 0 : i32
      %dma_start3A_661 = arith.constant 0 : i32
      %dma_start3A_662 = tpu.memref_slice %arg9[%dma_start3A_653, %dma_start3A_660, %dma_start3A_661] : memref<4x64x128xf32, #tpu.memory_space<vmem>> -> memref<1x64x128xf32, #tpu.memory_space<vmem>>
      %dma_start3A_663 = tpu.memref_squeeze %dma_start3A_662 : memref<1x64x128xf32, #tpu.memory_space<vmem>> -> memref<64x128xf32, #tpu.memory_space<vmem>>
      %dma_start3A_664 = arith.constant 0 : i32
      %dma_start3A_665 = tpu.memref_slice %arg4[%dma_start3A_664, %mul3A_652] : memref<64x1000000xf32, #tpu.memory_space<hbm>> -> memref<64x128xf32, #tpu.memory_space<hbm>>
      tpu.enqueue_dma source(%dma_start3A_665 : memref<64x128xf32, #tpu.memory_space<hbm>>) target(%dma_start3A_663 : memref<64x128xf32, #tpu.memory_space<vmem>>) target_semaphore(%arg15 : memref<!tpu.dma_semaphore, #tpu.memory_space<semaphore_mem>>)
      %slice3A_666 = vector.extract_strided_slice %shift_right_arithmetic3A_330 {offsets = [3], sizes = [1], strides = [1]} : vector<16xi32> to vector<1xi32>
      %squeeze3A_667 = vector.extract %slice3A_666[0] : i32 from vector<1xi32>
      %mul3A_668 = arith.constant 128 : i32
      %mul3A_669 = arith.muli %squeeze3A_667, %mul3A_668 : i32
      %dma_start3A_670 = arith.constant 3 : i32
      %dma_start3A_671 = arith.constant 0 : i32
      %dma_start3A_672 = arith.constant 0 : i32
      %dma_start3A_673 = tpu.memref_slice %arg10[%dma_start3A_670, %dma_start3A_671, %dma_start3A_672] : memref<4x64x128xf32, #tpu.memory_space<vmem>> -> memref<1x64x128xf32, #tpu.memory_space<vmem>>
      %dma_start3A_674 = tpu.memref_squeeze %dma_start3A_673 : memref<1x64x128xf32, #tpu.memory_space<vmem>> -> memref<64x128xf32, #tpu.memory_space<vmem>>
      %dma_start3A_675 = arith.constant 0 : i32
      %dma_start3A_676 = tpu.memref_slice %arg5[%dma_start3A_675, %mul3A_669] : memref<64x1000000xf32, #tpu.memory_space<hbm>> -> memref<64x128xf32, #tpu.memory_space<hbm>>
      %dma_start3A_677 = arith.constant 0 : i32
      %dma_start3A_678 = arith.constant 0 : i32
      %dma_start3A_679 = tpu.memref_slice %arg10[%dma_start3A_670, %dma_start3A_677, %dma_start3A_678] : memref<4x64x128xf32, #tpu.memory_space<vmem>> -> memref<1x64x128xf32, #tpu.memory_space<vmem>>
      %dma_start3A_680 = tpu.memref_squeeze %dma_start3A_679 : memref<1x64x128xf32, #tpu.memory_space<vmem>> -> memref<64x128xf32, #tpu.memory_space<vmem>>
      %dma_start3A_681 = arith.constant 0 : i32
      %dma_start3A_682 = tpu.memref_slice %arg5[%dma_start3A_681, %mul3A_669] : memref<64x1000000xf32, #tpu.memory_space<hbm>> -> memref<64x128xf32, #tpu.memory_space<hbm>>
      tpu.enqueue_dma source(%dma_start3A_682 : memref<64x128xf32, #tpu.memory_space<hbm>>) target(%dma_start3A_680 : memref<64x128xf32, #tpu.memory_space<vmem>>) target_semaphore(%arg19 : memref<!tpu.dma_semaphore, #tpu.memory_space<semaphore_mem>>)
      %dma_wait3A_683 = arith.constant 0 : i32
      %dma_wait3A_684 = arith.constant 0 : i32
      %dma_wait3A_685 = arith.constant 0 : i32
      %dma_wait3A_686 = tpu.memref_slice %arg9[%dma_wait3A_683, %dma_wait3A_684, %dma_wait3A_685] : memref<4x64x128xf32, #tpu.memory_space<vmem>> -> memref<1x64x128xf32, #tpu.memory_space<vmem>>
      %dma_wait3A_687 = tpu.memref_squeeze %dma_wait3A_686 : memref<1x64x128xf32, #tpu.memory_space<vmem>> -> memref<64x128xf32, #tpu.memory_space<vmem>>
      %dma_wait3A_688 = arith.constant 0 : i32
      %dma_wait3A_689 = arith.constant 0 : i32
      %dma_wait3A_690 = tpu.memref_slice %arg4[%dma_wait3A_688, %dma_wait3A_689] : memref<64x1000000xf32, #tpu.memory_space<hbm>> -> memref<64x128xf32, #tpu.memory_space<hbm>>
      %dma_wait3A_691 = arith.constant 0 : i32
      %dma_wait3A_692 = arith.constant 0 : i32
      %dma_wait3A_693 = tpu.memref_slice %arg9[%dma_wait3A_683, %dma_wait3A_691, %dma_wait3A_692] : memref<4x64x128xf32, #tpu.memory_space<vmem>> -> memref<1x64x128xf32, #tpu.memory_space<vmem>>
      %dma_wait3A_694 = tpu.memref_squeeze %dma_wait3A_693 : memref<1x64x128xf32, #tpu.memory_space<vmem>> -> memref<64x128xf32, #tpu.memory_space<vmem>>
      %dma_wait3A_695 = arith.constant 0 : i32
      %dma_wait3A_696 = arith.constant 0 : i32
      %dma_wait3A_697 = tpu.memref_slice %arg4[%dma_wait3A_695, %dma_wait3A_696] : memref<64x1000000xf32, #tpu.memory_space<hbm>> -> memref<64x128xf32, #tpu.memory_space<hbm>>
      tpu.wait_dma2 semaphore(%arg12 : memref<!tpu.dma_semaphore, #tpu.memory_space<semaphore_mem>>) src(%dma_wait3A_697 : memref<64x128xf32, #tpu.memory_space<hbm>>) dst(%dma_wait3A_694 : memref<64x128xf32, #tpu.memory_space<vmem>>)
      %dma_wait3A_698 = arith.constant 0 : i32
      %dma_wait3A_699 = arith.constant 0 : i32
      %dma_wait3A_700 = arith.constant 0 : i32
      %dma_wait3A_701 = tpu.memref_slice %arg10[%dma_wait3A_698, %dma_wait3A_699, %dma_wait3A_700] : memref<4x64x128xf32, #tpu.memory_space<vmem>> -> memref<1x64x128xf32, #tpu.memory_space<vmem>>
      %dma_wait3A_702 = tpu.memref_squeeze %dma_wait3A_701 : memref<1x64x128xf32, #tpu.memory_space<vmem>> -> memref<64x128xf32, #tpu.memory_space<vmem>>
      %dma_wait3A_703 = arith.constant 0 : i32
      %dma_wait3A_704 = arith.constant 0 : i32
      %dma_wait3A_705 = tpu.memref_slice %arg5[%dma_wait3A_703, %dma_wait3A_704] : memref<64x1000000xf32, #tpu.memory_space<hbm>> -> memref<64x128xf32, #tpu.memory_space<hbm>>
      %dma_wait3A_706 = arith.constant 0 : i32
      %dma_wait3A_707 = arith.constant 0 : i32
      %dma_wait3A_708 = tpu.memref_slice %arg10[%dma_wait3A_698, %dma_wait3A_706, %dma_wait3A_707] : memref<4x64x128xf32, #tpu.memory_space<vmem>> -> memref<1x64x128xf32, #tpu.memory_space<vmem>>
      %dma_wait3A_709 = tpu.memref_squeeze %dma_wait3A_708 : memref<1x64x128xf32, #tpu.memory_space<vmem>> -> memref<64x128xf32, #tpu.memory_space<vmem>>
      %dma_wait3A_710 = arith.constant 0 : i32
      %dma_wait3A_711 = arith.constant 0 : i32
      %dma_wait3A_712 = tpu.memref_slice %arg5[%dma_wait3A_710, %dma_wait3A_711] : memref<64x1000000xf32, #tpu.memory_space<hbm>> -> memref<64x128xf32, #tpu.memory_space<hbm>>
      tpu.wait_dma2 semaphore(%arg16 : memref<!tpu.dma_semaphore, #tpu.memory_space<semaphore_mem>>) src(%dma_wait3A_712 : memref<64x128xf32, #tpu.memory_space<hbm>>) dst(%dma_wait3A_709 : memref<64x128xf32, #tpu.memory_space<vmem>>)
      %slice3A_713 = vector.extract_strided_slice %and3A_332 {offsets = [0], sizes = [1], strides = [1]} : vector<16xi32> to vector<1xi32>
      %squeeze3A_714 = vector.extract %slice3A_713[0] : i32 from vector<1xi32>
      %slice3A_715 = vector.extract_strided_slice %and3A_335 {offsets = [0], sizes = [1], strides = [1]} : vector<16xi32> to vector<1xi32>
      %squeeze3A_716 = vector.extract %slice3A_715[0] : i32 from vector<1xi32>
      %broadcast_in_dim3A_717 = arith.constant 0 : i32
      %broadcast_in_dim3A_718 = vector.broadcast %broadcast_in_dim3A_717 : i32 to vector<16xi32>
      %broadcast_in_dim3A_719 = vector.broadcast %squeeze3A_714 : i32 to vector<16xi32>
      %broadcast_in_dim3A_720 = vector.broadcast %squeeze3A_716 : i32 to vector<16xi32>
      %broadcast_in_dim3A_721 = arith.constant 0.000000e+00 : f32
      %broadcast_in_dim3A_722 = vector.broadcast %broadcast_in_dim3A_721 : f32 to vector<16xf32>
      %add3A_723 = arith.constant 0 : i32
      %add3A_724 = vector.broadcast %add3A_723 : i32 to vector<16xi32>
      %add3A_725 = arith.addi %add3A_724, %iota3A : vector<16xi32>
      %gather3A_726 = tpu.vector_load_idx %arg9[%broadcast_in_dim3A_718, %add3A_725, %broadcast_in_dim3A_719] : memref<4x64x128xf32, #tpu.memory_space<vmem>>[vector<16xi32>, vector<16xi32>, vector<16xi32>], vector<16xf32>,
      %gather3A_727 = tpu.vector_load_idx %arg10[%broadcast_in_dim3A_718, %add3A_725, %broadcast_in_dim3A_720] : memref<4x64x128xf32, #tpu.memory_space<vmem>>[vector<16xi32>, vector<16xi32>, vector<16xi32>], vector<16xf32>,
      %mul3A_728 = arith.mulf %gather3A_726, %gather3A_727 : vector<16xf32>
      %add3A_729 = arith.addf %broadcast_in_dim3A_722, %mul3A_728 : vector<16xf32>
      %add3A_730 = arith.constant 16 : i32
      %add3A_731 = vector.broadcast %add3A_730 : i32 to vector<16xi32>
      %add3A_732 = arith.addi %add3A_731, %iota3A : vector<16xi32>
      %gather3A_733 = tpu.vector_load_idx %arg9[%broadcast_in_dim3A_718, %add3A_732, %broadcast_in_dim3A_719] : memref<4x64x128xf32, #tpu.memory_space<vmem>>[vector<16xi32>, vector<16xi32>, vector<16xi32>], vector<16xf32>,
      %gather3A_734 = tpu.vector_load_idx %arg10[%broadcast_in_dim3A_718, %add3A_732, %broadcast_in_dim3A_720] : memref<4x64x128xf32, #tpu.memory_space<vmem>>[vector<16xi32>, vector<16xi32>, vector<16xi32>], vector<16xf32>,
      %mul3A_735 = arith.mulf %gather3A_733, %gather3A_734 : vector<16xf32>
      %add3A_736 = arith.addf %add3A_729, %mul3A_735 : vector<16xf32>
      %add3A_737 = arith.constant 32 : i32
      %add3A_738 = vector.broadcast %add3A_737 : i32 to vector<16xi32>
      %add3A_739 = arith.addi %add3A_738, %iota3A : vector<16xi32>
      %gather3A_740 = tpu.vector_load_idx %arg9[%broadcast_in_dim3A_718, %add3A_739, %broadcast_in_dim3A_719] : memref<4x64x128xf32, #tpu.memory_space<vmem>>[vector<16xi32>, vector<16xi32>, vector<16xi32>], vector<16xf32>,
      %gather3A_741 = tpu.vector_load_idx %arg10[%broadcast_in_dim3A_718, %add3A_739, %broadcast_in_dim3A_720] : memref<4x64x128xf32, #tpu.memory_space<vmem>>[vector<16xi32>, vector<16xi32>, vector<16xi32>], vector<16xf32>,
      %mul3A_742 = arith.mulf %gather3A_740, %gather3A_741 : vector<16xf32>
      %add3A_743 = arith.addf %add3A_736, %mul3A_742 : vector<16xf32>
      %add3A_744 = arith.constant 48 : i32
      %add3A_745 = vector.broadcast %add3A_744 : i32 to vector<16xi32>
      %add3A_746 = arith.addi %add3A_745, %iota3A : vector<16xi32>
      %gather3A_747 = tpu.vector_load_idx %arg9[%broadcast_in_dim3A_718, %add3A_746, %broadcast_in_dim3A_719] : memref<4x64x128xf32, #tpu.memory_space<vmem>>[vector<16xi32>, vector<16xi32>, vector<16xi32>], vector<16xf32>,
      %gather3A_748 = tpu.vector_load_idx %arg10[%broadcast_in_dim3A_718, %add3A_746, %broadcast_in_dim3A_720] : memref<4x64x128xf32, #tpu.memory_space<vmem>>[vector<16xi32>, vector<16xi32>, vector<16xi32>], vector<16xf32>,
      %mul3A_749 = arith.mulf %gather3A_747, %gather3A_748 : vector<16xf32>
      %add3A_750 = arith.addf %add3A_743, %mul3A_749 : vector<16xf32>
      %reduce_sum3A_751 = arith.constant true
      %reduce_sum3A_752 = vector.broadcast %reduce_sum3A_751 : i1 to vector<16xi1>
      %reduce_sum3A_753 = tpu.scan <sum>, %add3A_750 masked %reduce_sum3A_752 : vector<16xf32>, vector<16xi1> -> vector<16xf32>
      %reduce_sum3A_754 = vector.extract %reduce_sum3A_753[15] : f32 from vector<16xf32>
      %eq3A_755 = arith.constant 0 : i32
      %eq3A_756 = vector.broadcast %eq3A_755 : i32 to vector<16xi32>
      %eq3A_757 = arith.cmpi eq, %iota3A, %eq3A_756 : vector<16xi32>
      %broadcast_in_dim3A_758 = vector.broadcast %reduce_sum3A_754 : f32 to vector<16xf32>
      %select_n3A_759 = arith.select %eq3A_757, %broadcast_in_dim3A_758, %broadcast_in_dim3A_337 : vector<16xi1>, vector<16xf32>
      %slice3A_760 = vector.extract_strided_slice %shift_right_arithmetic3A_327 {offsets = [4], sizes = [1], strides = [1]} : vector<16xi32> to vector<1xi32>
      %squeeze3A_761 = vector.extract %slice3A_760[0] : i32 from vector<1xi32>
      %mul3A_762 = arith.constant 128 : i32
      %mul3A_763 = arith.muli %squeeze3A_761, %mul3A_762 : i32
      %dma_start3A_764 = arith.constant 0 : i32
      %dma_start3A_765 = arith.constant 0 : i32
      %dma_start3A_766 = arith.constant 0 : i32
      %dma_start3A_767 = tpu.memref_slice %arg9[%dma_start3A_764, %dma_start3A_765, %dma_start3A_766] : memref<4x64x128xf32, #tpu.memory_space<vmem>> -> memref<1x64x128xf32, #tpu.memory_space<vmem>>
      %dma_start3A_768 = tpu.memref_squeeze %dma_start3A_767 : memref<1x64x128xf32, #tpu.memory_space<vmem>> -> memref<64x128xf32, #tpu.memory_space<vmem>>
      %dma_start3A_769 = arith.constant 0 : i32
      %dma_start3A_770 = tpu.memref_slice %arg4[%dma_start3A_769, %mul3A_763] : memref<64x1000000xf32, #tpu.memory_space<hbm>> -> memref<64x128xf32, #tpu.memory_space<hbm>>
      %dma_start3A_771 = arith.constant 0 : i32
      %dma_start3A_772 = arith.constant 0 : i32
      %dma_start3A_773 = tpu.memref_slice %arg9[%dma_start3A_764, %dma_start3A_771, %dma_start3A_772] : memref<4x64x128xf32, #tpu.memory_space<vmem>> -> memref<1x64x128xf32, #tpu.memory_space<vmem>>
      %dma_start3A_774 = tpu.memref_squeeze %dma_start3A_773 : memref<1x64x128xf32, #tpu.memory_space<vmem>> -> memref<64x128xf32, #tpu.memory_space<vmem>>
      %dma_start3A_775 = arith.constant 0 : i32
      %dma_start3A_776 = tpu.memref_slice %arg4[%dma_start3A_775, %mul3A_763] : memref<64x1000000xf32, #tpu.memory_space<hbm>> -> memref<64x128xf32, #tpu.memory_space<hbm>>
      tpu.enqueue_dma source(%dma_start3A_776 : memref<64x128xf32, #tpu.memory_space<hbm>>) target(%dma_start3A_774 : memref<64x128xf32, #tpu.memory_space<vmem>>) target_semaphore(%arg12 : memref<!tpu.dma_semaphore, #tpu.memory_space<semaphore_mem>>)
      %slice3A_777 = vector.extract_strided_slice %shift_right_arithmetic3A_330 {offsets = [4], sizes = [1], strides = [1]} : vector<16xi32> to vector<1xi32>
      %squeeze3A_778 = vector.extract %slice3A_777[0] : i32 from vector<1xi32>
      %mul3A_779 = arith.constant 128 : i32
      %mul3A_780 = arith.muli %squeeze3A_778, %mul3A_779 : i32
      %dma_start3A_781 = arith.constant 0 : i32
      %dma_start3A_782 = arith.constant 0 : i32
      %dma_start3A_783 = arith.constant 0 : i32
      %dma_start3A_784 = tpu.memref_slice %arg10[%dma_start3A_781, %dma_start3A_782, %dma_start3A_783] : memref<4x64x128xf32, #tpu.memory_space<vmem>> -> memref<1x64x128xf32, #tpu.memory_space<vmem>>
      %dma_start3A_785 = tpu.memref_squeeze %dma_start3A_784 : memref<1x64x128xf32, #tpu.memory_space<vmem>> -> memref<64x128xf32, #tpu.memory_space<vmem>>
      %dma_start3A_786 = arith.constant 0 : i32
      %dma_start3A_787 = tpu.memref_slice %arg5[%dma_start3A_786, %mul3A_780] : memref<64x1000000xf32, #tpu.memory_space<hbm>> -> memref<64x128xf32, #tpu.memory_space<hbm>>
      %dma_start3A_788 = arith.constant 0 : i32
      %dma_start3A_789 = arith.constant 0 : i32
      %dma_start3A_790 = tpu.memref_slice %arg10[%dma_start3A_781, %dma_start3A_788, %dma_start3A_789] : memref<4x64x128xf32, #tpu.memory_space<vmem>> -> memref<1x64x128xf32, #tpu.memory_space<vmem>>
      %dma_start3A_791 = tpu.memref_squeeze %dma_start3A_790 : memref<1x64x128xf32, #tpu.memory_space<vmem>> -> memref<64x128xf32, #tpu.memory_space<vmem>>
      %dma_start3A_792 = arith.constant 0 : i32
      %dma_start3A_793 = tpu.memref_slice %arg5[%dma_start3A_792, %mul3A_780] : memref<64x1000000xf32, #tpu.memory_space<hbm>> -> memref<64x128xf32, #tpu.memory_space<hbm>>
      tpu.enqueue_dma source(%dma_start3A_793 : memref<64x128xf32, #tpu.memory_space<hbm>>) target(%dma_start3A_791 : memref<64x128xf32, #tpu.memory_space<vmem>>) target_semaphore(%arg16 : memref<!tpu.dma_semaphore, #tpu.memory_space<semaphore_mem>>)
      %dma_wait3A_794 = arith.constant 1 : i32
      %dma_wait3A_795 = arith.constant 0 : i32
      %dma_wait3A_796 = arith.constant 0 : i32
      %dma_wait3A_797 = tpu.memref_slice %arg9[%dma_wait3A_794, %dma_wait3A_795, %dma_wait3A_796] : memref<4x64x128xf32, #tpu.memory_space<vmem>> -> memref<1x64x128xf32, #tpu.memory_space<vmem>>
      %dma_wait3A_798 = tpu.memref_squeeze %dma_wait3A_797 : memref<1x64x128xf32, #tpu.memory_space<vmem>> -> memref<64x128xf32, #tpu.memory_space<vmem>>
      %dma_wait3A_799 = arith.constant 0 : i32
      %dma_wait3A_800 = arith.constant 0 : i32
      %dma_wait3A_801 = tpu.memref_slice %arg4[%dma_wait3A_799, %dma_wait3A_800] : memref<64x1000000xf32, #tpu.memory_space<hbm>> -> memref<64x128xf32, #tpu.memory_space<hbm>>
      %dma_wait3A_802 = arith.constant 0 : i32
      %dma_wait3A_803 = arith.constant 0 : i32
      %dma_wait3A_804 = tpu.memref_slice %arg9[%dma_wait3A_794, %dma_wait3A_802, %dma_wait3A_803] : memref<4x64x128xf32, #tpu.memory_space<vmem>> -> memref<1x64x128xf32, #tpu.memory_space<vmem>>
      %dma_wait3A_805 = tpu.memref_squeeze %dma_wait3A_804 : memref<1x64x128xf32, #tpu.memory_space<vmem>> -> memref<64x128xf32, #tpu.memory_space<vmem>>
      %dma_wait3A_806 = arith.constant 0 : i32
      %dma_wait3A_807 = arith.constant 0 : i32
      %dma_wait3A_808 = tpu.memref_slice %arg4[%dma_wait3A_806, %dma_wait3A_807] : memref<64x1000000xf32, #tpu.memory_space<hbm>> -> memref<64x128xf32, #tpu.memory_space<hbm>>
      tpu.wait_dma2 semaphore(%arg13 : memref<!tpu.dma_semaphore, #tpu.memory_space<semaphore_mem>>) src(%dma_wait3A_808 : memref<64x128xf32, #tpu.memory_space<hbm>>) dst(%dma_wait3A_805 : memref<64x128xf32, #tpu.memory_space<vmem>>)
      %dma_wait3A_809 = arith.constant 1 : i32
      %dma_wait3A_810 = arith.constant 0 : i32
      %dma_wait3A_811 = arith.constant 0 : i32
      %dma_wait3A_812 = tpu.memref_slice %arg10[%dma_wait3A_809, %dma_wait3A_810, %dma_wait3A_811] : memref<4x64x128xf32, #tpu.memory_space<vmem>> -> memref<1x64x128xf32, #tpu.memory_space<vmem>>
      %dma_wait3A_813 = tpu.memref_squeeze %dma_wait3A_812 : memref<1x64x128xf32, #tpu.memory_space<vmem>> -> memref<64x128xf32, #tpu.memory_space<vmem>>
      %dma_wait3A_814 = arith.constant 0 : i32
      %dma_wait3A_815 = arith.constant 0 : i32
      %dma_wait3A_816 = tpu.memref_slice %arg5[%dma_wait3A_814, %dma_wait3A_815] : memref<64x1000000xf32, #tpu.memory_space<hbm>> -> memref<64x128xf32, #tpu.memory_space<hbm>>
      %dma_wait3A_817 = arith.constant 0 : i32
      %dma_wait3A_818 = arith.constant 0 : i32
      %dma_wait3A_819 = tpu.memref_slice %arg10[%dma_wait3A_809, %dma_wait3A_817, %dma_wait3A_818] : memref<4x64x128xf32, #tpu.memory_space<vmem>> -> memref<1x64x128xf32, #tpu.memory_space<vmem>>
      %dma_wait3A_820 = tpu.memref_squeeze %dma_wait3A_819 : memref<1x64x128xf32, #tpu.memory_space<vmem>> -> memref<64x128xf32, #tpu.memory_space<vmem>>
      %dma_wait3A_821 = arith.constant 0 : i32
      %dma_wait3A_822 = arith.constant 0 : i32
      %dma_wait3A_823 = tpu.memref_slice %arg5[%dma_wait3A_821, %dma_wait3A_822] : memref<64x1000000xf32, #tpu.memory_space<hbm>> -> memref<64x128xf32, #tpu.memory_space<hbm>>
      tpu.wait_dma2 semaphore(%arg17 : memref<!tpu.dma_semaphore, #tpu.memory_space<semaphore_mem>>) src(%dma_wait3A_823 : memref<64x128xf32, #tpu.memory_space<hbm>>) dst(%dma_wait3A_820 : memref<64x128xf32, #tpu.memory_space<vmem>>)
      %slice3A_824 = vector.extract_strided_slice %and3A_332 {offsets = [1], sizes = [1], strides = [1]} : vector<16xi32> to vector<1xi32>
      %squeeze3A_825 = vector.extract %slice3A_824[0] : i32 from vector<1xi32>
      %slice3A_826 = vector.extract_strided_slice %and3A_335 {offsets = [1], sizes = [1], strides = [1]} : vector<16xi32> to vector<1xi32>
      %squeeze3A_827 = vector.extract %slice3A_826[0] : i32 from vector<1xi32>
      %broadcast_in_dim3A_828 = arith.constant 1 : i32
      %broadcast_in_dim3A_829 = vector.broadcast %broadcast_in_dim3A_828 : i32 to vector<16xi32>
      %broadcast_in_dim3A_830 = vector.broadcast %squeeze3A_825 : i32 to vector<16xi32>
      %broadcast_in_dim3A_831 = vector.broadcast %squeeze3A_827 : i32 to vector<16xi32>
      %broadcast_in_dim3A_832 = arith.constant 0.000000e+00 : f32
      %broadcast_in_dim3A_833 = vector.broadcast %broadcast_in_dim3A_832 : f32 to vector<16xf32>
      %add3A_834 = arith.constant 0 : i32
      %add3A_835 = vector.broadcast %add3A_834 : i32 to vector<16xi32>
      %add3A_836 = arith.addi %add3A_835, %iota3A : vector<16xi32>
      %gather3A_837 = tpu.vector_load_idx %arg9[%broadcast_in_dim3A_829, %add3A_836, %broadcast_in_dim3A_830] : memref<4x64x128xf32, #tpu.memory_space<vmem>>[vector<16xi32>, vector<16xi32>, vector<16xi32>], vector<16xf32>,
      %gather3A_838 = tpu.vector_load_idx %arg10[%broadcast_in_dim3A_829, %add3A_836, %broadcast_in_dim3A_831] : memref<4x64x128xf32, #tpu.memory_space<vmem>>[vector<16xi32>, vector<16xi32>, vector<16xi32>], vector<16xf32>,
      %mul3A_839 = arith.mulf %gather3A_837, %gather3A_838 : vector<16xf32>
      %add3A_840 = arith.addf %broadcast_in_dim3A_833, %mul3A_839 : vector<16xf32>
      %add3A_841 = arith.constant 16 : i32
      %add3A_842 = vector.broadcast %add3A_841 : i32 to vector<16xi32>
      %add3A_843 = arith.addi %add3A_842, %iota3A : vector<16xi32>
      %gather3A_844 = tpu.vector_load_idx %arg9[%broadcast_in_dim3A_829, %add3A_843, %broadcast_in_dim3A_830] : memref<4x64x128xf32, #tpu.memory_space<vmem>>[vector<16xi32>, vector<16xi32>, vector<16xi32>], vector<16xf32>,
      %gather3A_845 = tpu.vector_load_idx %arg10[%broadcast_in_dim3A_829, %add3A_843, %broadcast_in_dim3A_831] : memref<4x64x128xf32, #tpu.memory_space<vmem>>[vector<16xi32>, vector<16xi32>, vector<16xi32>], vector<16xf32>,
      %mul3A_846 = arith.mulf %gather3A_844, %gather3A_845 : vector<16xf32>
      %add3A_847 = arith.addf %add3A_840, %mul3A_846 : vector<16xf32>
      %add3A_848 = arith.constant 32 : i32
      %add3A_849 = vector.broadcast %add3A_848 : i32 to vector<16xi32>
      %add3A_850 = arith.addi %add3A_849, %iota3A : vector<16xi32>
      %gather3A_851 = tpu.vector_load_idx %arg9[%broadcast_in_dim3A_829, %add3A_850, %broadcast_in_dim3A_830] : memref<4x64x128xf32, #tpu.memory_space<vmem>>[vector<16xi32>, vector<16xi32>, vector<16xi32>], vector<16xf32>,
      %gather3A_852 = tpu.vector_load_idx %arg10[%broadcast_in_dim3A_829, %add3A_850, %broadcast_in_dim3A_831] : memref<4x64x128xf32, #tpu.memory_space<vmem>>[vector<16xi32>, vector<16xi32>, vector<16xi32>], vector<16xf32>,
      %mul3A_853 = arith.mulf %gather3A_851, %gather3A_852 : vector<16xf32>
      %add3A_854 = arith.addf %add3A_847, %mul3A_853 : vector<16xf32>
      %add3A_855 = arith.constant 48 : i32
      %add3A_856 = vector.broadcast %add3A_855 : i32 to vector<16xi32>
      %add3A_857 = arith.addi %add3A_856, %iota3A : vector<16xi32>
      %gather3A_858 = tpu.vector_load_idx %arg9[%broadcast_in_dim3A_829, %add3A_857, %broadcast_in_dim3A_830] : memref<4x64x128xf32, #tpu.memory_space<vmem>>[vector<16xi32>, vector<16xi32>, vector<16xi32>], vector<16xf32>,
      %gather3A_859 = tpu.vector_load_idx %arg10[%broadcast_in_dim3A_829, %add3A_857, %broadcast_in_dim3A_831] : memref<4x64x128xf32, #tpu.memory_space<vmem>>[vector<16xi32>, vector<16xi32>, vector<16xi32>], vector<16xf32>,
      %mul3A_860 = arith.mulf %gather3A_858, %gather3A_859 : vector<16xf32>
      %add3A_861 = arith.addf %add3A_854, %mul3A_860 : vector<16xf32>
      %reduce_sum3A_862 = arith.constant true
      %reduce_sum3A_863 = vector.broadcast %reduce_sum3A_862 : i1 to vector<16xi1>
      %reduce_sum3A_864 = tpu.scan <sum>, %add3A_861 masked %reduce_sum3A_863 : vector<16xf32>, vector<16xi1> -> vector<16xf32>
      %reduce_sum3A_865 = vector.extract %reduce_sum3A_864[15] : f32 from vector<16xf32>
      %eq3A_866 = arith.constant 1 : i32
      %eq3A_867 = vector.broadcast %eq3A_866 : i32 to vector<16xi32>
      %eq3A_868 = arith.cmpi eq, %iota3A, %eq3A_867 : vector<16xi32>
      %broadcast_in_dim3A_869 = vector.broadcast %reduce_sum3A_865 : f32 to vector<16xf32>
      %select_n3A_870 = arith.select %eq3A_868, %broadcast_in_dim3A_869, %select_n3A_759 : vector<16xi1>, vector<16xf32>
      %slice3A_871 = vector.extract_strided_slice %shift_right_arithmetic3A_327 {offsets = [5], sizes = [1], strides = [1]} : vector<16xi32> to vector<1xi32>
      %squeeze3A_872 = vector.extract %slice3A_871[0] : i32 from vector<1xi32>
      %mul3A_873 = arith.constant 128 : i32
      %mul3A_874 = arith.muli %squeeze3A_872, %mul3A_873 : i32
      %dma_start3A_875 = arith.constant 1 : i32
      %dma_start3A_876 = arith.constant 0 : i32
      %dma_start3A_877 = arith.constant 0 : i32
      %dma_start3A_878 = tpu.memref_slice %arg9[%dma_start3A_875, %dma_start3A_876, %dma_start3A_877] : memref<4x64x128xf32, #tpu.memory_space<vmem>> -> memref<1x64x128xf32, #tpu.memory_space<vmem>>
      %dma_start3A_879 = tpu.memref_squeeze %dma_start3A_878 : memref<1x64x128xf32, #tpu.memory_space<vmem>> -> memref<64x128xf32, #tpu.memory_space<vmem>>
      %dma_start3A_880 = arith.constant 0 : i32
      %dma_start3A_881 = tpu.memref_slice %arg4[%dma_start3A_880, %mul3A_874] : memref<64x1000000xf32, #tpu.memory_space<hbm>> -> memref<64x128xf32, #tpu.memory_space<hbm>>
      %dma_start3A_882 = arith.constant 0 : i32
      %dma_start3A_883 = arith.constant 0 : i32
      %dma_start3A_884 = tpu.memref_slice %arg9[%dma_start3A_875, %dma_start3A_882, %dma_start3A_883] : memref<4x64x128xf32, #tpu.memory_space<vmem>> -> memref<1x64x128xf32, #tpu.memory_space<vmem>>
      %dma_start3A_885 = tpu.memref_squeeze %dma_start3A_884 : memref<1x64x128xf32, #tpu.memory_space<vmem>> -> memref<64x128xf32, #tpu.memory_space<vmem>>
      %dma_start3A_886 = arith.constant 0 : i32
      %dma_start3A_887 = tpu.memref_slice %arg4[%dma_start3A_886, %mul3A_874] : memref<64x1000000xf32, #tpu.memory_space<hbm>> -> memref<64x128xf32, #tpu.memory_space<hbm>>
      tpu.enqueue_dma source(%dma_start3A_887 : memref<64x128xf32, #tpu.memory_space<hbm>>) target(%dma_start3A_885 : memref<64x128xf32, #tpu.memory_space<vmem>>) target_semaphore(%arg13 : memref<!tpu.dma_semaphore, #tpu.memory_space<semaphore_mem>>)
      %slice3A_888 = vector.extract_strided_slice %shift_right_arithmetic3A_330 {offsets = [5], sizes = [1], strides = [1]} : vector<16xi32> to vector<1xi32>
      %squeeze3A_889 = vector.extract %slice3A_888[0] : i32 from vector<1xi32>
      %mul3A_890 = arith.constant 128 : i32
      %mul3A_891 = arith.muli %squeeze3A_889, %mul3A_890 : i32
      %dma_start3A_892 = arith.constant 1 : i32
      %dma_start3A_893 = arith.constant 0 : i32
      %dma_start3A_894 = arith.constant 0 : i32
      %dma_start3A_895 = tpu.memref_slice %arg10[%dma_start3A_892, %dma_start3A_893, %dma_start3A_894] : memref<4x64x128xf32, #tpu.memory_space<vmem>> -> memref<1x64x128xf32, #tpu.memory_space<vmem>>
      %dma_start3A_896 = tpu.memref_squeeze %dma_start3A_895 : memref<1x64x128xf32, #tpu.memory_space<vmem>> -> memref<64x128xf32, #tpu.memory_space<vmem>>
      %dma_start3A_897 = arith.constant 0 : i32
      %dma_start3A_898 = tpu.memref_slice %arg5[%dma_start3A_897, %mul3A_891] : memref<64x1000000xf32, #tpu.memory_space<hbm>> -> memref<64x128xf32, #tpu.memory_space<hbm>>
      %dma_start3A_899 = arith.constant 0 : i32
      %dma_start3A_900 = arith.constant 0 : i32
      %dma_start3A_901 = tpu.memref_slice %arg10[%dma_start3A_892, %dma_start3A_899, %dma_start3A_900] : memref<4x64x128xf32, #tpu.memory_space<vmem>> -> memref<1x64x128xf32, #tpu.memory_space<vmem>>
      %dma_start3A_902 = tpu.memref_squeeze %dma_start3A_901 : memref<1x64x128xf32, #tpu.memory_space<vmem>> -> memref<64x128xf32, #tpu.memory_space<vmem>>
      %dma_start3A_903 = arith.constant 0 : i32
      %dma_start3A_904 = tpu.memref_slice %arg5[%dma_start3A_903, %mul3A_891] : memref<64x1000000xf32, #tpu.memory_space<hbm>> -> memref<64x128xf32, #tpu.memory_space<hbm>>
      tpu.enqueue_dma source(%dma_start3A_904 : memref<64x128xf32, #tpu.memory_space<hbm>>) target(%dma_start3A_902 : memref<64x128xf32, #tpu.memory_space<vmem>>) target_semaphore(%arg17 : memref<!tpu.dma_semaphore, #tpu.memory_space<semaphore_mem>>)
      %dma_wait3A_905 = arith.constant 2 : i32
      %dma_wait3A_906 = arith.constant 0 : i32
      %dma_wait3A_907 = arith.constant 0 : i32
      %dma_wait3A_908 = tpu.memref_slice %arg9[%dma_wait3A_905, %dma_wait3A_906, %dma_wait3A_907] : memref<4x64x128xf32, #tpu.memory_space<vmem>> -> memref<1x64x128xf32, #tpu.memory_space<vmem>>
      %dma_wait3A_909 = tpu.memref_squeeze %dma_wait3A_908 : memref<1x64x128xf32, #tpu.memory_space<vmem>> -> memref<64x128xf32, #tpu.memory_space<vmem>>
      %dma_wait3A_910 = arith.constant 0 : i32
      %dma_wait3A_911 = arith.constant 0 : i32
      %dma_wait3A_912 = tpu.memref_slice %arg4[%dma_wait3A_910, %dma_wait3A_911] : memref<64x1000000xf32, #tpu.memory_space<hbm>> -> memref<64x128xf32, #tpu.memory_space<hbm>>
      %dma_wait3A_913 = arith.constant 0 : i32
      %dma_wait3A_914 = arith.constant 0 : i32
      %dma_wait3A_915 = tpu.memref_slice %arg9[%dma_wait3A_905, %dma_wait3A_913, %dma_wait3A_914] : memref<4x64x128xf32, #tpu.memory_space<vmem>> -> memref<1x64x128xf32, #tpu.memory_space<vmem>>
      %dma_wait3A_916 = tpu.memref_squeeze %dma_wait3A_915 : memref<1x64x128xf32, #tpu.memory_space<vmem>> -> memref<64x128xf32, #tpu.memory_space<vmem>>
      %dma_wait3A_917 = arith.constant 0 : i32
      %dma_wait3A_918 = arith.constant 0 : i32
      %dma_wait3A_919 = tpu.memref_slice %arg4[%dma_wait3A_917, %dma_wait3A_918] : memref<64x1000000xf32, #tpu.memory_space<hbm>> -> memref<64x128xf32, #tpu.memory_space<hbm>>
      tpu.wait_dma2 semaphore(%arg14 : memref<!tpu.dma_semaphore, #tpu.memory_space<semaphore_mem>>) src(%dma_wait3A_919 : memref<64x128xf32, #tpu.memory_space<hbm>>) dst(%dma_wait3A_916 : memref<64x128xf32, #tpu.memory_space<vmem>>)
      %dma_wait3A_920 = arith.constant 2 : i32
      %dma_wait3A_921 = arith.constant 0 : i32
      %dma_wait3A_922 = arith.constant 0 : i32
      %dma_wait3A_923 = tpu.memref_slice %arg10[%dma_wait3A_920, %dma_wait3A_921, %dma_wait3A_922] : memref<4x64x128xf32, #tpu.memory_space<vmem>> -> memref<1x64x128xf32, #tpu.memory_space<vmem>>
      %dma_wait3A_924 = tpu.memref_squeeze %dma_wait3A_923 : memref<1x64x128xf32, #tpu.memory_space<vmem>> -> memref<64x128xf32, #tpu.memory_space<vmem>>
      %dma_wait3A_925 = arith.constant 0 : i32
      %dma_wait3A_926 = arith.constant 0 : i32
      %dma_wait3A_927 = tpu.memref_slice %arg5[%dma_wait3A_925, %dma_wait3A_926] : memref<64x1000000xf32, #tpu.memory_space<hbm>> -> memref<64x128xf32, #tpu.memory_space<hbm>>
      %dma_wait3A_928 = arith.constant 0 : i32
      %dma_wait3A_929 = arith.constant 0 : i32
      %dma_wait3A_930 = tpu.memref_slice %arg10[%dma_wait3A_920, %dma_wait3A_928, %dma_wait3A_929] : memref<4x64x128xf32, #tpu.memory_space<vmem>> -> memref<1x64x128xf32, #tpu.memory_space<vmem>>
      %dma_wait3A_931 = tpu.memref_squeeze %dma_wait3A_930 : memref<1x64x128xf32, #tpu.memory_space<vmem>> -> memref<64x128xf32, #tpu.memory_space<vmem>>
      %dma_wait3A_932 = arith.constant 0 : i32
      %dma_wait3A_933 = arith.constant 0 : i32
      %dma_wait3A_934 = tpu.memref_slice %arg5[%dma_wait3A_932, %dma_wait3A_933] : memref<64x1000000xf32, #tpu.memory_space<hbm>> -> memref<64x128xf32, #tpu.memory_space<hbm>>
      tpu.wait_dma2 semaphore(%arg18 : memref<!tpu.dma_semaphore, #tpu.memory_space<semaphore_mem>>) src(%dma_wait3A_934 : memref<64x128xf32, #tpu.memory_space<hbm>>) dst(%dma_wait3A_931 : memref<64x128xf32, #tpu.memory_space<vmem>>)
      %slice3A_935 = vector.extract_strided_slice %and3A_332 {offsets = [2], sizes = [1], strides = [1]} : vector<16xi32> to vector<1xi32>
      %squeeze3A_936 = vector.extract %slice3A_935[0] : i32 from vector<1xi32>
      %slice3A_937 = vector.extract_strided_slice %and3A_335 {offsets = [2], sizes = [1], strides = [1]} : vector<16xi32> to vector<1xi32>
      %squeeze3A_938 = vector.extract %slice3A_937[0] : i32 from vector<1xi32>
      %broadcast_in_dim3A_939 = arith.constant 2 : i32
      %broadcast_in_dim3A_940 = vector.broadcast %broadcast_in_dim3A_939 : i32 to vector<16xi32>
      %broadcast_in_dim3A_941 = vector.broadcast %squeeze3A_936 : i32 to vector<16xi32>
      %broadcast_in_dim3A_942 = vector.broadcast %squeeze3A_938 : i32 to vector<16xi32>
      %broadcast_in_dim3A_943 = arith.constant 0.000000e+00 : f32
      %broadcast_in_dim3A_944 = vector.broadcast %broadcast_in_dim3A_943 : f32 to vector<16xf32>
      %add3A_945 = arith.constant 0 : i32
      %add3A_946 = vector.broadcast %add3A_945 : i32 to vector<16xi32>
      %add3A_947 = arith.addi %add3A_946, %iota3A : vector<16xi32>
      %gather3A_948 = tpu.vector_load_idx %arg9[%broadcast_in_dim3A_940, %add3A_947, %broadcast_in_dim3A_941] : memref<4x64x128xf32, #tpu.memory_space<vmem>>[vector<16xi32>, vector<16xi32>, vector<16xi32>], vector<16xf32>,
      %gather3A_949 = tpu.vector_load_idx %arg10[%broadcast_in_dim3A_940, %add3A_947, %broadcast_in_dim3A_942] : memref<4x64x128xf32, #tpu.memory_space<vmem>>[vector<16xi32>, vector<16xi32>, vector<16xi32>], vector<16xf32>,
      %mul3A_950 = arith.mulf %gather3A_948, %gather3A_949 : vector<16xf32>
      %add3A_951 = arith.addf %broadcast_in_dim3A_944, %mul3A_950 : vector<16xf32>
      %add3A_952 = arith.constant 16 : i32
      %add3A_953 = vector.broadcast %add3A_952 : i32 to vector<16xi32>
      %add3A_954 = arith.addi %add3A_953, %iota3A : vector<16xi32>
      %gather3A_955 = tpu.vector_load_idx %arg9[%broadcast_in_dim3A_940, %add3A_954, %broadcast_in_dim3A_941] : memref<4x64x128xf32, #tpu.memory_space<vmem>>[vector<16xi32>, vector<16xi32>, vector<16xi32>], vector<16xf32>,
      %gather3A_956 = tpu.vector_load_idx %arg10[%broadcast_in_dim3A_940, %add3A_954, %broadcast_in_dim3A_942] : memref<4x64x128xf32, #tpu.memory_space<vmem>>[vector<16xi32>, vector<16xi32>, vector<16xi32>], vector<16xf32>,
      %mul3A_957 = arith.mulf %gather3A_955, %gather3A_956 : vector<16xf32>
      %add3A_958 = arith.addf %add3A_951, %mul3A_957 : vector<16xf32>
      %add3A_959 = arith.constant 32 : i32
      %add3A_960 = vector.broadcast %add3A_959 : i32 to vector<16xi32>
      %add3A_961 = arith.addi %add3A_960, %iota3A : vector<16xi32>
      %gather3A_962 = tpu.vector_load_idx %arg9[%broadcast_in_dim3A_940, %add3A_961, %broadcast_in_dim3A_941] : memref<4x64x128xf32, #tpu.memory_space<vmem>>[vector<16xi32>, vector<16xi32>, vector<16xi32>], vector<16xf32>,
      %gather3A_963 = tpu.vector_load_idx %arg10[%broadcast_in_dim3A_940, %add3A_961, %broadcast_in_dim3A_942] : memref<4x64x128xf32, #tpu.memory_space<vmem>>[vector<16xi32>, vector<16xi32>, vector<16xi32>], vector<16xf32>,
      %mul3A_964 = arith.mulf %gather3A_962, %gather3A_963 : vector<16xf32>
      %add3A_965 = arith.addf %add3A_958, %mul3A_964 : vector<16xf32>
      %add3A_966 = arith.constant 48 : i32
      %add3A_967 = vector.broadcast %add3A_966 : i32 to vector<16xi32>
      %add3A_968 = arith.addi %add3A_967, %iota3A : vector<16xi32>
      %gather3A_969 = tpu.vector_load_idx %arg9[%broadcast_in_dim3A_940, %add3A_968, %broadcast_in_dim3A_941] : memref<4x64x128xf32, #tpu.memory_space<vmem>>[vector<16xi32>, vector<16xi32>, vector<16xi32>], vector<16xf32>,
      %gather3A_970 = tpu.vector_load_idx %arg10[%broadcast_in_dim3A_940, %add3A_968, %broadcast_in_dim3A_942] : memref<4x64x128xf32, #tpu.memory_space<vmem>>[vector<16xi32>, vector<16xi32>, vector<16xi32>], vector<16xf32>,
      %mul3A_971 = arith.mulf %gather3A_969, %gather3A_970 : vector<16xf32>
      %add3A_972 = arith.addf %add3A_965, %mul3A_971 : vector<16xf32>
      %reduce_sum3A_973 = arith.constant true
      %reduce_sum3A_974 = vector.broadcast %reduce_sum3A_973 : i1 to vector<16xi1>
      %reduce_sum3A_975 = tpu.scan <sum>, %add3A_972 masked %reduce_sum3A_974 : vector<16xf32>, vector<16xi1> -> vector<16xf32>
      %reduce_sum3A_976 = vector.extract %reduce_sum3A_975[15] : f32 from vector<16xf32>
      %eq3A_977 = arith.constant 2 : i32
      %eq3A_978 = vector.broadcast %eq3A_977 : i32 to vector<16xi32>
      %eq3A_979 = arith.cmpi eq, %iota3A, %eq3A_978 : vector<16xi32>
      %broadcast_in_dim3A_980 = vector.broadcast %reduce_sum3A_976 : f32 to vector<16xf32>
      %select_n3A_981 = arith.select %eq3A_979, %broadcast_in_dim3A_980, %select_n3A_870 : vector<16xi1>, vector<16xf32>
      %slice3A_982 = vector.extract_strided_slice %shift_right_arithmetic3A_327 {offsets = [6], sizes = [1], strides = [1]} : vector<16xi32> to vector<1xi32>
      %squeeze3A_983 = vector.extract %slice3A_982[0] : i32 from vector<1xi32>
      %mul3A_984 = arith.constant 128 : i32
      %mul3A_985 = arith.muli %squeeze3A_983, %mul3A_984 : i32
      %dma_start3A_986 = arith.constant 2 : i32
      %dma_start3A_987 = arith.constant 0 : i32
      %dma_start3A_988 = arith.constant 0 : i32
      %dma_start3A_989 = tpu.memref_slice %arg9[%dma_start3A_986, %dma_start3A_987, %dma_start3A_988] : memref<4x64x128xf32, #tpu.memory_space<vmem>> -> memref<1x64x128xf32, #tpu.memory_space<vmem>>
      %dma_start3A_990 = tpu.memref_squeeze %dma_start3A_989 : memref<1x64x128xf32, #tpu.memory_space<vmem>> -> memref<64x128xf32, #tpu.memory_space<vmem>>
      %dma_start3A_991 = arith.constant 0 : i32
      %dma_start3A_992 = tpu.memref_slice %arg4[%dma_start3A_991, %mul3A_985] : memref<64x1000000xf32, #tpu.memory_space<hbm>> -> memref<64x128xf32, #tpu.memory_space<hbm>>
      %dma_start3A_993 = arith.constant 0 : i32
      %dma_start3A_994 = arith.constant 0 : i32
      %dma_start3A_995 = tpu.memref_slice %arg9[%dma_start3A_986, %dma_start3A_993, %dma_start3A_994] : memref<4x64x128xf32, #tpu.memory_space<vmem>> -> memref<1x64x128xf32, #tpu.memory_space<vmem>>
      %dma_start3A_996 = tpu.memref_squeeze %dma_start3A_995 : memref<1x64x128xf32, #tpu.memory_space<vmem>> -> memref<64x128xf32, #tpu.memory_space<vmem>>
      %dma_start3A_997 = arith.constant 0 : i32
      %dma_start3A_998 = tpu.memref_slice %arg4[%dma_start3A_997, %mul3A_985] : memref<64x1000000xf32, #tpu.memory_space<hbm>> -> memref<64x128xf32, #tpu.memory_space<hbm>>
      tpu.enqueue_dma source(%dma_start3A_998 : memref<64x128xf32, #tpu.memory_space<hbm>>) target(%dma_start3A_996 : memref<64x128xf32, #tpu.memory_space<vmem>>) target_semaphore(%arg14 : memref<!tpu.dma_semaphore, #tpu.memory_space<semaphore_mem>>)
      %slice3A_999 = vector.extract_strided_slice %shift_right_arithmetic3A_330 {offsets = [6], sizes = [1], strides = [1]} : vector<16xi32> to vector<1xi32>
      %squeeze3A_1000 = vector.extract %slice3A_999[0] : i32 from vector<1xi32>
      %mul3A_1001 = arith.constant 128 : i32
      %mul3A_1002 = arith.muli %squeeze3A_1000, %mul3A_1001 : i32
      %dma_start3A_1003 = arith.constant 2 : i32
      %dma_start3A_1004 = arith.constant 0 : i32
      %dma_start3A_1005 = arith.constant 0 : i32
      %dma_start3A_1006 = tpu.memref_slice %arg10[%dma_start3A_1003, %dma_start3A_1004, %dma_start3A_1005] : memref<4x64x128xf32, #tpu.memory_space<vmem>> -> memref<1x64x128xf32, #tpu.memory_space<vmem>>
      %dma_start3A_1007 = tpu.memref_squeeze %dma_start3A_1006 : memref<1x64x128xf32, #tpu.memory_space<vmem>> -> memref<64x128xf32, #tpu.memory_space<vmem>>
      %dma_start3A_1008 = arith.constant 0 : i32
      %dma_start3A_1009 = tpu.memref_slice %arg5[%dma_start3A_1008, %mul3A_1002] : memref<64x1000000xf32, #tpu.memory_space<hbm>> -> memref<64x128xf32, #tpu.memory_space<hbm>>
      %dma_start3A_1010 = arith.constant 0 : i32
      %dma_start3A_1011 = arith.constant 0 : i32
      %dma_start3A_1012 = tpu.memref_slice %arg10[%dma_start3A_1003, %dma_start3A_1010, %dma_start3A_1011] : memref<4x64x128xf32, #tpu.memory_space<vmem>> -> memref<1x64x128xf32, #tpu.memory_space<vmem>>
      %dma_start3A_1013 = tpu.memref_squeeze %dma_start3A_1012 : memref<1x64x128xf32, #tpu.memory_space<vmem>> -> memref<64x128xf32, #tpu.memory_space<vmem>>
      %dma_start3A_1014 = arith.constant 0 : i32
      %dma_start3A_1015 = tpu.memref_slice %arg5[%dma_start3A_1014, %mul3A_1002] : memref<64x1000000xf32, #tpu.memory_space<hbm>> -> memref<64x128xf32, #tpu.memory_space<hbm>>
      tpu.enqueue_dma source(%dma_start3A_1015 : memref<64x128xf32, #tpu.memory_space<hbm>>) target(%dma_start3A_1013 : memref<64x128xf32, #tpu.memory_space<vmem>>) target_semaphore(%arg18 : memref<!tpu.dma_semaphore, #tpu.memory_space<semaphore_mem>>)
      %dma_wait3A_1016 = arith.constant 3 : i32
      %dma_wait3A_1017 = arith.constant 0 : i32
      %dma_wait3A_1018 = arith.constant 0 : i32
      %dma_wait3A_1019 = tpu.memref_slice %arg9[%dma_wait3A_1016, %dma_wait3A_1017, %dma_wait3A_1018] : memref<4x64x128xf32, #tpu.memory_space<vmem>> -> memref<1x64x128xf32, #tpu.memory_space<vmem>>
      %dma_wait3A_1020 = tpu.memref_squeeze %dma_wait3A_1019 : memref<1x64x128xf32, #tpu.memory_space<vmem>> -> memref<64x128xf32, #tpu.memory_space<vmem>>
      %dma_wait3A_1021 = arith.constant 0 : i32
      %dma_wait3A_1022 = arith.constant 0 : i32
      %dma_wait3A_1023 = tpu.memref_slice %arg4[%dma_wait3A_1021, %dma_wait3A_1022] : memref<64x1000000xf32, #tpu.memory_space<hbm>> -> memref<64x128xf32, #tpu.memory_space<hbm>>
      %dma_wait3A_1024 = arith.constant 0 : i32
      %dma_wait3A_1025 = arith.constant 0 : i32
      %dma_wait3A_1026 = tpu.memref_slice %arg9[%dma_wait3A_1016, %dma_wait3A_1024, %dma_wait3A_1025] : memref<4x64x128xf32, #tpu.memory_space<vmem>> -> memref<1x64x128xf32, #tpu.memory_space<vmem>>
      %dma_wait3A_1027 = tpu.memref_squeeze %dma_wait3A_1026 : memref<1x64x128xf32, #tpu.memory_space<vmem>> -> memref<64x128xf32, #tpu.memory_space<vmem>>
      %dma_wait3A_1028 = arith.constant 0 : i32
      %dma_wait3A_1029 = arith.constant 0 : i32
      %dma_wait3A_1030 = tpu.memref_slice %arg4[%dma_wait3A_1028, %dma_wait3A_1029] : memref<64x1000000xf32, #tpu.memory_space<hbm>> -> memref<64x128xf32, #tpu.memory_space<hbm>>
      tpu.wait_dma2 semaphore(%arg15 : memref<!tpu.dma_semaphore, #tpu.memory_space<semaphore_mem>>) src(%dma_wait3A_1030 : memref<64x128xf32, #tpu.memory_space<hbm>>) dst(%dma_wait3A_1027 : memref<64x128xf32, #tpu.memory_space<vmem>>)
      %dma_wait3A_1031 = arith.constant 3 : i32
      %dma_wait3A_1032 = arith.constant 0 : i32
      %dma_wait3A_1033 = arith.constant 0 : i32
      %dma_wait3A_1034 = tpu.memref_slice %arg10[%dma_wait3A_1031, %dma_wait3A_1032, %dma_wait3A_1033] : memref<4x64x128xf32, #tpu.memory_space<vmem>> -> memref<1x64x128xf32, #tpu.memory_space<vmem>>
      %dma_wait3A_1035 = tpu.memref_squeeze %dma_wait3A_1034 : memref<1x64x128xf32, #tpu.memory_space<vmem>> -> memref<64x128xf32, #tpu.memory_space<vmem>>
      %dma_wait3A_1036 = arith.constant 0 : i32
      %dma_wait3A_1037 = arith.constant 0 : i32
      %dma_wait3A_1038 = tpu.memref_slice %arg5[%dma_wait3A_1036, %dma_wait3A_1037] : memref<64x1000000xf32, #tpu.memory_space<hbm>> -> memref<64x128xf32, #tpu.memory_space<hbm>>
      %dma_wait3A_1039 = arith.constant 0 : i32
      %dma_wait3A_1040 = arith.constant 0 : i32
      %dma_wait3A_1041 = tpu.memref_slice %arg10[%dma_wait3A_1031, %dma_wait3A_1039, %dma_wait3A_1040] : memref<4x64x128xf32, #tpu.memory_space<vmem>> -> memref<1x64x128xf32, #tpu.memory_space<vmem>>
      %dma_wait3A_1042 = tpu.memref_squeeze %dma_wait3A_1041 : memref<1x64x128xf32, #tpu.memory_space<vmem>> -> memref<64x128xf32, #tpu.memory_space<vmem>>
      %dma_wait3A_1043 = arith.constant 0 : i32
      %dma_wait3A_1044 = arith.constant 0 : i32
      %dma_wait3A_1045 = tpu.memref_slice %arg5[%dma_wait3A_1043, %dma_wait3A_1044] : memref<64x1000000xf32, #tpu.memory_space<hbm>> -> memref<64x128xf32, #tpu.memory_space<hbm>>
      tpu.wait_dma2 semaphore(%arg19 : memref<!tpu.dma_semaphore, #tpu.memory_space<semaphore_mem>>) src(%dma_wait3A_1045 : memref<64x128xf32, #tpu.memory_space<hbm>>) dst(%dma_wait3A_1042 : memref<64x128xf32, #tpu.memory_space<vmem>>)
      %slice3A_1046 = vector.extract_strided_slice %and3A_332 {offsets = [3], sizes = [1], strides = [1]} : vector<16xi32> to vector<1xi32>
      %squeeze3A_1047 = vector.extract %slice3A_1046[0] : i32 from vector<1xi32>
      %slice3A_1048 = vector.extract_strided_slice %and3A_335 {offsets = [3], sizes = [1], strides = [1]} : vector<16xi32> to vector<1xi32>
      %squeeze3A_1049 = vector.extract %slice3A_1048[0] : i32 from vector<1xi32>
      %broadcast_in_dim3A_1050 = arith.constant 3 : i32
      %broadcast_in_dim3A_1051 = vector.broadcast %broadcast_in_dim3A_1050 : i32 to vector<16xi32>
      %broadcast_in_dim3A_1052 = vector.broadcast %squeeze3A_1047 : i32 to vector<16xi32>
      %broadcast_in_dim3A_1053 = vector.broadcast %squeeze3A_1049 : i32 to vector<16xi32>
      %broadcast_in_dim3A_1054 = arith.constant 0.000000e+00 : f32
      %broadcast_in_dim3A_1055 = vector.broadcast %broadcast_in_dim3A_1054 : f32 to vector<16xf32>
      %add3A_1056 = arith.constant 0 : i32
      %add3A_1057 = vector.broadcast %add3A_1056 : i32 to vector<16xi32>
      %add3A_1058 = arith.addi %add3A_1057, %iota3A : vector<16xi32>
      %gather3A_1059 = tpu.vector_load_idx %arg9[%broadcast_in_dim3A_1051, %add3A_1058, %broadcast_in_dim3A_1052] : memref<4x64x128xf32, #tpu.memory_space<vmem>>[vector<16xi32>, vector<16xi32>, vector<16xi32>], vector<16xf32>,
      %gather3A_1060 = tpu.vector_load_idx %arg10[%broadcast_in_dim3A_1051, %add3A_1058, %broadcast_in_dim3A_1053] : memref<4x64x128xf32, #tpu.memory_space<vmem>>[vector<16xi32>, vector<16xi32>, vector<16xi32>], vector<16xf32>,
      %mul3A_1061 = arith.mulf %gather3A_1059, %gather3A_1060 : vector<16xf32>
      %add3A_1062 = arith.addf %broadcast_in_dim3A_1055, %mul3A_1061 : vector<16xf32>
      %add3A_1063 = arith.constant 16 : i32
      %add3A_1064 = vector.broadcast %add3A_1063 : i32 to vector<16xi32>
      %add3A_1065 = arith.addi %add3A_1064, %iota3A : vector<16xi32>
      %gather3A_1066 = tpu.vector_load_idx %arg9[%broadcast_in_dim3A_1051, %add3A_1065, %broadcast_in_dim3A_1052] : memref<4x64x128xf32, #tpu.memory_space<vmem>>[vector<16xi32>, vector<16xi32>, vector<16xi32>], vector<16xf32>,
      %gather3A_1067 = tpu.vector_load_idx %arg10[%broadcast_in_dim3A_1051, %add3A_1065, %broadcast_in_dim3A_1053] : memref<4x64x128xf32, #tpu.memory_space<vmem>>[vector<16xi32>, vector<16xi32>, vector<16xi32>], vector<16xf32>,
      %mul3A_1068 = arith.mulf %gather3A_1066, %gather3A_1067 : vector<16xf32>
      %add3A_1069 = arith.addf %add3A_1062, %mul3A_1068 : vector<16xf32>
      %add3A_1070 = arith.constant 32 : i32
      %add3A_1071 = vector.broadcast %add3A_1070 : i32 to vector<16xi32>
      %add3A_1072 = arith.addi %add3A_1071, %iota3A : vector<16xi32>
      %gather3A_1073 = tpu.vector_load_idx %arg9[%broadcast_in_dim3A_1051, %add3A_1072, %broadcast_in_dim3A_1052] : memref<4x64x128xf32, #tpu.memory_space<vmem>>[vector<16xi32>, vector<16xi32>, vector<16xi32>], vector<16xf32>,
      %gather3A_1074 = tpu.vector_load_idx %arg10[%broadcast_in_dim3A_1051, %add3A_1072, %broadcast_in_dim3A_1053] : memref<4x64x128xf32, #tpu.memory_space<vmem>>[vector<16xi32>, vector<16xi32>, vector<16xi32>], vector<16xf32>,
      %mul3A_1075 = arith.mulf %gather3A_1073, %gather3A_1074 : vector<16xf32>
      %add3A_1076 = arith.addf %add3A_1069, %mul3A_1075 : vector<16xf32>
      %add3A_1077 = arith.constant 48 : i32
      %add3A_1078 = vector.broadcast %add3A_1077 : i32 to vector<16xi32>
      %add3A_1079 = arith.addi %add3A_1078, %iota3A : vector<16xi32>
      %gather3A_1080 = tpu.vector_load_idx %arg9[%broadcast_in_dim3A_1051, %add3A_1079, %broadcast_in_dim3A_1052] : memref<4x64x128xf32, #tpu.memory_space<vmem>>[vector<16xi32>, vector<16xi32>, vector<16xi32>], vector<16xf32>,
      %gather3A_1081 = tpu.vector_load_idx %arg10[%broadcast_in_dim3A_1051, %add3A_1079, %broadcast_in_dim3A_1053] : memref<4x64x128xf32, #tpu.memory_space<vmem>>[vector<16xi32>, vector<16xi32>, vector<16xi32>], vector<16xf32>,
      %mul3A_1082 = arith.mulf %gather3A_1080, %gather3A_1081 : vector<16xf32>
      %add3A_1083 = arith.addf %add3A_1076, %mul3A_1082 : vector<16xf32>
      %reduce_sum3A_1084 = arith.constant true
      %reduce_sum3A_1085 = vector.broadcast %reduce_sum3A_1084 : i1 to vector<16xi1>
      %reduce_sum3A_1086 = tpu.scan <sum>, %add3A_1083 masked %reduce_sum3A_1085 : vector<16xf32>, vector<16xi1> -> vector<16xf32>
      %reduce_sum3A_1087 = vector.extract %reduce_sum3A_1086[15] : f32 from vector<16xf32>
      %eq3A_1088 = arith.constant 3 : i32
      %eq3A_1089 = vector.broadcast %eq3A_1088 : i32 to vector<16xi32>
      %eq3A_1090 = arith.cmpi eq, %iota3A, %eq3A_1089 : vector<16xi32>
      %broadcast_in_dim3A_1091 = vector.broadcast %reduce_sum3A_1087 : f32 to vector<16xf32>
      %select_n3A_1092 = arith.select %eq3A_1090, %broadcast_in_dim3A_1091, %select_n3A_981 : vector<16xi1>, vector<16xf32>
      %slice3A_1093 = vector.extract_strided_slice %shift_right_arithmetic3A_327 {offsets = [7], sizes = [1], strides = [1]} : vector<16xi32> to vector<1xi32>
      %squeeze3A_1094 = vector.extract %slice3A_1093[0] : i32 from vector<1xi32>
      %mul3A_1095 = arith.constant 128 : i32
      %mul3A_1096 = arith.muli %squeeze3A_1094, %mul3A_1095 : i32
      %dma_start3A_1097 = arith.constant 3 : i32
      %dma_start3A_1098 = arith.constant 0 : i32
      %dma_start3A_1099 = arith.constant 0 : i32
      %dma_start3A_1100 = tpu.memref_slice %arg9[%dma_start3A_1097, %dma_start3A_1098, %dma_start3A_1099] : memref<4x64x128xf32, #tpu.memory_space<vmem>> -> memref<1x64x128xf32, #tpu.memory_space<vmem>>
      %dma_start3A_1101 = tpu.memref_squeeze %dma_start3A_1100 : memref<1x64x128xf32, #tpu.memory_space<vmem>> -> memref<64x128xf32, #tpu.memory_space<vmem>>
      %dma_start3A_1102 = arith.constant 0 : i32
      %dma_start3A_1103 = tpu.memref_slice %arg4[%dma_start3A_1102, %mul3A_1096] : memref<64x1000000xf32, #tpu.memory_space<hbm>> -> memref<64x128xf32, #tpu.memory_space<hbm>>
      %dma_start3A_1104 = arith.constant 0 : i32
      %dma_start3A_1105 = arith.constant 0 : i32
      %dma_start3A_1106 = tpu.memref_slice %arg9[%dma_start3A_1097, %dma_start3A_1104, %dma_start3A_1105] : memref<4x64x128xf32, #tpu.memory_space<vmem>> -> memref<1x64x128xf32, #tpu.memory_space<vmem>>
      %dma_start3A_1107 = tpu.memref_squeeze %dma_start3A_1106 : memref<1x64x128xf32, #tpu.memory_space<vmem>> -> memref<64x128xf32, #tpu.memory_space<vmem>>
      %dma_start3A_1108 = arith.constant 0 : i32
      %dma_start3A_1109 = tpu.memref_slice %arg4[%dma_start3A_1108, %mul3A_1096] : memref<64x1000000xf32, #tpu.memory_space<hbm>> -> memref<64x128xf32, #tpu.memory_space<hbm>>
      tpu.enqueue_dma source(%dma_start3A_1109 : memref<64x128xf32, #tpu.memory_space<hbm>>) target(%dma_start3A_1107 : memref<64x128xf32, #tpu.memory_space<vmem>>) target_semaphore(%arg15 : memref<!tpu.dma_semaphore, #tpu.memory_space<semaphore_mem>>)
      %slice3A_1110 = vector.extract_strided_slice %shift_right_arithmetic3A_330 {offsets = [7], sizes = [1], strides = [1]} : vector<16xi32> to vector<1xi32>
      %squeeze3A_1111 = vector.extract %slice3A_1110[0] : i32 from vector<1xi32>
      %mul3A_1112 = arith.constant 128 : i32
      %mul3A_1113 = arith.muli %squeeze3A_1111, %mul3A_1112 : i32
      %dma_start3A_1114 = arith.constant 3 : i32
      %dma_start3A_1115 = arith.constant 0 : i32
      %dma_start3A_1116 = arith.constant 0 : i32
      %dma_start3A_1117 = tpu.memref_slice %arg10[%dma_start3A_1114, %dma_start3A_1115, %dma_start3A_1116] : memref<4x64x128xf32, #tpu.memory_space<vmem>> -> memref<1x64x128xf32, #tpu.memory_space<vmem>>
      %dma_start3A_1118 = tpu.memref_squeeze %dma_start3A_1117 : memref<1x64x128xf32, #tpu.memory_space<vmem>> -> memref<64x128xf32, #tpu.memory_space<vmem>>
      %dma_start3A_1119 = arith.constant 0 : i32
      %dma_start3A_1120 = tpu.memref_slice %arg5[%dma_start3A_1119, %mul3A_1113] : memref<64x1000000xf32, #tpu.memory_space<hbm>> -> memref<64x128xf32, #tpu.memory_space<hbm>>
      %dma_start3A_1121 = arith.constant 0 : i32
      %dma_start3A_1122 = arith.constant 0 : i32
      %dma_start3A_1123 = tpu.memref_slice %arg10[%dma_start3A_1114, %dma_start3A_1121, %dma_start3A_1122] : memref<4x64x128xf32, #tpu.memory_space<vmem>> -> memref<1x64x128xf32, #tpu.memory_space<vmem>>
      %dma_start3A_1124 = tpu.memref_squeeze %dma_start3A_1123 : memref<1x64x128xf32, #tpu.memory_space<vmem>> -> memref<64x128xf32, #tpu.memory_space<vmem>>
      %dma_start3A_1125 = arith.constant 0 : i32
      %dma_start3A_1126 = tpu.memref_slice %arg5[%dma_start3A_1125, %mul3A_1113] : memref<64x1000000xf32, #tpu.memory_space<hbm>> -> memref<64x128xf32, #tpu.memory_space<hbm>>
      tpu.enqueue_dma source(%dma_start3A_1126 : memref<64x128xf32, #tpu.memory_space<hbm>>) target(%dma_start3A_1124 : memref<64x128xf32, #tpu.memory_space<vmem>>) target_semaphore(%arg19 : memref<!tpu.dma_semaphore, #tpu.memory_space<semaphore_mem>>)
      %dma_wait3A_1127 = arith.constant 0 : i32
      %dma_wait3A_1128 = arith.constant 0 : i32
      %dma_wait3A_1129 = arith.constant 0 : i32
      %dma_wait3A_1130 = tpu.memref_slice %arg9[%dma_wait3A_1127, %dma_wait3A_1128, %dma_wait3A_1129] : memref<4x64x128xf32, #tpu.memory_space<vmem>> -> memref<1x64x128xf32, #tpu.memory_space<vmem>>
      %dma_wait3A_1131 = tpu.memref_squeeze %dma_wait3A_1130 : memref<1x64x128xf32, #tpu.memory_space<vmem>> -> memref<64x128xf32, #tpu.memory_space<vmem>>
      %dma_wait3A_1132 = arith.constant 0 : i32
      %dma_wait3A_1133 = arith.constant 0 : i32
      %dma_wait3A_1134 = tpu.memref_slice %arg4[%dma_wait3A_1132, %dma_wait3A_1133] : memref<64x1000000xf32, #tpu.memory_space<hbm>> -> memref<64x128xf32, #tpu.memory_space<hbm>>
      %dma_wait3A_1135 = arith.constant 0 : i32
      %dma_wait3A_1136 = arith.constant 0 : i32
      %dma_wait3A_1137 = tpu.memref_slice %arg9[%dma_wait3A_1127, %dma_wait3A_1135, %dma_wait3A_1136] : memref<4x64x128xf32, #tpu.memory_space<vmem>> -> memref<1x64x128xf32, #tpu.memory_space<vmem>>
      %dma_wait3A_1138 = tpu.memref_squeeze %dma_wait3A_1137 : memref<1x64x128xf32, #tpu.memory_space<vmem>> -> memref<64x128xf32, #tpu.memory_space<vmem>>
      %dma_wait3A_1139 = arith.constant 0 : i32
      %dma_wait3A_1140 = arith.constant 0 : i32
      %dma_wait3A_1141 = tpu.memref_slice %arg4[%dma_wait3A_1139, %dma_wait3A_1140] : memref<64x1000000xf32, #tpu.memory_space<hbm>> -> memref<64x128xf32, #tpu.memory_space<hbm>>
      tpu.wait_dma2 semaphore(%arg12 : memref<!tpu.dma_semaphore, #tpu.memory_space<semaphore_mem>>) src(%dma_wait3A_1141 : memref<64x128xf32, #tpu.memory_space<hbm>>) dst(%dma_wait3A_1138 : memref<64x128xf32, #tpu.memory_space<vmem>>)
      %dma_wait3A_1142 = arith.constant 0 : i32
      %dma_wait3A_1143 = arith.constant 0 : i32
      %dma_wait3A_1144 = arith.constant 0 : i32
      %dma_wait3A_1145 = tpu.memref_slice %arg10[%dma_wait3A_1142, %dma_wait3A_1143, %dma_wait3A_1144] : memref<4x64x128xf32, #tpu.memory_space<vmem>> -> memref<1x64x128xf32, #tpu.memory_space<vmem>>
      %dma_wait3A_1146 = tpu.memref_squeeze %dma_wait3A_1145 : memref<1x64x128xf32, #tpu.memory_space<vmem>> -> memref<64x128xf32, #tpu.memory_space<vmem>>
      %dma_wait3A_1147 = arith.constant 0 : i32
      %dma_wait3A_1148 = arith.constant 0 : i32
      %dma_wait3A_1149 = tpu.memref_slice %arg5[%dma_wait3A_1147, %dma_wait3A_1148] : memref<64x1000000xf32, #tpu.memory_space<hbm>> -> memref<64x128xf32, #tpu.memory_space<hbm>>
      %dma_wait3A_1150 = arith.constant 0 : i32
      %dma_wait3A_1151 = arith.constant 0 : i32
      %dma_wait3A_1152 = tpu.memref_slice %arg10[%dma_wait3A_1142, %dma_wait3A_1150, %dma_wait3A_1151] : memref<4x64x128xf32, #tpu.memory_space<vmem>> -> memref<1x64x128xf32, #tpu.memory_space<vmem>>
      %dma_wait3A_1153 = tpu.memref_squeeze %dma_wait3A_1152 : memref<1x64x128xf32, #tpu.memory_space<vmem>> -> memref<64x128xf32, #tpu.memory_space<vmem>>
      %dma_wait3A_1154 = arith.constant 0 : i32
      %dma_wait3A_1155 = arith.constant 0 : i32
      %dma_wait3A_1156 = tpu.memref_slice %arg5[%dma_wait3A_1154, %dma_wait3A_1155] : memref<64x1000000xf32, #tpu.memory_space<hbm>> -> memref<64x128xf32, #tpu.memory_space<hbm>>
      tpu.wait_dma2 semaphore(%arg16 : memref<!tpu.dma_semaphore, #tpu.memory_space<semaphore_mem>>) src(%dma_wait3A_1156 : memref<64x128xf32, #tpu.memory_space<hbm>>) dst(%dma_wait3A_1153 : memref<64x128xf32, #tpu.memory_space<vmem>>)
      %slice3A_1157 = vector.extract_strided_slice %and3A_332 {offsets = [4], sizes = [1], strides = [1]} : vector<16xi32> to vector<1xi32>
      %squeeze3A_1158 = vector.extract %slice3A_1157[0] : i32 from vector<1xi32>
      %slice3A_1159 = vector.extract_strided_slice %and3A_335 {offsets = [4], sizes = [1], strides = [1]} : vector<16xi32> to vector<1xi32>
      %squeeze3A_1160 = vector.extract %slice3A_1159[0] : i32 from vector<1xi32>
      %broadcast_in_dim3A_1161 = arith.constant 0 : i32
      %broadcast_in_dim3A_1162 = vector.broadcast %broadcast_in_dim3A_1161 : i32 to vector<16xi32>
      %broadcast_in_dim3A_1163 = vector.broadcast %squeeze3A_1158 : i32 to vector<16xi32>
      %broadcast_in_dim3A_1164 = vector.broadcast %squeeze3A_1160 : i32 to vector<16xi32>
      %broadcast_in_dim3A_1165 = arith.constant 0.000000e+00 : f32
      %broadcast_in_dim3A_1166 = vector.broadcast %broadcast_in_dim3A_1165 : f32 to vector<16xf32>
      %add3A_1167 = arith.constant 0 : i32
      %add3A_1168 = vector.broadcast %add3A_1167 : i32 to vector<16xi32>
      %add3A_1169 = arith.addi %add3A_1168, %iota3A : vector<16xi32>
      %gather3A_1170 = tpu.vector_load_idx %arg9[%broadcast_in_dim3A_1162, %add3A_1169, %broadcast_in_dim3A_1163] : memref<4x64x128xf32, #tpu.memory_space<vmem>>[vector<16xi32>, vector<16xi32>, vector<16xi32>], vector<16xf32>,
      %gather3A_1171 = tpu.vector_load_idx %arg10[%broadcast_in_dim3A_1162, %add3A_1169, %broadcast_in_dim3A_1164] : memref<4x64x128xf32, #tpu.memory_space<vmem>>[vector<16xi32>, vector<16xi32>, vector<16xi32>], vector<16xf32>,
      %mul3A_1172 = arith.mulf %gather3A_1170, %gather3A_1171 : vector<16xf32>
      %add3A_1173 = arith.addf %broadcast_in_dim3A_1166, %mul3A_1172 : vector<16xf32>
      %add3A_1174 = arith.constant 16 : i32
      %add3A_1175 = vector.broadcast %add3A_1174 : i32 to vector<16xi32>
      %add3A_1176 = arith.addi %add3A_1175, %iota3A : vector<16xi32>
      %gather3A_1177 = tpu.vector_load_idx %arg9[%broadcast_in_dim3A_1162, %add3A_1176, %broadcast_in_dim3A_1163] : memref<4x64x128xf32, #tpu.memory_space<vmem>>[vector<16xi32>, vector<16xi32>, vector<16xi32>], vector<16xf32>,
      %gather3A_1178 = tpu.vector_load_idx %arg10[%broadcast_in_dim3A_1162, %add3A_1176, %broadcast_in_dim3A_1164] : memref<4x64x128xf32, #tpu.memory_space<vmem>>[vector<16xi32>, vector<16xi32>, vector<16xi32>], vector<16xf32>,
      %mul3A_1179 = arith.mulf %gather3A_1177, %gather3A_1178 : vector<16xf32>
      %add3A_1180 = arith.addf %add3A_1173, %mul3A_1179 : vector<16xf32>
      %add3A_1181 = arith.constant 32 : i32
      %add3A_1182 = vector.broadcast %add3A_1181 : i32 to vector<16xi32>
      %add3A_1183 = arith.addi %add3A_1182, %iota3A : vector<16xi32>
      %gather3A_1184 = tpu.vector_load_idx %arg9[%broadcast_in_dim3A_1162, %add3A_1183, %broadcast_in_dim3A_1163] : memref<4x64x128xf32, #tpu.memory_space<vmem>>[vector<16xi32>, vector<16xi32>, vector<16xi32>], vector<16xf32>,
      %gather3A_1185 = tpu.vector_load_idx %arg10[%broadcast_in_dim3A_1162, %add3A_1183, %broadcast_in_dim3A_1164] : memref<4x64x128xf32, #tpu.memory_space<vmem>>[vector<16xi32>, vector<16xi32>, vector<16xi32>], vector<16xf32>,
      %mul3A_1186 = arith.mulf %gather3A_1184, %gather3A_1185 : vector<16xf32>
      %add3A_1187 = arith.addf %add3A_1180, %mul3A_1186 : vector<16xf32>
      %add3A_1188 = arith.constant 48 : i32
      %add3A_1189 = vector.broadcast %add3A_1188 : i32 to vector<16xi32>
      %add3A_1190 = arith.addi %add3A_1189, %iota3A : vector<16xi32>
      %gather3A_1191 = tpu.vector_load_idx %arg9[%broadcast_in_dim3A_1162, %add3A_1190, %broadcast_in_dim3A_1163] : memref<4x64x128xf32, #tpu.memory_space<vmem>>[vector<16xi32>, vector<16xi32>, vector<16xi32>], vector<16xf32>,
      %gather3A_1192 = tpu.vector_load_idx %arg10[%broadcast_in_dim3A_1162, %add3A_1190, %broadcast_in_dim3A_1164] : memref<4x64x128xf32, #tpu.memory_space<vmem>>[vector<16xi32>, vector<16xi32>, vector<16xi32>], vector<16xf32>,
      %mul3A_1193 = arith.mulf %gather3A_1191, %gather3A_1192 : vector<16xf32>
      %add3A_1194 = arith.addf %add3A_1187, %mul3A_1193 : vector<16xf32>
      %reduce_sum3A_1195 = arith.constant true
      %reduce_sum3A_1196 = vector.broadcast %reduce_sum3A_1195 : i1 to vector<16xi1>
      %reduce_sum3A_1197 = tpu.scan <sum>, %add3A_1194 masked %reduce_sum3A_1196 : vector<16xf32>, vector<16xi1> -> vector<16xf32>
      %reduce_sum3A_1198 = vector.extract %reduce_sum3A_1197[15] : f32 from vector<16xf32>
      %eq3A_1199 = arith.constant 4 : i32
      %eq3A_1200 = vector.broadcast %eq3A_1199 : i32 to vector<16xi32>
      %eq3A_1201 = arith.cmpi eq, %iota3A, %eq3A_1200 : vector<16xi32>
      %broadcast_in_dim3A_1202 = vector.broadcast %reduce_sum3A_1198 : f32 to vector<16xf32>
      %select_n3A_1203 = arith.select %eq3A_1201, %broadcast_in_dim3A_1202, %select_n3A_1092 : vector<16xi1>, vector<16xf32>
      %slice3A_1204 = vector.extract_strided_slice %shift_right_arithmetic3A_327 {offsets = [8], sizes = [1], strides = [1]} : vector<16xi32> to vector<1xi32>
      %squeeze3A_1205 = vector.extract %slice3A_1204[0] : i32 from vector<1xi32>
      %mul3A_1206 = arith.constant 128 : i32
      %mul3A_1207 = arith.muli %squeeze3A_1205, %mul3A_1206 : i32
      %dma_start3A_1208 = arith.constant 0 : i32
      %dma_start3A_1209 = arith.constant 0 : i32
      %dma_start3A_1210 = arith.constant 0 : i32
      %dma_start3A_1211 = tpu.memref_slice %arg9[%dma_start3A_1208, %dma_start3A_1209, %dma_start3A_1210] : memref<4x64x128xf32, #tpu.memory_space<vmem>> -> memref<1x64x128xf32, #tpu.memory_space<vmem>>
      %dma_start3A_1212 = tpu.memref_squeeze %dma_start3A_1211 : memref<1x64x128xf32, #tpu.memory_space<vmem>> -> memref<64x128xf32, #tpu.memory_space<vmem>>
      %dma_start3A_1213 = arith.constant 0 : i32
      %dma_start3A_1214 = tpu.memref_slice %arg4[%dma_start3A_1213, %mul3A_1207] : memref<64x1000000xf32, #tpu.memory_space<hbm>> -> memref<64x128xf32, #tpu.memory_space<hbm>>
      %dma_start3A_1215 = arith.constant 0 : i32
      %dma_start3A_1216 = arith.constant 0 : i32
      %dma_start3A_1217 = tpu.memref_slice %arg9[%dma_start3A_1208, %dma_start3A_1215, %dma_start3A_1216] : memref<4x64x128xf32, #tpu.memory_space<vmem>> -> memref<1x64x128xf32, #tpu.memory_space<vmem>>
      %dma_start3A_1218 = tpu.memref_squeeze %dma_start3A_1217 : memref<1x64x128xf32, #tpu.memory_space<vmem>> -> memref<64x128xf32, #tpu.memory_space<vmem>>
      %dma_start3A_1219 = arith.constant 0 : i32
      %dma_start3A_1220 = tpu.memref_slice %arg4[%dma_start3A_1219, %mul3A_1207] : memref<64x1000000xf32, #tpu.memory_space<hbm>> -> memref<64x128xf32, #tpu.memory_space<hbm>>
      tpu.enqueue_dma source(%dma_start3A_1220 : memref<64x128xf32, #tpu.memory_space<hbm>>) target(%dma_start3A_1218 : memref<64x128xf32, #tpu.memory_space<vmem>>) target_semaphore(%arg12 : memref<!tpu.dma_semaphore, #tpu.memory_space<semaphore_mem>>)
      %slice3A_1221 = vector.extract_strided_slice %shift_right_arithmetic3A_330 {offsets = [8], sizes = [1], strides = [1]} : vector<16xi32> to vector<1xi32>
      %squeeze3A_1222 = vector.extract %slice3A_1221[0] : i32 from vector<1xi32>
      %mul3A_1223 = arith.constant 128 : i32
      %mul3A_1224 = arith.muli %squeeze3A_1222, %mul3A_1223 : i32
      %dma_start3A_1225 = arith.constant 0 : i32
      %dma_start3A_1226 = arith.constant 0 : i32
      %dma_start3A_1227 = arith.constant 0 : i32
      %dma_start3A_1228 = tpu.memref_slice %arg10[%dma_start3A_1225, %dma_start3A_1226, %dma_start3A_1227] : memref<4x64x128xf32, #tpu.memory_space<vmem>> -> memref<1x64x128xf32, #tpu.memory_space<vmem>>
      %dma_start3A_1229 = tpu.memref_squeeze %dma_start3A_1228 : memref<1x64x128xf32, #tpu.memory_space<vmem>> -> memref<64x128xf32, #tpu.memory_space<vmem>>
      %dma_start3A_1230 = arith.constant 0 : i32
      %dma_start3A_1231 = tpu.memref_slice %arg5[%dma_start3A_1230, %mul3A_1224] : memref<64x1000000xf32, #tpu.memory_space<hbm>> -> memref<64x128xf32, #tpu.memory_space<hbm>>
      %dma_start3A_1232 = arith.constant 0 : i32
      %dma_start3A_1233 = arith.constant 0 : i32
      %dma_start3A_1234 = tpu.memref_slice %arg10[%dma_start3A_1225, %dma_start3A_1232, %dma_start3A_1233] : memref<4x64x128xf32, #tpu.memory_space<vmem>> -> memref<1x64x128xf32, #tpu.memory_space<vmem>>
      %dma_start3A_1235 = tpu.memref_squeeze %dma_start3A_1234 : memref<1x64x128xf32, #tpu.memory_space<vmem>> -> memref<64x128xf32, #tpu.memory_space<vmem>>
      %dma_start3A_1236 = arith.constant 0 : i32
      %dma_start3A_1237 = tpu.memref_slice %arg5[%dma_start3A_1236, %mul3A_1224] : memref<64x1000000xf32, #tpu.memory_space<hbm>> -> memref<64x128xf32, #tpu.memory_space<hbm>>
      tpu.enqueue_dma source(%dma_start3A_1237 : memref<64x128xf32, #tpu.memory_space<hbm>>) target(%dma_start3A_1235 : memref<64x128xf32, #tpu.memory_space<vmem>>) target_semaphore(%arg16 : memref<!tpu.dma_semaphore, #tpu.memory_space<semaphore_mem>>)
      %dma_wait3A_1238 = arith.constant 1 : i32
      %dma_wait3A_1239 = arith.constant 0 : i32
      %dma_wait3A_1240 = arith.constant 0 : i32
      %dma_wait3A_1241 = tpu.memref_slice %arg9[%dma_wait3A_1238, %dma_wait3A_1239, %dma_wait3A_1240] : memref<4x64x128xf32, #tpu.memory_space<vmem>> -> memref<1x64x128xf32, #tpu.memory_space<vmem>>
      %dma_wait3A_1242 = tpu.memref_squeeze %dma_wait3A_1241 : memref<1x64x128xf32, #tpu.memory_space<vmem>> -> memref<64x128xf32, #tpu.memory_space<vmem>>
      %dma_wait3A_1243 = arith.constant 0 : i32
      %dma_wait3A_1244 = arith.constant 0 : i32
      %dma_wait3A_1245 = tpu.memref_slice %arg4[%dma_wait3A_1243, %dma_wait3A_1244] : memref<64x1000000xf32, #tpu.memory_space<hbm>> -> memref<64x128xf32, #tpu.memory_space<hbm>>
      %dma_wait3A_1246 = arith.constant 0 : i32
      %dma_wait3A_1247 = arith.constant 0 : i32
      %dma_wait3A_1248 = tpu.memref_slice %arg9[%dma_wait3A_1238, %dma_wait3A_1246, %dma_wait3A_1247] : memref<4x64x128xf32, #tpu.memory_space<vmem>> -> memref<1x64x128xf32, #tpu.memory_space<vmem>>
      %dma_wait3A_1249 = tpu.memref_squeeze %dma_wait3A_1248 : memref<1x64x128xf32, #tpu.memory_space<vmem>> -> memref<64x128xf32, #tpu.memory_space<vmem>>
      %dma_wait3A_1250 = arith.constant 0 : i32
      %dma_wait3A_1251 = arith.constant 0 : i32
      %dma_wait3A_1252 = tpu.memref_slice %arg4[%dma_wait3A_1250, %dma_wait3A_1251] : memref<64x1000000xf32, #tpu.memory_space<hbm>> -> memref<64x128xf32, #tpu.memory_space<hbm>>
      tpu.wait_dma2 semaphore(%arg13 : memref<!tpu.dma_semaphore, #tpu.memory_space<semaphore_mem>>) src(%dma_wait3A_1252 : memref<64x128xf32, #tpu.memory_space<hbm>>) dst(%dma_wait3A_1249 : memref<64x128xf32, #tpu.memory_space<vmem>>)
      %dma_wait3A_1253 = arith.constant 1 : i32
      %dma_wait3A_1254 = arith.constant 0 : i32
      %dma_wait3A_1255 = arith.constant 0 : i32
      %dma_wait3A_1256 = tpu.memref_slice %arg10[%dma_wait3A_1253, %dma_wait3A_1254, %dma_wait3A_1255] : memref<4x64x128xf32, #tpu.memory_space<vmem>> -> memref<1x64x128xf32, #tpu.memory_space<vmem>>
      %dma_wait3A_1257 = tpu.memref_squeeze %dma_wait3A_1256 : memref<1x64x128xf32, #tpu.memory_space<vmem>> -> memref<64x128xf32, #tpu.memory_space<vmem>>
      %dma_wait3A_1258 = arith.constant 0 : i32
      %dma_wait3A_1259 = arith.constant 0 : i32
      %dma_wait3A_1260 = tpu.memref_slice %arg5[%dma_wait3A_1258, %dma_wait3A_1259] : memref<64x1000000xf32, #tpu.memory_space<hbm>> -> memref<64x128xf32, #tpu.memory_space<hbm>>
      %dma_wait3A_1261 = arith.constant 0 : i32
      %dma_wait3A_1262 = arith.constant 0 : i32
      %dma_wait3A_1263 = tpu.memref_slice %arg10[%dma_wait3A_1253, %dma_wait3A_1261, %dma_wait3A_1262] : memref<4x64x128xf32, #tpu.memory_space<vmem>> -> memref<1x64x128xf32, #tpu.memory_space<vmem>>
      %dma_wait3A_1264 = tpu.memref_squeeze %dma_wait3A_1263 : memref<1x64x128xf32, #tpu.memory_space<vmem>> -> memref<64x128xf32, #tpu.memory_space<vmem>>
      %dma_wait3A_1265 = arith.constant 0 : i32
      %dma_wait3A_1266 = arith.constant 0 : i32
      %dma_wait3A_1267 = tpu.memref_slice %arg5[%dma_wait3A_1265, %dma_wait3A_1266] : memref<64x1000000xf32, #tpu.memory_space<hbm>> -> memref<64x128xf32, #tpu.memory_space<hbm>>
      tpu.wait_dma2 semaphore(%arg17 : memref<!tpu.dma_semaphore, #tpu.memory_space<semaphore_mem>>) src(%dma_wait3A_1267 : memref<64x128xf32, #tpu.memory_space<hbm>>) dst(%dma_wait3A_1264 : memref<64x128xf32, #tpu.memory_space<vmem>>)
      %slice3A_1268 = vector.extract_strided_slice %and3A_332 {offsets = [5], sizes = [1], strides = [1]} : vector<16xi32> to vector<1xi32>
      %squeeze3A_1269 = vector.extract %slice3A_1268[0] : i32 from vector<1xi32>
      %slice3A_1270 = vector.extract_strided_slice %and3A_335 {offsets = [5], sizes = [1], strides = [1]} : vector<16xi32> to vector<1xi32>
      %squeeze3A_1271 = vector.extract %slice3A_1270[0] : i32 from vector<1xi32>
      %broadcast_in_dim3A_1272 = arith.constant 1 : i32
      %broadcast_in_dim3A_1273 = vector.broadcast %broadcast_in_dim3A_1272 : i32 to vector<16xi32>
      %broadcast_in_dim3A_1274 = vector.broadcast %squeeze3A_1269 : i32 to vector<16xi32>
      %broadcast_in_dim3A_1275 = vector.broadcast %squeeze3A_1271 : i32 to vector<16xi32>
      %broadcast_in_dim3A_1276 = arith.constant 0.000000e+00 : f32
      %broadcast_in_dim3A_1277 = vector.broadcast %broadcast_in_dim3A_1276 : f32 to vector<16xf32>
      %add3A_1278 = arith.constant 0 : i32
      %add3A_1279 = vector.broadcast %add3A_1278 : i32 to vector<16xi32>
      %add3A_1280 = arith.addi %add3A_1279, %iota3A : vector<16xi32>
      %gather3A_1281 = tpu.vector_load_idx %arg9[%broadcast_in_dim3A_1273, %add3A_1280, %broadcast_in_dim3A_1274] : memref<4x64x128xf32, #tpu.memory_space<vmem>>[vector<16xi32>, vector<16xi32>, vector<16xi32>], vector<16xf32>,
      %gather3A_1282 = tpu.vector_load_idx %arg10[%broadcast_in_dim3A_1273, %add3A_1280, %broadcast_in_dim3A_1275] : memref<4x64x128xf32, #tpu.memory_space<vmem>>[vector<16xi32>, vector<16xi32>, vector<16xi32>], vector<16xf32>,
      %mul3A_1283 = arith.mulf %gather3A_1281, %gather3A_1282 : vector<16xf32>
      %add3A_1284 = arith.addf %broadcast_in_dim3A_1277, %mul3A_1283 : vector<16xf32>
      %add3A_1285 = arith.constant 16 : i32
      %add3A_1286 = vector.broadcast %add3A_1285 : i32 to vector<16xi32>
      %add3A_1287 = arith.addi %add3A_1286, %iota3A : vector<16xi32>
      %gather3A_1288 = tpu.vector_load_idx %arg9[%broadcast_in_dim3A_1273, %add3A_1287, %broadcast_in_dim3A_1274] : memref<4x64x128xf32, #tpu.memory_space<vmem>>[vector<16xi32>, vector<16xi32>, vector<16xi32>], vector<16xf32>,
      %gather3A_1289 = tpu.vector_load_idx %arg10[%broadcast_in_dim3A_1273, %add3A_1287, %broadcast_in_dim3A_1275] : memref<4x64x128xf32, #tpu.memory_space<vmem>>[vector<16xi32>, vector<16xi32>, vector<16xi32>], vector<16xf32>,
      %mul3A_1290 = arith.mulf %gather3A_1288, %gather3A_1289 : vector<16xf32>
      %add3A_1291 = arith.addf %add3A_1284, %mul3A_1290 : vector<16xf32>
      %add3A_1292 = arith.constant 32 : i32
      %add3A_1293 = vector.broadcast %add3A_1292 : i32 to vector<16xi32>
      %add3A_1294 = arith.addi %add3A_1293, %iota3A : vector<16xi32>
      %gather3A_1295 = tpu.vector_load_idx %arg9[%broadcast_in_dim3A_1273, %add3A_1294, %broadcast_in_dim3A_1274] : memref<4x64x128xf32, #tpu.memory_space<vmem>>[vector<16xi32>, vector<16xi32>, vector<16xi32>], vector<16xf32>,
      %gather3A_1296 = tpu.vector_load_idx %arg10[%broadcast_in_dim3A_1273, %add3A_1294, %broadcast_in_dim3A_1275] : memref<4x64x128xf32, #tpu.memory_space<vmem>>[vector<16xi32>, vector<16xi32>, vector<16xi32>], vector<16xf32>,
      %mul3A_1297 = arith.mulf %gather3A_1295, %gather3A_1296 : vector<16xf32>
      %add3A_1298 = arith.addf %add3A_1291, %mul3A_1297 : vector<16xf32>
      %add3A_1299 = arith.constant 48 : i32
      %add3A_1300 = vector.broadcast %add3A_1299 : i32 to vector<16xi32>
      %add3A_1301 = arith.addi %add3A_1300, %iota3A : vector<16xi32>
      %gather3A_1302 = tpu.vector_load_idx %arg9[%broadcast_in_dim3A_1273, %add3A_1301, %broadcast_in_dim3A_1274] : memref<4x64x128xf32, #tpu.memory_space<vmem>>[vector<16xi32>, vector<16xi32>, vector<16xi32>], vector<16xf32>,
      %gather3A_1303 = tpu.vector_load_idx %arg10[%broadcast_in_dim3A_1273, %add3A_1301, %broadcast_in_dim3A_1275] : memref<4x64x128xf32, #tpu.memory_space<vmem>>[vector<16xi32>, vector<16xi32>, vector<16xi32>], vector<16xf32>,
      %mul3A_1304 = arith.mulf %gather3A_1302, %gather3A_1303 : vector<16xf32>
      %add3A_1305 = arith.addf %add3A_1298, %mul3A_1304 : vector<16xf32>
      %reduce_sum3A_1306 = arith.constant true
      %reduce_sum3A_1307 = vector.broadcast %reduce_sum3A_1306 : i1 to vector<16xi1>
      %reduce_sum3A_1308 = tpu.scan <sum>, %add3A_1305 masked %reduce_sum3A_1307 : vector<16xf32>, vector<16xi1> -> vector<16xf32>
      %reduce_sum3A_1309 = vector.extract %reduce_sum3A_1308[15] : f32 from vector<16xf32>
      %eq3A_1310 = arith.constant 5 : i32
      %eq3A_1311 = vector.broadcast %eq3A_1310 : i32 to vector<16xi32>
      %eq3A_1312 = arith.cmpi eq, %iota3A, %eq3A_1311 : vector<16xi32>
      %broadcast_in_dim3A_1313 = vector.broadcast %reduce_sum3A_1309 : f32 to vector<16xf32>
      %select_n3A_1314 = arith.select %eq3A_1312, %broadcast_in_dim3A_1313, %select_n3A_1203 : vector<16xi1>, vector<16xf32>
      %slice3A_1315 = vector.extract_strided_slice %shift_right_arithmetic3A_327 {offsets = [9], sizes = [1], strides = [1]} : vector<16xi32> to vector<1xi32>
      %squeeze3A_1316 = vector.extract %slice3A_1315[0] : i32 from vector<1xi32>
      %mul3A_1317 = arith.constant 128 : i32
      %mul3A_1318 = arith.muli %squeeze3A_1316, %mul3A_1317 : i32
      %dma_start3A_1319 = arith.constant 1 : i32
      %dma_start3A_1320 = arith.constant 0 : i32
      %dma_start3A_1321 = arith.constant 0 : i32
      %dma_start3A_1322 = tpu.memref_slice %arg9[%dma_start3A_1319, %dma_start3A_1320, %dma_start3A_1321] : memref<4x64x128xf32, #tpu.memory_space<vmem>> -> memref<1x64x128xf32, #tpu.memory_space<vmem>>
      %dma_start3A_1323 = tpu.memref_squeeze %dma_start3A_1322 : memref<1x64x128xf32, #tpu.memory_space<vmem>> -> memref<64x128xf32, #tpu.memory_space<vmem>>
      %dma_start3A_1324 = arith.constant 0 : i32
      %dma_start3A_1325 = tpu.memref_slice %arg4[%dma_start3A_1324, %mul3A_1318] : memref<64x1000000xf32, #tpu.memory_space<hbm>> -> memref<64x128xf32, #tpu.memory_space<hbm>>
      %dma_start3A_1326 = arith.constant 0 : i32
      %dma_start3A_1327 = arith.constant 0 : i32
      %dma_start3A_1328 = tpu.memref_slice %arg9[%dma_start3A_1319, %dma_start3A_1326, %dma_start3A_1327] : memref<4x64x128xf32, #tpu.memory_space<vmem>> -> memref<1x64x128xf32, #tpu.memory_space<vmem>>
      %dma_start3A_1329 = tpu.memref_squeeze %dma_start3A_1328 : memref<1x64x128xf32, #tpu.memory_space<vmem>> -> memref<64x128xf32, #tpu.memory_space<vmem>>
      %dma_start3A_1330 = arith.constant 0 : i32
      %dma_start3A_1331 = tpu.memref_slice %arg4[%dma_start3A_1330, %mul3A_1318] : memref<64x1000000xf32, #tpu.memory_space<hbm>> -> memref<64x128xf32, #tpu.memory_space<hbm>>
      tpu.enqueue_dma source(%dma_start3A_1331 : memref<64x128xf32, #tpu.memory_space<hbm>>) target(%dma_start3A_1329 : memref<64x128xf32, #tpu.memory_space<vmem>>) target_semaphore(%arg13 : memref<!tpu.dma_semaphore, #tpu.memory_space<semaphore_mem>>)
      %slice3A_1332 = vector.extract_strided_slice %shift_right_arithmetic3A_330 {offsets = [9], sizes = [1], strides = [1]} : vector<16xi32> to vector<1xi32>
      %squeeze3A_1333 = vector.extract %slice3A_1332[0] : i32 from vector<1xi32>
      %mul3A_1334 = arith.constant 128 : i32
      %mul3A_1335 = arith.muli %squeeze3A_1333, %mul3A_1334 : i32
      %dma_start3A_1336 = arith.constant 1 : i32
      %dma_start3A_1337 = arith.constant 0 : i32
      %dma_start3A_1338 = arith.constant 0 : i32
      %dma_start3A_1339 = tpu.memref_slice %arg10[%dma_start3A_1336, %dma_start3A_1337, %dma_start3A_1338] : memref<4x64x128xf32, #tpu.memory_space<vmem>> -> memref<1x64x128xf32, #tpu.memory_space<vmem>>
      %dma_start3A_1340 = tpu.memref_squeeze %dma_start3A_1339 : memref<1x64x128xf32, #tpu.memory_space<vmem>> -> memref<64x128xf32, #tpu.memory_space<vmem>>
      %dma_start3A_1341 = arith.constant 0 : i32
      %dma_start3A_1342 = tpu.memref_slice %arg5[%dma_start3A_1341, %mul3A_1335] : memref<64x1000000xf32, #tpu.memory_space<hbm>> -> memref<64x128xf32, #tpu.memory_space<hbm>>
      %dma_start3A_1343 = arith.constant 0 : i32
      %dma_start3A_1344 = arith.constant 0 : i32
      %dma_start3A_1345 = tpu.memref_slice %arg10[%dma_start3A_1336, %dma_start3A_1343, %dma_start3A_1344] : memref<4x64x128xf32, #tpu.memory_space<vmem>> -> memref<1x64x128xf32, #tpu.memory_space<vmem>>
      %dma_start3A_1346 = tpu.memref_squeeze %dma_start3A_1345 : memref<1x64x128xf32, #tpu.memory_space<vmem>> -> memref<64x128xf32, #tpu.memory_space<vmem>>
      %dma_start3A_1347 = arith.constant 0 : i32
      %dma_start3A_1348 = tpu.memref_slice %arg5[%dma_start3A_1347, %mul3A_1335] : memref<64x1000000xf32, #tpu.memory_space<hbm>> -> memref<64x128xf32, #tpu.memory_space<hbm>>
      tpu.enqueue_dma source(%dma_start3A_1348 : memref<64x128xf32, #tpu.memory_space<hbm>>) target(%dma_start3A_1346 : memref<64x128xf32, #tpu.memory_space<vmem>>) target_semaphore(%arg17 : memref<!tpu.dma_semaphore, #tpu.memory_space<semaphore_mem>>)
      %dma_wait3A_1349 = arith.constant 2 : i32
      %dma_wait3A_1350 = arith.constant 0 : i32
      %dma_wait3A_1351 = arith.constant 0 : i32
      %dma_wait3A_1352 = tpu.memref_slice %arg9[%dma_wait3A_1349, %dma_wait3A_1350, %dma_wait3A_1351] : memref<4x64x128xf32, #tpu.memory_space<vmem>> -> memref<1x64x128xf32, #tpu.memory_space<vmem>>
      %dma_wait3A_1353 = tpu.memref_squeeze %dma_wait3A_1352 : memref<1x64x128xf32, #tpu.memory_space<vmem>> -> memref<64x128xf32, #tpu.memory_space<vmem>>
      %dma_wait3A_1354 = arith.constant 0 : i32
      %dma_wait3A_1355 = arith.constant 0 : i32
      %dma_wait3A_1356 = tpu.memref_slice %arg4[%dma_wait3A_1354, %dma_wait3A_1355] : memref<64x1000000xf32, #tpu.memory_space<hbm>> -> memref<64x128xf32, #tpu.memory_space<hbm>>
      %dma_wait3A_1357 = arith.constant 0 : i32
      %dma_wait3A_1358 = arith.constant 0 : i32
      %dma_wait3A_1359 = tpu.memref_slice %arg9[%dma_wait3A_1349, %dma_wait3A_1357, %dma_wait3A_1358] : memref<4x64x128xf32, #tpu.memory_space<vmem>> -> memref<1x64x128xf32, #tpu.memory_space<vmem>>
      %dma_wait3A_1360 = tpu.memref_squeeze %dma_wait3A_1359 : memref<1x64x128xf32, #tpu.memory_space<vmem>> -> memref<64x128xf32, #tpu.memory_space<vmem>>
      %dma_wait3A_1361 = arith.constant 0 : i32
      %dma_wait3A_1362 = arith.constant 0 : i32
      %dma_wait3A_1363 = tpu.memref_slice %arg4[%dma_wait3A_1361, %dma_wait3A_1362] : memref<64x1000000xf32, #tpu.memory_space<hbm>> -> memref<64x128xf32, #tpu.memory_space<hbm>>
      tpu.wait_dma2 semaphore(%arg14 : memref<!tpu.dma_semaphore, #tpu.memory_space<semaphore_mem>>) src(%dma_wait3A_1363 : memref<64x128xf32, #tpu.memory_space<hbm>>) dst(%dma_wait3A_1360 : memref<64x128xf32, #tpu.memory_space<vmem>>)
      %dma_wait3A_1364 = arith.constant 2 : i32
      %dma_wait3A_1365 = arith.constant 0 : i32
      %dma_wait3A_1366 = arith.constant 0 : i32
      %dma_wait3A_1367 = tpu.memref_slice %arg10[%dma_wait3A_1364, %dma_wait3A_1365, %dma_wait3A_1366] : memref<4x64x128xf32, #tpu.memory_space<vmem>> -> memref<1x64x128xf32, #tpu.memory_space<vmem>>
      %dma_wait3A_1368 = tpu.memref_squeeze %dma_wait3A_1367 : memref<1x64x128xf32, #tpu.memory_space<vmem>> -> memref<64x128xf32, #tpu.memory_space<vmem>>
      %dma_wait3A_1369 = arith.constant 0 : i32
      %dma_wait3A_1370 = arith.constant 0 : i32
      %dma_wait3A_1371 = tpu.memref_slice %arg5[%dma_wait3A_1369, %dma_wait3A_1370] : memref<64x1000000xf32, #tpu.memory_space<hbm>> -> memref<64x128xf32, #tpu.memory_space<hbm>>
      %dma_wait3A_1372 = arith.constant 0 : i32
      %dma_wait3A_1373 = arith.constant 0 : i32
      %dma_wait3A_1374 = tpu.memref_slice %arg10[%dma_wait3A_1364, %dma_wait3A_1372, %dma_wait3A_1373] : memref<4x64x128xf32, #tpu.memory_space<vmem>> -> memref<1x64x128xf32, #tpu.memory_space<vmem>>
      %dma_wait3A_1375 = tpu.memref_squeeze %dma_wait3A_1374 : memref<1x64x128xf32, #tpu.memory_space<vmem>> -> memref<64x128xf32, #tpu.memory_space<vmem>>
      %dma_wait3A_1376 = arith.constant 0 : i32
      %dma_wait3A_1377 = arith.constant 0 : i32
      %dma_wait3A_1378 = tpu.memref_slice %arg5[%dma_wait3A_1376, %dma_wait3A_1377] : memref<64x1000000xf32, #tpu.memory_space<hbm>> -> memref<64x128xf32, #tpu.memory_space<hbm>>
      tpu.wait_dma2 semaphore(%arg18 : memref<!tpu.dma_semaphore, #tpu.memory_space<semaphore_mem>>) src(%dma_wait3A_1378 : memref<64x128xf32, #tpu.memory_space<hbm>>) dst(%dma_wait3A_1375 : memref<64x128xf32, #tpu.memory_space<vmem>>)
      %slice3A_1379 = vector.extract_strided_slice %and3A_332 {offsets = [6], sizes = [1], strides = [1]} : vector<16xi32> to vector<1xi32>
      %squeeze3A_1380 = vector.extract %slice3A_1379[0] : i32 from vector<1xi32>
      %slice3A_1381 = vector.extract_strided_slice %and3A_335 {offsets = [6], sizes = [1], strides = [1]} : vector<16xi32> to vector<1xi32>
      %squeeze3A_1382 = vector.extract %slice3A_1381[0] : i32 from vector<1xi32>
      %broadcast_in_dim3A_1383 = arith.constant 2 : i32
      %broadcast_in_dim3A_1384 = vector.broadcast %broadcast_in_dim3A_1383 : i32 to vector<16xi32>
      %broadcast_in_dim3A_1385 = vector.broadcast %squeeze3A_1380 : i32 to vector<16xi32>
      %broadcast_in_dim3A_1386 = vector.broadcast %squeeze3A_1382 : i32 to vector<16xi32>
      %broadcast_in_dim3A_1387 = arith.constant 0.000000e+00 : f32
      %broadcast_in_dim3A_1388 = vector.broadcast %broadcast_in_dim3A_1387 : f32 to vector<16xf32>
      %add3A_1389 = arith.constant 0 : i32
      %add3A_1390 = vector.broadcast %add3A_1389 : i32 to vector<16xi32>
      %add3A_1391 = arith.addi %add3A_1390, %iota3A : vector<16xi32>
      %gather3A_1392 = tpu.vector_load_idx %arg9[%broadcast_in_dim3A_1384, %add3A_1391, %broadcast_in_dim3A_1385] : memref<4x64x128xf32, #tpu.memory_space<vmem>>[vector<16xi32>, vector<16xi32>, vector<16xi32>], vector<16xf32>,
      %gather3A_1393 = tpu.vector_load_idx %arg10[%broadcast_in_dim3A_1384, %add3A_1391, %broadcast_in_dim3A_1386] : memref<4x64x128xf32, #tpu.memory_space<vmem>>[vector<16xi32>, vector<16xi32>, vector<16xi32>], vector<16xf32>,
      %mul3A_1394 = arith.mulf %gather3A_1392, %gather3A_1393 : vector<16xf32>
      %add3A_1395 = arith.addf %broadcast_in_dim3A_1388, %mul3A_1394 : vector<16xf32>
      %add3A_1396 = arith.constant 16 : i32
      %add3A_1397 = vector.broadcast %add3A_1396 : i32 to vector<16xi32>
      %add3A_1398 = arith.addi %add3A_1397, %iota3A : vector<16xi32>
      %gather3A_1399 = tpu.vector_load_idx %arg9[%broadcast_in_dim3A_1384, %add3A_1398, %broadcast_in_dim3A_1385] : memref<4x64x128xf32, #tpu.memory_space<vmem>>[vector<16xi32>, vector<16xi32>, vector<16xi32>], vector<16xf32>,
      %gather3A_1400 = tpu.vector_load_idx %arg10[%broadcast_in_dim3A_1384, %add3A_1398, %broadcast_in_dim3A_1386] : memref<4x64x128xf32, #tpu.memory_space<vmem>>[vector<16xi32>, vector<16xi32>, vector<16xi32>], vector<16xf32>,
      %mul3A_1401 = arith.mulf %gather3A_1399, %gather3A_1400 : vector<16xf32>
      %add3A_1402 = arith.addf %add3A_1395, %mul3A_1401 : vector<16xf32>
      %add3A_1403 = arith.constant 32 : i32
      %add3A_1404 = vector.broadcast %add3A_1403 : i32 to vector<16xi32>
      %add3A_1405 = arith.addi %add3A_1404, %iota3A : vector<16xi32>
      %gather3A_1406 = tpu.vector_load_idx %arg9[%broadcast_in_dim3A_1384, %add3A_1405, %broadcast_in_dim3A_1385] : memref<4x64x128xf32, #tpu.memory_space<vmem>>[vector<16xi32>, vector<16xi32>, vector<16xi32>], vector<16xf32>,
      %gather3A_1407 = tpu.vector_load_idx %arg10[%broadcast_in_dim3A_1384, %add3A_1405, %broadcast_in_dim3A_1386] : memref<4x64x128xf32, #tpu.memory_space<vmem>>[vector<16xi32>, vector<16xi32>, vector<16xi32>], vector<16xf32>,
      %mul3A_1408 = arith.mulf %gather3A_1406, %gather3A_1407 : vector<16xf32>
      %add3A_1409 = arith.addf %add3A_1402, %mul3A_1408 : vector<16xf32>
      %add3A_1410 = arith.constant 48 : i32
      %add3A_1411 = vector.broadcast %add3A_1410 : i32 to vector<16xi32>
      %add3A_1412 = arith.addi %add3A_1411, %iota3A : vector<16xi32>
      %gather3A_1413 = tpu.vector_load_idx %arg9[%broadcast_in_dim3A_1384, %add3A_1412, %broadcast_in_dim3A_1385] : memref<4x64x128xf32, #tpu.memory_space<vmem>>[vector<16xi32>, vector<16xi32>, vector<16xi32>], vector<16xf32>,
      %gather3A_1414 = tpu.vector_load_idx %arg10[%broadcast_in_dim3A_1384, %add3A_1412, %broadcast_in_dim3A_1386] : memref<4x64x128xf32, #tpu.memory_space<vmem>>[vector<16xi32>, vector<16xi32>, vector<16xi32>], vector<16xf32>,
      %mul3A_1415 = arith.mulf %gather3A_1413, %gather3A_1414 : vector<16xf32>
      %add3A_1416 = arith.addf %add3A_1409, %mul3A_1415 : vector<16xf32>
      %reduce_sum3A_1417 = arith.constant true
      %reduce_sum3A_1418 = vector.broadcast %reduce_sum3A_1417 : i1 to vector<16xi1>
      %reduce_sum3A_1419 = tpu.scan <sum>, %add3A_1416 masked %reduce_sum3A_1418 : vector<16xf32>, vector<16xi1> -> vector<16xf32>
      %reduce_sum3A_1420 = vector.extract %reduce_sum3A_1419[15] : f32 from vector<16xf32>
      %eq3A_1421 = arith.constant 6 : i32
      %eq3A_1422 = vector.broadcast %eq3A_1421 : i32 to vector<16xi32>
      %eq3A_1423 = arith.cmpi eq, %iota3A, %eq3A_1422 : vector<16xi32>
      %broadcast_in_dim3A_1424 = vector.broadcast %reduce_sum3A_1420 : f32 to vector<16xf32>
      %select_n3A_1425 = arith.select %eq3A_1423, %broadcast_in_dim3A_1424, %select_n3A_1314 : vector<16xi1>, vector<16xf32>
      %slice3A_1426 = vector.extract_strided_slice %shift_right_arithmetic3A_327 {offsets = [10], sizes = [1], strides = [1]} : vector<16xi32> to vector<1xi32>
      %squeeze3A_1427 = vector.extract %slice3A_1426[0] : i32 from vector<1xi32>
      %mul3A_1428 = arith.constant 128 : i32
      %mul3A_1429 = arith.muli %squeeze3A_1427, %mul3A_1428 : i32
      %dma_start3A_1430 = arith.constant 2 : i32
      %dma_start3A_1431 = arith.constant 0 : i32
      %dma_start3A_1432 = arith.constant 0 : i32
      %dma_start3A_1433 = tpu.memref_slice %arg9[%dma_start3A_1430, %dma_start3A_1431, %dma_start3A_1432] : memref<4x64x128xf32, #tpu.memory_space<vmem>> -> memref<1x64x128xf32, #tpu.memory_space<vmem>>
      %dma_start3A_1434 = tpu.memref_squeeze %dma_start3A_1433 : memref<1x64x128xf32, #tpu.memory_space<vmem>> -> memref<64x128xf32, #tpu.memory_space<vmem>>
      %dma_start3A_1435 = arith.constant 0 : i32
      %dma_start3A_1436 = tpu.memref_slice %arg4[%dma_start3A_1435, %mul3A_1429] : memref<64x1000000xf32, #tpu.memory_space<hbm>> -> memref<64x128xf32, #tpu.memory_space<hbm>>
      %dma_start3A_1437 = arith.constant 0 : i32
      %dma_start3A_1438 = arith.constant 0 : i32
      %dma_start3A_1439 = tpu.memref_slice %arg9[%dma_start3A_1430, %dma_start3A_1437, %dma_start3A_1438] : memref<4x64x128xf32, #tpu.memory_space<vmem>> -> memref<1x64x128xf32, #tpu.memory_space<vmem>>
      %dma_start3A_1440 = tpu.memref_squeeze %dma_start3A_1439 : memref<1x64x128xf32, #tpu.memory_space<vmem>> -> memref<64x128xf32, #tpu.memory_space<vmem>>
      %dma_start3A_1441 = arith.constant 0 : i32
      %dma_start3A_1442 = tpu.memref_slice %arg4[%dma_start3A_1441, %mul3A_1429] : memref<64x1000000xf32, #tpu.memory_space<hbm>> -> memref<64x128xf32, #tpu.memory_space<hbm>>
      tpu.enqueue_dma source(%dma_start3A_1442 : memref<64x128xf32, #tpu.memory_space<hbm>>) target(%dma_start3A_1440 : memref<64x128xf32, #tpu.memory_space<vmem>>) target_semaphore(%arg14 : memref<!tpu.dma_semaphore, #tpu.memory_space<semaphore_mem>>)
      %slice3A_1443 = vector.extract_strided_slice %shift_right_arithmetic3A_330 {offsets = [10], sizes = [1], strides = [1]} : vector<16xi32> to vector<1xi32>
      %squeeze3A_1444 = vector.extract %slice3A_1443[0] : i32 from vector<1xi32>
      %mul3A_1445 = arith.constant 128 : i32
      %mul3A_1446 = arith.muli %squeeze3A_1444, %mul3A_1445 : i32
      %dma_start3A_1447 = arith.constant 2 : i32
      %dma_start3A_1448 = arith.constant 0 : i32
      %dma_start3A_1449 = arith.constant 0 : i32
      %dma_start3A_1450 = tpu.memref_slice %arg10[%dma_start3A_1447, %dma_start3A_1448, %dma_start3A_1449] : memref<4x64x128xf32, #tpu.memory_space<vmem>> -> memref<1x64x128xf32, #tpu.memory_space<vmem>>
      %dma_start3A_1451 = tpu.memref_squeeze %dma_start3A_1450 : memref<1x64x128xf32, #tpu.memory_space<vmem>> -> memref<64x128xf32, #tpu.memory_space<vmem>>
      %dma_start3A_1452 = arith.constant 0 : i32
      %dma_start3A_1453 = tpu.memref_slice %arg5[%dma_start3A_1452, %mul3A_1446] : memref<64x1000000xf32, #tpu.memory_space<hbm>> -> memref<64x128xf32, #tpu.memory_space<hbm>>
      %dma_start3A_1454 = arith.constant 0 : i32
      %dma_start3A_1455 = arith.constant 0 : i32
      %dma_start3A_1456 = tpu.memref_slice %arg10[%dma_start3A_1447, %dma_start3A_1454, %dma_start3A_1455] : memref<4x64x128xf32, #tpu.memory_space<vmem>> -> memref<1x64x128xf32, #tpu.memory_space<vmem>>
      %dma_start3A_1457 = tpu.memref_squeeze %dma_start3A_1456 : memref<1x64x128xf32, #tpu.memory_space<vmem>> -> memref<64x128xf32, #tpu.memory_space<vmem>>
      %dma_start3A_1458 = arith.constant 0 : i32
      %dma_start3A_1459 = tpu.memref_slice %arg5[%dma_start3A_1458, %mul3A_1446] : memref<64x1000000xf32, #tpu.memory_space<hbm>> -> memref<64x128xf32, #tpu.memory_space<hbm>>
      tpu.enqueue_dma source(%dma_start3A_1459 : memref<64x128xf32, #tpu.memory_space<hbm>>) target(%dma_start3A_1457 : memref<64x128xf32, #tpu.memory_space<vmem>>) target_semaphore(%arg18 : memref<!tpu.dma_semaphore, #tpu.memory_space<semaphore_mem>>)
      %dma_wait3A_1460 = arith.constant 3 : i32
      %dma_wait3A_1461 = arith.constant 0 : i32
      %dma_wait3A_1462 = arith.constant 0 : i32
      %dma_wait3A_1463 = tpu.memref_slice %arg9[%dma_wait3A_1460, %dma_wait3A_1461, %dma_wait3A_1462] : memref<4x64x128xf32, #tpu.memory_space<vmem>> -> memref<1x64x128xf32, #tpu.memory_space<vmem>>
      %dma_wait3A_1464 = tpu.memref_squeeze %dma_wait3A_1463 : memref<1x64x128xf32, #tpu.memory_space<vmem>> -> memref<64x128xf32, #tpu.memory_space<vmem>>
      %dma_wait3A_1465 = arith.constant 0 : i32
      %dma_wait3A_1466 = arith.constant 0 : i32
      %dma_wait3A_1467 = tpu.memref_slice %arg4[%dma_wait3A_1465, %dma_wait3A_1466] : memref<64x1000000xf32, #tpu.memory_space<hbm>> -> memref<64x128xf32, #tpu.memory_space<hbm>>
      %dma_wait3A_1468 = arith.constant 0 : i32
      %dma_wait3A_1469 = arith.constant 0 : i32
      %dma_wait3A_1470 = tpu.memref_slice %arg9[%dma_wait3A_1460, %dma_wait3A_1468, %dma_wait3A_1469] : memref<4x64x128xf32, #tpu.memory_space<vmem>> -> memref<1x64x128xf32, #tpu.memory_space<vmem>>
      %dma_wait3A_1471 = tpu.memref_squeeze %dma_wait3A_1470 : memref<1x64x128xf32, #tpu.memory_space<vmem>> -> memref<64x128xf32, #tpu.memory_space<vmem>>
      %dma_wait3A_1472 = arith.constant 0 : i32
      %dma_wait3A_1473 = arith.constant 0 : i32
      %dma_wait3A_1474 = tpu.memref_slice %arg4[%dma_wait3A_1472, %dma_wait3A_1473] : memref<64x1000000xf32, #tpu.memory_space<hbm>> -> memref<64x128xf32, #tpu.memory_space<hbm>>
      tpu.wait_dma2 semaphore(%arg15 : memref<!tpu.dma_semaphore, #tpu.memory_space<semaphore_mem>>) src(%dma_wait3A_1474 : memref<64x128xf32, #tpu.memory_space<hbm>>) dst(%dma_wait3A_1471 : memref<64x128xf32, #tpu.memory_space<vmem>>)
      %dma_wait3A_1475 = arith.constant 3 : i32
      %dma_wait3A_1476 = arith.constant 0 : i32
      %dma_wait3A_1477 = arith.constant 0 : i32
      %dma_wait3A_1478 = tpu.memref_slice %arg10[%dma_wait3A_1475, %dma_wait3A_1476, %dma_wait3A_1477] : memref<4x64x128xf32, #tpu.memory_space<vmem>> -> memref<1x64x128xf32, #tpu.memory_space<vmem>>
      %dma_wait3A_1479 = tpu.memref_squeeze %dma_wait3A_1478 : memref<1x64x128xf32, #tpu.memory_space<vmem>> -> memref<64x128xf32, #tpu.memory_space<vmem>>
      %dma_wait3A_1480 = arith.constant 0 : i32
      %dma_wait3A_1481 = arith.constant 0 : i32
      %dma_wait3A_1482 = tpu.memref_slice %arg5[%dma_wait3A_1480, %dma_wait3A_1481] : memref<64x1000000xf32, #tpu.memory_space<hbm>> -> memref<64x128xf32, #tpu.memory_space<hbm>>
      %dma_wait3A_1483 = arith.constant 0 : i32
      %dma_wait3A_1484 = arith.constant 0 : i32
      %dma_wait3A_1485 = tpu.memref_slice %arg10[%dma_wait3A_1475, %dma_wait3A_1483, %dma_wait3A_1484] : memref<4x64x128xf32, #tpu.memory_space<vmem>> -> memref<1x64x128xf32, #tpu.memory_space<vmem>>
      %dma_wait3A_1486 = tpu.memref_squeeze %dma_wait3A_1485 : memref<1x64x128xf32, #tpu.memory_space<vmem>> -> memref<64x128xf32, #tpu.memory_space<vmem>>
      %dma_wait3A_1487 = arith.constant 0 : i32
      %dma_wait3A_1488 = arith.constant 0 : i32
      %dma_wait3A_1489 = tpu.memref_slice %arg5[%dma_wait3A_1487, %dma_wait3A_1488] : memref<64x1000000xf32, #tpu.memory_space<hbm>> -> memref<64x128xf32, #tpu.memory_space<hbm>>
      tpu.wait_dma2 semaphore(%arg19 : memref<!tpu.dma_semaphore, #tpu.memory_space<semaphore_mem>>) src(%dma_wait3A_1489 : memref<64x128xf32, #tpu.memory_space<hbm>>) dst(%dma_wait3A_1486 : memref<64x128xf32, #tpu.memory_space<vmem>>)
      %slice3A_1490 = vector.extract_strided_slice %and3A_332 {offsets = [7], sizes = [1], strides = [1]} : vector<16xi32> to vector<1xi32>
      %squeeze3A_1491 = vector.extract %slice3A_1490[0] : i32 from vector<1xi32>
      %slice3A_1492 = vector.extract_strided_slice %and3A_335 {offsets = [7], sizes = [1], strides = [1]} : vector<16xi32> to vector<1xi32>
      %squeeze3A_1493 = vector.extract %slice3A_1492[0] : i32 from vector<1xi32>
      %broadcast_in_dim3A_1494 = arith.constant 3 : i32
      %broadcast_in_dim3A_1495 = vector.broadcast %broadcast_in_dim3A_1494 : i32 to vector<16xi32>
      %broadcast_in_dim3A_1496 = vector.broadcast %squeeze3A_1491 : i32 to vector<16xi32>
      %broadcast_in_dim3A_1497 = vector.broadcast %squeeze3A_1493 : i32 to vector<16xi32>
      %broadcast_in_dim3A_1498 = arith.constant 0.000000e+00 : f32
      %broadcast_in_dim3A_1499 = vector.broadcast %broadcast_in_dim3A_1498 : f32 to vector<16xf32>
      %add3A_1500 = arith.constant 0 : i32
      %add3A_1501 = vector.broadcast %add3A_1500 : i32 to vector<16xi32>
      %add3A_1502 = arith.addi %add3A_1501, %iota3A : vector<16xi32>
      %gather3A_1503 = tpu.vector_load_idx %arg9[%broadcast_in_dim3A_1495, %add3A_1502, %broadcast_in_dim3A_1496] : memref<4x64x128xf32, #tpu.memory_space<vmem>>[vector<16xi32>, vector<16xi32>, vector<16xi32>], vector<16xf32>,
      %gather3A_1504 = tpu.vector_load_idx %arg10[%broadcast_in_dim3A_1495, %add3A_1502, %broadcast_in_dim3A_1497] : memref<4x64x128xf32, #tpu.memory_space<vmem>>[vector<16xi32>, vector<16xi32>, vector<16xi32>], vector<16xf32>,
      %mul3A_1505 = arith.mulf %gather3A_1503, %gather3A_1504 : vector<16xf32>
      %add3A_1506 = arith.addf %broadcast_in_dim3A_1499, %mul3A_1505 : vector<16xf32>
      %add3A_1507 = arith.constant 16 : i32
      %add3A_1508 = vector.broadcast %add3A_1507 : i32 to vector<16xi32>
      %add3A_1509 = arith.addi %add3A_1508, %iota3A : vector<16xi32>
      %gather3A_1510 = tpu.vector_load_idx %arg9[%broadcast_in_dim3A_1495, %add3A_1509, %broadcast_in_dim3A_1496] : memref<4x64x128xf32, #tpu.memory_space<vmem>>[vector<16xi32>, vector<16xi32>, vector<16xi32>], vector<16xf32>,
      %gather3A_1511 = tpu.vector_load_idx %arg10[%broadcast_in_dim3A_1495, %add3A_1509, %broadcast_in_dim3A_1497] : memref<4x64x128xf32, #tpu.memory_space<vmem>>[vector<16xi32>, vector<16xi32>, vector<16xi32>], vector<16xf32>,
      %mul3A_1512 = arith.mulf %gather3A_1510, %gather3A_1511 : vector<16xf32>
      %add3A_1513 = arith.addf %add3A_1506, %mul3A_1512 : vector<16xf32>
      %add3A_1514 = arith.constant 32 : i32
      %add3A_1515 = vector.broadcast %add3A_1514 : i32 to vector<16xi32>
      %add3A_1516 = arith.addi %add3A_1515, %iota3A : vector<16xi32>
      %gather3A_1517 = tpu.vector_load_idx %arg9[%broadcast_in_dim3A_1495, %add3A_1516, %broadcast_in_dim3A_1496] : memref<4x64x128xf32, #tpu.memory_space<vmem>>[vector<16xi32>, vector<16xi32>, vector<16xi32>], vector<16xf32>,
      %gather3A_1518 = tpu.vector_load_idx %arg10[%broadcast_in_dim3A_1495, %add3A_1516, %broadcast_in_dim3A_1497] : memref<4x64x128xf32, #tpu.memory_space<vmem>>[vector<16xi32>, vector<16xi32>, vector<16xi32>], vector<16xf32>,
      %mul3A_1519 = arith.mulf %gather3A_1517, %gather3A_1518 : vector<16xf32>
      %add3A_1520 = arith.addf %add3A_1513, %mul3A_1519 : vector<16xf32>
      %add3A_1521 = arith.constant 48 : i32
      %add3A_1522 = vector.broadcast %add3A_1521 : i32 to vector<16xi32>
      %add3A_1523 = arith.addi %add3A_1522, %iota3A : vector<16xi32>
      %gather3A_1524 = tpu.vector_load_idx %arg9[%broadcast_in_dim3A_1495, %add3A_1523, %broadcast_in_dim3A_1496] : memref<4x64x128xf32, #tpu.memory_space<vmem>>[vector<16xi32>, vector<16xi32>, vector<16xi32>], vector<16xf32>,
      %gather3A_1525 = tpu.vector_load_idx %arg10[%broadcast_in_dim3A_1495, %add3A_1523, %broadcast_in_dim3A_1497] : memref<4x64x128xf32, #tpu.memory_space<vmem>>[vector<16xi32>, vector<16xi32>, vector<16xi32>], vector<16xf32>,
      %mul3A_1526 = arith.mulf %gather3A_1524, %gather3A_1525 : vector<16xf32>
      %add3A_1527 = arith.addf %add3A_1520, %mul3A_1526 : vector<16xf32>
      %reduce_sum3A_1528 = arith.constant true
      %reduce_sum3A_1529 = vector.broadcast %reduce_sum3A_1528 : i1 to vector<16xi1>
      %reduce_sum3A_1530 = tpu.scan <sum>, %add3A_1527 masked %reduce_sum3A_1529 : vector<16xf32>, vector<16xi1> -> vector<16xf32>
      %reduce_sum3A_1531 = vector.extract %reduce_sum3A_1530[15] : f32 from vector<16xf32>
      %eq3A_1532 = arith.constant 7 : i32
      %eq3A_1533 = vector.broadcast %eq3A_1532 : i32 to vector<16xi32>
      %eq3A_1534 = arith.cmpi eq, %iota3A, %eq3A_1533 : vector<16xi32>
      %broadcast_in_dim3A_1535 = vector.broadcast %reduce_sum3A_1531 : f32 to vector<16xf32>
      %select_n3A_1536 = arith.select %eq3A_1534, %broadcast_in_dim3A_1535, %select_n3A_1425 : vector<16xi1>, vector<16xf32>
      %slice3A_1537 = vector.extract_strided_slice %shift_right_arithmetic3A_327 {offsets = [11], sizes = [1], strides = [1]} : vector<16xi32> to vector<1xi32>
      %squeeze3A_1538 = vector.extract %slice3A_1537[0] : i32 from vector<1xi32>
      %mul3A_1539 = arith.constant 128 : i32
      %mul3A_1540 = arith.muli %squeeze3A_1538, %mul3A_1539 : i32
      %dma_start3A_1541 = arith.constant 3 : i32
      %dma_start3A_1542 = arith.constant 0 : i32
      %dma_start3A_1543 = arith.constant 0 : i32
      %dma_start3A_1544 = tpu.memref_slice %arg9[%dma_start3A_1541, %dma_start3A_1542, %dma_start3A_1543] : memref<4x64x128xf32, #tpu.memory_space<vmem>> -> memref<1x64x128xf32, #tpu.memory_space<vmem>>
      %dma_start3A_1545 = tpu.memref_squeeze %dma_start3A_1544 : memref<1x64x128xf32, #tpu.memory_space<vmem>> -> memref<64x128xf32, #tpu.memory_space<vmem>>
      %dma_start3A_1546 = arith.constant 0 : i32
      %dma_start3A_1547 = tpu.memref_slice %arg4[%dma_start3A_1546, %mul3A_1540] : memref<64x1000000xf32, #tpu.memory_space<hbm>> -> memref<64x128xf32, #tpu.memory_space<hbm>>
      %dma_start3A_1548 = arith.constant 0 : i32
      %dma_start3A_1549 = arith.constant 0 : i32
      %dma_start3A_1550 = tpu.memref_slice %arg9[%dma_start3A_1541, %dma_start3A_1548, %dma_start3A_1549] : memref<4x64x128xf32, #tpu.memory_space<vmem>> -> memref<1x64x128xf32, #tpu.memory_space<vmem>>
      %dma_start3A_1551 = tpu.memref_squeeze %dma_start3A_1550 : memref<1x64x128xf32, #tpu.memory_space<vmem>> -> memref<64x128xf32, #tpu.memory_space<vmem>>
      %dma_start3A_1552 = arith.constant 0 : i32
      %dma_start3A_1553 = tpu.memref_slice %arg4[%dma_start3A_1552, %mul3A_1540] : memref<64x1000000xf32, #tpu.memory_space<hbm>> -> memref<64x128xf32, #tpu.memory_space<hbm>>
      tpu.enqueue_dma source(%dma_start3A_1553 : memref<64x128xf32, #tpu.memory_space<hbm>>) target(%dma_start3A_1551 : memref<64x128xf32, #tpu.memory_space<vmem>>) target_semaphore(%arg15 : memref<!tpu.dma_semaphore, #tpu.memory_space<semaphore_mem>>)
      %slice3A_1554 = vector.extract_strided_slice %shift_right_arithmetic3A_330 {offsets = [11], sizes = [1], strides = [1]} : vector<16xi32> to vector<1xi32>
      %squeeze3A_1555 = vector.extract %slice3A_1554[0] : i32 from vector<1xi32>
      %mul3A_1556 = arith.constant 128 : i32
      %mul3A_1557 = arith.muli %squeeze3A_1555, %mul3A_1556 : i32
      %dma_start3A_1558 = arith.constant 3 : i32
      %dma_start3A_1559 = arith.constant 0 : i32
      %dma_start3A_1560 = arith.constant 0 : i32
      %dma_start3A_1561 = tpu.memref_slice %arg10[%dma_start3A_1558, %dma_start3A_1559, %dma_start3A_1560] : memref<4x64x128xf32, #tpu.memory_space<vmem>> -> memref<1x64x128xf32, #tpu.memory_space<vmem>>
      %dma_start3A_1562 = tpu.memref_squeeze %dma_start3A_1561 : memref<1x64x128xf32, #tpu.memory_space<vmem>> -> memref<64x128xf32, #tpu.memory_space<vmem>>
      %dma_start3A_1563 = arith.constant 0 : i32
      %dma_start3A_1564 = tpu.memref_slice %arg5[%dma_start3A_1563, %mul3A_1557] : memref<64x1000000xf32, #tpu.memory_space<hbm>> -> memref<64x128xf32, #tpu.memory_space<hbm>>
      %dma_start3A_1565 = arith.constant 0 : i32
      %dma_start3A_1566 = arith.constant 0 : i32
      %dma_start3A_1567 = tpu.memref_slice %arg10[%dma_start3A_1558, %dma_start3A_1565, %dma_start3A_1566] : memref<4x64x128xf32, #tpu.memory_space<vmem>> -> memref<1x64x128xf32, #tpu.memory_space<vmem>>
      %dma_start3A_1568 = tpu.memref_squeeze %dma_start3A_1567 : memref<1x64x128xf32, #tpu.memory_space<vmem>> -> memref<64x128xf32, #tpu.memory_space<vmem>>
      %dma_start3A_1569 = arith.constant 0 : i32
      %dma_start3A_1570 = tpu.memref_slice %arg5[%dma_start3A_1569, %mul3A_1557] : memref<64x1000000xf32, #tpu.memory_space<hbm>> -> memref<64x128xf32, #tpu.memory_space<hbm>>
      tpu.enqueue_dma source(%dma_start3A_1570 : memref<64x128xf32, #tpu.memory_space<hbm>>) target(%dma_start3A_1568 : memref<64x128xf32, #tpu.memory_space<vmem>>) target_semaphore(%arg19 : memref<!tpu.dma_semaphore, #tpu.memory_space<semaphore_mem>>)
      %dma_wait3A_1571 = arith.constant 0 : i32
      %dma_wait3A_1572 = arith.constant 0 : i32
      %dma_wait3A_1573 = arith.constant 0 : i32
      %dma_wait3A_1574 = tpu.memref_slice %arg9[%dma_wait3A_1571, %dma_wait3A_1572, %dma_wait3A_1573] : memref<4x64x128xf32, #tpu.memory_space<vmem>> -> memref<1x64x128xf32, #tpu.memory_space<vmem>>
      %dma_wait3A_1575 = tpu.memref_squeeze %dma_wait3A_1574 : memref<1x64x128xf32, #tpu.memory_space<vmem>> -> memref<64x128xf32, #tpu.memory_space<vmem>>
      %dma_wait3A_1576 = arith.constant 0 : i32
      %dma_wait3A_1577 = arith.constant 0 : i32
      %dma_wait3A_1578 = tpu.memref_slice %arg4[%dma_wait3A_1576, %dma_wait3A_1577] : memref<64x1000000xf32, #tpu.memory_space<hbm>> -> memref<64x128xf32, #tpu.memory_space<hbm>>
      %dma_wait3A_1579 = arith.constant 0 : i32
      %dma_wait3A_1580 = arith.constant 0 : i32
      %dma_wait3A_1581 = tpu.memref_slice %arg9[%dma_wait3A_1571, %dma_wait3A_1579, %dma_wait3A_1580] : memref<4x64x128xf32, #tpu.memory_space<vmem>> -> memref<1x64x128xf32, #tpu.memory_space<vmem>>
      %dma_wait3A_1582 = tpu.memref_squeeze %dma_wait3A_1581 : memref<1x64x128xf32, #tpu.memory_space<vmem>> -> memref<64x128xf32, #tpu.memory_space<vmem>>
      %dma_wait3A_1583 = arith.constant 0 : i32
      %dma_wait3A_1584 = arith.constant 0 : i32
      %dma_wait3A_1585 = tpu.memref_slice %arg4[%dma_wait3A_1583, %dma_wait3A_1584] : memref<64x1000000xf32, #tpu.memory_space<hbm>> -> memref<64x128xf32, #tpu.memory_space<hbm>>
      tpu.wait_dma2 semaphore(%arg12 : memref<!tpu.dma_semaphore, #tpu.memory_space<semaphore_mem>>) src(%dma_wait3A_1585 : memref<64x128xf32, #tpu.memory_space<hbm>>) dst(%dma_wait3A_1582 : memref<64x128xf32, #tpu.memory_space<vmem>>)
      %dma_wait3A_1586 = arith.constant 0 : i32
      %dma_wait3A_1587 = arith.constant 0 : i32
      %dma_wait3A_1588 = arith.constant 0 : i32
      %dma_wait3A_1589 = tpu.memref_slice %arg10[%dma_wait3A_1586, %dma_wait3A_1587, %dma_wait3A_1588] : memref<4x64x128xf32, #tpu.memory_space<vmem>> -> memref<1x64x128xf32, #tpu.memory_space<vmem>>
      %dma_wait3A_1590 = tpu.memref_squeeze %dma_wait3A_1589 : memref<1x64x128xf32, #tpu.memory_space<vmem>> -> memref<64x128xf32, #tpu.memory_space<vmem>>
      %dma_wait3A_1591 = arith.constant 0 : i32
      %dma_wait3A_1592 = arith.constant 0 : i32
      %dma_wait3A_1593 = tpu.memref_slice %arg5[%dma_wait3A_1591, %dma_wait3A_1592] : memref<64x1000000xf32, #tpu.memory_space<hbm>> -> memref<64x128xf32, #tpu.memory_space<hbm>>
      %dma_wait3A_1594 = arith.constant 0 : i32
      %dma_wait3A_1595 = arith.constant 0 : i32
      %dma_wait3A_1596 = tpu.memref_slice %arg10[%dma_wait3A_1586, %dma_wait3A_1594, %dma_wait3A_1595] : memref<4x64x128xf32, #tpu.memory_space<vmem>> -> memref<1x64x128xf32, #tpu.memory_space<vmem>>
      %dma_wait3A_1597 = tpu.memref_squeeze %dma_wait3A_1596 : memref<1x64x128xf32, #tpu.memory_space<vmem>> -> memref<64x128xf32, #tpu.memory_space<vmem>>
      %dma_wait3A_1598 = arith.constant 0 : i32
      %dma_wait3A_1599 = arith.constant 0 : i32
      %dma_wait3A_1600 = tpu.memref_slice %arg5[%dma_wait3A_1598, %dma_wait3A_1599] : memref<64x1000000xf32, #tpu.memory_space<hbm>> -> memref<64x128xf32, #tpu.memory_space<hbm>>
      tpu.wait_dma2 semaphore(%arg16 : memref<!tpu.dma_semaphore, #tpu.memory_space<semaphore_mem>>) src(%dma_wait3A_1600 : memref<64x128xf32, #tpu.memory_space<hbm>>) dst(%dma_wait3A_1597 : memref<64x128xf32, #tpu.memory_space<vmem>>)
      %slice3A_1601 = vector.extract_strided_slice %and3A_332 {offsets = [8], sizes = [1], strides = [1]} : vector<16xi32> to vector<1xi32>
      %squeeze3A_1602 = vector.extract %slice3A_1601[0] : i32 from vector<1xi32>
      %slice3A_1603 = vector.extract_strided_slice %and3A_335 {offsets = [8], sizes = [1], strides = [1]} : vector<16xi32> to vector<1xi32>
      %squeeze3A_1604 = vector.extract %slice3A_1603[0] : i32 from vector<1xi32>
      %broadcast_in_dim3A_1605 = arith.constant 0 : i32
      %broadcast_in_dim3A_1606 = vector.broadcast %broadcast_in_dim3A_1605 : i32 to vector<16xi32>
      %broadcast_in_dim3A_1607 = vector.broadcast %squeeze3A_1602 : i32 to vector<16xi32>
      %broadcast_in_dim3A_1608 = vector.broadcast %squeeze3A_1604 : i32 to vector<16xi32>
      %broadcast_in_dim3A_1609 = arith.constant 0.000000e+00 : f32
      %broadcast_in_dim3A_1610 = vector.broadcast %broadcast_in_dim3A_1609 : f32 to vector<16xf32>
      %add3A_1611 = arith.constant 0 : i32
      %add3A_1612 = vector.broadcast %add3A_1611 : i32 to vector<16xi32>
      %add3A_1613 = arith.addi %add3A_1612, %iota3A : vector<16xi32>
      %gather3A_1614 = tpu.vector_load_idx %arg9[%broadcast_in_dim3A_1606, %add3A_1613, %broadcast_in_dim3A_1607] : memref<4x64x128xf32, #tpu.memory_space<vmem>>[vector<16xi32>, vector<16xi32>, vector<16xi32>], vector<16xf32>,
      %gather3A_1615 = tpu.vector_load_idx %arg10[%broadcast_in_dim3A_1606, %add3A_1613, %broadcast_in_dim3A_1608] : memref<4x64x128xf32, #tpu.memory_space<vmem>>[vector<16xi32>, vector<16xi32>, vector<16xi32>], vector<16xf32>,
      %mul3A_1616 = arith.mulf %gather3A_1614, %gather3A_1615 : vector<16xf32>
      %add3A_1617 = arith.addf %broadcast_in_dim3A_1610, %mul3A_1616 : vector<16xf32>
      %add3A_1618 = arith.constant 16 : i32
      %add3A_1619 = vector.broadcast %add3A_1618 : i32 to vector<16xi32>
      %add3A_1620 = arith.addi %add3A_1619, %iota3A : vector<16xi32>
      %gather3A_1621 = tpu.vector_load_idx %arg9[%broadcast_in_dim3A_1606, %add3A_1620, %broadcast_in_dim3A_1607] : memref<4x64x128xf32, #tpu.memory_space<vmem>>[vector<16xi32>, vector<16xi32>, vector<16xi32>], vector<16xf32>,
      %gather3A_1622 = tpu.vector_load_idx %arg10[%broadcast_in_dim3A_1606, %add3A_1620, %broadcast_in_dim3A_1608] : memref<4x64x128xf32, #tpu.memory_space<vmem>>[vector<16xi32>, vector<16xi32>, vector<16xi32>], vector<16xf32>,
      %mul3A_1623 = arith.mulf %gather3A_1621, %gather3A_1622 : vector<16xf32>
      %add3A_1624 = arith.addf %add3A_1617, %mul3A_1623 : vector<16xf32>
      %add3A_1625 = arith.constant 32 : i32
      %add3A_1626 = vector.broadcast %add3A_1625 : i32 to vector<16xi32>
      %add3A_1627 = arith.addi %add3A_1626, %iota3A : vector<16xi32>
      %gather3A_1628 = tpu.vector_load_idx %arg9[%broadcast_in_dim3A_1606, %add3A_1627, %broadcast_in_dim3A_1607] : memref<4x64x128xf32, #tpu.memory_space<vmem>>[vector<16xi32>, vector<16xi32>, vector<16xi32>], vector<16xf32>,
      %gather3A_1629 = tpu.vector_load_idx %arg10[%broadcast_in_dim3A_1606, %add3A_1627, %broadcast_in_dim3A_1608] : memref<4x64x128xf32, #tpu.memory_space<vmem>>[vector<16xi32>, vector<16xi32>, vector<16xi32>], vector<16xf32>,
      %mul3A_1630 = arith.mulf %gather3A_1628, %gather3A_1629 : vector<16xf32>
      %add3A_1631 = arith.addf %add3A_1624, %mul3A_1630 : vector<16xf32>
      %add3A_1632 = arith.constant 48 : i32
      %add3A_1633 = vector.broadcast %add3A_1632 : i32 to vector<16xi32>
      %add3A_1634 = arith.addi %add3A_1633, %iota3A : vector<16xi32>
      %gather3A_1635 = tpu.vector_load_idx %arg9[%broadcast_in_dim3A_1606, %add3A_1634, %broadcast_in_dim3A_1607] : memref<4x64x128xf32, #tpu.memory_space<vmem>>[vector<16xi32>, vector<16xi32>, vector<16xi32>], vector<16xf32>,
      %gather3A_1636 = tpu.vector_load_idx %arg10[%broadcast_in_dim3A_1606, %add3A_1634, %broadcast_in_dim3A_1608] : memref<4x64x128xf32, #tpu.memory_space<vmem>>[vector<16xi32>, vector<16xi32>, vector<16xi32>], vector<16xf32>,
      %mul3A_1637 = arith.mulf %gather3A_1635, %gather3A_1636 : vector<16xf32>
      %add3A_1638 = arith.addf %add3A_1631, %mul3A_1637 : vector<16xf32>
      %reduce_sum3A_1639 = arith.constant true
      %reduce_sum3A_1640 = vector.broadcast %reduce_sum3A_1639 : i1 to vector<16xi1>
      %reduce_sum3A_1641 = tpu.scan <sum>, %add3A_1638 masked %reduce_sum3A_1640 : vector<16xf32>, vector<16xi1> -> vector<16xf32>
      %reduce_sum3A_1642 = vector.extract %reduce_sum3A_1641[15] : f32 from vector<16xf32>
      %eq3A_1643 = arith.constant 8 : i32
      %eq3A_1644 = vector.broadcast %eq3A_1643 : i32 to vector<16xi32>
      %eq3A_1645 = arith.cmpi eq, %iota3A, %eq3A_1644 : vector<16xi32>
      %broadcast_in_dim3A_1646 = vector.broadcast %reduce_sum3A_1642 : f32 to vector<16xf32>
      %select_n3A_1647 = arith.select %eq3A_1645, %broadcast_in_dim3A_1646, %select_n3A_1536 : vector<16xi1>, vector<16xf32>
      %slice3A_1648 = vector.extract_strided_slice %shift_right_arithmetic3A_327 {offsets = [12], sizes = [1], strides = [1]} : vector<16xi32> to vector<1xi32>
      %squeeze3A_1649 = vector.extract %slice3A_1648[0] : i32 from vector<1xi32>
      %mul3A_1650 = arith.constant 128 : i32
      %mul3A_1651 = arith.muli %squeeze3A_1649, %mul3A_1650 : i32
      %dma_start3A_1652 = arith.constant 0 : i32
      %dma_start3A_1653 = arith.constant 0 : i32
      %dma_start3A_1654 = arith.constant 0 : i32
      %dma_start3A_1655 = tpu.memref_slice %arg9[%dma_start3A_1652, %dma_start3A_1653, %dma_start3A_1654] : memref<4x64x128xf32, #tpu.memory_space<vmem>> -> memref<1x64x128xf32, #tpu.memory_space<vmem>>
      %dma_start3A_1656 = tpu.memref_squeeze %dma_start3A_1655 : memref<1x64x128xf32, #tpu.memory_space<vmem>> -> memref<64x128xf32, #tpu.memory_space<vmem>>
      %dma_start3A_1657 = arith.constant 0 : i32
      %dma_start3A_1658 = tpu.memref_slice %arg4[%dma_start3A_1657, %mul3A_1651] : memref<64x1000000xf32, #tpu.memory_space<hbm>> -> memref<64x128xf32, #tpu.memory_space<hbm>>
      %dma_start3A_1659 = arith.constant 0 : i32
      %dma_start3A_1660 = arith.constant 0 : i32
      %dma_start3A_1661 = tpu.memref_slice %arg9[%dma_start3A_1652, %dma_start3A_1659, %dma_start3A_1660] : memref<4x64x128xf32, #tpu.memory_space<vmem>> -> memref<1x64x128xf32, #tpu.memory_space<vmem>>
      %dma_start3A_1662 = tpu.memref_squeeze %dma_start3A_1661 : memref<1x64x128xf32, #tpu.memory_space<vmem>> -> memref<64x128xf32, #tpu.memory_space<vmem>>
      %dma_start3A_1663 = arith.constant 0 : i32
      %dma_start3A_1664 = tpu.memref_slice %arg4[%dma_start3A_1663, %mul3A_1651] : memref<64x1000000xf32, #tpu.memory_space<hbm>> -> memref<64x128xf32, #tpu.memory_space<hbm>>
      tpu.enqueue_dma source(%dma_start3A_1664 : memref<64x128xf32, #tpu.memory_space<hbm>>) target(%dma_start3A_1662 : memref<64x128xf32, #tpu.memory_space<vmem>>) target_semaphore(%arg12 : memref<!tpu.dma_semaphore, #tpu.memory_space<semaphore_mem>>)
      %slice3A_1665 = vector.extract_strided_slice %shift_right_arithmetic3A_330 {offsets = [12], sizes = [1], strides = [1]} : vector<16xi32> to vector<1xi32>
      %squeeze3A_1666 = vector.extract %slice3A_1665[0] : i32 from vector<1xi32>
      %mul3A_1667 = arith.constant 128 : i32
      %mul3A_1668 = arith.muli %squeeze3A_1666, %mul3A_1667 : i32
      %dma_start3A_1669 = arith.constant 0 : i32
      %dma_start3A_1670 = arith.constant 0 : i32
      %dma_start3A_1671 = arith.constant 0 : i32
      %dma_start3A_1672 = tpu.memref_slice %arg10[%dma_start3A_1669, %dma_start3A_1670, %dma_start3A_1671] : memref<4x64x128xf32, #tpu.memory_space<vmem>> -> memref<1x64x128xf32, #tpu.memory_space<vmem>>
      %dma_start3A_1673 = tpu.memref_squeeze %dma_start3A_1672 : memref<1x64x128xf32, #tpu.memory_space<vmem>> -> memref<64x128xf32, #tpu.memory_space<vmem>>
      %dma_start3A_1674 = arith.constant 0 : i32
      %dma_start3A_1675 = tpu.memref_slice %arg5[%dma_start3A_1674, %mul3A_1668] : memref<64x1000000xf32, #tpu.memory_space<hbm>> -> memref<64x128xf32, #tpu.memory_space<hbm>>
      %dma_start3A_1676 = arith.constant 0 : i32
      %dma_start3A_1677 = arith.constant 0 : i32
      %dma_start3A_1678 = tpu.memref_slice %arg10[%dma_start3A_1669, %dma_start3A_1676, %dma_start3A_1677] : memref<4x64x128xf32, #tpu.memory_space<vmem>> -> memref<1x64x128xf32, #tpu.memory_space<vmem>>
      %dma_start3A_1679 = tpu.memref_squeeze %dma_start3A_1678 : memref<1x64x128xf32, #tpu.memory_space<vmem>> -> memref<64x128xf32, #tpu.memory_space<vmem>>
      %dma_start3A_1680 = arith.constant 0 : i32
      %dma_start3A_1681 = tpu.memref_slice %arg5[%dma_start3A_1680, %mul3A_1668] : memref<64x1000000xf32, #tpu.memory_space<hbm>> -> memref<64x128xf32, #tpu.memory_space<hbm>>
      tpu.enqueue_dma source(%dma_start3A_1681 : memref<64x128xf32, #tpu.memory_space<hbm>>) target(%dma_start3A_1679 : memref<64x128xf32, #tpu.memory_space<vmem>>) target_semaphore(%arg16 : memref<!tpu.dma_semaphore, #tpu.memory_space<semaphore_mem>>)
      %dma_wait3A_1682 = arith.constant 1 : i32
      %dma_wait3A_1683 = arith.constant 0 : i32
      %dma_wait3A_1684 = arith.constant 0 : i32
      %dma_wait3A_1685 = tpu.memref_slice %arg9[%dma_wait3A_1682, %dma_wait3A_1683, %dma_wait3A_1684] : memref<4x64x128xf32, #tpu.memory_space<vmem>> -> memref<1x64x128xf32, #tpu.memory_space<vmem>>
      %dma_wait3A_1686 = tpu.memref_squeeze %dma_wait3A_1685 : memref<1x64x128xf32, #tpu.memory_space<vmem>> -> memref<64x128xf32, #tpu.memory_space<vmem>>
      %dma_wait3A_1687 = arith.constant 0 : i32
      %dma_wait3A_1688 = arith.constant 0 : i32
      %dma_wait3A_1689 = tpu.memref_slice %arg4[%dma_wait3A_1687, %dma_wait3A_1688] : memref<64x1000000xf32, #tpu.memory_space<hbm>> -> memref<64x128xf32, #tpu.memory_space<hbm>>
      %dma_wait3A_1690 = arith.constant 0 : i32
      %dma_wait3A_1691 = arith.constant 0 : i32
      %dma_wait3A_1692 = tpu.memref_slice %arg9[%dma_wait3A_1682, %dma_wait3A_1690, %dma_wait3A_1691] : memref<4x64x128xf32, #tpu.memory_space<vmem>> -> memref<1x64x128xf32, #tpu.memory_space<vmem>>
      %dma_wait3A_1693 = tpu.memref_squeeze %dma_wait3A_1692 : memref<1x64x128xf32, #tpu.memory_space<vmem>> -> memref<64x128xf32, #tpu.memory_space<vmem>>
      %dma_wait3A_1694 = arith.constant 0 : i32
      %dma_wait3A_1695 = arith.constant 0 : i32
      %dma_wait3A_1696 = tpu.memref_slice %arg4[%dma_wait3A_1694, %dma_wait3A_1695] : memref<64x1000000xf32, #tpu.memory_space<hbm>> -> memref<64x128xf32, #tpu.memory_space<hbm>>
      tpu.wait_dma2 semaphore(%arg13 : memref<!tpu.dma_semaphore, #tpu.memory_space<semaphore_mem>>) src(%dma_wait3A_1696 : memref<64x128xf32, #tpu.memory_space<hbm>>) dst(%dma_wait3A_1693 : memref<64x128xf32, #tpu.memory_space<vmem>>)
      %dma_wait3A_1697 = arith.constant 1 : i32
      %dma_wait3A_1698 = arith.constant 0 : i32
      %dma_wait3A_1699 = arith.constant 0 : i32
      %dma_wait3A_1700 = tpu.memref_slice %arg10[%dma_wait3A_1697, %dma_wait3A_1698, %dma_wait3A_1699] : memref<4x64x128xf32, #tpu.memory_space<vmem>> -> memref<1x64x128xf32, #tpu.memory_space<vmem>>
      %dma_wait3A_1701 = tpu.memref_squeeze %dma_wait3A_1700 : memref<1x64x128xf32, #tpu.memory_space<vmem>> -> memref<64x128xf32, #tpu.memory_space<vmem>>
      %dma_wait3A_1702 = arith.constant 0 : i32
      %dma_wait3A_1703 = arith.constant 0 : i32
      %dma_wait3A_1704 = tpu.memref_slice %arg5[%dma_wait3A_1702, %dma_wait3A_1703] : memref<64x1000000xf32, #tpu.memory_space<hbm>> -> memref<64x128xf32, #tpu.memory_space<hbm>>
      %dma_wait3A_1705 = arith.constant 0 : i32
      %dma_wait3A_1706 = arith.constant 0 : i32
      %dma_wait3A_1707 = tpu.memref_slice %arg10[%dma_wait3A_1697, %dma_wait3A_1705, %dma_wait3A_1706] : memref<4x64x128xf32, #tpu.memory_space<vmem>> -> memref<1x64x128xf32, #tpu.memory_space<vmem>>
      %dma_wait3A_1708 = tpu.memref_squeeze %dma_wait3A_1707 : memref<1x64x128xf32, #tpu.memory_space<vmem>> -> memref<64x128xf32, #tpu.memory_space<vmem>>
      %dma_wait3A_1709 = arith.constant 0 : i32
      %dma_wait3A_1710 = arith.constant 0 : i32
      %dma_wait3A_1711 = tpu.memref_slice %arg5[%dma_wait3A_1709, %dma_wait3A_1710] : memref<64x1000000xf32, #tpu.memory_space<hbm>> -> memref<64x128xf32, #tpu.memory_space<hbm>>
      tpu.wait_dma2 semaphore(%arg17 : memref<!tpu.dma_semaphore, #tpu.memory_space<semaphore_mem>>) src(%dma_wait3A_1711 : memref<64x128xf32, #tpu.memory_space<hbm>>) dst(%dma_wait3A_1708 : memref<64x128xf32, #tpu.memory_space<vmem>>)
      %slice3A_1712 = vector.extract_strided_slice %and3A_332 {offsets = [9], sizes = [1], strides = [1]} : vector<16xi32> to vector<1xi32>
      %squeeze3A_1713 = vector.extract %slice3A_1712[0] : i32 from vector<1xi32>
      %slice3A_1714 = vector.extract_strided_slice %and3A_335 {offsets = [9], sizes = [1], strides = [1]} : vector<16xi32> to vector<1xi32>
      %squeeze3A_1715 = vector.extract %slice3A_1714[0] : i32 from vector<1xi32>
      %broadcast_in_dim3A_1716 = arith.constant 1 : i32
      %broadcast_in_dim3A_1717 = vector.broadcast %broadcast_in_dim3A_1716 : i32 to vector<16xi32>
      %broadcast_in_dim3A_1718 = vector.broadcast %squeeze3A_1713 : i32 to vector<16xi32>
      %broadcast_in_dim3A_1719 = vector.broadcast %squeeze3A_1715 : i32 to vector<16xi32>
      %broadcast_in_dim3A_1720 = arith.constant 0.000000e+00 : f32
      %broadcast_in_dim3A_1721 = vector.broadcast %broadcast_in_dim3A_1720 : f32 to vector<16xf32>
      %add3A_1722 = arith.constant 0 : i32
      %add3A_1723 = vector.broadcast %add3A_1722 : i32 to vector<16xi32>
      %add3A_1724 = arith.addi %add3A_1723, %iota3A : vector<16xi32>
      %gather3A_1725 = tpu.vector_load_idx %arg9[%broadcast_in_dim3A_1717, %add3A_1724, %broadcast_in_dim3A_1718] : memref<4x64x128xf32, #tpu.memory_space<vmem>>[vector<16xi32>, vector<16xi32>, vector<16xi32>], vector<16xf32>,
      %gather3A_1726 = tpu.vector_load_idx %arg10[%broadcast_in_dim3A_1717, %add3A_1724, %broadcast_in_dim3A_1719] : memref<4x64x128xf32, #tpu.memory_space<vmem>>[vector<16xi32>, vector<16xi32>, vector<16xi32>], vector<16xf32>,
      %mul3A_1727 = arith.mulf %gather3A_1725, %gather3A_1726 : vector<16xf32>
      %add3A_1728 = arith.addf %broadcast_in_dim3A_1721, %mul3A_1727 : vector<16xf32>
      %add3A_1729 = arith.constant 16 : i32
      %add3A_1730 = vector.broadcast %add3A_1729 : i32 to vector<16xi32>
      %add3A_1731 = arith.addi %add3A_1730, %iota3A : vector<16xi32>
      %gather3A_1732 = tpu.vector_load_idx %arg9[%broadcast_in_dim3A_1717, %add3A_1731, %broadcast_in_dim3A_1718] : memref<4x64x128xf32, #tpu.memory_space<vmem>>[vector<16xi32>, vector<16xi32>, vector<16xi32>], vector<16xf32>,
      %gather3A_1733 = tpu.vector_load_idx %arg10[%broadcast_in_dim3A_1717, %add3A_1731, %broadcast_in_dim3A_1719] : memref<4x64x128xf32, #tpu.memory_space<vmem>>[vector<16xi32>, vector<16xi32>, vector<16xi32>], vector<16xf32>,
      %mul3A_1734 = arith.mulf %gather3A_1732, %gather3A_1733 : vector<16xf32>
      %add3A_1735 = arith.addf %add3A_1728, %mul3A_1734 : vector<16xf32>
      %add3A_1736 = arith.constant 32 : i32
      %add3A_1737 = vector.broadcast %add3A_1736 : i32 to vector<16xi32>
      %add3A_1738 = arith.addi %add3A_1737, %iota3A : vector<16xi32>
      %gather3A_1739 = tpu.vector_load_idx %arg9[%broadcast_in_dim3A_1717, %add3A_1738, %broadcast_in_dim3A_1718] : memref<4x64x128xf32, #tpu.memory_space<vmem>>[vector<16xi32>, vector<16xi32>, vector<16xi32>], vector<16xf32>,
      %gather3A_1740 = tpu.vector_load_idx %arg10[%broadcast_in_dim3A_1717, %add3A_1738, %broadcast_in_dim3A_1719] : memref<4x64x128xf32, #tpu.memory_space<vmem>>[vector<16xi32>, vector<16xi32>, vector<16xi32>], vector<16xf32>,
      %mul3A_1741 = arith.mulf %gather3A_1739, %gather3A_1740 : vector<16xf32>
      %add3A_1742 = arith.addf %add3A_1735, %mul3A_1741 : vector<16xf32>
      %add3A_1743 = arith.constant 48 : i32
      %add3A_1744 = vector.broadcast %add3A_1743 : i32 to vector<16xi32>
      %add3A_1745 = arith.addi %add3A_1744, %iota3A : vector<16xi32>
      %gather3A_1746 = tpu.vector_load_idx %arg9[%broadcast_in_dim3A_1717, %add3A_1745, %broadcast_in_dim3A_1718] : memref<4x64x128xf32, #tpu.memory_space<vmem>>[vector<16xi32>, vector<16xi32>, vector<16xi32>], vector<16xf32>,
      %gather3A_1747 = tpu.vector_load_idx %arg10[%broadcast_in_dim3A_1717, %add3A_1745, %broadcast_in_dim3A_1719] : memref<4x64x128xf32, #tpu.memory_space<vmem>>[vector<16xi32>, vector<16xi32>, vector<16xi32>], vector<16xf32>,
      %mul3A_1748 = arith.mulf %gather3A_1746, %gather3A_1747 : vector<16xf32>
      %add3A_1749 = arith.addf %add3A_1742, %mul3A_1748 : vector<16xf32>
      %reduce_sum3A_1750 = arith.constant true
      %reduce_sum3A_1751 = vector.broadcast %reduce_sum3A_1750 : i1 to vector<16xi1>
      %reduce_sum3A_1752 = tpu.scan <sum>, %add3A_1749 masked %reduce_sum3A_1751 : vector<16xf32>, vector<16xi1> -> vector<16xf32>
      %reduce_sum3A_1753 = vector.extract %reduce_sum3A_1752[15] : f32 from vector<16xf32>
      %eq3A_1754 = arith.constant 9 : i32
      %eq3A_1755 = vector.broadcast %eq3A_1754 : i32 to vector<16xi32>
      %eq3A_1756 = arith.cmpi eq, %iota3A, %eq3A_1755 : vector<16xi32>
      %broadcast_in_dim3A_1757 = vector.broadcast %reduce_sum3A_1753 : f32 to vector<16xf32>
      %select_n3A_1758 = arith.select %eq3A_1756, %broadcast_in_dim3A_1757, %select_n3A_1647 : vector<16xi1>, vector<16xf32>
      %slice3A_1759 = vector.extract_strided_slice %shift_right_arithmetic3A_327 {offsets = [13], sizes = [1], strides = [1]} : vector<16xi32> to vector<1xi32>
      %squeeze3A_1760 = vector.extract %slice3A_1759[0] : i32 from vector<1xi32>
      %mul3A_1761 = arith.constant 128 : i32
      %mul3A_1762 = arith.muli %squeeze3A_1760, %mul3A_1761 : i32
      %dma_start3A_1763 = arith.constant 1 : i32
      %dma_start3A_1764 = arith.constant 0 : i32
      %dma_start3A_1765 = arith.constant 0 : i32
      %dma_start3A_1766 = tpu.memref_slice %arg9[%dma_start3A_1763, %dma_start3A_1764, %dma_start3A_1765] : memref<4x64x128xf32, #tpu.memory_space<vmem>> -> memref<1x64x128xf32, #tpu.memory_space<vmem>>
      %dma_start3A_1767 = tpu.memref_squeeze %dma_start3A_1766 : memref<1x64x128xf32, #tpu.memory_space<vmem>> -> memref<64x128xf32, #tpu.memory_space<vmem>>
      %dma_start3A_1768 = arith.constant 0 : i32
      %dma_start3A_1769 = tpu.memref_slice %arg4[%dma_start3A_1768, %mul3A_1762] : memref<64x1000000xf32, #tpu.memory_space<hbm>> -> memref<64x128xf32, #tpu.memory_space<hbm>>
      %dma_start3A_1770 = arith.constant 0 : i32
      %dma_start3A_1771 = arith.constant 0 : i32
      %dma_start3A_1772 = tpu.memref_slice %arg9[%dma_start3A_1763, %dma_start3A_1770, %dma_start3A_1771] : memref<4x64x128xf32, #tpu.memory_space<vmem>> -> memref<1x64x128xf32, #tpu.memory_space<vmem>>
      %dma_start3A_1773 = tpu.memref_squeeze %dma_start3A_1772 : memref<1x64x128xf32, #tpu.memory_space<vmem>> -> memref<64x128xf32, #tpu.memory_space<vmem>>
      %dma_start3A_1774 = arith.constant 0 : i32
      %dma_start3A_1775 = tpu.memref_slice %arg4[%dma_start3A_1774, %mul3A_1762] : memref<64x1000000xf32, #tpu.memory_space<hbm>> -> memref<64x128xf32, #tpu.memory_space<hbm>>
      tpu.enqueue_dma source(%dma_start3A_1775 : memref<64x128xf32, #tpu.memory_space<hbm>>) target(%dma_start3A_1773 : memref<64x128xf32, #tpu.memory_space<vmem>>) target_semaphore(%arg13 : memref<!tpu.dma_semaphore, #tpu.memory_space<semaphore_mem>>)
      %slice3A_1776 = vector.extract_strided_slice %shift_right_arithmetic3A_330 {offsets = [13], sizes = [1], strides = [1]} : vector<16xi32> to vector<1xi32>
      %squeeze3A_1777 = vector.extract %slice3A_1776[0] : i32 from vector<1xi32>
      %mul3A_1778 = arith.constant 128 : i32
      %mul3A_1779 = arith.muli %squeeze3A_1777, %mul3A_1778 : i32
      %dma_start3A_1780 = arith.constant 1 : i32
      %dma_start3A_1781 = arith.constant 0 : i32
      %dma_start3A_1782 = arith.constant 0 : i32
      %dma_start3A_1783 = tpu.memref_slice %arg10[%dma_start3A_1780, %dma_start3A_1781, %dma_start3A_1782] : memref<4x64x128xf32, #tpu.memory_space<vmem>> -> memref<1x64x128xf32, #tpu.memory_space<vmem>>
      %dma_start3A_1784 = tpu.memref_squeeze %dma_start3A_1783 : memref<1x64x128xf32, #tpu.memory_space<vmem>> -> memref<64x128xf32, #tpu.memory_space<vmem>>
      %dma_start3A_1785 = arith.constant 0 : i32
      %dma_start3A_1786 = tpu.memref_slice %arg5[%dma_start3A_1785, %mul3A_1779] : memref<64x1000000xf32, #tpu.memory_space<hbm>> -> memref<64x128xf32, #tpu.memory_space<hbm>>
      %dma_start3A_1787 = arith.constant 0 : i32
      %dma_start3A_1788 = arith.constant 0 : i32
      %dma_start3A_1789 = tpu.memref_slice %arg10[%dma_start3A_1780, %dma_start3A_1787, %dma_start3A_1788] : memref<4x64x128xf32, #tpu.memory_space<vmem>> -> memref<1x64x128xf32, #tpu.memory_space<vmem>>
      %dma_start3A_1790 = tpu.memref_squeeze %dma_start3A_1789 : memref<1x64x128xf32, #tpu.memory_space<vmem>> -> memref<64x128xf32, #tpu.memory_space<vmem>>
      %dma_start3A_1791 = arith.constant 0 : i32
      %dma_start3A_1792 = tpu.memref_slice %arg5[%dma_start3A_1791, %mul3A_1779] : memref<64x1000000xf32, #tpu.memory_space<hbm>> -> memref<64x128xf32, #tpu.memory_space<hbm>>
      tpu.enqueue_dma source(%dma_start3A_1792 : memref<64x128xf32, #tpu.memory_space<hbm>>) target(%dma_start3A_1790 : memref<64x128xf32, #tpu.memory_space<vmem>>) target_semaphore(%arg17 : memref<!tpu.dma_semaphore, #tpu.memory_space<semaphore_mem>>)
      %dma_wait3A_1793 = arith.constant 2 : i32
      %dma_wait3A_1794 = arith.constant 0 : i32
      %dma_wait3A_1795 = arith.constant 0 : i32
      %dma_wait3A_1796 = tpu.memref_slice %arg9[%dma_wait3A_1793, %dma_wait3A_1794, %dma_wait3A_1795] : memref<4x64x128xf32, #tpu.memory_space<vmem>> -> memref<1x64x128xf32, #tpu.memory_space<vmem>>
      %dma_wait3A_1797 = tpu.memref_squeeze %dma_wait3A_1796 : memref<1x64x128xf32, #tpu.memory_space<vmem>> -> memref<64x128xf32, #tpu.memory_space<vmem>>
      %dma_wait3A_1798 = arith.constant 0 : i32
      %dma_wait3A_1799 = arith.constant 0 : i32
      %dma_wait3A_1800 = tpu.memref_slice %arg4[%dma_wait3A_1798, %dma_wait3A_1799] : memref<64x1000000xf32, #tpu.memory_space<hbm>> -> memref<64x128xf32, #tpu.memory_space<hbm>>
      %dma_wait3A_1801 = arith.constant 0 : i32
      %dma_wait3A_1802 = arith.constant 0 : i32
      %dma_wait3A_1803 = tpu.memref_slice %arg9[%dma_wait3A_1793, %dma_wait3A_1801, %dma_wait3A_1802] : memref<4x64x128xf32, #tpu.memory_space<vmem>> -> memref<1x64x128xf32, #tpu.memory_space<vmem>>
      %dma_wait3A_1804 = tpu.memref_squeeze %dma_wait3A_1803 : memref<1x64x128xf32, #tpu.memory_space<vmem>> -> memref<64x128xf32, #tpu.memory_space<vmem>>
      %dma_wait3A_1805 = arith.constant 0 : i32
      %dma_wait3A_1806 = arith.constant 0 : i32
      %dma_wait3A_1807 = tpu.memref_slice %arg4[%dma_wait3A_1805, %dma_wait3A_1806] : memref<64x1000000xf32, #tpu.memory_space<hbm>> -> memref<64x128xf32, #tpu.memory_space<hbm>>
      tpu.wait_dma2 semaphore(%arg14 : memref<!tpu.dma_semaphore, #tpu.memory_space<semaphore_mem>>) src(%dma_wait3A_1807 : memref<64x128xf32, #tpu.memory_space<hbm>>) dst(%dma_wait3A_1804 : memref<64x128xf32, #tpu.memory_space<vmem>>)
      %dma_wait3A_1808 = arith.constant 2 : i32
      %dma_wait3A_1809 = arith.constant 0 : i32
      %dma_wait3A_1810 = arith.constant 0 : i32
      %dma_wait3A_1811 = tpu.memref_slice %arg10[%dma_wait3A_1808, %dma_wait3A_1809, %dma_wait3A_1810] : memref<4x64x128xf32, #tpu.memory_space<vmem>> -> memref<1x64x128xf32, #tpu.memory_space<vmem>>
      %dma_wait3A_1812 = tpu.memref_squeeze %dma_wait3A_1811 : memref<1x64x128xf32, #tpu.memory_space<vmem>> -> memref<64x128xf32, #tpu.memory_space<vmem>>
      %dma_wait3A_1813 = arith.constant 0 : i32
      %dma_wait3A_1814 = arith.constant 0 : i32
      %dma_wait3A_1815 = tpu.memref_slice %arg5[%dma_wait3A_1813, %dma_wait3A_1814] : memref<64x1000000xf32, #tpu.memory_space<hbm>> -> memref<64x128xf32, #tpu.memory_space<hbm>>
      %dma_wait3A_1816 = arith.constant 0 : i32
      %dma_wait3A_1817 = arith.constant 0 : i32
      %dma_wait3A_1818 = tpu.memref_slice %arg10[%dma_wait3A_1808, %dma_wait3A_1816, %dma_wait3A_1817] : memref<4x64x128xf32, #tpu.memory_space<vmem>> -> memref<1x64x128xf32, #tpu.memory_space<vmem>>
      %dma_wait3A_1819 = tpu.memref_squeeze %dma_wait3A_1818 : memref<1x64x128xf32, #tpu.memory_space<vmem>> -> memref<64x128xf32, #tpu.memory_space<vmem>>
      %dma_wait3A_1820 = arith.constant 0 : i32
      %dma_wait3A_1821 = arith.constant 0 : i32
      %dma_wait3A_1822 = tpu.memref_slice %arg5[%dma_wait3A_1820, %dma_wait3A_1821] : memref<64x1000000xf32, #tpu.memory_space<hbm>> -> memref<64x128xf32, #tpu.memory_space<hbm>>
      tpu.wait_dma2 semaphore(%arg18 : memref<!tpu.dma_semaphore, #tpu.memory_space<semaphore_mem>>) src(%dma_wait3A_1822 : memref<64x128xf32, #tpu.memory_space<hbm>>) dst(%dma_wait3A_1819 : memref<64x128xf32, #tpu.memory_space<vmem>>)
      %slice3A_1823 = vector.extract_strided_slice %and3A_332 {offsets = [10], sizes = [1], strides = [1]} : vector<16xi32> to vector<1xi32>
      %squeeze3A_1824 = vector.extract %slice3A_1823[0] : i32 from vector<1xi32>
      %slice3A_1825 = vector.extract_strided_slice %and3A_335 {offsets = [10], sizes = [1], strides = [1]} : vector<16xi32> to vector<1xi32>
      %squeeze3A_1826 = vector.extract %slice3A_1825[0] : i32 from vector<1xi32>
      %broadcast_in_dim3A_1827 = arith.constant 2 : i32
      %broadcast_in_dim3A_1828 = vector.broadcast %broadcast_in_dim3A_1827 : i32 to vector<16xi32>
      %broadcast_in_dim3A_1829 = vector.broadcast %squeeze3A_1824 : i32 to vector<16xi32>
      %broadcast_in_dim3A_1830 = vector.broadcast %squeeze3A_1826 : i32 to vector<16xi32>
      %broadcast_in_dim3A_1831 = arith.constant 0.000000e+00 : f32
      %broadcast_in_dim3A_1832 = vector.broadcast %broadcast_in_dim3A_1831 : f32 to vector<16xf32>
      %add3A_1833 = arith.constant 0 : i32
      %add3A_1834 = vector.broadcast %add3A_1833 : i32 to vector<16xi32>
      %add3A_1835 = arith.addi %add3A_1834, %iota3A : vector<16xi32>
      %gather3A_1836 = tpu.vector_load_idx %arg9[%broadcast_in_dim3A_1828, %add3A_1835, %broadcast_in_dim3A_1829] : memref<4x64x128xf32, #tpu.memory_space<vmem>>[vector<16xi32>, vector<16xi32>, vector<16xi32>], vector<16xf32>,
      %gather3A_1837 = tpu.vector_load_idx %arg10[%broadcast_in_dim3A_1828, %add3A_1835, %broadcast_in_dim3A_1830] : memref<4x64x128xf32, #tpu.memory_space<vmem>>[vector<16xi32>, vector<16xi32>, vector<16xi32>], vector<16xf32>,
      %mul3A_1838 = arith.mulf %gather3A_1836, %gather3A_1837 : vector<16xf32>
      %add3A_1839 = arith.addf %broadcast_in_dim3A_1832, %mul3A_1838 : vector<16xf32>
      %add3A_1840 = arith.constant 16 : i32
      %add3A_1841 = vector.broadcast %add3A_1840 : i32 to vector<16xi32>
      %add3A_1842 = arith.addi %add3A_1841, %iota3A : vector<16xi32>
      %gather3A_1843 = tpu.vector_load_idx %arg9[%broadcast_in_dim3A_1828, %add3A_1842, %broadcast_in_dim3A_1829] : memref<4x64x128xf32, #tpu.memory_space<vmem>>[vector<16xi32>, vector<16xi32>, vector<16xi32>], vector<16xf32>,
      %gather3A_1844 = tpu.vector_load_idx %arg10[%broadcast_in_dim3A_1828, %add3A_1842, %broadcast_in_dim3A_1830] : memref<4x64x128xf32, #tpu.memory_space<vmem>>[vector<16xi32>, vector<16xi32>, vector<16xi32>], vector<16xf32>,
      %mul3A_1845 = arith.mulf %gather3A_1843, %gather3A_1844 : vector<16xf32>
      %add3A_1846 = arith.addf %add3A_1839, %mul3A_1845 : vector<16xf32>
      %add3A_1847 = arith.constant 32 : i32
      %add3A_1848 = vector.broadcast %add3A_1847 : i32 to vector<16xi32>
      %add3A_1849 = arith.addi %add3A_1848, %iota3A : vector<16xi32>
      %gather3A_1850 = tpu.vector_load_idx %arg9[%broadcast_in_dim3A_1828, %add3A_1849, %broadcast_in_dim3A_1829] : memref<4x64x128xf32, #tpu.memory_space<vmem>>[vector<16xi32>, vector<16xi32>, vector<16xi32>], vector<16xf32>,
      %gather3A_1851 = tpu.vector_load_idx %arg10[%broadcast_in_dim3A_1828, %add3A_1849, %broadcast_in_dim3A_1830] : memref<4x64x128xf32, #tpu.memory_space<vmem>>[vector<16xi32>, vector<16xi32>, vector<16xi32>], vector<16xf32>,
      %mul3A_1852 = arith.mulf %gather3A_1850, %gather3A_1851 : vector<16xf32>
      %add3A_1853 = arith.addf %add3A_1846, %mul3A_1852 : vector<16xf32>
      %add3A_1854 = arith.constant 48 : i32
      %add3A_1855 = vector.broadcast %add3A_1854 : i32 to vector<16xi32>
      %add3A_1856 = arith.addi %add3A_1855, %iota3A : vector<16xi32>
      %gather3A_1857 = tpu.vector_load_idx %arg9[%broadcast_in_dim3A_1828, %add3A_1856, %broadcast_in_dim3A_1829] : memref<4x64x128xf32, #tpu.memory_space<vmem>>[vector<16xi32>, vector<16xi32>, vector<16xi32>], vector<16xf32>,
      %gather3A_1858 = tpu.vector_load_idx %arg10[%broadcast_in_dim3A_1828, %add3A_1856, %broadcast_in_dim3A_1830] : memref<4x64x128xf32, #tpu.memory_space<vmem>>[vector<16xi32>, vector<16xi32>, vector<16xi32>], vector<16xf32>,
      %mul3A_1859 = arith.mulf %gather3A_1857, %gather3A_1858 : vector<16xf32>
      %add3A_1860 = arith.addf %add3A_1853, %mul3A_1859 : vector<16xf32>
      %reduce_sum3A_1861 = arith.constant true
      %reduce_sum3A_1862 = vector.broadcast %reduce_sum3A_1861 : i1 to vector<16xi1>
      %reduce_sum3A_1863 = tpu.scan <sum>, %add3A_1860 masked %reduce_sum3A_1862 : vector<16xf32>, vector<16xi1> -> vector<16xf32>
      %reduce_sum3A_1864 = vector.extract %reduce_sum3A_1863[15] : f32 from vector<16xf32>
      %eq3A_1865 = arith.constant 10 : i32
      %eq3A_1866 = vector.broadcast %eq3A_1865 : i32 to vector<16xi32>
      %eq3A_1867 = arith.cmpi eq, %iota3A, %eq3A_1866 : vector<16xi32>
      %broadcast_in_dim3A_1868 = vector.broadcast %reduce_sum3A_1864 : f32 to vector<16xf32>
      %select_n3A_1869 = arith.select %eq3A_1867, %broadcast_in_dim3A_1868, %select_n3A_1758 : vector<16xi1>, vector<16xf32>
      %slice3A_1870 = vector.extract_strided_slice %shift_right_arithmetic3A_327 {offsets = [14], sizes = [1], strides = [1]} : vector<16xi32> to vector<1xi32>
      %squeeze3A_1871 = vector.extract %slice3A_1870[0] : i32 from vector<1xi32>
      %mul3A_1872 = arith.constant 128 : i32
      %mul3A_1873 = arith.muli %squeeze3A_1871, %mul3A_1872 : i32
      %dma_start3A_1874 = arith.constant 2 : i32
      %dma_start3A_1875 = arith.constant 0 : i32
      %dma_start3A_1876 = arith.constant 0 : i32
      %dma_start3A_1877 = tpu.memref_slice %arg9[%dma_start3A_1874, %dma_start3A_1875, %dma_start3A_1876] : memref<4x64x128xf32, #tpu.memory_space<vmem>> -> memref<1x64x128xf32, #tpu.memory_space<vmem>>
      %dma_start3A_1878 = tpu.memref_squeeze %dma_start3A_1877 : memref<1x64x128xf32, #tpu.memory_space<vmem>> -> memref<64x128xf32, #tpu.memory_space<vmem>>
      %dma_start3A_1879 = arith.constant 0 : i32
      %dma_start3A_1880 = tpu.memref_slice %arg4[%dma_start3A_1879, %mul3A_1873] : memref<64x1000000xf32, #tpu.memory_space<hbm>> -> memref<64x128xf32, #tpu.memory_space<hbm>>
      %dma_start3A_1881 = arith.constant 0 : i32
      %dma_start3A_1882 = arith.constant 0 : i32
      %dma_start3A_1883 = tpu.memref_slice %arg9[%dma_start3A_1874, %dma_start3A_1881, %dma_start3A_1882] : memref<4x64x128xf32, #tpu.memory_space<vmem>> -> memref<1x64x128xf32, #tpu.memory_space<vmem>>
      %dma_start3A_1884 = tpu.memref_squeeze %dma_start3A_1883 : memref<1x64x128xf32, #tpu.memory_space<vmem>> -> memref<64x128xf32, #tpu.memory_space<vmem>>
      %dma_start3A_1885 = arith.constant 0 : i32
      %dma_start3A_1886 = tpu.memref_slice %arg4[%dma_start3A_1885, %mul3A_1873] : memref<64x1000000xf32, #tpu.memory_space<hbm>> -> memref<64x128xf32, #tpu.memory_space<hbm>>
      tpu.enqueue_dma source(%dma_start3A_1886 : memref<64x128xf32, #tpu.memory_space<hbm>>) target(%dma_start3A_1884 : memref<64x128xf32, #tpu.memory_space<vmem>>) target_semaphore(%arg14 : memref<!tpu.dma_semaphore, #tpu.memory_space<semaphore_mem>>)
      %slice3A_1887 = vector.extract_strided_slice %shift_right_arithmetic3A_330 {offsets = [14], sizes = [1], strides = [1]} : vector<16xi32> to vector<1xi32>
      %squeeze3A_1888 = vector.extract %slice3A_1887[0] : i32 from vector<1xi32>
      %mul3A_1889 = arith.constant 128 : i32
      %mul3A_1890 = arith.muli %squeeze3A_1888, %mul3A_1889 : i32
      %dma_start3A_1891 = arith.constant 2 : i32
      %dma_start3A_1892 = arith.constant 0 : i32
      %dma_start3A_1893 = arith.constant 0 : i32
      %dma_start3A_1894 = tpu.memref_slice %arg10[%dma_start3A_1891, %dma_start3A_1892, %dma_start3A_1893] : memref<4x64x128xf32, #tpu.memory_space<vmem>> -> memref<1x64x128xf32, #tpu.memory_space<vmem>>
      %dma_start3A_1895 = tpu.memref_squeeze %dma_start3A_1894 : memref<1x64x128xf32, #tpu.memory_space<vmem>> -> memref<64x128xf32, #tpu.memory_space<vmem>>
      %dma_start3A_1896 = arith.constant 0 : i32
      %dma_start3A_1897 = tpu.memref_slice %arg5[%dma_start3A_1896, %mul3A_1890] : memref<64x1000000xf32, #tpu.memory_space<hbm>> -> memref<64x128xf32, #tpu.memory_space<hbm>>
      %dma_start3A_1898 = arith.constant 0 : i32
      %dma_start3A_1899 = arith.constant 0 : i32
      %dma_start3A_1900 = tpu.memref_slice %arg10[%dma_start3A_1891, %dma_start3A_1898, %dma_start3A_1899] : memref<4x64x128xf32, #tpu.memory_space<vmem>> -> memref<1x64x128xf32, #tpu.memory_space<vmem>>
      %dma_start3A_1901 = tpu.memref_squeeze %dma_start3A_1900 : memref<1x64x128xf32, #tpu.memory_space<vmem>> -> memref<64x128xf32, #tpu.memory_space<vmem>>
      %dma_start3A_1902 = arith.constant 0 : i32
      %dma_start3A_1903 = tpu.memref_slice %arg5[%dma_start3A_1902, %mul3A_1890] : memref<64x1000000xf32, #tpu.memory_space<hbm>> -> memref<64x128xf32, #tpu.memory_space<hbm>>
      tpu.enqueue_dma source(%dma_start3A_1903 : memref<64x128xf32, #tpu.memory_space<hbm>>) target(%dma_start3A_1901 : memref<64x128xf32, #tpu.memory_space<vmem>>) target_semaphore(%arg18 : memref<!tpu.dma_semaphore, #tpu.memory_space<semaphore_mem>>)
      %dma_wait3A_1904 = arith.constant 3 : i32
      %dma_wait3A_1905 = arith.constant 0 : i32
      %dma_wait3A_1906 = arith.constant 0 : i32
      %dma_wait3A_1907 = tpu.memref_slice %arg9[%dma_wait3A_1904, %dma_wait3A_1905, %dma_wait3A_1906] : memref<4x64x128xf32, #tpu.memory_space<vmem>> -> memref<1x64x128xf32, #tpu.memory_space<vmem>>
      %dma_wait3A_1908 = tpu.memref_squeeze %dma_wait3A_1907 : memref<1x64x128xf32, #tpu.memory_space<vmem>> -> memref<64x128xf32, #tpu.memory_space<vmem>>
      %dma_wait3A_1909 = arith.constant 0 : i32
      %dma_wait3A_1910 = arith.constant 0 : i32
      %dma_wait3A_1911 = tpu.memref_slice %arg4[%dma_wait3A_1909, %dma_wait3A_1910] : memref<64x1000000xf32, #tpu.memory_space<hbm>> -> memref<64x128xf32, #tpu.memory_space<hbm>>
      %dma_wait3A_1912 = arith.constant 0 : i32
      %dma_wait3A_1913 = arith.constant 0 : i32
      %dma_wait3A_1914 = tpu.memref_slice %arg9[%dma_wait3A_1904, %dma_wait3A_1912, %dma_wait3A_1913] : memref<4x64x128xf32, #tpu.memory_space<vmem>> -> memref<1x64x128xf32, #tpu.memory_space<vmem>>
      %dma_wait3A_1915 = tpu.memref_squeeze %dma_wait3A_1914 : memref<1x64x128xf32, #tpu.memory_space<vmem>> -> memref<64x128xf32, #tpu.memory_space<vmem>>
      %dma_wait3A_1916 = arith.constant 0 : i32
      %dma_wait3A_1917 = arith.constant 0 : i32
      %dma_wait3A_1918 = tpu.memref_slice %arg4[%dma_wait3A_1916, %dma_wait3A_1917] : memref<64x1000000xf32, #tpu.memory_space<hbm>> -> memref<64x128xf32, #tpu.memory_space<hbm>>
      tpu.wait_dma2 semaphore(%arg15 : memref<!tpu.dma_semaphore, #tpu.memory_space<semaphore_mem>>) src(%dma_wait3A_1918 : memref<64x128xf32, #tpu.memory_space<hbm>>) dst(%dma_wait3A_1915 : memref<64x128xf32, #tpu.memory_space<vmem>>)
      %dma_wait3A_1919 = arith.constant 3 : i32
      %dma_wait3A_1920 = arith.constant 0 : i32
      %dma_wait3A_1921 = arith.constant 0 : i32
      %dma_wait3A_1922 = tpu.memref_slice %arg10[%dma_wait3A_1919, %dma_wait3A_1920, %dma_wait3A_1921] : memref<4x64x128xf32, #tpu.memory_space<vmem>> -> memref<1x64x128xf32, #tpu.memory_space<vmem>>
      %dma_wait3A_1923 = tpu.memref_squeeze %dma_wait3A_1922 : memref<1x64x128xf32, #tpu.memory_space<vmem>> -> memref<64x128xf32, #tpu.memory_space<vmem>>
      %dma_wait3A_1924 = arith.constant 0 : i32
      %dma_wait3A_1925 = arith.constant 0 : i32
      %dma_wait3A_1926 = tpu.memref_slice %arg5[%dma_wait3A_1924, %dma_wait3A_1925] : memref<64x1000000xf32, #tpu.memory_space<hbm>> -> memref<64x128xf32, #tpu.memory_space<hbm>>
      %dma_wait3A_1927 = arith.constant 0 : i32
      %dma_wait3A_1928 = arith.constant 0 : i32
      %dma_wait3A_1929 = tpu.memref_slice %arg10[%dma_wait3A_1919, %dma_wait3A_1927, %dma_wait3A_1928] : memref<4x64x128xf32, #tpu.memory_space<vmem>> -> memref<1x64x128xf32, #tpu.memory_space<vmem>>
      %dma_wait3A_1930 = tpu.memref_squeeze %dma_wait3A_1929 : memref<1x64x128xf32, #tpu.memory_space<vmem>> -> memref<64x128xf32, #tpu.memory_space<vmem>>
      %dma_wait3A_1931 = arith.constant 0 : i32
      %dma_wait3A_1932 = arith.constant 0 : i32
      %dma_wait3A_1933 = tpu.memref_slice %arg5[%dma_wait3A_1931, %dma_wait3A_1932] : memref<64x1000000xf32, #tpu.memory_space<hbm>> -> memref<64x128xf32, #tpu.memory_space<hbm>>
      tpu.wait_dma2 semaphore(%arg19 : memref<!tpu.dma_semaphore, #tpu.memory_space<semaphore_mem>>) src(%dma_wait3A_1933 : memref<64x128xf32, #tpu.memory_space<hbm>>) dst(%dma_wait3A_1930 : memref<64x128xf32, #tpu.memory_space<vmem>>)
      %slice3A_1934 = vector.extract_strided_slice %and3A_332 {offsets = [11], sizes = [1], strides = [1]} : vector<16xi32> to vector<1xi32>
      %squeeze3A_1935 = vector.extract %slice3A_1934[0] : i32 from vector<1xi32>
      %slice3A_1936 = vector.extract_strided_slice %and3A_335 {offsets = [11], sizes = [1], strides = [1]} : vector<16xi32> to vector<1xi32>
      %squeeze3A_1937 = vector.extract %slice3A_1936[0] : i32 from vector<1xi32>
      %broadcast_in_dim3A_1938 = arith.constant 3 : i32
      %broadcast_in_dim3A_1939 = vector.broadcast %broadcast_in_dim3A_1938 : i32 to vector<16xi32>
      %broadcast_in_dim3A_1940 = vector.broadcast %squeeze3A_1935 : i32 to vector<16xi32>
      %broadcast_in_dim3A_1941 = vector.broadcast %squeeze3A_1937 : i32 to vector<16xi32>
      %broadcast_in_dim3A_1942 = arith.constant 0.000000e+00 : f32
      %broadcast_in_dim3A_1943 = vector.broadcast %broadcast_in_dim3A_1942 : f32 to vector<16xf32>
      %add3A_1944 = arith.constant 0 : i32
      %add3A_1945 = vector.broadcast %add3A_1944 : i32 to vector<16xi32>
      %add3A_1946 = arith.addi %add3A_1945, %iota3A : vector<16xi32>
      %gather3A_1947 = tpu.vector_load_idx %arg9[%broadcast_in_dim3A_1939, %add3A_1946, %broadcast_in_dim3A_1940] : memref<4x64x128xf32, #tpu.memory_space<vmem>>[vector<16xi32>, vector<16xi32>, vector<16xi32>], vector<16xf32>,
      %gather3A_1948 = tpu.vector_load_idx %arg10[%broadcast_in_dim3A_1939, %add3A_1946, %broadcast_in_dim3A_1941] : memref<4x64x128xf32, #tpu.memory_space<vmem>>[vector<16xi32>, vector<16xi32>, vector<16xi32>], vector<16xf32>,
      %mul3A_1949 = arith.mulf %gather3A_1947, %gather3A_1948 : vector<16xf32>
      %add3A_1950 = arith.addf %broadcast_in_dim3A_1943, %mul3A_1949 : vector<16xf32>
      %add3A_1951 = arith.constant 16 : i32
      %add3A_1952 = vector.broadcast %add3A_1951 : i32 to vector<16xi32>
      %add3A_1953 = arith.addi %add3A_1952, %iota3A : vector<16xi32>
      %gather3A_1954 = tpu.vector_load_idx %arg9[%broadcast_in_dim3A_1939, %add3A_1953, %broadcast_in_dim3A_1940] : memref<4x64x128xf32, #tpu.memory_space<vmem>>[vector<16xi32>, vector<16xi32>, vector<16xi32>], vector<16xf32>,
      %gather3A_1955 = tpu.vector_load_idx %arg10[%broadcast_in_dim3A_1939, %add3A_1953, %broadcast_in_dim3A_1941] : memref<4x64x128xf32, #tpu.memory_space<vmem>>[vector<16xi32>, vector<16xi32>, vector<16xi32>], vector<16xf32>,
      %mul3A_1956 = arith.mulf %gather3A_1954, %gather3A_1955 : vector<16xf32>
      %add3A_1957 = arith.addf %add3A_1950, %mul3A_1956 : vector<16xf32>
      %add3A_1958 = arith.constant 32 : i32
      %add3A_1959 = vector.broadcast %add3A_1958 : i32 to vector<16xi32>
      %add3A_1960 = arith.addi %add3A_1959, %iota3A : vector<16xi32>
      %gather3A_1961 = tpu.vector_load_idx %arg9[%broadcast_in_dim3A_1939, %add3A_1960, %broadcast_in_dim3A_1940] : memref<4x64x128xf32, #tpu.memory_space<vmem>>[vector<16xi32>, vector<16xi32>, vector<16xi32>], vector<16xf32>,
      %gather3A_1962 = tpu.vector_load_idx %arg10[%broadcast_in_dim3A_1939, %add3A_1960, %broadcast_in_dim3A_1941] : memref<4x64x128xf32, #tpu.memory_space<vmem>>[vector<16xi32>, vector<16xi32>, vector<16xi32>], vector<16xf32>,
      %mul3A_1963 = arith.mulf %gather3A_1961, %gather3A_1962 : vector<16xf32>
      %add3A_1964 = arith.addf %add3A_1957, %mul3A_1963 : vector<16xf32>
      %add3A_1965 = arith.constant 48 : i32
      %add3A_1966 = vector.broadcast %add3A_1965 : i32 to vector<16xi32>
      %add3A_1967 = arith.addi %add3A_1966, %iota3A : vector<16xi32>
      %gather3A_1968 = tpu.vector_load_idx %arg9[%broadcast_in_dim3A_1939, %add3A_1967, %broadcast_in_dim3A_1940] : memref<4x64x128xf32, #tpu.memory_space<vmem>>[vector<16xi32>, vector<16xi32>, vector<16xi32>], vector<16xf32>,
      %gather3A_1969 = tpu.vector_load_idx %arg10[%broadcast_in_dim3A_1939, %add3A_1967, %broadcast_in_dim3A_1941] : memref<4x64x128xf32, #tpu.memory_space<vmem>>[vector<16xi32>, vector<16xi32>, vector<16xi32>], vector<16xf32>,
      %mul3A_1970 = arith.mulf %gather3A_1968, %gather3A_1969 : vector<16xf32>
      %add3A_1971 = arith.addf %add3A_1964, %mul3A_1970 : vector<16xf32>
      %reduce_sum3A_1972 = arith.constant true
      %reduce_sum3A_1973 = vector.broadcast %reduce_sum3A_1972 : i1 to vector<16xi1>
      %reduce_sum3A_1974 = tpu.scan <sum>, %add3A_1971 masked %reduce_sum3A_1973 : vector<16xf32>, vector<16xi1> -> vector<16xf32>
      %reduce_sum3A_1975 = vector.extract %reduce_sum3A_1974[15] : f32 from vector<16xf32>
      %eq3A_1976 = arith.constant 11 : i32
      %eq3A_1977 = vector.broadcast %eq3A_1976 : i32 to vector<16xi32>
      %eq3A_1978 = arith.cmpi eq, %iota3A, %eq3A_1977 : vector<16xi32>
      %broadcast_in_dim3A_1979 = vector.broadcast %reduce_sum3A_1975 : f32 to vector<16xf32>
      %select_n3A_1980 = arith.select %eq3A_1978, %broadcast_in_dim3A_1979, %select_n3A_1869 : vector<16xi1>, vector<16xf32>
      %slice3A_1981 = vector.extract_strided_slice %shift_right_arithmetic3A_327 {offsets = [15], sizes = [1], strides = [1]} : vector<16xi32> to vector<1xi32>
      %squeeze3A_1982 = vector.extract %slice3A_1981[0] : i32 from vector<1xi32>
      %mul3A_1983 = arith.constant 128 : i32
      %mul3A_1984 = arith.muli %squeeze3A_1982, %mul3A_1983 : i32
      %dma_start3A_1985 = arith.constant 3 : i32
      %dma_start3A_1986 = arith.constant 0 : i32
      %dma_start3A_1987 = arith.constant 0 : i32
      %dma_start3A_1988 = tpu.memref_slice %arg9[%dma_start3A_1985, %dma_start3A_1986, %dma_start3A_1987] : memref<4x64x128xf32, #tpu.memory_space<vmem>> -> memref<1x64x128xf32, #tpu.memory_space<vmem>>
      %dma_start3A_1989 = tpu.memref_squeeze %dma_start3A_1988 : memref<1x64x128xf32, #tpu.memory_space<vmem>> -> memref<64x128xf32, #tpu.memory_space<vmem>>
      %dma_start3A_1990 = arith.constant 0 : i32
      %dma_start3A_1991 = tpu.memref_slice %arg4[%dma_start3A_1990, %mul3A_1984] : memref<64x1000000xf32, #tpu.memory_space<hbm>> -> memref<64x128xf32, #tpu.memory_space<hbm>>
      %dma_start3A_1992 = arith.constant 0 : i32
      %dma_start3A_1993 = arith.constant 0 : i32
      %dma_start3A_1994 = tpu.memref_slice %arg9[%dma_start3A_1985, %dma_start3A_1992, %dma_start3A_1993] : memref<4x64x128xf32, #tpu.memory_space<vmem>> -> memref<1x64x128xf32, #tpu.memory_space<vmem>>
      %dma_start3A_1995 = tpu.memref_squeeze %dma_start3A_1994 : memref<1x64x128xf32, #tpu.memory_space<vmem>> -> memref<64x128xf32, #tpu.memory_space<vmem>>
      %dma_start3A_1996 = arith.constant 0 : i32
      %dma_start3A_1997 = tpu.memref_slice %arg4[%dma_start3A_1996, %mul3A_1984] : memref<64x1000000xf32, #tpu.memory_space<hbm>> -> memref<64x128xf32, #tpu.memory_space<hbm>>
      tpu.enqueue_dma source(%dma_start3A_1997 : memref<64x128xf32, #tpu.memory_space<hbm>>) target(%dma_start3A_1995 : memref<64x128xf32, #tpu.memory_space<vmem>>) target_semaphore(%arg15 : memref<!tpu.dma_semaphore, #tpu.memory_space<semaphore_mem>>)
      %slice3A_1998 = vector.extract_strided_slice %shift_right_arithmetic3A_330 {offsets = [15], sizes = [1], strides = [1]} : vector<16xi32> to vector<1xi32>
      %squeeze3A_1999 = vector.extract %slice3A_1998[0] : i32 from vector<1xi32>
      %mul3A_2000 = arith.constant 128 : i32
      %mul3A_2001 = arith.muli %squeeze3A_1999, %mul3A_2000 : i32
      %dma_start3A_2002 = arith.constant 3 : i32
      %dma_start3A_2003 = arith.constant 0 : i32
      %dma_start3A_2004 = arith.constant 0 : i32
      %dma_start3A_2005 = tpu.memref_slice %arg10[%dma_start3A_2002, %dma_start3A_2003, %dma_start3A_2004] : memref<4x64x128xf32, #tpu.memory_space<vmem>> -> memref<1x64x128xf32, #tpu.memory_space<vmem>>
      %dma_start3A_2006 = tpu.memref_squeeze %dma_start3A_2005 : memref<1x64x128xf32, #tpu.memory_space<vmem>> -> memref<64x128xf32, #tpu.memory_space<vmem>>
      %dma_start3A_2007 = arith.constant 0 : i32
      %dma_start3A_2008 = tpu.memref_slice %arg5[%dma_start3A_2007, %mul3A_2001] : memref<64x1000000xf32, #tpu.memory_space<hbm>> -> memref<64x128xf32, #tpu.memory_space<hbm>>
      %dma_start3A_2009 = arith.constant 0 : i32
      %dma_start3A_2010 = arith.constant 0 : i32
      %dma_start3A_2011 = tpu.memref_slice %arg10[%dma_start3A_2002, %dma_start3A_2009, %dma_start3A_2010] : memref<4x64x128xf32, #tpu.memory_space<vmem>> -> memref<1x64x128xf32, #tpu.memory_space<vmem>>
      %dma_start3A_2012 = tpu.memref_squeeze %dma_start3A_2011 : memref<1x64x128xf32, #tpu.memory_space<vmem>> -> memref<64x128xf32, #tpu.memory_space<vmem>>
      %dma_start3A_2013 = arith.constant 0 : i32
      %dma_start3A_2014 = tpu.memref_slice %arg5[%dma_start3A_2013, %mul3A_2001] : memref<64x1000000xf32, #tpu.memory_space<hbm>> -> memref<64x128xf32, #tpu.memory_space<hbm>>
      tpu.enqueue_dma source(%dma_start3A_2014 : memref<64x128xf32, #tpu.memory_space<hbm>>) target(%dma_start3A_2012 : memref<64x128xf32, #tpu.memory_space<vmem>>) target_semaphore(%arg19 : memref<!tpu.dma_semaphore, #tpu.memory_space<semaphore_mem>>)
      scf.yield %select_n3A_1980, %and3A_332, %and3A_335 : vector<16xf32>, vector<16xi32>, vector<16xi32>
    }
    %scan3A_12 = arith.constant 32 : i32
    %dma_wait3A = arith.constant 0 : i32
    %dma_wait3A_13 = arith.constant 0 : i32
    %dma_wait3A_14 = arith.constant 0 : i32
    %dma_wait3A_15 = tpu.memref_slice %arg9[%dma_wait3A, %dma_wait3A_13, %dma_wait3A_14] : memref<4x64x128xf32, #tpu.memory_space<vmem>> -> memref<1x64x128xf32, #tpu.memory_space<vmem>>
    %dma_wait3A_16 = tpu.memref_squeeze %dma_wait3A_15 : memref<1x64x128xf32, #tpu.memory_space<vmem>> -> memref<64x128xf32, #tpu.memory_space<vmem>>
    %dma_wait3A_17 = arith.constant 0 : i32
    %dma_wait3A_18 = arith.constant 0 : i32
    %dma_wait3A_19 = tpu.memref_slice %arg4[%dma_wait3A_17, %dma_wait3A_18] : memref<64x1000000xf32, #tpu.memory_space<hbm>> -> memref<64x128xf32, #tpu.memory_space<hbm>>
    %dma_wait3A_20 = arith.constant 0 : i32
    %dma_wait3A_21 = arith.constant 0 : i32
    %dma_wait3A_22 = tpu.memref_slice %arg9[%dma_wait3A, %dma_wait3A_20, %dma_wait3A_21] : memref<4x64x128xf32, #tpu.memory_space<vmem>> -> memref<1x64x128xf32, #tpu.memory_space<vmem>>
    %dma_wait3A_23 = tpu.memref_squeeze %dma_wait3A_22 : memref<1x64x128xf32, #tpu.memory_space<vmem>> -> memref<64x128xf32, #tpu.memory_space<vmem>>
    %dma_wait3A_24 = arith.constant 0 : i32
    %dma_wait3A_25 = arith.constant 0 : i32
    %dma_wait3A_26 = tpu.memref_slice %arg4[%dma_wait3A_24, %dma_wait3A_25] : memref<64x1000000xf32, #tpu.memory_space<hbm>> -> memref<64x128xf32, #tpu.memory_space<hbm>>
    tpu.wait_dma2 semaphore(%arg12 : memref<!tpu.dma_semaphore, #tpu.memory_space<semaphore_mem>>) src(%dma_wait3A_26 : memref<64x128xf32, #tpu.memory_space<hbm>>) dst(%dma_wait3A_23 : memref<64x128xf32, #tpu.memory_space<vmem>>)
    %dma_wait3A_27 = arith.constant 0 : i32
    %dma_wait3A_28 = arith.constant 0 : i32
    %dma_wait3A_29 = arith.constant 0 : i32
    %dma_wait3A_30 = tpu.memref_slice %arg10[%dma_wait3A_27, %dma_wait3A_28, %dma_wait3A_29] : memref<4x64x128xf32, #tpu.memory_space<vmem>> -> memref<1x64x128xf32, #tpu.memory_space<vmem>>
    %dma_wait3A_31 = tpu.memref_squeeze %dma_wait3A_30 : memref<1x64x128xf32, #tpu.memory_space<vmem>> -> memref<64x128xf32, #tpu.memory_space<vmem>>
    %dma_wait3A_32 = arith.constant 0 : i32
    %dma_wait3A_33 = arith.constant 0 : i32
    %dma_wait3A_34 = tpu.memref_slice %arg5[%dma_wait3A_32, %dma_wait3A_33] : memref<64x1000000xf32, #tpu.memory_space<hbm>> -> memref<64x128xf32, #tpu.memory_space<hbm>>
    %dma_wait3A_35 = arith.constant 0 : i32
    %dma_wait3A_36 = arith.constant 0 : i32
    %dma_wait3A_37 = tpu.memref_slice %arg10[%dma_wait3A_27, %dma_wait3A_35, %dma_wait3A_36] : memref<4x64x128xf32, #tpu.memory_space<vmem>> -> memref<1x64x128xf32, #tpu.memory_space<vmem>>
    %dma_wait3A_38 = tpu.memref_squeeze %dma_wait3A_37 : memref<1x64x128xf32, #tpu.memory_space<vmem>> -> memref<64x128xf32, #tpu.memory_space<vmem>>
    %dma_wait3A_39 = arith.constant 0 : i32
    %dma_wait3A_40 = arith.constant 0 : i32
    %dma_wait3A_41 = tpu.memref_slice %arg5[%dma_wait3A_39, %dma_wait3A_40] : memref<64x1000000xf32, #tpu.memory_space<hbm>> -> memref<64x128xf32, #tpu.memory_space<hbm>>
    tpu.wait_dma2 semaphore(%arg16 : memref<!tpu.dma_semaphore, #tpu.memory_space<semaphore_mem>>) src(%dma_wait3A_41 : memref<64x128xf32, #tpu.memory_space<hbm>>) dst(%dma_wait3A_38 : memref<64x128xf32, #tpu.memory_space<vmem>>)
    %slice3A = vector.extract_strided_slice %scan3A_11#1 {offsets = [12], sizes = [1], strides = [1]} : vector<16xi32> to vector<1xi32>
    %squeeze3A = vector.extract %slice3A[0] : i32 from vector<1xi32>
    %slice3A_42 = vector.extract_strided_slice %scan3A_11#2 {offsets = [12], sizes = [1], strides = [1]} : vector<16xi32> to vector<1xi32>
    %squeeze3A_43 = vector.extract %slice3A_42[0] : i32 from vector<1xi32>
    %broadcast_in_dim3A_44 = arith.constant 0 : i32
    %broadcast_in_dim3A_45 = vector.broadcast %broadcast_in_dim3A_44 : i32 to vector<16xi32>
    %broadcast_in_dim3A_46 = vector.broadcast %squeeze3A : i32 to vector<16xi32>
    %broadcast_in_dim3A_47 = vector.broadcast %squeeze3A_43 : i32 to vector<16xi32>
    %broadcast_in_dim3A_48 = arith.constant 0.000000e+00 : f32
    %broadcast_in_dim3A_49 = vector.broadcast %broadcast_in_dim3A_48 : f32 to vector<16xf32>
    %add3A_50 = arith.constant 0 : i32
    %add3A_51 = vector.broadcast %add3A_50 : i32 to vector<16xi32>
    %add3A_52 = arith.addi %add3A_51, %iota3A : vector<16xi32>
    %gather3A = tpu.vector_load_idx %arg9[%broadcast_in_dim3A_45, %add3A_52, %broadcast_in_dim3A_46] : memref<4x64x128xf32, #tpu.memory_space<vmem>>[vector<16xi32>, vector<16xi32>, vector<16xi32>], vector<16xf32>,
    %gather3A_53 = tpu.vector_load_idx %arg10[%broadcast_in_dim3A_45, %add3A_52, %broadcast_in_dim3A_47] : memref<4x64x128xf32, #tpu.memory_space<vmem>>[vector<16xi32>, vector<16xi32>, vector<16xi32>], vector<16xf32>,
    %mul3A_54 = arith.mulf %gather3A, %gather3A_53 : vector<16xf32>
    %add3A_55 = arith.addf %broadcast_in_dim3A_49, %mul3A_54 : vector<16xf32>
    %add3A_56 = arith.constant 16 : i32
    %add3A_57 = vector.broadcast %add3A_56 : i32 to vector<16xi32>
    %add3A_58 = arith.addi %add3A_57, %iota3A : vector<16xi32>
    %gather3A_59 = tpu.vector_load_idx %arg9[%broadcast_in_dim3A_45, %add3A_58, %broadcast_in_dim3A_46] : memref<4x64x128xf32, #tpu.memory_space<vmem>>[vector<16xi32>, vector<16xi32>, vector<16xi32>], vector<16xf32>,
    %gather3A_60 = tpu.vector_load_idx %arg10[%broadcast_in_dim3A_45, %add3A_58, %broadcast_in_dim3A_47] : memref<4x64x128xf32, #tpu.memory_space<vmem>>[vector<16xi32>, vector<16xi32>, vector<16xi32>], vector<16xf32>,
    %mul3A_61 = arith.mulf %gather3A_59, %gather3A_60 : vector<16xf32>
    %add3A_62 = arith.addf %add3A_55, %mul3A_61 : vector<16xf32>
    %add3A_63 = arith.constant 32 : i32
    %add3A_64 = vector.broadcast %add3A_63 : i32 to vector<16xi32>
    %add3A_65 = arith.addi %add3A_64, %iota3A : vector<16xi32>
    %gather3A_66 = tpu.vector_load_idx %arg9[%broadcast_in_dim3A_45, %add3A_65, %broadcast_in_dim3A_46] : memref<4x64x128xf32, #tpu.memory_space<vmem>>[vector<16xi32>, vector<16xi32>, vector<16xi32>], vector<16xf32>,
    %gather3A_67 = tpu.vector_load_idx %arg10[%broadcast_in_dim3A_45, %add3A_65, %broadcast_in_dim3A_47] : memref<4x64x128xf32, #tpu.memory_space<vmem>>[vector<16xi32>, vector<16xi32>, vector<16xi32>], vector<16xf32>,
    %mul3A_68 = arith.mulf %gather3A_66, %gather3A_67 : vector<16xf32>
    %add3A_69 = arith.addf %add3A_62, %mul3A_68 : vector<16xf32>
    %add3A_70 = arith.constant 48 : i32
    %add3A_71 = vector.broadcast %add3A_70 : i32 to vector<16xi32>
    %add3A_72 = arith.addi %add3A_71, %iota3A : vector<16xi32>
    %gather3A_73 = tpu.vector_load_idx %arg9[%broadcast_in_dim3A_45, %add3A_72, %broadcast_in_dim3A_46] : memref<4x64x128xf32, #tpu.memory_space<vmem>>[vector<16xi32>, vector<16xi32>, vector<16xi32>], vector<16xf32>,
    %gather3A_74 = tpu.vector_load_idx %arg10[%broadcast_in_dim3A_45, %add3A_72, %broadcast_in_dim3A_47] : memref<4x64x128xf32, #tpu.memory_space<vmem>>[vector<16xi32>, vector<16xi32>, vector<16xi32>], vector<16xf32>,
    %mul3A_75 = arith.mulf %gather3A_73, %gather3A_74 : vector<16xf32>
    %add3A_76 = arith.addf %add3A_69, %mul3A_75 : vector<16xf32>
    %reduce_sum3A = arith.constant true
    %reduce_sum3A_77 = vector.broadcast %reduce_sum3A : i1 to vector<16xi1>
    %reduce_sum3A_78 = tpu.scan <sum>, %add3A_76 masked %reduce_sum3A_77 : vector<16xf32>, vector<16xi1> -> vector<16xf32>
    %reduce_sum3A_79 = vector.extract %reduce_sum3A_78[15] : f32 from vector<16xf32>
    %eq3A = arith.constant 12 : i32
    %eq3A_80 = vector.broadcast %eq3A : i32 to vector<16xi32>
    %eq3A_81 = arith.cmpi eq, %iota3A, %eq3A_80 : vector<16xi32>
    %broadcast_in_dim3A_82 = vector.broadcast %reduce_sum3A_79 : f32 to vector<16xf32>
    %select_n3A = arith.select %eq3A_81, %broadcast_in_dim3A_82, %scan3A_11#0 : vector<16xi1>, vector<16xf32>
    %dma_wait3A_83 = arith.constant 1 : i32
    %dma_wait3A_84 = arith.constant 0 : i32
    %dma_wait3A_85 = arith.constant 0 : i32
    %dma_wait3A_86 = tpu.memref_slice %arg9[%dma_wait3A_83, %dma_wait3A_84, %dma_wait3A_85] : memref<4x64x128xf32, #tpu.memory_space<vmem>> -> memref<1x64x128xf32, #tpu.memory_space<vmem>>
    %dma_wait3A_87 = tpu.memref_squeeze %dma_wait3A_86 : memref<1x64x128xf32, #tpu.memory_space<vmem>> -> memref<64x128xf32, #tpu.memory_space<vmem>>
    %dma_wait3A_88 = arith.constant 0 : i32
    %dma_wait3A_89 = arith.constant 0 : i32
    %dma_wait3A_90 = tpu.memref_slice %arg4[%dma_wait3A_88, %dma_wait3A_89] : memref<64x1000000xf32, #tpu.memory_space<hbm>> -> memref<64x128xf32, #tpu.memory_space<hbm>>
    %dma_wait3A_91 = arith.constant 0 : i32
    %dma_wait3A_92 = arith.constant 0 : i32
    %dma_wait3A_93 = tpu.memref_slice %arg9[%dma_wait3A_83, %dma_wait3A_91, %dma_wait3A_92] : memref<4x64x128xf32, #tpu.memory_space<vmem>> -> memref<1x64x128xf32, #tpu.memory_space<vmem>>
    %dma_wait3A_94 = tpu.memref_squeeze %dma_wait3A_93 : memref<1x64x128xf32, #tpu.memory_space<vmem>> -> memref<64x128xf32, #tpu.memory_space<vmem>>
    %dma_wait3A_95 = arith.constant 0 : i32
    %dma_wait3A_96 = arith.constant 0 : i32
    %dma_wait3A_97 = tpu.memref_slice %arg4[%dma_wait3A_95, %dma_wait3A_96] : memref<64x1000000xf32, #tpu.memory_space<hbm>> -> memref<64x128xf32, #tpu.memory_space<hbm>>
    tpu.wait_dma2 semaphore(%arg13 : memref<!tpu.dma_semaphore, #tpu.memory_space<semaphore_mem>>) src(%dma_wait3A_97 : memref<64x128xf32, #tpu.memory_space<hbm>>) dst(%dma_wait3A_94 : memref<64x128xf32, #tpu.memory_space<vmem>>)
    %dma_wait3A_98 = arith.constant 1 : i32
    %dma_wait3A_99 = arith.constant 0 : i32
    %dma_wait3A_100 = arith.constant 0 : i32
    %dma_wait3A_101 = tpu.memref_slice %arg10[%dma_wait3A_98, %dma_wait3A_99, %dma_wait3A_100] : memref<4x64x128xf32, #tpu.memory_space<vmem>> -> memref<1x64x128xf32, #tpu.memory_space<vmem>>
    %dma_wait3A_102 = tpu.memref_squeeze %dma_wait3A_101 : memref<1x64x128xf32, #tpu.memory_space<vmem>> -> memref<64x128xf32, #tpu.memory_space<vmem>>
    %dma_wait3A_103 = arith.constant 0 : i32
    %dma_wait3A_104 = arith.constant 0 : i32
    %dma_wait3A_105 = tpu.memref_slice %arg5[%dma_wait3A_103, %dma_wait3A_104] : memref<64x1000000xf32, #tpu.memory_space<hbm>> -> memref<64x128xf32, #tpu.memory_space<hbm>>
    %dma_wait3A_106 = arith.constant 0 : i32
    %dma_wait3A_107 = arith.constant 0 : i32
    %dma_wait3A_108 = tpu.memref_slice %arg10[%dma_wait3A_98, %dma_wait3A_106, %dma_wait3A_107] : memref<4x64x128xf32, #tpu.memory_space<vmem>> -> memref<1x64x128xf32, #tpu.memory_space<vmem>>
    %dma_wait3A_109 = tpu.memref_squeeze %dma_wait3A_108 : memref<1x64x128xf32, #tpu.memory_space<vmem>> -> memref<64x128xf32, #tpu.memory_space<vmem>>
    %dma_wait3A_110 = arith.constant 0 : i32
    %dma_wait3A_111 = arith.constant 0 : i32
    %dma_wait3A_112 = tpu.memref_slice %arg5[%dma_wait3A_110, %dma_wait3A_111] : memref<64x1000000xf32, #tpu.memory_space<hbm>> -> memref<64x128xf32, #tpu.memory_space<hbm>>
    tpu.wait_dma2 semaphore(%arg17 : memref<!tpu.dma_semaphore, #tpu.memory_space<semaphore_mem>>) src(%dma_wait3A_112 : memref<64x128xf32, #tpu.memory_space<hbm>>) dst(%dma_wait3A_109 : memref<64x128xf32, #tpu.memory_space<vmem>>)
    %slice3A_113 = vector.extract_strided_slice %scan3A_11#1 {offsets = [13], sizes = [1], strides = [1]} : vector<16xi32> to vector<1xi32>
    %squeeze3A_114 = vector.extract %slice3A_113[0] : i32 from vector<1xi32>
    %slice3A_115 = vector.extract_strided_slice %scan3A_11#2 {offsets = [13], sizes = [1], strides = [1]} : vector<16xi32> to vector<1xi32>
    %squeeze3A_116 = vector.extract %slice3A_115[0] : i32 from vector<1xi32>
    %broadcast_in_dim3A_117 = arith.constant 1 : i32
    %broadcast_in_dim3A_118 = vector.broadcast %broadcast_in_dim3A_117 : i32 to vector<16xi32>
    %broadcast_in_dim3A_119 = vector.broadcast %squeeze3A_114 : i32 to vector<16xi32>
    %broadcast_in_dim3A_120 = vector.broadcast %squeeze3A_116 : i32 to vector<16xi32>
    %broadcast_in_dim3A_121 = arith.constant 0.000000e+00 : f32
    %broadcast_in_dim3A_122 = vector.broadcast %broadcast_in_dim3A_121 : f32 to vector<16xf32>
    %add3A_123 = arith.constant 0 : i32
    %add3A_124 = vector.broadcast %add3A_123 : i32 to vector<16xi32>
    %add3A_125 = arith.addi %add3A_124, %iota3A : vector<16xi32>
    %gather3A_126 = tpu.vector_load_idx %arg9[%broadcast_in_dim3A_118, %add3A_125, %broadcast_in_dim3A_119] : memref<4x64x128xf32, #tpu.memory_space<vmem>>[vector<16xi32>, vector<16xi32>, vector<16xi32>], vector<16xf32>,
    %gather3A_127 = tpu.vector_load_idx %arg10[%broadcast_in_dim3A_118, %add3A_125, %broadcast_in_dim3A_120] : memref<4x64x128xf32, #tpu.memory_space<vmem>>[vector<16xi32>, vector<16xi32>, vector<16xi32>], vector<16xf32>,
    %mul3A_128 = arith.mulf %gather3A_126, %gather3A_127 : vector<16xf32>
    %add3A_129 = arith.addf %broadcast_in_dim3A_122, %mul3A_128 : vector<16xf32>
    %add3A_130 = arith.constant 16 : i32
    %add3A_131 = vector.broadcast %add3A_130 : i32 to vector<16xi32>
    %add3A_132 = arith.addi %add3A_131, %iota3A : vector<16xi32>
    %gather3A_133 = tpu.vector_load_idx %arg9[%broadcast_in_dim3A_118, %add3A_132, %broadcast_in_dim3A_119] : memref<4x64x128xf32, #tpu.memory_space<vmem>>[vector<16xi32>, vector<16xi32>, vector<16xi32>], vector<16xf32>,
    %gather3A_134 = tpu.vector_load_idx %arg10[%broadcast_in_dim3A_118, %add3A_132, %broadcast_in_dim3A_120] : memref<4x64x128xf32, #tpu.memory_space<vmem>>[vector<16xi32>, vector<16xi32>, vector<16xi32>], vector<16xf32>,
    %mul3A_135 = arith.mulf %gather3A_133, %gather3A_134 : vector<16xf32>
    %add3A_136 = arith.addf %add3A_129, %mul3A_135 : vector<16xf32>
    %add3A_137 = arith.constant 32 : i32
    %add3A_138 = vector.broadcast %add3A_137 : i32 to vector<16xi32>
    %add3A_139 = arith.addi %add3A_138, %iota3A : vector<16xi32>
    %gather3A_140 = tpu.vector_load_idx %arg9[%broadcast_in_dim3A_118, %add3A_139, %broadcast_in_dim3A_119] : memref<4x64x128xf32, #tpu.memory_space<vmem>>[vector<16xi32>, vector<16xi32>, vector<16xi32>], vector<16xf32>,
    %gather3A_141 = tpu.vector_load_idx %arg10[%broadcast_in_dim3A_118, %add3A_139, %broadcast_in_dim3A_120] : memref<4x64x128xf32, #tpu.memory_space<vmem>>[vector<16xi32>, vector<16xi32>, vector<16xi32>], vector<16xf32>,
    %mul3A_142 = arith.mulf %gather3A_140, %gather3A_141 : vector<16xf32>
    %add3A_143 = arith.addf %add3A_136, %mul3A_142 : vector<16xf32>
    %add3A_144 = arith.constant 48 : i32
    %add3A_145 = vector.broadcast %add3A_144 : i32 to vector<16xi32>
    %add3A_146 = arith.addi %add3A_145, %iota3A : vector<16xi32>
    %gather3A_147 = tpu.vector_load_idx %arg9[%broadcast_in_dim3A_118, %add3A_146, %broadcast_in_dim3A_119] : memref<4x64x128xf32, #tpu.memory_space<vmem>>[vector<16xi32>, vector<16xi32>, vector<16xi32>], vector<16xf32>,
    %gather3A_148 = tpu.vector_load_idx %arg10[%broadcast_in_dim3A_118, %add3A_146, %broadcast_in_dim3A_120] : memref<4x64x128xf32, #tpu.memory_space<vmem>>[vector<16xi32>, vector<16xi32>, vector<16xi32>], vector<16xf32>,
    %mul3A_149 = arith.mulf %gather3A_147, %gather3A_148 : vector<16xf32>
    %add3A_150 = arith.addf %add3A_143, %mul3A_149 : vector<16xf32>
    %reduce_sum3A_151 = arith.constant true
    %reduce_sum3A_152 = vector.broadcast %reduce_sum3A_151 : i1 to vector<16xi1>
    %reduce_sum3A_153 = tpu.scan <sum>, %add3A_150 masked %reduce_sum3A_152 : vector<16xf32>, vector<16xi1> -> vector<16xf32>
    %reduce_sum3A_154 = vector.extract %reduce_sum3A_153[15] : f32 from vector<16xf32>
    %eq3A_155 = arith.constant 13 : i32
    %eq3A_156 = vector.broadcast %eq3A_155 : i32 to vector<16xi32>
    %eq3A_157 = arith.cmpi eq, %iota3A, %eq3A_156 : vector<16xi32>
    %broadcast_in_dim3A_158 = vector.broadcast %reduce_sum3A_154 : f32 to vector<16xf32>
    %select_n3A_159 = arith.select %eq3A_157, %broadcast_in_dim3A_158, %select_n3A : vector<16xi1>, vector<16xf32>
    %dma_wait3A_160 = arith.constant 2 : i32
    %dma_wait3A_161 = arith.constant 0 : i32
    %dma_wait3A_162 = arith.constant 0 : i32
    %dma_wait3A_163 = tpu.memref_slice %arg9[%dma_wait3A_160, %dma_wait3A_161, %dma_wait3A_162] : memref<4x64x128xf32, #tpu.memory_space<vmem>> -> memref<1x64x128xf32, #tpu.memory_space<vmem>>
    %dma_wait3A_164 = tpu.memref_squeeze %dma_wait3A_163 : memref<1x64x128xf32, #tpu.memory_space<vmem>> -> memref<64x128xf32, #tpu.memory_space<vmem>>
    %dma_wait3A_165 = arith.constant 0 : i32
    %dma_wait3A_166 = arith.constant 0 : i32
    %dma_wait3A_167 = tpu.memref_slice %arg4[%dma_wait3A_165, %dma_wait3A_166] : memref<64x1000000xf32, #tpu.memory_space<hbm>> -> memref<64x128xf32, #tpu.memory_space<hbm>>
    %dma_wait3A_168 = arith.constant 0 : i32
    %dma_wait3A_169 = arith.constant 0 : i32
    %dma_wait3A_170 = tpu.memref_slice %arg9[%dma_wait3A_160, %dma_wait3A_168, %dma_wait3A_169] : memref<4x64x128xf32, #tpu.memory_space<vmem>> -> memref<1x64x128xf32, #tpu.memory_space<vmem>>
    %dma_wait3A_171 = tpu.memref_squeeze %dma_wait3A_170 : memref<1x64x128xf32, #tpu.memory_space<vmem>> -> memref<64x128xf32, #tpu.memory_space<vmem>>
    %dma_wait3A_172 = arith.constant 0 : i32
    %dma_wait3A_173 = arith.constant 0 : i32
    %dma_wait3A_174 = tpu.memref_slice %arg4[%dma_wait3A_172, %dma_wait3A_173] : memref<64x1000000xf32, #tpu.memory_space<hbm>> -> memref<64x128xf32, #tpu.memory_space<hbm>>
    tpu.wait_dma2 semaphore(%arg14 : memref<!tpu.dma_semaphore, #tpu.memory_space<semaphore_mem>>) src(%dma_wait3A_174 : memref<64x128xf32, #tpu.memory_space<hbm>>) dst(%dma_wait3A_171 : memref<64x128xf32, #tpu.memory_space<vmem>>)
    %dma_wait3A_175 = arith.constant 2 : i32
    %dma_wait3A_176 = arith.constant 0 : i32
    %dma_wait3A_177 = arith.constant 0 : i32
    %dma_wait3A_178 = tpu.memref_slice %arg10[%dma_wait3A_175, %dma_wait3A_176, %dma_wait3A_177] : memref<4x64x128xf32, #tpu.memory_space<vmem>> -> memref<1x64x128xf32, #tpu.memory_space<vmem>>
    %dma_wait3A_179 = tpu.memref_squeeze %dma_wait3A_178 : memref<1x64x128xf32, #tpu.memory_space<vmem>> -> memref<64x128xf32, #tpu.memory_space<vmem>>
    %dma_wait3A_180 = arith.constant 0 : i32
    %dma_wait3A_181 = arith.constant 0 : i32
    %dma_wait3A_182 = tpu.memref_slice %arg5[%dma_wait3A_180, %dma_wait3A_181] : memref<64x1000000xf32, #tpu.memory_space<hbm>> -> memref<64x128xf32, #tpu.memory_space<hbm>>
    %dma_wait3A_183 = arith.constant 0 : i32
    %dma_wait3A_184 = arith.constant 0 : i32
    %dma_wait3A_185 = tpu.memref_slice %arg10[%dma_wait3A_175, %dma_wait3A_183, %dma_wait3A_184] : memref<4x64x128xf32, #tpu.memory_space<vmem>> -> memref<1x64x128xf32, #tpu.memory_space<vmem>>
    %dma_wait3A_186 = tpu.memref_squeeze %dma_wait3A_185 : memref<1x64x128xf32, #tpu.memory_space<vmem>> -> memref<64x128xf32, #tpu.memory_space<vmem>>
    %dma_wait3A_187 = arith.constant 0 : i32
    %dma_wait3A_188 = arith.constant 0 : i32
    %dma_wait3A_189 = tpu.memref_slice %arg5[%dma_wait3A_187, %dma_wait3A_188] : memref<64x1000000xf32, #tpu.memory_space<hbm>> -> memref<64x128xf32, #tpu.memory_space<hbm>>
    tpu.wait_dma2 semaphore(%arg18 : memref<!tpu.dma_semaphore, #tpu.memory_space<semaphore_mem>>) src(%dma_wait3A_189 : memref<64x128xf32, #tpu.memory_space<hbm>>) dst(%dma_wait3A_186 : memref<64x128xf32, #tpu.memory_space<vmem>>)
    %slice3A_190 = vector.extract_strided_slice %scan3A_11#1 {offsets = [14], sizes = [1], strides = [1]} : vector<16xi32> to vector<1xi32>
    %squeeze3A_191 = vector.extract %slice3A_190[0] : i32 from vector<1xi32>
    %slice3A_192 = vector.extract_strided_slice %scan3A_11#2 {offsets = [14], sizes = [1], strides = [1]} : vector<16xi32> to vector<1xi32>
    %squeeze3A_193 = vector.extract %slice3A_192[0] : i32 from vector<1xi32>
    %broadcast_in_dim3A_194 = arith.constant 2 : i32
    %broadcast_in_dim3A_195 = vector.broadcast %broadcast_in_dim3A_194 : i32 to vector<16xi32>
    %broadcast_in_dim3A_196 = vector.broadcast %squeeze3A_191 : i32 to vector<16xi32>
    %broadcast_in_dim3A_197 = vector.broadcast %squeeze3A_193 : i32 to vector<16xi32>
    %broadcast_in_dim3A_198 = arith.constant 0.000000e+00 : f32
    %broadcast_in_dim3A_199 = vector.broadcast %broadcast_in_dim3A_198 : f32 to vector<16xf32>
    %add3A_200 = arith.constant 0 : i32
    %add3A_201 = vector.broadcast %add3A_200 : i32 to vector<16xi32>
    %add3A_202 = arith.addi %add3A_201, %iota3A : vector<16xi32>
    %gather3A_203 = tpu.vector_load_idx %arg9[%broadcast_in_dim3A_195, %add3A_202, %broadcast_in_dim3A_196] : memref<4x64x128xf32, #tpu.memory_space<vmem>>[vector<16xi32>, vector<16xi32>, vector<16xi32>], vector<16xf32>,
    %gather3A_204 = tpu.vector_load_idx %arg10[%broadcast_in_dim3A_195, %add3A_202, %broadcast_in_dim3A_197] : memref<4x64x128xf32, #tpu.memory_space<vmem>>[vector<16xi32>, vector<16xi32>, vector<16xi32>], vector<16xf32>,
    %mul3A_205 = arith.mulf %gather3A_203, %gather3A_204 : vector<16xf32>
    %add3A_206 = arith.addf %broadcast_in_dim3A_199, %mul3A_205 : vector<16xf32>
    %add3A_207 = arith.constant 16 : i32
    %add3A_208 = vector.broadcast %add3A_207 : i32 to vector<16xi32>
    %add3A_209 = arith.addi %add3A_208, %iota3A : vector<16xi32>
    %gather3A_210 = tpu.vector_load_idx %arg9[%broadcast_in_dim3A_195, %add3A_209, %broadcast_in_dim3A_196] : memref<4x64x128xf32, #tpu.memory_space<vmem>>[vector<16xi32>, vector<16xi32>, vector<16xi32>], vector<16xf32>,
    %gather3A_211 = tpu.vector_load_idx %arg10[%broadcast_in_dim3A_195, %add3A_209, %broadcast_in_dim3A_197] : memref<4x64x128xf32, #tpu.memory_space<vmem>>[vector<16xi32>, vector<16xi32>, vector<16xi32>], vector<16xf32>,
    %mul3A_212 = arith.mulf %gather3A_210, %gather3A_211 : vector<16xf32>
    %add3A_213 = arith.addf %add3A_206, %mul3A_212 : vector<16xf32>
    %add3A_214 = arith.constant 32 : i32
    %add3A_215 = vector.broadcast %add3A_214 : i32 to vector<16xi32>
    %add3A_216 = arith.addi %add3A_215, %iota3A : vector<16xi32>
    %gather3A_217 = tpu.vector_load_idx %arg9[%broadcast_in_dim3A_195, %add3A_216, %broadcast_in_dim3A_196] : memref<4x64x128xf32, #tpu.memory_space<vmem>>[vector<16xi32>, vector<16xi32>, vector<16xi32>], vector<16xf32>,
    %gather3A_218 = tpu.vector_load_idx %arg10[%broadcast_in_dim3A_195, %add3A_216, %broadcast_in_dim3A_197] : memref<4x64x128xf32, #tpu.memory_space<vmem>>[vector<16xi32>, vector<16xi32>, vector<16xi32>], vector<16xf32>,
    %mul3A_219 = arith.mulf %gather3A_217, %gather3A_218 : vector<16xf32>
    %add3A_220 = arith.addf %add3A_213, %mul3A_219 : vector<16xf32>
    %add3A_221 = arith.constant 48 : i32
    %add3A_222 = vector.broadcast %add3A_221 : i32 to vector<16xi32>
    %add3A_223 = arith.addi %add3A_222, %iota3A : vector<16xi32>
    %gather3A_224 = tpu.vector_load_idx %arg9[%broadcast_in_dim3A_195, %add3A_223, %broadcast_in_dim3A_196] : memref<4x64x128xf32, #tpu.memory_space<vmem>>[vector<16xi32>, vector<16xi32>, vector<16xi32>], vector<16xf32>,
    %gather3A_225 = tpu.vector_load_idx %arg10[%broadcast_in_dim3A_195, %add3A_223, %broadcast_in_dim3A_197] : memref<4x64x128xf32, #tpu.memory_space<vmem>>[vector<16xi32>, vector<16xi32>, vector<16xi32>], vector<16xf32>,
    %mul3A_226 = arith.mulf %gather3A_224, %gather3A_225 : vector<16xf32>
    %add3A_227 = arith.addf %add3A_220, %mul3A_226 : vector<16xf32>
    %reduce_sum3A_228 = arith.constant true
    %reduce_sum3A_229 = vector.broadcast %reduce_sum3A_228 : i1 to vector<16xi1>
    %reduce_sum3A_230 = tpu.scan <sum>, %add3A_227 masked %reduce_sum3A_229 : vector<16xf32>, vector<16xi1> -> vector<16xf32>
    %reduce_sum3A_231 = vector.extract %reduce_sum3A_230[15] : f32 from vector<16xf32>
    %eq3A_232 = arith.constant 14 : i32
    %eq3A_233 = vector.broadcast %eq3A_232 : i32 to vector<16xi32>
    %eq3A_234 = arith.cmpi eq, %iota3A, %eq3A_233 : vector<16xi32>
    %broadcast_in_dim3A_235 = vector.broadcast %reduce_sum3A_231 : f32 to vector<16xf32>
    %select_n3A_236 = arith.select %eq3A_234, %broadcast_in_dim3A_235, %select_n3A_159 : vector<16xi1>, vector<16xf32>
    %dma_wait3A_237 = arith.constant 3 : i32
    %dma_wait3A_238 = arith.constant 0 : i32
    %dma_wait3A_239 = arith.constant 0 : i32
    %dma_wait3A_240 = tpu.memref_slice %arg9[%dma_wait3A_237, %dma_wait3A_238, %dma_wait3A_239] : memref<4x64x128xf32, #tpu.memory_space<vmem>> -> memref<1x64x128xf32, #tpu.memory_space<vmem>>
    %dma_wait3A_241 = tpu.memref_squeeze %dma_wait3A_240 : memref<1x64x128xf32, #tpu.memory_space<vmem>> -> memref<64x128xf32, #tpu.memory_space<vmem>>
    %dma_wait3A_242 = arith.constant 0 : i32
    %dma_wait3A_243 = arith.constant 0 : i32
    %dma_wait3A_244 = tpu.memref_slice %arg4[%dma_wait3A_242, %dma_wait3A_243] : memref<64x1000000xf32, #tpu.memory_space<hbm>> -> memref<64x128xf32, #tpu.memory_space<hbm>>
    %dma_wait3A_245 = arith.constant 0 : i32
    %dma_wait3A_246 = arith.constant 0 : i32
    %dma_wait3A_247 = tpu.memref_slice %arg9[%dma_wait3A_237, %dma_wait3A_245, %dma_wait3A_246] : memref<4x64x128xf32, #tpu.memory_space<vmem>> -> memref<1x64x128xf32, #tpu.memory_space<vmem>>
    %dma_wait3A_248 = tpu.memref_squeeze %dma_wait3A_247 : memref<1x64x128xf32, #tpu.memory_space<vmem>> -> memref<64x128xf32, #tpu.memory_space<vmem>>
    %dma_wait3A_249 = arith.constant 0 : i32
    %dma_wait3A_250 = arith.constant 0 : i32
    %dma_wait3A_251 = tpu.memref_slice %arg4[%dma_wait3A_249, %dma_wait3A_250] : memref<64x1000000xf32, #tpu.memory_space<hbm>> -> memref<64x128xf32, #tpu.memory_space<hbm>>
    tpu.wait_dma2 semaphore(%arg15 : memref<!tpu.dma_semaphore, #tpu.memory_space<semaphore_mem>>) src(%dma_wait3A_251 : memref<64x128xf32, #tpu.memory_space<hbm>>) dst(%dma_wait3A_248 : memref<64x128xf32, #tpu.memory_space<vmem>>)
    %dma_wait3A_252 = arith.constant 3 : i32
    %dma_wait3A_253 = arith.constant 0 : i32
    %dma_wait3A_254 = arith.constant 0 : i32
    %dma_wait3A_255 = tpu.memref_slice %arg10[%dma_wait3A_252, %dma_wait3A_253, %dma_wait3A_254] : memref<4x64x128xf32, #tpu.memory_space<vmem>> -> memref<1x64x128xf32, #tpu.memory_space<vmem>>
    %dma_wait3A_256 = tpu.memref_squeeze %dma_wait3A_255 : memref<1x64x128xf32, #tpu.memory_space<vmem>> -> memref<64x128xf32, #tpu.memory_space<vmem>>
    %dma_wait3A_257 = arith.constant 0 : i32
    %dma_wait3A_258 = arith.constant 0 : i32
    %dma_wait3A_259 = tpu.memref_slice %arg5[%dma_wait3A_257, %dma_wait3A_258] : memref<64x1000000xf32, #tpu.memory_space<hbm>> -> memref<64x128xf32, #tpu.memory_space<hbm>>
    %dma_wait3A_260 = arith.constant 0 : i32
    %dma_wait3A_261 = arith.constant 0 : i32
    %dma_wait3A_262 = tpu.memref_slice %arg10[%dma_wait3A_252, %dma_wait3A_260, %dma_wait3A_261] : memref<4x64x128xf32, #tpu.memory_space<vmem>> -> memref<1x64x128xf32, #tpu.memory_space<vmem>>
    %dma_wait3A_263 = tpu.memref_squeeze %dma_wait3A_262 : memref<1x64x128xf32, #tpu.memory_space<vmem>> -> memref<64x128xf32, #tpu.memory_space<vmem>>
    %dma_wait3A_264 = arith.constant 0 : i32
    %dma_wait3A_265 = arith.constant 0 : i32
    %dma_wait3A_266 = tpu.memref_slice %arg5[%dma_wait3A_264, %dma_wait3A_265] : memref<64x1000000xf32, #tpu.memory_space<hbm>> -> memref<64x128xf32, #tpu.memory_space<hbm>>
    tpu.wait_dma2 semaphore(%arg19 : memref<!tpu.dma_semaphore, #tpu.memory_space<semaphore_mem>>) src(%dma_wait3A_266 : memref<64x128xf32, #tpu.memory_space<hbm>>) dst(%dma_wait3A_263 : memref<64x128xf32, #tpu.memory_space<vmem>>)
    %slice3A_267 = vector.extract_strided_slice %scan3A_11#1 {offsets = [15], sizes = [1], strides = [1]} : vector<16xi32> to vector<1xi32>
    %squeeze3A_268 = vector.extract %slice3A_267[0] : i32 from vector<1xi32>
    %slice3A_269 = vector.extract_strided_slice %scan3A_11#2 {offsets = [15], sizes = [1], strides = [1]} : vector<16xi32> to vector<1xi32>
    %squeeze3A_270 = vector.extract %slice3A_269[0] : i32 from vector<1xi32>
    %broadcast_in_dim3A_271 = arith.constant 3 : i32
    %broadcast_in_dim3A_272 = vector.broadcast %broadcast_in_dim3A_271 : i32 to vector<16xi32>
    %broadcast_in_dim3A_273 = vector.broadcast %squeeze3A_268 : i32 to vector<16xi32>
    %broadcast_in_dim3A_274 = vector.broadcast %squeeze3A_270 : i32 to vector<16xi32>
    %broadcast_in_dim3A_275 = arith.constant 0.000000e+00 : f32
    %broadcast_in_dim3A_276 = vector.broadcast %broadcast_in_dim3A_275 : f32 to vector<16xf32>
    %add3A_277 = arith.constant 0 : i32
    %add3A_278 = vector.broadcast %add3A_277 : i32 to vector<16xi32>
    %add3A_279 = arith.addi %add3A_278, %iota3A : vector<16xi32>
    %gather3A_280 = tpu.vector_load_idx %arg9[%broadcast_in_dim3A_272, %add3A_279, %broadcast_in_dim3A_273] : memref<4x64x128xf32, #tpu.memory_space<vmem>>[vector<16xi32>, vector<16xi32>, vector<16xi32>], vector<16xf32>,
    %gather3A_281 = tpu.vector_load_idx %arg10[%broadcast_in_dim3A_272, %add3A_279, %broadcast_in_dim3A_274] : memref<4x64x128xf32, #tpu.memory_space<vmem>>[vector<16xi32>, vector<16xi32>, vector<16xi32>], vector<16xf32>,
    %mul3A_282 = arith.mulf %gather3A_280, %gather3A_281 : vector<16xf32>
    %add3A_283 = arith.addf %broadcast_in_dim3A_276, %mul3A_282 : vector<16xf32>
    %add3A_284 = arith.constant 16 : i32
    %add3A_285 = vector.broadcast %add3A_284 : i32 to vector<16xi32>
    %add3A_286 = arith.addi %add3A_285, %iota3A : vector<16xi32>
    %gather3A_287 = tpu.vector_load_idx %arg9[%broadcast_in_dim3A_272, %add3A_286, %broadcast_in_dim3A_273] : memref<4x64x128xf32, #tpu.memory_space<vmem>>[vector<16xi32>, vector<16xi32>, vector<16xi32>], vector<16xf32>,
    %gather3A_288 = tpu.vector_load_idx %arg10[%broadcast_in_dim3A_272, %add3A_286, %broadcast_in_dim3A_274] : memref<4x64x128xf32, #tpu.memory_space<vmem>>[vector<16xi32>, vector<16xi32>, vector<16xi32>], vector<16xf32>,
    %mul3A_289 = arith.mulf %gather3A_287, %gather3A_288 : vector<16xf32>
    %add3A_290 = arith.addf %add3A_283, %mul3A_289 : vector<16xf32>
    %add3A_291 = arith.constant 32 : i32
    %add3A_292 = vector.broadcast %add3A_291 : i32 to vector<16xi32>
    %add3A_293 = arith.addi %add3A_292, %iota3A : vector<16xi32>
    %gather3A_294 = tpu.vector_load_idx %arg9[%broadcast_in_dim3A_272, %add3A_293, %broadcast_in_dim3A_273] : memref<4x64x128xf32, #tpu.memory_space<vmem>>[vector<16xi32>, vector<16xi32>, vector<16xi32>], vector<16xf32>,
    %gather3A_295 = tpu.vector_load_idx %arg10[%broadcast_in_dim3A_272, %add3A_293, %broadcast_in_dim3A_274] : memref<4x64x128xf32, #tpu.memory_space<vmem>>[vector<16xi32>, vector<16xi32>, vector<16xi32>], vector<16xf32>,
    %mul3A_296 = arith.mulf %gather3A_294, %gather3A_295 : vector<16xf32>
    %add3A_297 = arith.addf %add3A_290, %mul3A_296 : vector<16xf32>
    %add3A_298 = arith.constant 48 : i32
    %add3A_299 = vector.broadcast %add3A_298 : i32 to vector<16xi32>
    %add3A_300 = arith.addi %add3A_299, %iota3A : vector<16xi32>
    %gather3A_301 = tpu.vector_load_idx %arg9[%broadcast_in_dim3A_272, %add3A_300, %broadcast_in_dim3A_273] : memref<4x64x128xf32, #tpu.memory_space<vmem>>[vector<16xi32>, vector<16xi32>, vector<16xi32>], vector<16xf32>,
    %gather3A_302 = tpu.vector_load_idx %arg10[%broadcast_in_dim3A_272, %add3A_300, %broadcast_in_dim3A_274] : memref<4x64x128xf32, #tpu.memory_space<vmem>>[vector<16xi32>, vector<16xi32>, vector<16xi32>], vector<16xf32>,
    %mul3A_303 = arith.mulf %gather3A_301, %gather3A_302 : vector<16xf32>
    %add3A_304 = arith.addf %add3A_297, %mul3A_303 : vector<16xf32>
    %reduce_sum3A_305 = arith.constant true
    %reduce_sum3A_306 = vector.broadcast %reduce_sum3A_305 : i1 to vector<16xi1>
    %reduce_sum3A_307 = tpu.scan <sum>, %add3A_304 masked %reduce_sum3A_306 : vector<16xf32>, vector<16xi1> -> vector<16xf32>
    %reduce_sum3A_308 = vector.extract %reduce_sum3A_307[15] : f32 from vector<16xf32>
    %eq3A_309 = arith.constant 15 : i32
    %eq3A_310 = vector.broadcast %eq3A_309 : i32 to vector<16xi32>
    %eq3A_311 = arith.cmpi eq, %iota3A, %eq3A_310 : vector<16xi32>
    %broadcast_in_dim3A_312 = vector.broadcast %reduce_sum3A_308 : f32 to vector<16xf32>
    %select_n3A_313 = arith.select %eq3A_311, %broadcast_in_dim3A_312, %select_n3A_236 : vector<16xi1>, vector<16xf32>
    %swap3A = arith.constant 496 : index
    %swap3A_314 = tpu.vector_load %arg11[%swap3A] {strides = array<i32>} : memref<512xf32, #tpu.memory_space<vmem>>, vector<16xf32>,
    tpu.vector_store %arg11[%swap3A], %select_n3A_313 {strides = array<i32>} : memref<512xf32, #tpu.memory_space<vmem>>, vector<16xf32>,
    "tpu.region"() ({
      %run_scoped3A = tpu.sem_alloc : memref<!tpu.dma_semaphore, #tpu.memory_space<semaphore_mem>>
      %dma_start3A = tpu.memref_slice %arg6[%mul3A_2] : memref<16384xf32, #tpu.memory_space<hbm>> -> memref<512xf32, #tpu.memory_space<hbm>>
      %dma_start3A_315 = tpu.memref_slice %arg6[%mul3A_2] : memref<16384xf32, #tpu.memory_space<hbm>> -> memref<512xf32, #tpu.memory_space<hbm>>
      tpu.enqueue_dma source(%arg11 : memref<512xf32, #tpu.memory_space<vmem>>) target(%dma_start3A_315 : memref<512xf32, #tpu.memory_space<hbm>>) target_semaphore(%run_scoped3A : memref<!tpu.dma_semaphore, #tpu.memory_space<semaphore_mem>>)
      %dma_wait3A_316 = tpu.memref_slice %arg6[%mul3A_2] : memref<16384xf32, #tpu.memory_space<hbm>> -> memref<512xf32, #tpu.memory_space<hbm>>
      %dma_wait3A_317 = tpu.memref_slice %arg6[%mul3A_2] : memref<16384xf32, #tpu.memory_space<hbm>> -> memref<512xf32, #tpu.memory_space<hbm>>
      tpu.wait_dma2 semaphore(%run_scoped3A : memref<!tpu.dma_semaphore, #tpu.memory_space<semaphore_mem>>) src(%arg11 : memref<512xf32, #tpu.memory_space<vmem>>) dst(%dma_wait3A_317 : memref<512xf32, #tpu.memory_space<hbm>>)
      tpu.yield
    }) : () -> ()
    return
  }
}

</mosaic_0001>

<sc_bundles>
// kernel: kernel.4.cloned.1.call-start
scs
__scs_entry_jumppad:
0x0: {  	(pc) =	sbr.rel $0x88, $3  }
0x1: {  	(tag) =	ssettag $0x0;
	lr =	simm.s32 $0x1  }
0x2: {  	[smem:$0x3F9C] =	sst lr;
	_ =	strace $0xD0000000  }
0x3: {  	_ = 	snop  }
0x4: {  	_ = 	snop  }
0x5: {  	_ = 	snop  }
0x6: {  	_ = 	snop  }
0x7: {  	_ = 	snop  }
__scs_overlays_trampoline_lowered:
0x8: {  	[smem:$0x3FAB] =	sst s0  }
0x9: {  	[smem:$0x3FAC] =	sst s1  }
0xa: {  	[smem:$0x3FAD] =	sst s2  }
0xb: {  	[smem:$0x3FAE] =	sst s3  }
0xc: {  	[smem:$0x3FAF] =	sst s4  }
0xd: {  	[smem:$0x3FB0] =	sst s5  }
0xe: {  	[smem:$0x3FB1] =	sst s6  }
0xf: {  	[smem:$0x3FB2] =	sst s7  }
0x10: {  	[smem:$0x3FB3] =	sst s8  }
0x11: {  	[smem:$0x3FB4] =	sst s9;
	s0 =	simm.s32 @!p0 $0x0  }
0x12: {  	s1 =	sld [smem:$0x3F9A];
	s0 =	simm.s32 @p0 $0x1  }
0x13: {  	[smem:$0x3FB5] =	sst s0;
	s0 =	simm.s32 @!p1 $0x0  }
0x14: {  	s2 =	sld [smem:$0x3F99];
	s0 =	simm.s32 @p1 $0x1  }
0x15: {  	[smem:$0x3FB6] =	sst s0;
	s0 =	simm.s32 @!p2 $0x0  }
0x16: {  	s3 =	sld [smem:$0x3FDB];
	s0 =	simm.s32 @p2 $0x1  }
0x17: {  	s4 =	simm.s32 $0x1BF5;
	[smem:$0x3FB8] =	sst s0  }
0x18: {  	s0 =	sld [smem:$0x3F9B];
	_ =	swait.ge [sflag:s4], $0x0  }
0x19: {  	s7 =	sld [smem:$0x3F9C]  }
0x1a: {  	s8 =	sadd.s32 $0xFFFFE003, lr  }
0x1b: {  	s9 =	sadd.s32 $0xFFFFFEF7, lr;
	s5 =	simm.s32 $0xFFFFFFFF;
	p2 =	slt.u32 s8, $0xFFFFF086  }
0x1c: {  	p1 =	slt.u32 s9, $0xF7A;
	s5 =	simm.s32 @!p2 $0x0  }
0x1d: {  	s5 =	simm.s32 @p1 $0x1;
	p0 =	seq.s32 s7, s2  }
0x1e: {  	s7 =	smul.u32 @!p0 $0xF7A, s2;
	p2 =	seq.s32 @!p0 s5, $0x0  }
0x1f: {  	s9 =	smul.u32 $0xF7A, s1;
	s8 =	simm.s32 @!p0 $0x1BF5;
	p2 =	por !p2, p0  }
0x20: {  	[sflag:s8] =	ssyncset.s32 @!p0 $0xFFFFF086;
	s6 =	sadd.s32 @!p0 s3, s7;
	s7 =	simm.s32 @!p0 $0x108  }
0x21: {  	s3 =	sadd.s32 s3, s9;
	s6 =	sadd.s32 @!p0 $0x88, s6;
	s7 =	simm.s32 @p2 $0x1082  }
0x22: {  	[simem:s7], [sflag:s8] =	dma.local @!p0 [hbm:s6], $0xF7A  }
0x23: {  	s9 =	sor.u32 $0xD0000000, s2;
	s6 =	simm.s32 $0x108;
	_ =	swait.ge @!p0 [sflag:s8], $0x0  }
0x24: {  	s3 =	sadd.s32 $0x88, s3;
	s6 =	simm.s32 @!p1 $0x1082;
	[sflag:s4] =	ssyncset.s32 $0xFFFFF086  }
0x25: {  	[simem:s6], [sflag:s4] =	dma.local [hbm:s3], $0xF7A  }
0x26: {  	[smem:$0x3F9C] =	sst s1;
	(tag) =	ssettag s2;
	_ =	strace s9  }
0x27: {  	s1 =	sld [smem:$0x3FAC]  }
0x28: {  	s2 =	sld [smem:$0x3FAD]  }
0x29: {  	s4 =	sld [smem:$0x3FAF]  }
0x2a: {  	p0 =	seq.s32 s5, $0x0;
	s5 =	sld [smem:$0x3FB0]  }
0x2b: {  	s6 =	sld [smem:$0x3FB1]  }
0x2c: {  	s7 =	sld [smem:$0x3FB2]  }
0x2d: {  	s3 =	simm.s32 $0x108;
	s8 =	sld [smem:$0x3FB3]  }
0x2e: {  	s3 =	simm.s32 @!p0 $0x1082;
	s9 =	sld [smem:$0x3FB4]  }
0x2f: {  	lr =	sadd.s32 s0, s3;
	s0 =	sld [smem:$0x3FAB]  }
0x30: {  	s3 =	sld [smem:$0x3FAE]  }
0x31: {  	[smem:$0x3FB7] =	sst s10  }
0x32: {  	s10 =	sld [smem:$0x3FB5];
	_ =	sdelay $0x3  }
0x33: {  	p0 =	seq.s32 s10, $0x1;
	s10 =	sld [smem:$0x3FB7];
	_ =	sdelay $0x3  }
0x34: {  	[smem:$0x3FB7] =	sst s10  }
0x35: {  	s10 =	sld [smem:$0x3FB6];
	_ =	sdelay $0x3  }
0x36: {  	p1 =	seq.s32 s10, $0x1;
	s10 =	sld [smem:$0x3FB7];
	_ =	sdelay $0x3  }
0x37: {  	[smem:$0x3FB7] =	sst s10  }
0x38: {  	s10 =	sld [smem:$0x3FB8]  }
0x39: {  	_ = 	snop;
	(pc) =	sbr.ind lr, $3  }
0x3a: {  	_ = 	snop  }
0x3b: {  	_ = 	snop  }
0x3c: {  	p2 =	seq.s32 s10, $0x1;
	s10 =	sld [smem:$0x3FB7]  }
0x3d: {  	_ =	shalt  }
0x3e: {  	_ =	shalt  }
0x3f: {  	_ =	shalt  }
0x40: {  	_ =	shalt  }
0x41: {  	_ =	shalt  }
0x42: {  	_ =	shalt  }
0x43: {  	_ =	shalt  }
0x44: {  	_ =	shalt  }
0x45: {  	_ =	shalt  }
0x46: {  	_ =	shalt  }
0x47: {  	_ =	shalt  }
0x48: {  	_ =	shalt  }
0x49: {  	_ =	shalt  }
0x4a: {  	_ =	shalt  }
0x4b: {  	_ =	shalt  }
0x4c: {  	_ =	shalt  }
0x4d: {  	_ =	shalt  }
0x4e: {  	_ =	shalt  }
0x4f: {  	_ =	shalt  }
0x50: {  	_ =	shalt  }
0x51: {  	_ =	shalt  }
0x52: {  	_ =	shalt  }
0x53: {  	_ =	shalt  }
0x54: {  	_ =	shalt  }
0x55: {  	_ =	shalt  }
0x56: {  	_ =	shalt  }
0x57: {  	_ =	shalt  }
0x58: {  	_ =	shalt  }
0x59: {  	_ =	shalt  }
0x5a: {  	_ =	shalt  }
0x5b: {  	_ =	shalt  }
0x5c: {  	_ =	shalt  }
0x5d: {  	_ =	shalt  }
0x5e: {  	_ =	shalt  }
0x5f: {  	_ =	shalt  }
0x60: {  	_ =	shalt  }
0x61: {  	_ =	shalt  }
0x62: {  	_ =	shalt  }
0x63: {  	_ =	shalt  }
0x64: {  	_ =	shalt  }
0x65: {  	_ =	shalt  }
0x66: {  	_ =	shalt  }
0x67: {  	_ =	shalt  }
0x68: {  	_ =	shalt  }
0x69: {  	_ =	shalt  }
0x6a: {  	_ =	shalt  }
0x6b: {  	_ =	shalt  }
0x6c: {  	_ =	shalt  }
0x6d: {  	_ =	shalt  }
0x6e: {  	_ =	shalt  }
0x6f: {  	_ =	shalt  }
0x70: {  	_ =	shalt  }
0x71: {  	_ =	shalt  }
0x72: {  	_ =	shalt  }
0x73: {  	_ =	shalt  }
0x74: {  	_ =	shalt  }
0x75: {  	_ =	shalt  }
0x76: {  	_ =	shalt  }
0x77: {  	_ =	shalt  }
0x78: {  	_ =	shalt  }
0x79: {  	_ =	shalt  }
0x7a: {  	_ =	shalt  }
0x7b: {  	_ =	shalt  }
0x7c: {  	_ =	shalt  }
0x7d: {  	_ =	shalt  }
0x7e: {  	_ =	shalt  }
0x7f: {  	_ =	shalt  }
0x80: {  	_ =	shalt  }
0x81: {  	_ =	shalt  }
0x82: {  	_ =	shalt  }
0x83: {  	_ =	shalt  }
0x84: {  	_ =	shalt  }
0x85: {  	_ =	shalt  }
0x86: {  	_ =	shalt  }
0x87: {  	_ =	shalt  }
.Lfunc_end0:
.L_simem_size_0:
called_computation_lowered:
.L_overlay_start_0:
0x88: {  	s2 =	sld [smem:$0x3FD9]  }
0x89: {  	s3 =	sld [smem:$0x3FFE];
	_ =	sdelay $0x1  }
0x8a: {  	s1 =	srdreg.scid  }
0x8b: {  	s0 =	sand.u32 $0x1, s1  }
0x8c: {  	s17 =	sshll.u32 s0, $0xA;
	s2 =	sadd.s32 s3, s2  }
0x8d: {  	s2 =	sadd.s32 s2, s17  }
0x8e: {  	[smem:$0x3FC3] =	sst s2  }
0x8f: {  	_ = 	snop  }
0x90: {  	s2 =	sld [smem:$0x3FC9]  }
0x91: {  	s18 =	sld [smem:$0x3FC8]  }
0x92: {  	s4 =	sld [smem:$0x3FC7]  }
0x93: {  	s5 =	sld [smem:$0x3FC6];
	(tm) =	ssettm $0x1  }
0x94: {  	s6 =	sld [smem:$0x3FFB];
	_ =	sdelay $0x3  }
0x95: {  	_ =	strace s6  }
0x96: {  	s6 =	sld [smem:$0x3FFC];
	_ =	sdelay $0x3  }
0x97: {  	_ =	strace s6  }
0x98: {  	s6 =	sld [smem:$0x3FFD];
	_ =	sdelay $0x3  }
0x99: {  	_ =	strace s6  }
0x9a: {  	_ =	strace $0x8FFFFFFF  }
0x9b: {  	s19 =	sld [smem:$0x3FDB];
	_ =	sdelay $0x1  }
0x9c: {  	s7 =	simm.s32 $_scs_section_size  }
0x9d: {  	s8 =	simm.s32 $_size__tile_overlayer_lowered;
	s9 =	simm.s32 $_tile_overlayer_lowered  }
0x9e: {  	s22 =	simm.s32 $0x1BFF;
	s21 =	sshll.u32 s9, $0x1;
	s6 =	sadd.s32 s7, s19  }
0x9f: {  	s10 =	simm.s32 $0x0;
	s20 =	sshll.u32 s8, $0x1;
	s8 =	sadd.s32 s21, s6  }
0xa0: {  	[timem:s10], [sflag:s22] =	dma.local [hbm:s8], s20  }
0xa1: {  	_ =	swait.ge [sflag:s22], s20  }
0xa2: {  	s7 =	ssub.s32 $0x0, s20;
	[sflag:s22] =	ssyncset.done $0x0  }
0xa3: {  	[sflag:s22] =	ssyncadd.s32 s7;
	_ =	sdelay $0x1  }
0xa4: {  	s23 =	simm.s32 $0x1B8B  }
0xa5: {  	_ =	swait.ge [sflag:s23], $0x1  }
0xa6: {  	[sflag:s23] =	ssyncset.done $0x0  }
0xa7: {  	s25 =	simm.s32 $0x1B8E;
	s24 =	sld [smem:$0x3FFE];
	[sflag:s23] =	ssyncadd.s32 $0xFFFFFFFF  }
0xa8: {  	s26 =	simm.s32 $execute0_lowered;
	[smem:$0x3FD2] =	sst s25  }
0xa9: {  	s8 =	sshll.u32 s26, $0x1;
	_ =	strace $0x80000046;
	[dreg:$0x1] =	wrdreg $0xFFFFFFFF  }
0xaa: {  	s28 =	simm.s32 $_size_execute0_lowered;
	s6 =	sadd.s32 s6, s8;
	[dreg:$0x0] =	wrdreg $0x0  }
0xab: {  	s8 =	sshll.u32 s28, $0x1;
	[dreg:$0x2] =	wrdreg s6  }
0xac: {  	[dreg:$0x3] =	wrdreg s8  }
0xad: {  	[dreg:$0x4] =	wrdreg $0xC0  }
0xae: {  	_ =	task [dreg:s10], $0x5FFFF  }
0xaf: {  	[dreg:$0x1] =	wrdreg $0xFFFFFFFF  }
0xb0: {  	[dreg:$0x0] =	wrdreg $0x60  }
0xb1: {  	[dreg:$0x2] =	wrdreg s2  }
0xb2: {  	[dreg:$0x3] =	wrdreg s18  }
0xb3: {  	[dreg:$0x4] =	wrdreg s4  }
0xb4: {  	[dreg:$0x5] =	wrdreg s5  }
0xb5: {  	[dreg:$0x6] =	wrdreg s24  }
0xb6: {  	[dreg:$0x7] =	wrdreg $0x9  }
0xb7: {  	_ =	task.clear_ibuf [dreg:s10], $0x8FFFF;
	_ =	strace $0x90000046  }
0xb8: {  	s29 =	simm.s32 $0x9;
	_ =	strace $0x80000048  }
0xb9: {  	_ =	swait.ge [sflag:s29], $0x1  }
0xba: {  	[sflag:s29] =	ssyncadd.s32 $0xFFFFFFFF  }
0xbb: {  	_ =	strace $0x90000048  }
0xbc: {  	_ =	sfence  }
0xbd: {  	s30 =	sld [smem:$0x0];
	_ =	sdelay $0x2  }
0xbe: {  	s31 =	sshll.u32 s1, $0xD;
	s1 =	sshrl.u32 s1, $0x2  }
0xbf: {  	s3 =	sand.u32 $0x4000, s31;
	s1 =	sadd.s32 s1, s30  }
0xc0: {  	s0 =	sor.u32 s3, s0;
	s1 =	sshll.u32 s1, $0x11  }
0xc1: {  	s0 =	sor.u32 s1, s0  }
0xc2: {  	s0 =	sadd.s32 $0x8F2B, s0  }
0xc3: {  	[sflag:s0] =	ssyncadd.remote.s32 $0x1  }
0xc4: {  	_ =	sfence.sel $0xFFFF  }
0xc5: {  	[dreg:$0x0] =	wrdreg $0xFFFFFFFF;
	(pc) =	sbr.abs _section_cstart, $3  }
0xc6: {  	[dreg:$0x1] =	wrdreg $0xFFFFFFFF  }
0xc7: {  	_ =	task.clear_ibuf [dreg:s10], $0x2FFFF;
	_ =	strace $0x9FFFFFFF  }
0xc8: {  	(tm) =	ssettm $0x7FFFFFFF  }
0xc9: {  	_ =	shalt  }
tec
execute0_lowered:
.L_overlay_start_1:
0x0: {  	(tag) =	ssettag $0x1  }
0x1: {  	s5 =	rddreg [dreg:$0x0]  }
0x2: {  	s6 =	rddreg [dreg:$0x1]  }
0x3: {  	s1 =	rddreg [dreg:$0x2]  }
0x4: {  	s2 =	rddreg [dreg:$0x3];
	v0 =	vlaneseq.u32;
	vm0 =	vcmask $0x3330  }
0x5: {  	s7 =	rddreg [dreg:$0x4];
	s4 =	simm.s32 $0x0;
	s8 =	srdreg.scid;
	vm1 =	vcmask $0x3734;
	vm2 =	vcmask $0x3B38;
	vm3 =	vmmov $0x1  }
0x6: {  	s0 =	stileid.u32;
	s11 =	simm.s32 $0x8400;
	s13 =	simm.s32 $0x7A1400;
	vm4 =	vcmask $0x330;
	vm5 =	vcmask $0x730;
	vm6 =	vcmask $0xB30  }
0x7: {  	s14 =	simm.s32 $0x2400;
	s15 =	simm.s32 $0xA400;
	s16 =	simm.s32 $0x4400;
	vm7 =	vcmask $0xF30;
	vm8 =	vcmask $0x1330;
	vm9 =	vcmask $0x1730  }
0x8: {  	s17 =	simm.s32 $0xC400;
	s18 =	simm.s32 $0x6400;
	s19 =	simm.s32 $0xE400;
	vm10 =	vcmask $0x1B30;
	vm11 =	vcmask $0x1F30;
	vm12 =	vcmask $0x2330  }
0x9: {  	s20 =	simm.s32 $0x1;
	s21 =	simm.s32 $0x5;
	s22 =	simm.s32 $0x2;
	vm15 =	vmmov $0x1fff;
	v16 =	vimm.s32 $0x0;
	v0 =	vmul.u32 $0x80, v0  }
0xa: {  	s23 =	simm.s32 $0x6;
	s24 =	simm.s32 $0x3;
	vm13 =	vcmask $0x2730;
	vm14 =	vcmask $0x2B30;
	[smem:$0x7FF] =	sst s4;
	v16 =	vsel vm15, $0xFFFFFFFF, v16  }
0xb: {  	s25 =	simm.s32 $0x7;
	s26 =	simm.s32 $0x4;
	vm15 =	vmmov $0x3fff;
	_ =	strace $0x80000047;
	[tilespmem:$0x1FFD0] =	vst v16;
	v16 =	vimm.s32 $0x0;
	v1 =	vor.u32 $0x800, v0  }
0xc: {  	s28 =	simm.s32 $0x8;
	s29 =	simm.s32 $0x10400;
	s8 =	sand.u32 $0x1, s8;
	v2 =	vor.u32 $0x1000, v0;
	v3 =	vor.u32 $0x1800, v0;
	v4 =	vor.u32 $0x2000, v0  }
0xd: {  	s9 =	sshll.u32 s0, $0x7;
	s10 =	sshll.u32 s8, $0x6;
	s8 =	ssub.s32 $0x2, s8;
	v5 =	vor.u32 $0x2800, v0;
	v6 =	vor.u32 $0x3000, v0;
	v7 =	vor.u32 $0x3800, v0  }
0xe: {  	s30 =	simm.s32 $0x0;
	s9 =	sor.u32 s10, s9;
	s31 =	sshrl.u32 s8, $0x1;
	v8 =	vor.u32 $0x4000, v0;
	v9 =	vor.u32 $0x4800, v0;
	v16 =	vsel vm15, $0xFFFFFFFF, v16  }
0xf: {  	v10 =	vor.u32 $0x5000, v0;
	s10 =	simm.s32 $0x400;
	vm15 =	vmmov $0x7fff;
	s7 =	sadd.s32 s9, s7;
	s12 =	ssub.s32 s8, s31;
	[tilespmem:$0x1FFE0] =	vst v16;
	v16 =	vimm.s32 $0x0  }
0x10: {  	v11 =	vor.u32 $0x5800, v0;
	v12 =	vor.u32 $0x6000, v0;
	s5 =	sadd.s32 s5, s9;
	s6 =	sadd.s32 s6, s9;
	s8 =	simm.s32 $0x9;
	v16 =	vsel vm15, $0xFFFFFFFF, v16  }
0x11: {  	v13 =	vor.u32 $0x6800, v0;
	v14 =	vor.u32 $0x7000, v0;
	v15 =	vor.u32 $0x7800, v0;
	s9 =	simm.s32 $0x200;
	s7 =	sadd.s32 $0x600, s7;
	s12 =	smax.u32 s12, $0x1;
	[tilespmem:$0x1FFF0] =	vst v16  }
.LBB2_1:
0x12: {  	[tilespmem:s4], [sflag:$0x9] =	stream.linear.gather [hbm4b:s5+s4], $0x200, $0x38;
	[tilespmem:$0x10600] =	vst v63  }
0x13: {  	_ =	swait.ge [sflag:s8], $0x200  }
0x14: {  	[sflag:s8] =	ssyncset.done $0x0  }
0x15: {  	[sflag:s8] =	ssyncadd.s32 $0xFFFFFE00  }
0x16: {  	[tilespmem:s9], [sflag:$0x9] =	stream.linear.gather [hbm4b:s6+s4], $0x200, $0x38;
	[tilespmem:$0x10600] =	vst v63  }
0x17: {  	_ =	swait.ge [sflag:s8], $0x200  }
0x18: {  	[sflag:s8] =	ssyncset.done $0x0  }
0x19: {  	v20 =	vimm.f32 $0.0e+00;
	v16 =	vimm.s32 $0x0;
	s31 =	simm.s32 $0x0;
	v17 =	vimm.s32 $0x0;
	[sflag:s8] =	ssyncadd.s32 $0xFFFFFE00  }
.LBB2_2:
0x1a: {  	s0 =	sshra.s32 s31, $0x2  }
0x1b: {  	v19 =	vmov v17;
	p0 =	seq.s32 s31, $0x0;
	v17 =	vld [tilespmem:s0+$0x0]  }
0x1c: {  	v22 =	vmov v16;
	v16 =	vld [tilespmem:s0+$0x200];
	s0 =	simm.s32 @!p0 $0x1;
	v21 =	vbroadcast v19, $0xC  }
0x1d: {  	v23 =	vbroadcast v22, $0xC;
	_ =	swait.ge @!p0 [sflag:s0], $0x2000  }
0x1e: {  	[sflag:s0] =	ssyncset.done @!p0 $0x0;
	v24 =	vor.u32 v0, v21  }
0x1f: {  	v25 =	vor.u32 v0, v23;
	[sflag:s0] =	ssyncadd.s32 @!p0 $0xFFFFE000;
	s0 =	simm.s32 @!p0 $0x5  }
0x20: {  	v26 =	vor.u32 v1, v21;
	_ =	swait.ge @!p0 [sflag:s0], $0x2000  }
0x21: {  	v27 =	vor.u32 v1, v23;
	[sflag:s0] =	ssyncset.done @!p0 $0x0  }
0x22: {  	v28 =	vor.u32 v2, v21;
	[sflag:s0] =	ssyncadd.s32 @!p0 $0xFFFFE000  }
0x23: {  	v29 =	vor.u32 v2, v23;
	v24 =	vld.idx.msk [tilespmem:v24+s10+$0x0], $0xffff  }
0x24: {  	v30 =	vor.u32 v3, v21;
	v18 =	vshra.s32 v17, $0x7;
	v25 =	vld.idx.msk [tilespmem:v25+s11+$0x0], $0xffff  }
0x25: {  	v23 =	vor.u32 v3, v23;
	(v2sf) =	vpush v18, $0x0;
	v26 =	vld.idx.msk [tilespmem:v26+s10+$0x0], $0xffff  }
0x26: {  	v27 =	vld.idx.msk [tilespmem:v27+s11+$0x0], $0xffff  }
0x27: {  	v21 =	vshra.s32 v16, $0x7;
	v28 =	vld.idx.msk [tilespmem:v28+s10+$0x0], $0xffff  }
0x28: {  	v29 =	vld.idx.msk [tilespmem:v29+s11+$0x0], $0xffff;
	(v2sf) =	vpush v21, $0x0  }
0x29: {  	v49 =	vld.idx.msk [tilespmem:v30+s10+$0x0], $0xffff;
	v24 =	vmul.f32 v25, v24  }
0x2a: {  	v23 =	vld.idx.msk [tilespmem:v23+s11+$0x0], $0xffff  }
0x2b: {  	v26 =	vmul.f32 v27, v26;
	v24 =	vadd.f32 $0.0e+00, v24;
	_ =	sdelay $0x1  }
0x2c: {  	v50 =	vmul.f32 v29, v28;
	v24 =	vadd.f32 v26, v24;
	_ =	sdelay $0x1  }
0x2d: {  	v23 =	vmul.f32 v23, v49;
	v24 =	vadd.f32 v50, v24;
	_ =	sdelay $0x1  }
0x2e: {  	v23 =	vadd.f32 v23, v24;
	_ =	sdelay $0x1  }
0x2f: {  	(xrf2) =	vadd.scan.msk.f32 $0xffff, v23  }
0x30: {  	s3 =	spop (v2sf)  }
0x31: {  	s0 =	sshll.u32 s3, $0x7  }
0x32: {  	s0 =	sand.u32 $0x1FFFFF80, s0  }
0x33: {  	s3 =	spop (v2sf);
	s0 =	sadd.s32 s1, s0  }
0x34: {  	[tilespmem:s10], [sflag:$0x1] =	stream.strided.gather [hbm4b:s0+s10], $0x2000, s13, s10, $0x38;
	[tilespmem:$0x10600] =	vst v63  }
0x35: {  	s0 =	sshll.u32 s3, $0x7  }
0x36: {  	s0 =	sand.u32 $0x1FFFFF80, s0  }
0x37: {  	s0 =	sadd.s32 s2, s0  }
0x38: {  	[tilespmem:s11], [sflag:$0x5] =	stream.strided.gather [hbm4b:s0+s10], $0x2000, s13, s10, $0x38;
	[tilespmem:$0x10600] =	vst v63  }
0x39: {  	v51 =	vbroadcast v19, $0xD;
	s0 =	simm.s32 @!p0 $0x2;
	v23, _, _ =	vpop (xrf2)  }
0x3a: {  	v52 =	vbroadcast v22, $0xD;
	_ =	swait.ge @!p0 [sflag:s0], $0x2000  }
0x3b: {  	v53 =	vor.u32 v4, v51;
	[sflag:s0] =	ssyncset.done @!p0 $0x0  }
0x3c: {  	v54 =	vor.u32 v4, v52;
	[sflag:s0] =	ssyncadd.s32 @!p0 $0xFFFFE000;
	s0 =	simm.s32 @!p0 $0x6  }
0x3d: {  	v55 =	vor.u32 v5, v51;
	_ =	swait.ge @!p0 [sflag:s0], $0x2000  }
0x3e: {  	v56 =	vor.u32 v5, v52;
	[sflag:s0] =	ssyncset.done @!p0 $0x0  }
0x3f: {  	v57 =	vor.u32 v6, v51;
	[sflag:s0] =	ssyncadd.s32 @!p0 $0xFFFFE000  }
0x40: {  	v31 =	vor.u32 v6, v52;
	v26 =	vld.idx.msk [tilespmem:v53+s10+$0x0], $0xffff  }
0x41: {  	v24 =	vor.u32 v7, v51;
	v27 =	vld.idx.msk [tilespmem:v54+s11+$0x0], $0xffff  }
0x42: {  	v25 =	vor.u32 v7, v52;
	(v2sf) =	vpush v18, $0x1;
	v28 =	vld.idx.msk [tilespmem:v55+s10+$0x0], $0xffff  }
0x43: {  	v29 =	vld.idx.msk [tilespmem:v56+s11+$0x0], $0xffff  }
0x44: {  	v30 =	vld.idx.msk [tilespmem:v57+s10+$0x0], $0xffff  }
0x45: {  	(v2sf) =	vpush v21, $0x1;
	v31 =	vld.idx.msk [tilespmem:v31+s11+$0x0], $0xffff  }
0x46: {  	v24 =	vld.idx.msk [tilespmem:v24+s10+$0x0], $0xffff;
	v26 =	vmul.f32 v27, v26  }
0x47: {  	v25 =	vld.idx.msk [tilespmem:v25+s11+$0x0], $0xffff  }
0x48: {  	v58 =	vmul.f32 v29, v28;
	v26 =	vadd.f32 $0.0e+00, v26;
	_ =	sdelay $0x1  }
0x49: {  	v59 =	vmul.f32 v31, v30;
	v26 =	vadd.f32 v58, v26;
	_ =	sdelay $0x1  }
0x4a: {  	v24 =	vmul.f32 v25, v24;
	v26 =	vadd.f32 v59, v26;
	_ =	sdelay $0x1  }
0x4b: {  	v24 =	vadd.f32 v24, v26;
	_ =	sdelay $0x1  }
0x4c: {  	(xrf2) =	vadd.scan.msk.f32 $0xffff, v24  }
0x4d: {  	s3 =	spop (v2sf)  }
0x4e: {  	s0 =	sshll.u32 s3, $0x7  }
0x4f: {  	s0 =	sand.u32 $0x1FFFFF80, s0  }
0x50: {  	s3 =	spop (v2sf);
	s0 =	sadd.s32 s1, s0  }
0x51: {  	[tilespmem:s14], [sflag:$0x2] =	stream.strided.gather [hbm4b:s0+s10], $0x2000, s13, s10, $0x38;
	[tilespmem:$0x10600] =	vst v63  }
0x52: {  	s0 =	sshll.u32 s3, $0x7  }
0x53: {  	s0 =	sand.u32 $0x1FFFFF80, s0  }
0x54: {  	s0 =	sadd.s32 s2, s0  }
0x55: {  	[tilespmem:s15], [sflag:$0x6] =	stream.strided.gather [hbm4b:s0+s10], $0x2000, s13, s10, $0x38;
	[tilespmem:$0x10600] =	vst v63  }
0x56: {  	v60 =	vbroadcast v19, $0xE;
	s0 =	simm.s32 @!p0 $0x3;
	v24, _, _ =	vpop (xrf2)  }
0x57: {  	v61 =	vbroadcast v22, $0xE;
	_ =	swait.ge @!p0 [sflag:s0], $0x2000  }
0x58: {  	v62 =	vor.u32 v8, v60;
	[sflag:s0] =	ssyncset.done @!p0 $0x0  }
0x59: {  	v63 =	vor.u32 v8, v61;
	[sflag:s0] =	ssyncadd.s32 @!p0 $0xFFFFE000;
	s0 =	simm.s32 @!p0 $0x7  }
0x5a: {  	v36 =	vor.u32 v9, v60;
	_ =	swait.ge @!p0 [sflag:s0], $0x2000  }
0x5b: {  	v37 =	vor.u32 v9, v61;
	[sflag:s0] =	ssyncset.done @!p0 $0x0  }
0x5c: {  	v38 =	vor.u32 v10, v60;
	[sflag:s0] =	ssyncadd.s32 @!p0 $0xFFFFE000  }
0x5d: {  	v32 =	vor.u32 v10, v61;
	v27 =	vld.idx.msk [tilespmem:v62+s10+$0x0], $0xffff  }
0x5e: {  	v25 =	vor.u32 v11, v60;
	v28 =	vld.idx.msk [tilespmem:v63+s11+$0x0], $0xffff  }
0x5f: {  	v26 =	vor.u32 v11, v61;
	(v2sf) =	vpush v18, $0x2;
	v29 =	vld.idx.msk [tilespmem:v36+s10+$0x0], $0xffff  }
0x60: {  	v30 =	vld.idx.msk [tilespmem:v37+s11+$0x0], $0xffff  }
0x61: {  	v31 =	vld.idx.msk [tilespmem:v38+s10+$0x0], $0xffff  }
0x62: {  	(v2sf) =	vpush v21, $0x2;
	v32 =	vld.idx.msk [tilespmem:v32+s11+$0x0], $0xffff  }
0x63: {  	v25 =	vld.idx.msk [tilespmem:v25+s10+$0x0], $0xffff;
	v27 =	vmul.f32 v28, v27  }
0x64: {  	v26 =	vld.idx.msk [tilespmem:v26+s11+$0x0], $0xffff  }
0x65: {  	v39 =	vmul.f32 v30, v29;
	v27 =	vadd.f32 $0.0e+00, v27;
	_ =	sdelay $0x1  }
0x66: {  	v40 =	vmul.f32 v32, v31;
	v27 =	vadd.f32 v39, v27;
	_ =	sdelay $0x1  }
0x67: {  	v25 =	vmul.f32 v26, v25;
	v27 =	vadd.f32 v40, v27;
	_ =	sdelay $0x1  }
0x68: {  	v25 =	vadd.f32 v25, v27;
	_ =	sdelay $0x1  }
0x69: {  	(xrf2) =	vadd.scan.msk.f32 $0xffff, v25  }
0x6a: {  	s3 =	spop (v2sf)  }
0x6b: {  	s0 =	sshll.u32 s3, $0x7  }
0x6c: {  	s0 =	sand.u32 $0x1FFFFF80, s0  }
0x6d: {  	s3 =	spop (v2sf);
	s0 =	sadd.s32 s1, s0  }
0x6e: {  	[tilespmem:s16], [sflag:$0x3] =	stream.strided.gather [hbm4b:s0+s10], $0x2000, s13, s10, $0x38;
	[tilespmem:$0x10600] =	vst v63  }
0x6f: {  	s0 =	sshll.u32 s3, $0x7  }
0x70: {  	s0 =	sand.u32 $0x1FFFFF80, s0  }
0x71: {  	s0 =	sadd.s32 s2, s0  }
0x72: {  	[tilespmem:s17], [sflag:$0x7] =	stream.strided.gather [hbm4b:s0+s10], $0x2000, s13, s10, $0x38;
	[tilespmem:$0x10600] =	vst v63  }
0x73: {  	v19 =	vbroadcast v19, $0xF;
	s0 =	simm.s32 @!p0 $0x4;
	v25, _, _ =	vpop (xrf2)  }
0x74: {  	v22 =	vbroadcast v22, $0xF;
	_ =	swait.ge @!p0 [sflag:s0], $0x2000  }
0x75: {  	v41 =	vor.u32 v12, v19;
	[sflag:s0] =	ssyncset.done @!p0 $0x0  }
0x76: {  	v42 =	vor.u32 v12, v22;
	[sflag:s0] =	ssyncadd.s32 @!p0 $0xFFFFE000;
	s0 =	simm.s32 @!p0 $0x8  }
0x77: {  	v43 =	vor.u32 v13, v19;
	_ =	swait.ge @!p0 [sflag:s0], $0x2000  }
0x78: {  	v44 =	vor.u32 v13, v22;
	[sflag:s0] =	ssyncset.done @!p0 $0x0  }
0x79: {  	v45 =	vor.u32 v14, v19;
	[sflag:s0] =	ssyncadd.s32 @!p0 $0xFFFFE000  }
0x7a: {  	v46 =	vor.u32 v14, v22;
	v26 =	vld.idx.msk [tilespmem:v41+s10+$0x0], $0xffff  }
0x7b: {  	v19 =	vor.u32 v15, v19;
	v27 =	vld.idx.msk [tilespmem:v42+s11+$0x0], $0xffff  }
0x7c: {  	v22 =	vor.u32 v15, v22;
	v28 =	vld.idx.msk [tilespmem:v43+s10+$0x0], $0xffff  }
0x7d: {  	v29 =	vld.idx.msk [tilespmem:v44+s11+$0x0], $0xffff  }
0x7e: {  	v30 =	vld.idx.msk [tilespmem:v45+s10+$0x0], $0xffff  }
0x7f: {  	v31 =	vld.idx.msk [tilespmem:v46+s11+$0x0], $0xffff  }
0x80: {  	v32 =	vld.idx.msk [tilespmem:v19+s10+$0x0], $0xffff;
	v19 =	vmul.f32 @!p0 v27, v26  }
0x81: {  	v22 =	vld.idx.msk [tilespmem:v22+s11+$0x0], $0xffff  }
0x82: {  	v26 =	vmul.f32 @!p0 v29, v28;
	v19 =	vadd.f32 @!p0 $0.0e+00, v19;
	_ =	sdelay $0x1  }
0x83: {  	v27 =	vmul.f32 @!p0 v31, v30;
	v26 =	vadd.f32 @!p0 v26, v19;
	v19 =	vshll.u32 v18, $0x7  }
0x84: {  	(v2sf) =	vpush v19, $0x3  }
0x85: {  	v22 =	vmul.f32 @!p0 v22, v32;
	v18 =	vadd.f32 @!p0 v27, v26;
	_ =	sdelay $0x1  }
0x86: {  	v22 =	vadd.f32 @!p0 v22, v18;
	v18 =	vshll.u32 v21, $0x7  }
0x87: {  	(v2sf) =	vpush v18, $0x3  }
0x88: {  	(xrf2) =	vadd.scan.msk.f32 @!p0 $0xffff, v22;
	_ =	sdelay $0x3  }
0x89: {  	v21 =	vbroadcast v23, $0xF;
	_ =	sdelay $0x1  }
0x8a: {  	v20 =	vsel vm0, v21, v20;
	v21 =	vbroadcast v25, $0xF  }
0x8b: {  	v22 =	vbroadcast v24, $0xF;
	_ =	sdelay $0x1  }
0x8c: {  	v20 =	vsel vm1, v22, v20  }
0x8d: {  	vm15 =	vmmov @!p0 $0x7fff;
	v20 =	vsel vm2, v21, v20;
	v21, _, _ =	vpop @!p0 (xrf2);
	s0 =	spop (v2sf)  }
0x8e: {  	s3 =	sshra.s32 @!p0 s31, $0x2;
	v20 =	vsel @!p0 vm15, v20, v21;
	s0 =	sand.u32 $0x1FFFFF80, s0  }
0x8f: {  	[tilespmem:s3+$0x103F0] =	vst @!p0 v20;
	s0 =	sadd.s32 s1, s0  }
0x90: {  	[tilespmem:s18], [sflag:$0x4] =	stream.strided.gather [hbm4b:s0+s10], $0x2000, s13, s10, $0x38;
	[tilespmem:$0x10600] =	vst v63  }
0x91: {  	s3 =	spop (v2sf)  }
0x92: {  	s0 =	sand.u32 $0x1FFFFF80, s3  }
0x93: {  	v17 =	vand.u32 $0x7F, v17;
	s0 =	sadd.s32 s2, s0  }
0x94: {  	v16 =	vand.u32 $0x7F, v16;
	v20 =	vbroadcast v17, $0x0;
	[tilespmem:s19], [sflag:$0x8] =	stream.strided.gather [hbm4b:s0+s10], $0x2000, s13, s10, $0x38;
	[tilespmem:$0x10600] =	vst v63  }
0x95: {  	v21 =	vbroadcast v16, $0x0;
	_ =	swait.ge [sflag:s20], $0x2000  }
0x96: {  	v22 =	vor.u32 v0, v20;
	[sflag:s20] =	ssyncset.done $0x0  }
0x97: {  	v23 =	vor.u32 v0, v21;
	[sflag:s20] =	ssyncadd.s32 $0xFFFFE000  }
0x98: {  	v47 =	vor.u32 v1, v20;
	_ =	swait.ge [sflag:s21], $0x2000  }
0x99: {  	v48 =	vor.u32 v1, v21;
	[sflag:s21] =	ssyncset.done $0x0  }
0x9a: {  	v49 =	vor.u32 v2, v20;
	[sflag:s21] =	ssyncadd.s32 $0xFFFFE000  }
0x9b: {  	v50 =	vor.u32 v2, v21;
	v22 =	vld.idx.msk [tilespmem:v22+s10+$0x0], $0xffff  }
0x9c: {  	v20 =	vor.u32 v3, v20;
	v23 =	vld.idx.msk [tilespmem:v23+s11+$0x0], $0xffff  }
0x9d: {  	v21 =	vor.u32 v3, v21;
	v24 =	vld.idx.msk [tilespmem:v47+s10+$0x0], $0xffff  }
0x9e: {  	v25 =	vld.idx.msk [tilespmem:v48+s11+$0x0], $0xffff  }
0x9f: {  	v26 =	vld.idx.msk [tilespmem:v49+s10+$0x0], $0xffff  }
0xa0: {  	(v2sf) =	vpush v19, $0x4;
	v27 =	vld.idx.msk [tilespmem:v50+s11+$0x0], $0xffff  }
0xa1: {  	v20 =	vld.idx.msk [tilespmem:v20+s10+$0x0], $0xffff;
	v22 =	vmul.f32 v23, v22  }
0xa2: {  	(v2sf) =	vpush v18, $0x4;
	v21 =	vld.idx.msk [tilespmem:v21+s11+$0x0], $0xffff  }
0xa3: {  	v23 =	vmul.f32 v25, v24;
	v22 =	vadd.f32 $0.0e+00, v22;
	_ =	sdelay $0x1  }
0xa4: {  	v22 =	vadd.f32 v23, v22;
	v23 =	vmul.f32 v27, v26;
	_ =	sdelay $0x1  }
0xa5: {  	v20 =	vmul.f32 v21, v20;
	v22 =	vadd.f32 v23, v22;
	_ =	sdelay $0x1  }
0xa6: {  	v20 =	vadd.f32 v20, v22;
	_ =	sdelay $0x1  }
0xa7: {  	(xrf2) =	vadd.scan.msk.f32 $0xffff, v20;
	_ =	sdelay $0x3  }
0xa8: {  	s3 =	spop (v2sf)  }
0xa9: {  	s0 =	sand.u32 $0x1FFFFF80, s3  }
0xaa: {  	s3 =	spop (v2sf);
	s0 =	sadd.s32 s1, s0  }
0xab: {  	[tilespmem:s10], [sflag:$0x1] =	stream.strided.gather [hbm4b:s0+s10], $0x2000, s13, s10, $0x38;
	[tilespmem:$0x10600] =	vst v63  }
0xac: {  	s0 =	sand.u32 $0x1FFFFF80, s3  }
0xad: {  	s0 =	sadd.s32 s2, s0  }
0xae: {  	v21 =	vbroadcast v17, $0x1;
	[tilespmem:s11], [sflag:$0x5] =	stream.strided.gather [hbm4b:s0+s10], $0x2000, s13, s10, $0x38;
	v20, _, _ =	vpop (xrf2);
	[tilespmem:$0x10600] =	vst v63  }
0xaf: {  	v22 =	vbroadcast v16, $0x1;
	_ =	swait.ge [sflag:s22], $0x2000  }
0xb0: {  	v23 =	vor.u32 v4, v21;
	[sflag:s22] =	ssyncset.done $0x0  }
0xb1: {  	v51 =	vor.u32 v4, v22;
	[sflag:s22] =	ssyncadd.s32 $0xFFFFE000  }
0xb2: {  	v52 =	vor.u32 v5, v21;
	_ =	swait.ge [sflag:s23], $0x2000  }
0xb3: {  	v53 =	vor.u32 v5, v22;
	[sflag:s23] =	ssyncset.done $0x0  }
0xb4: {  	v54 =	vor.u32 v6, v21;
	[sflag:s23] =	ssyncadd.s32 $0xFFFFE000  }
0xb5: {  	v55 =	vor.u32 v6, v22;
	v23 =	vld.idx.msk [tilespmem:v23+s10+$0x0], $0xffff  }
0xb6: {  	v21 =	vor.u32 v7, v21;
	v24 =	vld.idx.msk [tilespmem:v51+s11+$0x0], $0xffff  }
0xb7: {  	v22 =	vor.u32 v7, v22;
	v25 =	vld.idx.msk [tilespmem:v52+s10+$0x0], $0xffff  }
0xb8: {  	v26 =	vld.idx.msk [tilespmem:v53+s11+$0x0], $0xffff  }
0xb9: {  	v27 =	vld.idx.msk [tilespmem:v54+s10+$0x0], $0xffff  }
0xba: {  	(v2sf) =	vpush v19, $0x5;
	v28 =	vld.idx.msk [tilespmem:v55+s11+$0x0], $0xffff  }
0xbb: {  	v21 =	vld.idx.msk [tilespmem:v21+s10+$0x0], $0xffff;
	v23 =	vmul.f32 v24, v23  }
0xbc: {  	(v2sf) =	vpush v18, $0x5;
	v22 =	vld.idx.msk [tilespmem:v22+s11+$0x0], $0xffff  }
0xbd: {  	v56 =	vmul.f32 v26, v25;
	v23 =	vadd.f32 $0.0e+00, v23;
	_ =	sdelay $0x1  }
0xbe: {  	v57 =	vmul.f32 v28, v27;
	v23 =	vadd.f32 v56, v23;
	_ =	sdelay $0x1  }
0xbf: {  	v21 =	vmul.f32 v22, v21;
	v23 =	vadd.f32 v57, v23;
	_ =	sdelay $0x1  }
0xc0: {  	v21 =	vadd.f32 v21, v23;
	_ =	sdelay $0x1  }
0xc1: {  	(xrf2) =	vadd.scan.msk.f32 $0xffff, v21;
	_ =	sdelay $0x3  }
0xc2: {  	s3 =	spop (v2sf)  }
0xc3: {  	s0 =	sand.u32 $0x1FFFFF80, s3  }
0xc4: {  	s3 =	spop (v2sf);
	s0 =	sadd.s32 s1, s0  }
0xc5: {  	[tilespmem:s14], [sflag:$0x2] =	stream.strided.gather [hbm4b:s0+s10], $0x2000, s13, s10, $0x38;
	[tilespmem:$0x10600] =	vst v63  }
0xc6: {  	s0 =	sand.u32 $0x1FFFFF80, s3  }
0xc7: {  	s0 =	sadd.s32 s2, s0  }
0xc8: {  	v22 =	vbroadcast v17, $0x2;
	[tilespmem:s15], [sflag:$0x6] =	stream.strided.gather [hbm4b:s0+s10], $0x2000, s13, s10, $0x38;
	v21, _, _ =	vpop (xrf2);
	[tilespmem:$0x10600] =	vst v63  }
0xc9: {  	v23 =	vbroadcast v16, $0x2;
	_ =	swait.ge [sflag:s24], $0x2000  }
0xca: {  	v58 =	vor.u32 v8, v22;
	[sflag:s24] =	ssyncset.done $0x0  }
0xcb: {  	v59 =	vor.u32 v8, v23;
	[sflag:s24] =	ssyncadd.s32 $0xFFFFE000  }
0xcc: {  	v60 =	vor.u32 v9, v22;
	_ =	swait.ge [sflag:s25], $0x2000  }
0xcd: {  	v61 =	vor.u32 v9, v23;
	[sflag:s25] =	ssyncset.done $0x0  }
0xce: {  	v62 =	vor.u32 v10, v22;
	[sflag:s25] =	ssyncadd.s32 $0xFFFFE000  }
0xcf: {  	v63 =	vor.u32 v10, v23;
	v24 =	vld.idx.msk [tilespmem:v58+s10+$0x0], $0xffff  }
0xd0: {  	v22 =	vor.u32 v11, v22;
	v25 =	vld.idx.msk [tilespmem:v59+s11+$0x0], $0xffff  }
0xd1: {  	v23 =	vor.u32 v11, v23;
	v26 =	vld.idx.msk [tilespmem:v60+s10+$0x0], $0xffff  }
0xd2: {  	v27 =	vld.idx.msk [tilespmem:v61+s11+$0x0], $0xffff  }
0xd3: {  	v28 =	vld.idx.msk [tilespmem:v62+s10+$0x0], $0xffff  }
0xd4: {  	(v2sf) =	vpush v19, $0x6;
	v29 =	vld.idx.msk [tilespmem:v63+s11+$0x0], $0xffff  }
0xd5: {  	v22 =	vld.idx.msk [tilespmem:v22+s10+$0x0], $0xffff;
	v24 =	vmul.f32 v25, v24  }
0xd6: {  	(v2sf) =	vpush v18, $0x6;
	v23 =	vld.idx.msk [tilespmem:v23+s11+$0x0], $0xffff  }
0xd7: {  	v32 =	vmul.f32 v27, v26;
	v24 =	vadd.f32 $0.0e+00, v24;
	_ =	sdelay $0x1  }
0xd8: {  	v33 =	vmul.f32 v29, v28;
	v24 =	vadd.f32 v32, v24;
	_ =	sdelay $0x1  }
0xd9: {  	v22 =	vmul.f32 v23, v22;
	v24 =	vadd.f32 v33, v24;
	_ =	sdelay $0x1  }
0xda: {  	v22 =	vadd.f32 v22, v24;
	_ =	sdelay $0x1  }
0xdb: {  	(xrf2) =	vadd.scan.msk.f32 $0xffff, v22;
	_ =	sdelay $0x3  }
0xdc: {  	s3 =	spop (v2sf)  }
0xdd: {  	s0 =	sand.u32 $0x1FFFFF80, s3  }
0xde: {  	s3 =	spop (v2sf);
	s0 =	sadd.s32 s1, s0  }
0xdf: {  	[tilespmem:s16], [sflag:$0x3] =	stream.strided.gather [hbm4b:s0+s10], $0x2000, s13, s10, $0x38;
	[tilespmem:$0x10600] =	vst v63  }
0xe0: {  	s0 =	sand.u32 $0x1FFFFF80, s3  }
0xe1: {  	s0 =	sadd.s32 s2, s0  }
0xe2: {  	v23 =	vbroadcast v17, $0x3;
	[tilespmem:s17], [sflag:$0x7] =	stream.strided.gather [hbm4b:s0+s10], $0x2000, s13, s10, $0x38;
	v22, _, _ =	vpop (xrf2);
	[tilespmem:$0x10600] =	vst v63  }
0xe3: {  	v34 =	vbroadcast v16, $0x3;
	_ =	swait.ge [sflag:s26], $0x2000  }
0xe4: {  	v35 =	vor.u32 v12, v23;
	[sflag:s26] =	ssyncset.done $0x0  }
0xe5: {  	v36 =	vor.u32 v12, v34;
	[sflag:s26] =	ssyncadd.s32 $0xFFFFE000  }
0xe6: {  	v37 =	vor.u32 v13, v23;
	_ =	swait.ge [sflag:s28], $0x2000  }
0xe7: {  	v38 =	vor.u32 v13, v34;
	[sflag:s28] =	ssyncset.done $0x0  }
0xe8: {  	v39 =	vor.u32 v14, v23;
	[sflag:s28] =	ssyncadd.s32 $0xFFFFE000  }
0xe9: {  	v40 =	vor.u32 v14, v34;
	v25 =	vld.idx.msk [tilespmem:v35+s10+$0x0], $0xffff  }
0xea: {  	v23 =	vor.u32 v15, v23;
	v26 =	vld.idx.msk [tilespmem:v36+s11+$0x0], $0xffff  }
0xeb: {  	v24 =	vor.u32 v15, v34;
	v27 =	vld.idx.msk [tilespmem:v37+s10+$0x0], $0xffff  }
0xec: {  	v28 =	vld.idx.msk [tilespmem:v38+s11+$0x0], $0xffff  }
0xed: {  	v29 =	vld.idx.msk [tilespmem:v39+s10+$0x0], $0xffff  }
0xee: {  	(v2sf) =	vpush v19, $0x7;
	v30 =	vld.idx.msk [tilespmem:v40+s11+$0x0], $0xffff  }
0xef: {  	v23 =	vld.idx.msk [tilespmem:v23+s10+$0x0], $0xffff;
	v25 =	vmul.f32 v26, v25  }
0xf0: {  	(v2sf) =	vpush v18, $0x7;
	v24 =	vld.idx.msk [tilespmem:v24+s11+$0x0], $0xffff  }
0xf1: {  	v41 =	vmul.f32 v28, v27;
	v25 =	vadd.f32 $0.0e+00, v25;
	_ =	sdelay $0x1  }
0xf2: {  	v42 =	vmul.f32 v30, v29;
	v25 =	vadd.f32 v41, v25;
	_ =	sdelay $0x1  }
0xf3: {  	v23 =	vmul.f32 v24, v23;
	v25 =	vadd.f32 v42, v25;
	_ =	sdelay $0x1  }
0xf4: {  	v23 =	vadd.f32 v23, v25;
	_ =	sdelay $0x1  }
0xf5: {  	(xrf2) =	vadd.scan.msk.f32 $0xffff, v23;
	_ =	sdelay $0x3  }
0xf6: {  	s3 =	spop (v2sf)  }
0xf7: {  	s0 =	sand.u32 $0x1FFFFF80, s3  }
0xf8: {  	s3 =	spop (v2sf);
	s0 =	sadd.s32 s1, s0  }
0xf9: {  	[tilespmem:s18], [sflag:$0x4] =	stream.strided.gather [hbm4b:s0+s10], $0x2000, s13, s10, $0x38;
	[tilespmem:$0x10600] =	vst v63  }
0xfa: {  	s0 =	sand.u32 $0x1FFFFF80, s3  }
0xfb: {  	s0 =	sadd.s32 s2, s0  }
0xfc: {  	v43 =	vbroadcast v17, $0x4;
	[tilespmem:s19], [sflag:$0x8] =	stream.strided.gather [hbm4b:s0+s10], $0x2000, s13, s10, $0x38;
	v23, _, _ =	vpop (xrf2);
	[tilespmem:$0x10600] =	vst v63  }
0xfd: {  	v44 =	vbroadcast v16, $0x4;
	_ =	swait.ge [sflag:s20], $0x2000  }
0xfe: {  	v45 =	vor.u32 v0, v43;
	[sflag:s20] =	ssyncset.done $0x0  }
0xff: {  	v46 =	vor.u32 v0, v44;
	[sflag:s20] =	ssyncadd.s32 $0xFFFFE000  }
0x100: {  	v47 =	vor.u32 v1, v43;
	_ =	swait.ge [sflag:s21], $0x2000  }
0x101: {  	v48 =	vor.u32 v1, v44;
	[sflag:s21] =	ssyncset.done $0x0  }
0x102: {  	v49 =	vor.u32 v2, v43;
	[sflag:s21] =	ssyncadd.s32 $0xFFFFE000  }
0x103: {  	v50 =	vor.u32 v2, v44;
	v26 =	vld.idx.msk [tilespmem:v45+s10+$0x0], $0xffff  }
0x104: {  	v24 =	vor.u32 v3, v43;
	v27 =	vld.idx.msk [tilespmem:v46+s11+$0x0], $0xffff  }
0x105: {  	v25 =	vor.u32 v3, v44;
	v28 =	vld.idx.msk [tilespmem:v47+s10+$0x0], $0xffff  }
0x106: {  	v29 =	vld.idx.msk [tilespmem:v48+s11+$0x0], $0xffff  }
0x107: {  	v30 =	vld.idx.msk [tilespmem:v49+s10+$0x0], $0xffff  }
0x108: {  	(v2sf) =	vpush v19, $0x8;
	v31 =	vld.idx.msk [tilespmem:v50+s11+$0x0], $0xffff  }
0x109: {  	v24 =	vld.idx.msk [tilespmem:v24+s10+$0x0], $0xffff;
	v26 =	vmul.f32 v27, v26  }
0x10a: {  	(v2sf) =	vpush v18, $0x8;
	v25 =	vld.idx.msk [tilespmem:v25+s11+$0x0], $0xffff  }
0x10b: {  	v51 =	vmul.f32 v29, v28;
	v26 =	vadd.f32 $0.0e+00, v26;
	_ =	sdelay $0x1  }
0x10c: {  	v52 =	vmul.f32 v31, v30;
	v26 =	vadd.f32 v51, v26;
	_ =	sdelay $0x1  }
0x10d: {  	v24 =	vmul.f32 v25, v24;
	v26 =	vadd.f32 v52, v26;
	_ =	sdelay $0x1  }
0x10e: {  	v24 =	vadd.f32 v24, v26;
	_ =	sdelay $0x1  }
0x10f: {  	(xrf2) =	vadd.scan.msk.f32 $0xffff, v24;
	_ =	sdelay $0x3  }
0x110: {  	s3 =	spop (v2sf)  }
0x111: {  	s0 =	sand.u32 $0x1FFFFF80, s3  }
0x112: {  	s3 =	spop (v2sf);
	s0 =	sadd.s32 s1, s0  }
0x113: {  	[tilespmem:s10], [sflag:$0x1] =	stream.strided.gather [hbm4b:s0+s10], $0x2000, s13, s10, $0x38;
	[tilespmem:$0x10600] =	vst v63  }
0x114: {  	s0 =	sand.u32 $0x1FFFFF80, s3  }
0x115: {  	s0 =	sadd.s32 s2, s0  }
0x116: {  	v53 =	vbroadcast v17, $0x5;
	[tilespmem:s11], [sflag:$0x5] =	stream.strided.gather [hbm4b:s0+s10], $0x2000, s13, s10, $0x38;
	v24, _, _ =	vpop (xrf2);
	[tilespmem:$0x10600] =	vst v63  }
0x117: {  	v54 =	vbroadcast v16, $0x5;
	_ =	swait.ge [sflag:s22], $0x2000  }
0x118: {  	v55 =	vor.u32 v4, v53;
	[sflag:s22] =	ssyncset.done $0x0  }
0x119: {  	v56 =	vor.u32 v4, v54;
	[sflag:s22] =	ssyncadd.s32 $0xFFFFE000  }
0x11a: {  	v57 =	vor.u32 v5, v53;
	_ =	swait.ge [sflag:s23], $0x2000  }
0x11b: {  	v58 =	vor.u32 v5, v54;
	[sflag:s23] =	ssyncset.done $0x0  }
0x11c: {  	v59 =	vor.u32 v6, v53;
	[sflag:s23] =	ssyncadd.s32 $0xFFFFE000  }
0x11d: {  	v60 =	vor.u32 v6, v54;
	v27 =	vld.idx.msk [tilespmem:v55+s10+$0x0], $0xffff  }
0x11e: {  	v25 =	vor.u32 v7, v53;
	v28 =	vld.idx.msk [tilespmem:v56+s11+$0x0], $0xffff  }
0x11f: {  	v26 =	vor.u32 v7, v54;
	v29 =	vld.idx.msk [tilespmem:v57+s10+$0x0], $0xffff  }
0x120: {  	v30 =	vld.idx.msk [tilespmem:v58+s11+$0x0], $0xffff  }
0x121: {  	v31 =	vld.idx.msk [tilespmem:v59+s10+$0x0], $0xffff  }
0x122: {  	(v2sf) =	vpush v19, $0x9;
	v32 =	vld.idx.msk [tilespmem:v60+s11+$0x0], $0xffff  }
0x123: {  	v25 =	vld.idx.msk [tilespmem:v25+s10+$0x0], $0xffff;
	v27 =	vmul.f32 v28, v27  }
0x124: {  	(v2sf) =	vpush v18, $0x9;
	v26 =	vld.idx.msk [tilespmem:v26+s11+$0x0], $0xffff  }
0x125: {  	v61 =	vmul.f32 v30, v29;
	v27 =	vadd.f32 $0.0e+00, v27;
	_ =	sdelay $0x1  }
0x126: {  	v62 =	vmul.f32 v32, v31;
	v27 =	vadd.f32 v61, v27;
	_ =	sdelay $0x1  }
0x127: {  	v25 =	vmul.f32 v26, v25;
	v27 =	vadd.f32 v62, v27;
	_ =	sdelay $0x1  }
0x128: {  	v25 =	vadd.f32 v25, v27;
	_ =	sdelay $0x1  }
0x129: {  	(xrf2) =	vadd.scan.msk.f32 $0xffff, v25;
	_ =	sdelay $0x3  }
0x12a: {  	s3 =	spop (v2sf)  }
0x12b: {  	s0 =	sand.u32 $0x1FFFFF80, s3  }
0x12c: {  	s3 =	spop (v2sf);
	s0 =	sadd.s32 s1, s0  }
0x12d: {  	[tilespmem:s14], [sflag:$0x2] =	stream.strided.gather [hbm4b:s0+s10], $0x2000, s13, s10, $0x38;
	[tilespmem:$0x10600] =	vst v63  }
0x12e: {  	s0 =	sand.u32 $0x1FFFFF80, s3  }
0x12f: {  	s0 =	sadd.s32 s2, s0  }
0x130: {  	v63 =	vbroadcast v17, $0x6;
	[tilespmem:s15], [sflag:$0x6] =	stream.strided.gather [hbm4b:s0+s10], $0x2000, s13, s10, $0x38;
	v25, _, _ =	vpop (xrf2);
	[tilespmem:$0x10600] =	vst v63  }
0x131: {  	v36 =	vbroadcast v16, $0x6;
	_ =	swait.ge [sflag:s24], $0x2000  }
0x132: {  	v37 =	vor.u32 v8, v63;
	[sflag:s24] =	ssyncset.done $0x0  }
0x133: {  	v38 =	vor.u32 v8, v36;
	[sflag:s24] =	ssyncadd.s32 $0xFFFFE000  }
0x134: {  	v39 =	vor.u32 v9, v63;
	_ =	swait.ge [sflag:s25], $0x2000  }
0x135: {  	v40 =	vor.u32 v9, v36;
	[sflag:s25] =	ssyncset.done $0x0  }
0x136: {  	v41 =	vor.u32 v10, v63;
	[sflag:s25] =	ssyncadd.s32 $0xFFFFE000  }
0x137: {  	v33 =	vor.u32 v10, v36;
	v28 =	vld.idx.msk [tilespmem:v37+s10+$0x0], $0xffff  }
0x138: {  	v26 =	vor.u32 v11, v63;
	v29 =	vld.idx.msk [tilespmem:v38+s11+$0x0], $0xffff  }
0x139: {  	v27 =	vor.u32 v11, v36;
	v30 =	vld.idx.msk [tilespmem:v39+s10+$0x0], $0xffff  }
0x13a: {  	v31 =	vld.idx.msk [tilespmem:v40+s11+$0x0], $0xffff  }
0x13b: {  	v32 =	vld.idx.msk [tilespmem:v41+s10+$0x0], $0xffff  }
0x13c: {  	(v2sf) =	vpush v19, $0xA;
	v33 =	vld.idx.msk [tilespmem:v33+s11+$0x0], $0xffff  }
0x13d: {  	v26 =	vld.idx.msk [tilespmem:v26+s10+$0x0], $0xffff;
	v28 =	vmul.f32 v29, v28  }
0x13e: {  	(v2sf) =	vpush v18, $0xA;
	v27 =	vld.idx.msk [tilespmem:v27+s11+$0x0], $0xffff  }
0x13f: {  	v42 =	vmul.f32 v31, v30;
	v28 =	vadd.f32 $0.0e+00, v28;
	_ =	sdelay $0x1  }
0x140: {  	v43 =	vmul.f32 v33, v32;
	v28 =	vadd.f32 v42, v28;
	_ =	sdelay $0x1  }
0x141: {  	v26 =	vmul.f32 v27, v26;
	v28 =	vadd.f32 v43, v28;
	_ =	sdelay $0x1  }
0x142: {  	v26 =	vadd.f32 v26, v28;
	_ =	sdelay $0x1  }
0x143: {  	(xrf2) =	vadd.scan.msk.f32 $0xffff, v26;
	_ =	sdelay $0x3  }
0x144: {  	s3 =	spop (v2sf)  }
0x145: {  	s0 =	sand.u32 $0x1FFFFF80, s3  }
0x146: {  	s3 =	spop (v2sf);
	s0 =	sadd.s32 s1, s0  }
0x147: {  	[tilespmem:s16], [sflag:$0x3] =	stream.strided.gather [hbm4b:s0+s10], $0x2000, s13, s10, $0x38;
	[tilespmem:$0x10600] =	vst v63  }
0x148: {  	s0 =	sand.u32 $0x1FFFFF80, s3  }
0x149: {  	s0 =	sadd.s32 s2, s0  }
0x14a: {  	v44 =	vbroadcast v17, $0x7;
	[tilespmem:s17], [sflag:$0x7] =	stream.strided.gather [hbm4b:s0+s10], $0x2000, s13, s10, $0x38;
	v26, _, _ =	vpop (xrf2);
	[tilespmem:$0x10600] =	vst v63  }
0x14b: {  	v45 =	vbroadcast v16, $0x7;
	_ =	swait.ge [sflag:s26], $0x2000  }
0x14c: {  	v46 =	vor.u32 v12, v44;
	[sflag:s26] =	ssyncset.done $0x0  }
0x14d: {  	v47 =	vor.u32 v12, v45;
	[sflag:s26] =	ssyncadd.s32 $0xFFFFE000  }
0x14e: {  	v48 =	vor.u32 v13, v44;
	_ =	swait.ge [sflag:s28], $0x2000  }
0x14f: {  	v49 =	vor.u32 v13, v45;
	[sflag:s28] =	ssyncset.done $0x0  }
0x150: {  	v50 =	vor.u32 v14, v44;
	[sflag:s28] =	ssyncadd.s32 $0xFFFFE000  }
0x151: {  	v34 =	vor.u32 v14, v45;
	v29 =	vld.idx.msk [tilespmem:v46+s10+$0x0], $0xffff  }
0x152: {  	v27 =	vor.u32 v15, v44;
	v30 =	vld.idx.msk [tilespmem:v47+s11+$0x0], $0xffff  }
0x153: {  	v28 =	vor.u32 v15, v45;
	v31 =	vld.idx.msk [tilespmem:v48+s10+$0x0], $0xffff  }
0x154: {  	v32 =	vld.idx.msk [tilespmem:v49+s11+$0x0], $0xffff  }
0x155: {  	v33 =	vld.idx.msk [tilespmem:v50+s10+$0x0], $0xffff  }
0x156: {  	(v2sf) =	vpush v19, $0xB;
	v34 =	vld.idx.msk [tilespmem:v34+s11+$0x0], $0xffff  }
0x157: {  	v27 =	vld.idx.msk [tilespmem:v27+s10+$0x0], $0xffff;
	v29 =	vmul.f32 v30, v29  }
0x158: {  	(v2sf) =	vpush v18, $0xB;
	v28 =	vld.idx.msk [tilespmem:v28+s11+$0x0], $0xffff  }
0x159: {  	v51 =	vmul.f32 v32, v31;
	v29 =	vadd.f32 $0.0e+00, v29;
	_ =	sdelay $0x1  }
0x15a: {  	v52 =	vmul.f32 v34, v33;
	v29 =	vadd.f32 v51, v29;
	_ =	sdelay $0x1  }
0x15b: {  	v27 =	vmul.f32 v28, v27;
	v29 =	vadd.f32 v52, v29;
	_ =	sdelay $0x1  }
0x15c: {  	v27 =	vadd.f32 v27, v29;
	_ =	sdelay $0x1  }
0x15d: {  	(xrf2) =	vadd.scan.msk.f32 $0xffff, v27;
	_ =	sdelay $0x3  }
0x15e: {  	s3 =	spop (v2sf)  }
0x15f: {  	s0 =	sand.u32 $0x1FFFFF80, s3  }
0x160: {  	s3 =	spop (v2sf);
	s0 =	sadd.s32 s1, s0  }
0x161: {  	[tilespmem:s18], [sflag:$0x4] =	stream.strided.gather [hbm4b:s0+s10], $0x2000, s13, s10, $0x38;
	[tilespmem:$0x10600] =	vst v63  }
0x162: {  	s0 =	sand.u32 $0x1FFFFF80, s3  }
0x163: {  	s0 =	sadd.s32 s2, s0  }
0x164: {  	v53 =	vbroadcast v17, $0x8;
	[tilespmem:s19], [sflag:$0x8] =	stream.strided.gather [hbm4b:s0+s10], $0x2000, s13, s10, $0x38;
	v27, _, _ =	vpop (xrf2);
	[tilespmem:$0x10600] =	vst v63  }
0x165: {  	v54 =	vbroadcast v16, $0x8;
	_ =	swait.ge [sflag:s20], $0x2000  }
0x166: {  	v55 =	vor.u32 v0, v53;
	[sflag:s20] =	ssyncset.done $0x0  }
0x167: {  	v56 =	vor.u32 v0, v54;
	[sflag:s20] =	ssyncadd.s32 $0xFFFFE000  }
0x168: {  	v57 =	vor.u32 v1, v53;
	_ =	swait.ge [sflag:s21], $0x2000  }
0x169: {  	v58 =	vor.u32 v1, v54;
	[sflag:s21] =	ssyncset.done $0x0  }
0x16a: {  	v59 =	vor.u32 v2, v53;
	[sflag:s21] =	ssyncadd.s32 $0xFFFFE000  }
0x16b: {  	v35 =	vor.u32 v2, v54;
	v30 =	vld.idx.msk [tilespmem:v55+s10+$0x0], $0xffff  }
0x16c: {  	v28 =	vor.u32 v3, v53;
	v31 =	vld.idx.msk [tilespmem:v56+s11+$0x0], $0xffff  }
0x16d: {  	v29 =	vor.u32 v3, v54;
	v32 =	vld.idx.msk [tilespmem:v57+s10+$0x0], $0xffff  }
0x16e: {  	v33 =	vld.idx.msk [tilespmem:v58+s11+$0x0], $0xffff  }
0x16f: {  	v34 =	vld.idx.msk [tilespmem:v59+s10+$0x0], $0xffff  }
0x170: {  	(v2sf) =	vpush v19, $0xC;
	v35 =	vld.idx.msk [tilespmem:v35+s11+$0x0], $0xffff  }
0x171: {  	v28 =	vld.idx.msk [tilespmem:v28+s10+$0x0], $0xffff;
	v30 =	vmul.f32 v31, v30  }
0x172: {  	(v2sf) =	vpush v18, $0xC;
	v29 =	vld.idx.msk [tilespmem:v29+s11+$0x0], $0xffff  }
0x173: {  	v60 =	vmul.f32 v33, v32;
	v30 =	vadd.f32 $0.0e+00, v30;
	_ =	sdelay $0x1  }
0x174: {  	v61 =	vmul.f32 v35, v34;
	v30 =	vadd.f32 v60, v30;
	_ =	sdelay $0x1  }
0x175: {  	v28 =	vmul.f32 v29, v28;
	v30 =	vadd.f32 v61, v30;
	_ =	sdelay $0x1  }
0x176: {  	v28 =	vadd.f32 v28, v30;
	_ =	sdelay $0x1  }
0x177: {  	(xrf2) =	vadd.scan.msk.f32 $0xffff, v28;
	_ =	sdelay $0x3  }
0x178: {  	s3 =	spop (v2sf)  }
0x179: {  	s0 =	sand.u32 $0x1FFFFF80, s3  }
0x17a: {  	s3 =	spop (v2sf);
	s0 =	sadd.s32 s1, s0  }
0x17b: {  	[tilespmem:s10], [sflag:$0x1] =	stream.strided.gather [hbm4b:s0+s10], $0x2000, s13, s10, $0x38;
	[tilespmem:$0x10600] =	vst v63  }
0x17c: {  	s0 =	sand.u32 $0x1FFFFF80, s3  }
0x17d: {  	s0 =	sadd.s32 s2, s0  }
0x17e: {  	v62 =	vbroadcast v17, $0x9;
	[tilespmem:s11], [sflag:$0x5] =	stream.strided.gather [hbm4b:s0+s10], $0x2000, s13, s10, $0x38;
	v28, _, _ =	vpop (xrf2);
	[tilespmem:$0x10600] =	vst v63  }
0x17f: {  	v63 =	vbroadcast v16, $0x9;
	_ =	swait.ge [sflag:s22], $0x2000  }
0x180: {  	v39 =	vor.u32 v4, v62;
	[sflag:s22] =	ssyncset.done $0x0  }
0x181: {  	v40 =	vor.u32 v4, v63;
	[sflag:s22] =	ssyncadd.s32 $0xFFFFE000  }
0x182: {  	v41 =	vor.u32 v5, v62;
	_ =	swait.ge [sflag:s23], $0x2000  }
0x183: {  	v42 =	vor.u32 v5, v63;
	[sflag:s23] =	ssyncset.done $0x0  }
0x184: {  	v43 =	vor.u32 v6, v62;
	[sflag:s23] =	ssyncadd.s32 $0xFFFFE000  }
0x185: {  	v36 =	vor.u32 v6, v63;
	v31 =	vld.idx.msk [tilespmem:v39+s10+$0x0], $0xffff  }
0x186: {  	v29 =	vor.u32 v7, v62;
	v32 =	vld.idx.msk [tilespmem:v40+s11+$0x0], $0xffff  }
0x187: {  	v30 =	vor.u32 v7, v63;
	v33 =	vld.idx.msk [tilespmem:v41+s10+$0x0], $0xffff  }
0x188: {  	v34 =	vld.idx.msk [tilespmem:v42+s11+$0x0], $0xffff  }
0x189: {  	v35 =	vld.idx.msk [tilespmem:v43+s10+$0x0], $0xffff  }
0x18a: {  	(v2sf) =	vpush v19, $0xD;
	v36 =	vld.idx.msk [tilespmem:v36+s11+$0x0], $0xffff  }
0x18b: {  	v29 =	vld.idx.msk [tilespmem:v29+s10+$0x0], $0xffff;
	v31 =	vmul.f32 v32, v31  }
0x18c: {  	(v2sf) =	vpush v18, $0xD;
	v30 =	vld.idx.msk [tilespmem:v30+s11+$0x0], $0xffff  }
0x18d: {  	v44 =	vmul.f32 v34, v33;
	v31 =	vadd.f32 $0.0e+00, v31;
	_ =	sdelay $0x1  }
0x18e: {  	v45 =	vmul.f32 v36, v35;
	v31 =	vadd.f32 v44, v31;
	_ =	sdelay $0x1  }
0x18f: {  	v29 =	vmul.f32 v30, v29;
	v31 =	vadd.f32 v45, v31;
	_ =	sdelay $0x1  }
0x190: {  	v29 =	vadd.f32 v29, v31;
	_ =	sdelay $0x1  }
0x191: {  	(xrf2) =	vadd.scan.msk.f32 $0xffff, v29;
	_ =	sdelay $0x3  }
0x192: {  	s3 =	spop (v2sf)  }
0x193: {  	s0 =	sand.u32 $0x1FFFFF80, s3  }
0x194: {  	s3 =	spop (v2sf);
	s0 =	sadd.s32 s1, s0  }
0x195: {  	[tilespmem:s14], [sflag:$0x2] =	stream.strided.gather [hbm4b:s0+s10], $0x2000, s13, s10, $0x38;
	[tilespmem:$0x10600] =	vst v63  }
0x196: {  	s0 =	sand.u32 $0x1FFFFF80, s3  }
0x197: {  	s0 =	sadd.s32 s2, s0  }
0x198: {  	v46 =	vbroadcast v17, $0xA;
	[tilespmem:s15], [sflag:$0x6] =	stream.strided.gather [hbm4b:s0+s10], $0x2000, s13, s10, $0x38;
	v29, _, _ =	vpop (xrf2);
	[tilespmem:$0x10600] =	vst v63  }
0x199: {  	v47 =	vbroadcast v16, $0xA;
	_ =	swait.ge [sflag:s24], $0x2000  }
0x19a: {  	v48 =	vor.u32 v8, v46;
	[sflag:s24] =	ssyncset.done $0x0  }
0x19b: {  	v49 =	vor.u32 v8, v47;
	[sflag:s24] =	ssyncadd.s32 $0xFFFFE000  }
0x19c: {  	v50 =	vor.u32 v9, v46;
	_ =	swait.ge [sflag:s25], $0x2000  }
0x19d: {  	v51 =	vor.u32 v9, v47;
	[sflag:s25] =	ssyncset.done $0x0  }
0x19e: {  	v52 =	vor.u32 v10, v46;
	[sflag:s25] =	ssyncadd.s32 $0xFFFFE000  }
0x19f: {  	v37 =	vor.u32 v10, v47;
	v32 =	vld.idx.msk [tilespmem:v48+s10+$0x0], $0xffff  }
0x1a0: {  	v30 =	vor.u32 v11, v46;
	v33 =	vld.idx.msk [tilespmem:v49+s11+$0x0], $0xffff  }
0x1a1: {  	v31 =	vor.u32 v11, v47;
	v34 =	vld.idx.msk [tilespmem:v50+s10+$0x0], $0xffff  }
0x1a2: {  	v35 =	vld.idx.msk [tilespmem:v51+s11+$0x0], $0xffff  }
0x1a3: {  	v36 =	vld.idx.msk [tilespmem:v52+s10+$0x0], $0xffff  }
0x1a4: {  	(v2sf) =	vpush v19, $0xE;
	v37 =	vld.idx.msk [tilespmem:v37+s11+$0x0], $0xffff  }
0x1a5: {  	v30 =	vld.idx.msk [tilespmem:v30+s10+$0x0], $0xffff;
	v32 =	vmul.f32 v33, v32  }
0x1a6: {  	(v2sf) =	vpush v18, $0xE;
	v31 =	vld.idx.msk [tilespmem:v31+s11+$0x0], $0xffff  }
0x1a7: {  	v53 =	vmul.f32 v35, v34;
	v32 =	vadd.f32 $0.0e+00, v32;
	_ =	sdelay $0x1  }
0x1a8: {  	v54 =	vmul.f32 v37, v36;
	v32 =	vadd.f32 v53, v32;
	_ =	sdelay $0x1  }
0x1a9: {  	v30 =	vmul.f32 v31, v30;
	v32 =	vadd.f32 v54, v32;
	_ =	sdelay $0x1  }
0x1aa: {  	v30 =	vadd.f32 v30, v32;
	_ =	sdelay $0x1  }
0x1ab: {  	(xrf2) =	vadd.scan.msk.f32 $0xffff, v30;
	_ =	sdelay $0x3  }
0x1ac: {  	s3 =	spop (v2sf)  }
0x1ad: {  	s0 =	sand.u32 $0x1FFFFF80, s3  }
0x1ae: {  	s3 =	spop (v2sf);
	s0 =	sadd.s32 s1, s0  }
0x1af: {  	[tilespmem:s16], [sflag:$0x3] =	stream.strided.gather [hbm4b:s0+s10], $0x2000, s13, s10, $0x38;
	[tilespmem:$0x10600] =	vst v63  }
0x1b0: {  	s0 =	sand.u32 $0x1FFFFF80, s3  }
0x1b1: {  	s0 =	sadd.s32 s2, s0  }
0x1b2: {  	v55 =	vbroadcast v17, $0xB;
	[tilespmem:s17], [sflag:$0x7] =	stream.strided.gather [hbm4b:s0+s10], $0x2000, s13, s10, $0x38;
	v30, _, _ =	vpop (xrf2);
	[tilespmem:$0x10600] =	vst v63  }
0x1b3: {  	v56 =	vbroadcast v16, $0xB;
	_ =	swait.ge [sflag:s26], $0x2000  }
0x1b4: {  	v57 =	vor.u32 v12, v55;
	[sflag:s26] =	ssyncset.done $0x0  }
0x1b5: {  	v58 =	vor.u32 v12, v56;
	[sflag:s26] =	ssyncadd.s32 $0xFFFFE000  }
0x1b6: {  	v59 =	vor.u32 v13, v55;
	_ =	swait.ge [sflag:s28], $0x2000  }
0x1b7: {  	v60 =	vor.u32 v13, v56;
	[sflag:s28] =	ssyncset.done $0x0  }
0x1b8: {  	v61 =	vor.u32 v14, v55;
	[sflag:s28] =	ssyncadd.s32 $0xFFFFE000  }
0x1b9: {  	v38 =	vor.u32 v14, v56;
	v33 =	vld.idx.msk [tilespmem:v57+s10+$0x0], $0xffff  }
0x1ba: {  	v31 =	vor.u32 v15, v55;
	v34 =	vld.idx.msk [tilespmem:v58+s11+$0x0], $0xffff  }
0x1bb: {  	v32 =	vor.u32 v15, v56;
	v35 =	vld.idx.msk [tilespmem:v59+s10+$0x0], $0xffff  }
0x1bc: {  	v36 =	vld.idx.msk [tilespmem:v60+s11+$0x0], $0xffff  }
0x1bd: {  	(v2sf) =	vpush v19, $0xF;
	v19 =	vld.idx.msk [tilespmem:v61+s10+$0x0], $0xffff  }
0x1be: {  	v62 =	vld.idx.msk [tilespmem:v38+s11+$0x0], $0xffff  }
0x1bf: {  	v31 =	vld.idx.msk [tilespmem:v31+s10+$0x0], $0xffff;
	v33 =	vmul.f32 v34, v33  }
0x1c0: {  	v32 =	vld.idx.msk [tilespmem:v32+s11+$0x0], $0xffff  }
0x1c1: {  	(v2sf) =	vpush v18, $0xF;
	v63 =	vmul.f32 v36, v35;
	v18 =	vadd.f32 $0.0e+00, v33;
	_ =	sdelay $0x1  }
0x1c2: {  	v19 =	vmul.f32 v62, v19;
	v18 =	vadd.f32 v63, v18;
	_ =	sdelay $0x1  }
0x1c3: {  	v18 =	vadd.f32 v19, v18;
	v19 =	vmul.f32 v32, v31;
	_ =	sdelay $0x1  }
0x1c4: {  	v18 =	vadd.f32 v19, v18;
	_ =	sdelay $0x1  }
0x1c5: {  	(xrf2) =	vadd.scan.msk.f32 $0xffff, v18;
	v18 =	vbroadcast v20, $0xF  }
0x1c6: {  	v19 =	vbroadcast v21, $0xF  }
0x1c7: {  	v20 =	vbroadcast v22, $0xF;
	v18 =	vnsel vm3, $0x0, v18  }
0x1c8: {  	v18 =	vsel vm4, v18, v19;
	v19 =	vbroadcast v23, $0xF  }
0x1c9: {  	v18 =	vsel vm5, v18, v20;
	v20 =	vbroadcast v24, $0xF  }
0x1ca: {  	v18 =	vsel vm6, v18, v19;
	v19 =	vbroadcast v25, $0xF  }
0x1cb: {  	v18 =	vsel vm7, v18, v20;
	v20 =	vbroadcast v26, $0xF  }
0x1cc: {  	s31 =	sadd.s32 $0x40, s31;
	s3 =	spop (v2sf);
	v18 =	vsel vm8, v18, v19;
	v19 =	vbroadcast v27, $0xF  }
0x1cd: {  	p0 =	sne.s32 s31, $0x800;
	s0 =	sand.u32 $0x1FFFFF80, s3;
	v18 =	vsel vm9, v18, v20;
	v20 =	vbroadcast v28, $0xF  }
.Ltmp0:
0x1ce: {  	s3 =	spop (v2sf);
	s0 =	sadd.s32 s1, s0;
	v18 =	vsel vm10, v18, v19;
	v19 =	vbroadcast v29, $0xF;
	(pc) =	sbr.rel @p0 .LBB2_2-.Ltmp0, $4  }
0x1cf: {  	[tilespmem:s18], [sflag:$0x4] =	stream.strided.gather [hbm4b:s0+s10], $0x2000, s13, s10, $0x38;
	v18 =	vsel vm11, v18, v20;
	v20 =	vbroadcast v30, $0xF;
	v21, _, _ =	vpop (xrf2);
	[tilespmem:$0x10600] =	vst v63  }
0x1d0: {  	s0 =	sand.u32 $0x1FFFFF80, s3;
	v18 =	vsel vm12, v18, v19;
	v19 =	vbroadcast v21, $0xF  }
0x1d1: {  	s0 =	sadd.s32 s2, s0;
	v18 =	vsel vm13, v18, v20  }
0x1d2: {  	[tilespmem:s19], [sflag:$0x8] =	stream.strided.gather [hbm4b:s0+s10], $0x2000, s13, s10, $0x38;
	v20 =	vsel vm14, v18, v19;
	[tilespmem:$0x10600] =	vst v63  }
0x1d3: {  	v18 =	vbroadcast v17, $0xC  }
0x1d4: {  	_ =	swait.ge [sflag:s20], $0x2000;
	v19 =	vbroadcast v16, $0xC  }
0x1d5: {  	[sflag:s20] =	ssyncset.done $0x0;
	v21 =	vor.u32 v0, v18  }
0x1d6: {  	[sflag:s20] =	ssyncadd.s32 $0xFFFFE000;
	v22 =	vor.u32 v0, v19  }
0x1d7: {  	v23 =	vor.u32 v1, v18;
	_ =	swait.ge [sflag:s21], $0x2000  }
0x1d8: {  	v24 =	vor.u32 v1, v19;
	[sflag:s21] =	ssyncset.done $0x0  }
0x1d9: {  	v25 =	vor.u32 v2, v18;
	[sflag:s21] =	ssyncadd.s32 $0xFFFFE000  }
0x1da: {  	v26 =	vor.u32 v2, v19;
	v21 =	vld.idx.msk [tilespmem:v21+s10+$0x0], $0xffff  }
0x1db: {  	v18 =	vor.u32 v3, v18;
	v22 =	vld.idx.msk [tilespmem:v22+s11+$0x0], $0xffff  }
0x1dc: {  	v19 =	vor.u32 v3, v19;
	v23 =	vld.idx.msk [tilespmem:v23+s10+$0x0], $0xffff  }
0x1dd: {  	v24 =	vld.idx.msk [tilespmem:v24+s11+$0x0], $0xffff  }
0x1de: {  	v25 =	vld.idx.msk [tilespmem:v25+s10+$0x0], $0xffff  }
0x1df: {  	v26 =	vld.idx.msk [tilespmem:v26+s11+$0x0], $0xffff  }
0x1e0: {  	v18 =	vld.idx.msk [tilespmem:v18+s10+$0x0], $0xffff;
	v21 =	vmul.f32 v22, v21  }
0x1e1: {  	v19 =	vld.idx.msk [tilespmem:v19+s11+$0x0], $0xffff  }
0x1e2: {  	v33 =	vmul.f32 v24, v23;
	v21 =	vadd.f32 $0.0e+00, v21;
	_ =	sdelay $0x1  }
0x1e3: {  	v34 =	vmul.f32 v26, v25;
	v21 =	vadd.f32 v33, v21;
	_ =	sdelay $0x1  }
0x1e4: {  	v18 =	vmul.f32 v19, v18;
	v21 =	vadd.f32 v34, v21;
	_ =	sdelay $0x1  }
0x1e5: {  	v18 =	vadd.f32 v18, v21;
	_ =	sdelay $0x1  }
0x1e6: {  	(xrf2) =	vadd.scan.msk.f32 $0xffff, v18;
	_ =	sdelay $0x9  }
0x1e7: {  	v35 =	vbroadcast v17, $0xD;
	v18, _, _ =	vpop (xrf2)  }
0x1e8: {  	v36 =	vbroadcast v16, $0xD;
	_ =	swait.ge [sflag:s22], $0x2000  }
0x1e9: {  	v37 =	vor.u32 v4, v35;
	[sflag:s22] =	ssyncset.done $0x0  }
0x1ea: {  	v38 =	vor.u32 v4, v36;
	[sflag:s22] =	ssyncadd.s32 $0xFFFFE000  }
0x1eb: {  	v39 =	vor.u32 v5, v35;
	_ =	swait.ge [sflag:s23], $0x2000  }
0x1ec: {  	v40 =	vor.u32 v5, v36;
	[sflag:s23] =	ssyncset.done $0x0  }
0x1ed: {  	v41 =	vor.u32 v6, v35;
	[sflag:s23] =	ssyncadd.s32 $0xFFFFE000  }
0x1ee: {  	v27 =	vor.u32 v6, v36;
	v22 =	vld.idx.msk [tilespmem:v37+s10+$0x0], $0xffff  }
0x1ef: {  	v19 =	vor.u32 v7, v35;
	v23 =	vld.idx.msk [tilespmem:v38+s11+$0x0], $0xffff  }
0x1f0: {  	v21 =	vor.u32 v7, v36;
	v24 =	vld.idx.msk [tilespmem:v39+s10+$0x0], $0xffff  }
0x1f1: {  	v25 =	vld.idx.msk [tilespmem:v40+s11+$0x0], $0xffff  }
0x1f2: {  	v26 =	vld.idx.msk [tilespmem:v41+s10+$0x0], $0xffff  }
0x1f3: {  	v27 =	vld.idx.msk [tilespmem:v27+s11+$0x0], $0xffff  }
0x1f4: {  	v19 =	vld.idx.msk [tilespmem:v19+s10+$0x0], $0xffff;
	v22 =	vmul.f32 v23, v22  }
0x1f5: {  	v21 =	vld.idx.msk [tilespmem:v21+s11+$0x0], $0xffff  }
0x1f6: {  	v42 =	vmul.f32 v25, v24;
	v22 =	vadd.f32 $0.0e+00, v22;
	_ =	sdelay $0x1  }
0x1f7: {  	v43 =	vmul.f32 v27, v26;
	v22 =	vadd.f32 v42, v22;
	_ =	sdelay $0x1  }
0x1f8: {  	v19 =	vmul.f32 v21, v19;
	v22 =	vadd.f32 v43, v22;
	_ =	sdelay $0x1  }
0x1f9: {  	v19 =	vadd.f32 v19, v22;
	_ =	sdelay $0x1  }
0x1fa: {  	(xrf2) =	vadd.scan.msk.f32 $0xffff, v19;
	_ =	sdelay $0x9  }
0x1fb: {  	v44 =	vbroadcast v17, $0xE;
	v19, _, _ =	vpop (xrf2)  }
0x1fc: {  	v45 =	vbroadcast v16, $0xE;
	_ =	swait.ge [sflag:s24], $0x2000  }
0x1fd: {  	v46 =	vor.u32 v8, v44;
	[sflag:s24] =	ssyncset.done $0x0  }
0x1fe: {  	v47 =	vor.u32 v8, v45;
	[sflag:s24] =	ssyncadd.s32 $0xFFFFE000  }
0x1ff: {  	v48 =	vor.u32 v9, v44;
	_ =	swait.ge [sflag:s25], $0x2000  }
0x200: {  	v49 =	vor.u32 v9, v45;
	[sflag:s25] =	ssyncset.done $0x0  }
0x201: {  	v50 =	vor.u32 v10, v44;
	[sflag:s25] =	ssyncadd.s32 $0xFFFFE000  }
0x202: {  	v28 =	vor.u32 v10, v45;
	v23 =	vld.idx.msk [tilespmem:v46+s10+$0x0], $0xffff  }
0x203: {  	v21 =	vor.u32 v11, v44;
	v24 =	vld.idx.msk [tilespmem:v47+s11+$0x0], $0xffff  }
0x204: {  	v22 =	vor.u32 v11, v45;
	v25 =	vld.idx.msk [tilespmem:v48+s10+$0x0], $0xffff  }
0x205: {  	v26 =	vld.idx.msk [tilespmem:v49+s11+$0x0], $0xffff  }
0x206: {  	v27 =	vld.idx.msk [tilespmem:v50+s10+$0x0], $0xffff  }
0x207: {  	v28 =	vld.idx.msk [tilespmem:v28+s11+$0x0], $0xffff  }
0x208: {  	v21 =	vld.idx.msk [tilespmem:v21+s10+$0x0], $0xffff;
	v23 =	vmul.f32 v24, v23  }
0x209: {  	v22 =	vld.idx.msk [tilespmem:v22+s11+$0x0], $0xffff  }
0x20a: {  	v51 =	vmul.f32 v26, v25;
	v23 =	vadd.f32 $0.0e+00, v23;
	_ =	sdelay $0x1  }
0x20b: {  	v52 =	vmul.f32 v28, v27;
	v23 =	vadd.f32 v51, v23;
	_ =	sdelay $0x1  }
0x20c: {  	v21 =	vmul.f32 v22, v21;
	v23 =	vadd.f32 v52, v23;
	_ =	sdelay $0x1  }
0x20d: {  	v21 =	vadd.f32 v21, v23;
	_ =	sdelay $0x1  }
0x20e: {  	(xrf2) =	vadd.scan.msk.f32 $0xffff, v21;
	_ =	sdelay $0x9  }
0x20f: {  	v17 =	vbroadcast v17, $0xF;
	v21, _, _ =	vpop (xrf2)  }
0x210: {  	v16 =	vbroadcast v16, $0xF;
	_ =	swait.ge [sflag:s26], $0x2000  }
0x211: {  	v53 =	vor.u32 v12, v17;
	[sflag:s26] =	ssyncset.done $0x0  }
0x212: {  	v54 =	vor.u32 v12, v16;
	[sflag:s26] =	ssyncadd.s32 $0xFFFFE000  }
0x213: {  	v55 =	vor.u32 v13, v17;
	_ =	swait.ge [sflag:s28], $0x2000  }
0x214: {  	v56 =	vor.u32 v13, v16;
	[sflag:s28] =	ssyncset.done $0x0  }
0x215: {  	v57 =	vor.u32 v14, v17;
	[sflag:s28] =	ssyncadd.s32 $0xFFFFE000  }
0x216: {  	v58 =	vor.u32 v14, v16;
	v22 =	vld.idx.msk [tilespmem:v53+s10+$0x0], $0xffff  }
0x217: {  	v17 =	vor.u32 v15, v17;
	v23 =	vld.idx.msk [tilespmem:v54+s11+$0x0], $0xffff  }
0x218: {  	v16 =	vor.u32 v15, v16;
	v24 =	vld.idx.msk [tilespmem:v55+s10+$0x0], $0xffff  }
0x219: {  	v25 =	vld.idx.msk [tilespmem:v56+s11+$0x0], $0xffff  }
0x21a: {  	v26 =	vld.idx.msk [tilespmem:v57+s10+$0x0], $0xffff  }
0x21b: {  	v27 =	vld.idx.msk [tilespmem:v58+s11+$0x0], $0xffff  }
0x21c: {  	v17 =	vld.idx.msk [tilespmem:v17+s10+$0x0], $0xffff;
	v22 =	vmul.f32 v23, v22  }
0x21d: {  	v16 =	vld.idx.msk [tilespmem:v16+s11+$0x0], $0xffff  }
0x21e: {  	v59 =	vmul.f32 v25, v24;
	v22 =	vadd.f32 $0.0e+00, v22;
	_ =	sdelay $0x1  }
0x21f: {  	v60 =	vmul.f32 v27, v26;
	v22 =	vadd.f32 v59, v22;
	_ =	sdelay $0x1  }
0x220: {  	v16 =	vmul.f32 v16, v17;
	v22 =	vadd.f32 v60, v22;
	_ =	sdelay $0x1  }
0x221: {  	v62 =	vld [tilespmem:$0x1FFD0];
	v16 =	vadd.f32 v16, v22;
	_ =	sdelay $0x1  }
0x222: {  	(xrf2) =	vadd.scan.msk.f32 $0xffff, v16  }
0x223: {  	v16 =	vbroadcast v18, $0xF  }
0x224: {  	v17 =	vbroadcast v19, $0xF  }
0x225: {  	vm15 =	vnez.u8 v62;
	v16 =	vsel vm0, v16, v20  }
0x226: {  	v16 =	vsel vm15, v16, v17;
	v17 =	vld [tilespmem:$0x1FFE0]  }
0x227: {  	v63 =	vld [tilespmem:$0x1FFF0];
	_ =	sdelay $0x2  }
0x228: {  	v61 =	vbroadcast v21, $0xF  }
0x229: {  	vm15 =	vnez.u8 v17  }
0x22a: {  	s30 =	sadd.s32 $0x1, s30;
	v16 =	vsel vm15, v16, v61;
	vm15 =	vnez.u8 v63;
	v17, _, _ =	vpop (xrf2)  }
0x22b: {  	p0 =	sne.s32 s30, s12;
	v16 =	vsel vm15, v16, v17  }
.Ltmp1:
0x22c: {  	[tilespmem:$0x105F0] =	vst v16;
	(pc) =	sbr.rel @p0 .LBB2_1-.Ltmp1, $4  }
0x22d: {  	[hbm4b:s7+s4] =	stream.linear.scatter [tilespmem:s29], [sflag:$0x9], $0x200, $0x38;
	[tilespmem:$0x10600] =	vst v63  }
0x22e: {  	_ =	swait.ge [sflag:s8], $0x200  }
0x22f: {  	[sflag:s8] =	ssyncset.done $0x0  }
0x230: {  	[sflag:s8] =	ssyncadd.s32 $0xFFFFFE00  }
0x231: {  	_ =	sfence.sel $0x180000  }
0x232: {  	[bflag:$0x0] =	sbarrier.arrive $0xFFFF  }
0x233: {  	_ =	strace $0x90000047  }
0x234: {  	s0 =	stileid.u32;
	[bflag:$0x2] =	sbarrier.arrive $0xFFFF  }
0x235: {  	p0 =	sne.s32 s0, $0x0;
	s0 =	rddreg [dreg:$0x5]  }
0x236: {  	s0 =	sadd.s32 @!p0 $0x100000, s0  }
0x237: {  	[sflag:s0] =	ssyncadd.tile.s32 @!p0 $0x1;
	_ =	shalt  }
.Lfunc_end2:
_tile_overlayer_lowered:
.L_overlay_start_2:
0x238: {  	(tag) =	ssettag $0x2  }
0x239: {  	s0 =	rddreg [dreg:$0x0];
	s2 =	stileid.u32  }
0x23a: {  	s1 =	rddreg [dreg:$0x1];
	p0 =	sne.s32 s2, $0x0  }
0x23b: {  	s3 =	rddreg [dreg:$0x2];
	[bflag:$0x3] =	sbarrier.arrive $0xFFFF;
	s2 =	simm.s32 @!p0 $0x1C09  }
0x23c: {  	[timem:s3], [sflag:s2] =	dma.local @!p0 [hbm:s0], s1  }
0x23d: {  	s0 =	simm.s32 @!p0 $0x9  }
0x23e: {  	_ =	swait.ge @!p0 [sflag:s0], s1  }
0x23f: {  	s1 =	ssub.s32 @!p0 $0x0, s1;
	[sflag:s0] =	ssyncset.done @!p0 $0x0  }
0x240: {  	[sflag:s0] =	ssyncadd.s32 @!p0 s1  }
0x241: {  	[bflag:$0x3] =	sbarrier.arrive $0xFFFF  }
0x242: {  	_ =	shalt  }

// kernel: kernel.7.cloned.1.call-start
scs
__scs_entry_jumppad:
0x0: {  	(pc) =	sbr.rel $0x88, $3  }
0x1: {  	(tag) =	ssettag $0x0;
	lr =	simm.s32 $0x1  }
0x2: {  	[smem:$0x3F9C] =	sst lr;
	_ =	strace $0xD0000000  }
0x3: {  	_ = 	snop  }
0x4: {  	_ = 	snop  }
0x5: {  	_ = 	snop  }
0x6: {  	_ = 	snop  }
0x7: {  	_ = 	snop  }
__scs_overlays_trampoline_lowered:
0x8: {  	[smem:$0x3FAB] =	sst s0  }
0x9: {  	[smem:$0x3FAC] =	sst s1  }
0xa: {  	[smem:$0x3FAD] =	sst s2  }
0xb: {  	[smem:$0x3FAE] =	sst s3  }
0xc: {  	[smem:$0x3FAF] =	sst s4  }
0xd: {  	[smem:$0x3FB0] =	sst s5  }
0xe: {  	[smem:$0x3FB1] =	sst s6  }
0xf: {  	[smem:$0x3FB2] =	sst s7  }
0x10: {  	[smem:$0x3FB3] =	sst s8  }
0x11: {  	[smem:$0x3FB4] =	sst s9;
	s0 =	simm.s32 @!p0 $0x0  }
0x12: {  	s1 =	sld [smem:$0x3F9A];
	s0 =	simm.s32 @p0 $0x1  }
0x13: {  	[smem:$0x3FB5] =	sst s0;
	s0 =	simm.s32 @!p1 $0x0  }
0x14: {  	s2 =	sld [smem:$0x3F99];
	s0 =	simm.s32 @p1 $0x1  }
0x15: {  	[smem:$0x3FB6] =	sst s0;
	s0 =	simm.s32 @!p2 $0x0  }
0x16: {  	s3 =	sld [smem:$0x3FDB];
	s0 =	simm.s32 @p2 $0x1  }
0x17: {  	s4 =	simm.s32 $0x1BF5;
	[smem:$0x3FB8] =	sst s0  }
0x18: {  	s0 =	sld [smem:$0x3F9B];
	_ =	swait.ge [sflag:s4], $0x0  }
0x19: {  	s7 =	sld [smem:$0x3F9C]  }
0x1a: {  	s8 =	sadd.s32 $0xFFFFE003, lr  }
0x1b: {  	s9 =	sadd.s32 $0xFFFFFEF7, lr;
	s5 =	simm.s32 $0xFFFFFFFF;
	p2 =	slt.u32 s8, $0xFFFFF086  }
0x1c: {  	p1 =	slt.u32 s9, $0xF7A;
	s5 =	simm.s32 @!p2 $0x0  }
0x1d: {  	s5 =	simm.s32 @p1 $0x1;
	p0 =	seq.s32 s7, s2  }
0x1e: {  	s7 =	smul.u32 @!p0 $0xF7A, s2;
	p2 =	seq.s32 @!p0 s5, $0x0  }
0x1f: {  	s9 =	smul.u32 $0xF7A, s1;
	s8 =	simm.s32 @!p0 $0x1BF5;
	p2 =	por !p2, p0  }
0x20: {  	[sflag:s8] =	ssyncset.s32 @!p0 $0xFFFFF086;
	s6 =	sadd.s32 @!p0 s3, s7;
	s7 =	simm.s32 @!p0 $0x108  }
0x21: {  	s3 =	sadd.s32 s3, s9;
	s6 =	sadd.s32 @!p0 $0x88, s6;
	s7 =	simm.s32 @p2 $0x1082  }
0x22: {  	[simem:s7], [sflag:s8] =	dma.local @!p0 [hbm:s6], $0xF7A  }
0x23: {  	s9 =	sor.u32 $0xD0000000, s2;
	s6 =	simm.s32 $0x108;
	_ =	swait.ge @!p0 [sflag:s8], $0x0  }
0x24: {  	s3 =	sadd.s32 $0x88, s3;
	s6 =	simm.s32 @!p1 $0x1082;
	[sflag:s4] =	ssyncset.s32 $0xFFFFF086  }
0x25: {  	[simem:s6], [sflag:s4] =	dma.local [hbm:s3], $0xF7A  }
0x26: {  	[smem:$0x3F9C] =	sst s1;
	(tag) =	ssettag s2;
	_ =	strace s9  }
0x27: {  	s1 =	sld [smem:$0x3FAC]  }
0x28: {  	s2 =	sld [smem:$0x3FAD]  }
0x29: {  	s4 =	sld [smem:$0x3FAF]  }
0x2a: {  	p0 =	seq.s32 s5, $0x0;
	s5 =	sld [smem:$0x3FB0]  }
0x2b: {  	s6 =	sld [smem:$0x3FB1]  }
0x2c: {  	s7 =	sld [smem:$0x3FB2]  }
0x2d: {  	s3 =	simm.s32 $0x108;
	s8 =	sld [smem:$0x3FB3]  }
0x2e: {  	s3 =	simm.s32 @!p0 $0x1082;
	s9 =	sld [smem:$0x3FB4]  }
0x2f: {  	lr =	sadd.s32 s0, s3;
	s0 =	sld [smem:$0x3FAB]  }
0x30: {  	s3 =	sld [smem:$0x3FAE]  }
0x31: {  	[smem:$0x3FB7] =	sst s10  }
0x32: {  	s10 =	sld [smem:$0x3FB5];
	_ =	sdelay $0x3  }
0x33: {  	p0 =	seq.s32 s10, $0x1;
	s10 =	sld [smem:$0x3FB7];
	_ =	sdelay $0x3  }
0x34: {  	[smem:$0x3FB7] =	sst s10  }
0x35: {  	s10 =	sld [smem:$0x3FB6];
	_ =	sdelay $0x3  }
0x36: {  	p1 =	seq.s32 s10, $0x1;
	s10 =	sld [smem:$0x3FB7];
	_ =	sdelay $0x3  }
0x37: {  	[smem:$0x3FB7] =	sst s10  }
0x38: {  	s10 =	sld [smem:$0x3FB8]  }
0x39: {  	_ = 	snop;
	(pc) =	sbr.ind lr, $3  }
0x3a: {  	_ = 	snop  }
0x3b: {  	_ = 	snop  }
0x3c: {  	p2 =	seq.s32 s10, $0x1;
	s10 =	sld [smem:$0x3FB7]  }
0x3d: {  	_ =	shalt  }
0x3e: {  	_ =	shalt  }
0x3f: {  	_ =	shalt  }
0x40: {  	_ =	shalt  }
0x41: {  	_ =	shalt  }
0x42: {  	_ =	shalt  }
0x43: {  	_ =	shalt  }
0x44: {  	_ =	shalt  }
0x45: {  	_ =	shalt  }
0x46: {  	_ =	shalt  }
0x47: {  	_ =	shalt  }
0x48: {  	_ =	shalt  }
0x49: {  	_ =	shalt  }
0x4a: {  	_ =	shalt  }
0x4b: {  	_ =	shalt  }
0x4c: {  	_ =	shalt  }
0x4d: {  	_ =	shalt  }
0x4e: {  	_ =	shalt  }
0x4f: {  	_ =	shalt  }
0x50: {  	_ =	shalt  }
0x51: {  	_ =	shalt  }
0x52: {  	_ =	shalt  }
0x53: {  	_ =	shalt  }
0x54: {  	_ =	shalt  }
0x55: {  	_ =	shalt  }
0x56: {  	_ =	shalt  }
0x57: {  	_ =	shalt  }
0x58: {  	_ =	shalt  }
0x59: {  	_ =	shalt  }
0x5a: {  	_ =	shalt  }
0x5b: {  	_ =	shalt  }
0x5c: {  	_ =	shalt  }
0x5d: {  	_ =	shalt  }
0x5e: {  	_ =	shalt  }
0x5f: {  	_ =	shalt  }
0x60: {  	_ =	shalt  }
0x61: {  	_ =	shalt  }
0x62: {  	_ =	shalt  }
0x63: {  	_ =	shalt  }
0x64: {  	_ =	shalt  }
0x65: {  	_ =	shalt  }
0x66: {  	_ =	shalt  }
0x67: {  	_ =	shalt  }
0x68: {  	_ =	shalt  }
0x69: {  	_ =	shalt  }
0x6a: {  	_ =	shalt  }
0x6b: {  	_ =	shalt  }
0x6c: {  	_ =	shalt  }
0x6d: {  	_ =	shalt  }
0x6e: {  	_ =	shalt  }
0x6f: {  	_ =	shalt  }
0x70: {  	_ =	shalt  }
0x71: {  	_ =	shalt  }
0x72: {  	_ =	shalt  }
0x73: {  	_ =	shalt  }
0x74: {  	_ =	shalt  }
0x75: {  	_ =	shalt  }
0x76: {  	_ =	shalt  }
0x77: {  	_ =	shalt  }
0x78: {  	_ =	shalt  }
0x79: {  	_ =	shalt  }
0x7a: {  	_ =	shalt  }
0x7b: {  	_ =	shalt  }
0x7c: {  	_ =	shalt  }
0x7d: {  	_ =	shalt  }
0x7e: {  	_ =	shalt  }
0x7f: {  	_ =	shalt  }
0x80: {  	_ =	shalt  }
0x81: {  	_ =	shalt  }
0x82: {  	_ =	shalt  }
0x83: {  	_ =	shalt  }
0x84: {  	_ =	shalt  }
0x85: {  	_ =	shalt  }
0x86: {  	_ =	shalt  }
0x87: {  	_ =	shalt  }
.Lfunc_end0:
.L_simem_size_0:
called_computation.1_lowered:
.L_overlay_start_0:
0x88: {  	s2 =	sld [smem:$0x3FD9]  }
0x89: {  	s3 =	sld [smem:$0x3FFE];
	_ =	sdelay $0x1  }
0x8a: {  	s1 =	srdreg.scid  }
0x8b: {  	s0 =	sand.u32 $0x1, s1  }
0x8c: {  	s17 =	sshll.u32 s0, $0xA;
	s2 =	sadd.s32 s3, s2  }
0x8d: {  	s2 =	sadd.s32 s2, s17  }
0x8e: {  	[smem:$0x3FC3] =	sst s2  }
0x8f: {  	_ = 	snop  }
0x90: {  	s2 =	sld [smem:$0x3FC8]  }
0x91: {  	s18 =	sld [smem:$0x3FD0];
	(tm) =	ssettm $0x1  }
0x92: {  	s4 =	sld [smem:$0x3FFB];
	_ =	sdelay $0x3  }
0x93: {  	_ =	strace s4  }
0x94: {  	s4 =	sld [smem:$0x3FFC];
	_ =	sdelay $0x3  }
0x95: {  	_ =	strace s4  }
0x96: {  	s4 =	sld [smem:$0x3FFD];
	_ =	sdelay $0x3  }
0x97: {  	_ =	strace s4  }
0x98: {  	_ =	strace $0x8FFFFFFF  }
0x99: {  	s19 =	sld [smem:$0x3FDB];
	_ =	sdelay $0x1  }
0x9a: {  	s5 =	simm.s32 $_scs_section_size  }
0x9b: {  	s6 =	simm.s32 $_size__tile_overlayer_lowered;
	s7 =	simm.s32 $_tile_overlayer_lowered  }
0x9c: {  	s22 =	simm.s32 $0x1BFF;
	s21 =	sshll.u32 s7, $0x1;
	s4 =	sadd.s32 s5, s19  }
0x9d: {  	s8 =	simm.s32 $0x0;
	s20 =	sshll.u32 s6, $0x1;
	s6 =	sadd.s32 s21, s4  }
0x9e: {  	[timem:s8], [sflag:s22] =	dma.local [hbm:s6], s20  }
0x9f: {  	_ =	swait.ge [sflag:s22], s20  }
0xa0: {  	s5 =	ssub.s32 $0x0, s20;
	[sflag:s22] =	ssyncset.done $0x0  }
0xa1: {  	[sflag:s22] =	ssyncadd.s32 s5;
	_ =	sdelay $0x1  }
0xa2: {  	s23 =	simm.s32 $0x1B8B  }
0xa3: {  	_ =	swait.ge [sflag:s23], $0x1  }
0xa4: {  	[sflag:s23] =	ssyncset.done $0x0  }
0xa5: {  	s25 =	simm.s32 $0x1B8E;
	s24 =	sld [smem:$0x3FFE];
	[sflag:s23] =	ssyncadd.s32 $0xFFFFFFFF  }
0xa6: {  	s26 =	simm.s32 $execute0_lowered;
	[smem:$0x3FD2] =	sst s25  }
0xa7: {  	s6 =	sshll.u32 s26, $0x1;
	_ =	strace $0x80000049;
	[dreg:$0x1] =	wrdreg $0xFFFFFFFF  }
0xa8: {  	s28 =	simm.s32 $_size_execute0_lowered;
	s4 =	sadd.s32 s4, s6;
	[dreg:$0x0] =	wrdreg $0x0  }
0xa9: {  	s6 =	sshll.u32 s28, $0x1;
	[dreg:$0x2] =	wrdreg s4  }
0xaa: {  	[dreg:$0x3] =	wrdreg s6  }
0xab: {  	[dreg:$0x4] =	wrdreg $0xC0  }
0xac: {  	_ =	task [dreg:s8], $0x5FFFF  }
0xad: {  	[dreg:$0x1] =	wrdreg $0xFFFFFFFF  }
0xae: {  	[dreg:$0x0] =	wrdreg $0x60  }
0xaf: {  	[dreg:$0x2] =	wrdreg s24  }
0xb0: {  	[dreg:$0x3] =	wrdreg s2  }
0xb1: {  	[dreg:$0x4] =	wrdreg s18  }
0xb2: {  	[dreg:$0x5] =	wrdreg $0x9  }
0xb3: {  	_ =	task.clear_ibuf [dreg:s8], $0x6FFFF;
	_ =	strace $0x90000049  }
0xb4: {  	s29 =	simm.s32 $0x9;
	_ =	strace $0x8000004B  }
0xb5: {  	_ =	swait.ge [sflag:s29], $0x1  }
0xb6: {  	[sflag:s29] =	ssyncadd.s32 $0xFFFFFFFF  }
0xb7: {  	_ =	strace $0x9000004B  }
0xb8: {  	_ =	sfence  }
0xb9: {  	s30 =	sld [smem:$0x0];
	_ =	sdelay $0x2  }
0xba: {  	s31 =	sshll.u32 s1, $0xD;
	s1 =	sshrl.u32 s1, $0x2  }
0xbb: {  	s3 =	sand.u32 $0x4000, s31;
	s1 =	sadd.s32 s1, s30  }
0xbc: {  	s0 =	sor.u32 s3, s0;
	s1 =	sshll.u32 s1, $0x11  }
0xbd: {  	s0 =	sor.u32 s1, s0  }
0xbe: {  	s0 =	sadd.s32 $0x8F2B, s0  }
0xbf: {  	[sflag:s0] =	ssyncadd.remote.s32 $0x1  }
0xc0: {  	_ =	sfence.sel $0xFFFF  }
0xc1: {  	[dreg:$0x0] =	wrdreg $0xFFFFFFFF;
	(pc) =	sbr.abs _section_cstart, $3  }
0xc2: {  	[dreg:$0x1] =	wrdreg $0xFFFFFFFF  }
0xc3: {  	_ =	task.clear_ibuf [dreg:s8], $0x2FFFF;
	_ =	strace $0x9FFFFFFF  }
0xc4: {  	(tm) =	ssettm $0x7FFFFFFF  }
0xc5: {  	_ =	shalt  }
tec
execute0_lowered:
.L_overlay_start_1:
0x0: {  	(tag) =	ssettag $0x1  }
0x1: {  	s3 =	rddreg [dreg:$0x0]  }
0x2: {  	s4 =	rddreg [dreg:$0x1]  }
0x3: {  	s6 =	rddreg [dreg:$0x2]  }
0x4: {  	s0 =	rddreg [dreg:$0x3];
	s2 =	simm.s32 $0x0;
	s5 =	srdreg.scid  }
0x5: {  	s1 =	stileid.u32;
	s10 =	simm.s32 $0x400;
	s11 =	simm.s32 $0x1  }
0x6: {  	s12 =	simm.s32 $0x0;
	[smem:$0x7FF] =	sst s2;
	s5 =	sand.u32 $0x1, s5  }
0x7: {  	s7 =	sshll.u32 s1, $0x7;
	s8 =	sshll.u32 s5, $0x6;
	s5 =	ssub.s32 $0x2, s5  }
0x8: {  	_ =	strace $0x8000004A;
	s7 =	sor.u32 s8, s7;
	s31 =	sshrl.u32 s5, $0x1  }
0x9: {  	s9 =	sadd.s32 s7, s3;
	s3 =	sadd.s32 $0xE00, s3;
	s8 =	ssub.s32 s5, s31  }
0xa: {  	s4 =	sadd.s32 s4, s7;
	s6 =	sadd.s32 s6, s7;
	s5 =	sadd.s32 $0x600, s9  }
0xb: {  	s7 =	smax.u32 s8, $0x1;
	s8 =	simm.s32 $0x2;
	s9 =	simm.s32 $0x200  }
.LBB2_1:
0xc: {  	[tilespmem:s2], [sflag:$0x2] =	stream.linear.gather [hbm4b:s4+s2], $0x200, $0x38;
	[tilespmem:$0x600] =	vst v63  }
0xd: {  	_ =	swait.ge [sflag:s8], $0x200  }
0xe: {  	[sflag:s8] =	ssyncset.done $0x0  }
0xf: {  	[sflag:s8] =	ssyncadd.s32 $0xFFFFFE00  }
0x10: {  	[tilespmem:s9], [sflag:$0x1] =	stream.indirect.gather [hbm4b:s3+s9], $0x1, s2, s9, $0xb8;
	[tilespmem:$0x600] =	vst v63  }
0x11: {  	_ = 	snop  }
0x12: {  	[tilespmem:s10], [sflag:$0x2] =	stream.linear.gather [hbm4b:s5+s2], $0x200, $0x38;
	[tilespmem:$0x600] =	vst v63  }
0x13: {  	_ =	swait.ge [sflag:s8], $0x200  }
0x14: {  	[sflag:s8] =	ssyncset.done $0x0  }
0x15: {  	[sflag:s8] =	ssyncadd.s32 $0xFFFFFE00  }
0x16: {  	_ =	swait.ge [sflag:s11], $0x200  }
0x17: {  	[sflag:s11] =	ssyncset.done $0x0  }
0x18: {  	s13 =	simm.s32 $0x0;
	[sflag:s11] =	ssyncadd.s32 $0xFFFFFE00  }
0x19: {  	s14 =	simm.s32 $0x40;
	v0 =	vld [tilespmem:s13+$0x200]  }
.LBB2_2:
0x1a: {  	p0 =	sne.s32 s14, $0x7C0;
	v1 =	vld [tilespmem:s13+$0x400];
	_ =	sdelay $0x2  }
.Ltmp0:
0x1b: {  	(pc) =	sbr.rel @p0 .LBB2_2-.Ltmp0, $4  }
0x1c: {  	_ = 	snop  }
0x1d: {  	v1 =	vadd.f32 v0, v1  }
0x1e: {  	s15 =	sshra.s32 s14, $0x2  }
0x1f: {  	s14 =	sadd.s32 $0x40, s14;
	v0 =	vld [tilespmem:s15+$0x200];
	[tilespmem:s13+$0x400] =	vst v1;
	s13 =	smov.u32 s15  }
0x20: {  	v1 =	vld [tilespmem:s13+$0x400];
	_ =	sdelay $0x4  }
0x21: {  	s12 =	sadd.s32 $0x1, s12;
	v0 =	vadd.f32 v0, v1  }
0x22: {  	p0 =	sne.s32 s12, s7  }
.Ltmp1:
0x23: {  	[tilespmem:s13+$0x400] =	vst v0;
	(pc) =	sbr.rel @p0 .LBB2_1-.Ltmp1, $4  }
0x24: {  	[hbm4b:s6+s2] =	stream.linear.scatter [tilespmem:s10], [sflag:$0x2], $0x200, $0x38;
	[tilespmem:$0x600] =	vst v63  }
0x25: {  	_ =	swait.ge [sflag:s8], $0x200  }
0x26: {  	[sflag:s8] =	ssyncset.done $0x0  }
0x27: {  	[sflag:s8] =	ssyncadd.s32 $0xFFFFFE00  }
0x28: {  	_ =	sfence.sel $0x180000  }
0x29: {  	[bflag:$0x0] =	sbarrier.arrive $0xFFFF  }
0x2a: {  	p0 =	sne.s32 s1, $0x0;
	_ =	strace $0x9000004A  }
0x2b: {  	s0 =	sadd.s32 @!p0 $0x100000, s0;
	[bflag:$0x2] =	sbarrier.arrive $0xFFFF  }
0x2c: {  	[sflag:s0] =	ssyncadd.tile.s32 @!p0 $0x1;
	_ =	shalt  }
.Lfunc_end2:
_tile_overlayer_lowered:
.L_overlay_start_2:
0x2d: {  	(tag) =	ssettag $0x2  }
0x2e: {  	s0 =	rddreg [dreg:$0x0];
	s2 =	stileid.u32  }
0x2f: {  	s1 =	rddreg [dreg:$0x1];
	p0 =	sne.s32 s2, $0x0  }
0x30: {  	s3 =	rddreg [dreg:$0x2];
	[bflag:$0x3] =	sbarrier.arrive $0xFFFF;
	s2 =	simm.s32 @!p0 $0x1C02  }
0x31: {  	[timem:s3], [sflag:s2] =	dma.local @!p0 [hbm:s0], s1  }
0x32: {  	s0 =	simm.s32 @!p0 $0x2  }
0x33: {  	_ =	swait.ge @!p0 [sflag:s0], s1  }
0x34: {  	s1 =	ssub.s32 @!p0 $0x0, s1;
	[sflag:s0] =	ssyncset.done @!p0 $0x0  }
0x35: {  	[sflag:s0] =	ssyncadd.s32 @!p0 s1  }
0x36: {  	[bflag:$0x3] =	sbarrier.arrive $0xFFFF  }
0x37: {  	_ =	shalt  }

</sc_bundles>
